<compile_context>
chip_gen: v7x
topology: tpu7x:2x2x1
jax: 0.10.2.dev20260603
libtpu: 0.0.44.dev20260713+nightly
codegen_flags: <defaults>
</compile_context>

<pallas_src>
import functools

import jax
import jax.numpy as jnp
from jax import lax
from jax.experimental import pallas as pl
from jax.experimental.pallas import tpu as pltpu
from jax.experimental.pallas import tpu_sc as plsc

N = 10000
E = 320000
B = 8
STATE = 128
MSG = 64
NODE = 128
H0 = 256
H1 = 128

NP = 10240
NTILES = 32
CHUNK = 128
CPT = 80
EP = NTILES * CPT * CHUNK
ROWS_PER_TILE = NP // 16


def _norm_msg_body(obs_ref, mean_ref, var_ref, wm_ref, bm_ref, x_ref, m_ref):
    x = (obs_ref[...] - mean_ref[...]) / jnp.sqrt(var_ref[...] + 1e-8)
    x = jnp.clip(x, -5.0, 5.0)
    x_ref[...] = x
    m = jnp.dot(x, wm_ref[...], preferred_element_type=jnp.float32) + bm_ref[...]
    m_ref[...] = jnp.maximum(m, 0.0)


def _update_msg_body(x_ref, p_ref, wnx_ref, wna_ref, bn_ref, wm_ref, bm_ref,
                     x_out_ref, m_out_ref):
    agg = p_ref[0] + p_ref[1]
    h = (jnp.dot(x_ref[...], wnx_ref[...], preferred_element_type=jnp.float32)
         + jnp.dot(agg, wna_ref[...], preferred_element_type=jnp.float32)
         + bn_ref[...])
    x1 = jnp.maximum(h, 0.0)
    x_out_ref[...] = x1
    m = jnp.dot(x1, wm_ref[...], preferred_element_type=jnp.float32) + bm_ref[...]
    m_out_ref[...] = jnp.maximum(m, 0.0)


def _head_body(x_ref, p0_ref, p1_ref, nn_ref, wnx_ref, wna_ref, bn_ref,
               w0_ref, b0_ref, w1_ref, b1_ref, wv_ref, bv_ref, out_ref):
    xrows = []
    arows = []
    off = 0
    for r in range(B):
        xrows.append(x_ref[pl.ds(off, 1), :])
        arows.append(p0_ref[pl.ds(off, 1), :] + p1_ref[pl.ds(off, 1), :])
        off = off + nn_ref[r]
    xr = jnp.concatenate(xrows, axis=0)
    ar = jnp.concatenate(arows, axis=0)
    h = (jnp.dot(xr, wnx_ref[...], preferred_element_type=jnp.float32)
         + jnp.dot(ar, wna_ref[...], preferred_element_type=jnp.float32)
         + bn_ref[...])
    h = jnp.maximum(h, 0.0)
    h = jnp.tanh(jnp.dot(h, w0_ref[...], preferred_element_type=jnp.float32)
                 + b0_ref[...])
    h = jnp.tanh(jnp.dot(h, w1_ref[...], preferred_element_type=jnp.float32)
                 + b1_ref[...])
    v = jnp.sum(h * wv_ref[...], axis=1, keepdims=True) + bv_ref[...]
    out_ref[...] = v


def _seg_sum_body(m_hbm, srcd_hbm, dstd_hbm, p_hbm,
                  src_v, dst_v, rows_0, rows_1, rows_2, rows_3, zbuf_v, acc_sh,
                  sem_0, sem_1, sem_2, sem_3):
    cid = lax.axis_index("c")
    sid = lax.axis_index("s")
    wid = sid * 2 + cid

    zv = jnp.zeros((16,), jnp.float32)
    for i in range(16):
        for j in range(MSG // 16):
            zbuf_v[i, pl.ds(j * 16, 16)] = zv

    def zero_body(k, _):
        pltpu.sync_copy(zbuf_v, acc_sh.at[pl.ds(sid * ROWS_PER_TILE + k * 16, 16)])
        return 0
    lax.fori_loop(0, ROWS_PER_TILE // 16, zero_body, 0)

    pltpu.sync_copy(srcd_hbm.at[pl.ds(wid * CPT, CPT)], src_v)
    pltpu.sync_copy(dstd_hbm.at[pl.ds(wid * CPT, CPT)], dst_v)

    plsc.subcore_barrier()

    bufs = (rows_0, rows_1, rows_2, rows_3)
    sems = (sem_0, sem_1, sem_2, sem_3)
    for k in range(3):
        pltpu.async_copy(m_hbm.at[src_v.at[k]], bufs[k], sems[k])

    def chunk_body(jj, _):
        base = jj * 4
        for k in range(4):
            j = base + k
            pltpu.make_async_copy(m_hbm.at[src_v.at[j]], bufs[k], sems[k]).wait()
            pltpu.sync_copy(bufs[k], acc_sh.at[dst_v.at[j]], add=True)
            kr = (k + 3) % 4
            jr = jnp.minimum(base + k + 3, CPT - 1)
            pltpu.async_copy(m_hbm.at[src_v.at[jr]], bufs[kr], sems[kr])
        return 0
    lax.fori_loop(0, CPT // 4, chunk_body, 0)
    for k in range(3):
        pltpu.make_async_copy(m_hbm.at[src_v.at[0]], bufs[k], sems[k]).wait()

    plsc.subcore_barrier()

    pltpu.sync_copy(acc_sh.at[pl.ds(sid * ROWS_PER_TILE, ROWS_PER_TILE)],
                    p_hbm.at[cid, pl.ds(sid * ROWS_PER_TILE, ROWS_PER_TILE)])


def _make_seg_sum():
    mesh = plsc.VectorSubcoreMesh(core_axis_name="c", subcore_axis_name="s",
                                  num_cores=2, num_subcores=16)
    return pl.kernel(
        _seg_sum_body,
        out_type=jax.ShapeDtypeStruct((2, NP, MSG), jnp.float32),
        mesh=mesh,
        scratch_types=[
            pltpu.VMEM((CPT, CHUNK), jnp.int32),
            pltpu.VMEM((CPT, CHUNK), jnp.int32),
            pltpu.VMEM((CHUNK, MSG), jnp.float32),
            pltpu.VMEM((CHUNK, MSG), jnp.float32),
            pltpu.VMEM((CHUNK, MSG), jnp.float32),
            pltpu.VMEM((CHUNK, MSG), jnp.float32),
            pltpu.VMEM((16, MSG), jnp.float32),
            pltpu.VMEM_SHARED((NP, MSG), jnp.float32),
            pltpu.SemaphoreType.DMA,
            pltpu.SemaphoreType.DMA,
            pltpu.SemaphoreType.DMA,
            pltpu.SemaphoreType.DMA,
        ],
        compiler_params=pltpu.CompilerParams(use_tc_tiling_on_sc=False),
    )


_GRID = 10
_BLK = NP // _GRID


def _row_spec(width):
    return pl.BlockSpec((_BLK, width), lambda i: (i, 0))


def _full_spec(a, b):
    return pl.BlockSpec((a, b), lambda i: (0, 0))


def kernel(obs, edges, use_transform_action, num_nodes, rn_mean, rn_var,
           W_msg0, b_msg0, W_node0, b_node0,
           W_msg1, b_msg1, W_node1, b_node1,
           W_msg2, b_msg2, W_node2, b_node2,
           W_mlp0, b_mlp0, W_mlp1, b_mlp1, W_v, b_v):
    f32 = jnp.float32
    obs_p = jnp.pad(obs, ((0, NP - N), (0, 0)))
    src = jnp.concatenate([edges[0], jnp.full((EP - E,), NP - 1, jnp.int32)])
    dst = jnp.concatenate([edges[1], jnp.full((EP - E,), NP - 1, jnp.int32)])
    srcd = src.reshape(NTILES * CPT, CHUNK)
    dstd = dst.reshape(NTILES * CPT, CHUNK)

    mean2 = rn_mean.reshape(1, STATE)
    var2 = rn_var.reshape(1, STATE)
    msg_w = [(W_msg0, b_msg0.reshape(1, MSG)),
             (W_msg1, b_msg1.reshape(1, MSG)),
             (W_msg2, b_msg2.reshape(1, MSG))]
    node_w = [(W_node0[:NODE], W_node0[NODE:], b_node0.reshape(1, NODE)),
              (W_node1[:NODE], W_node1[NODE:], b_node1.reshape(1, NODE)),
              (W_node2[:NODE], W_node2[NODE:], b_node2.reshape(1, NODE))]

    norm_msg = pl.pallas_call(
        _norm_msg_body,
        grid=(_GRID,),
        in_specs=[_row_spec(STATE), _full_spec(1, STATE), _full_spec(1, STATE),
                  _full_spec(NODE, MSG), _full_spec(1, MSG)],
        out_specs=[_row_spec(NODE), _row_spec(MSG)],
        out_shape=[jax.ShapeDtypeStruct((NP, NODE), f32),
                   jax.ShapeDtypeStruct((NP, MSG), f32)],
    )
    x0, m0 = norm_msg(obs_p, mean2, var2, msg_w[0][0], msg_w[0][1])

    seg_sum = _make_seg_sum()

    update_msg = pl.pallas_call(
        _update_msg_body,
        grid=(_GRID,),
        in_specs=[_row_spec(NODE),
                  pl.BlockSpec((2, _BLK, MSG), lambda i: (0, i, 0)),
                  _full_spec(NODE, NODE), _full_spec(MSG, NODE),
                  _full_spec(1, NODE),
                  _full_spec(NODE, MSG), _full_spec(1, MSG)],
        out_specs=[_row_spec(NODE), _row_spec(MSG)],
        out_shape=[jax.ShapeDtypeStruct((NP, NODE), f32),
                   jax.ShapeDtypeStruct((NP, MSG), f32)],
    )

    x, m = x0, m0
    for i in range(2):
        p = seg_sum(m, srcd, dstd)
        wnx, wna, bn = node_w[i]
        x, m = update_msg(x, p, wnx, wna, bn, msg_w[i + 1][0], msg_w[i + 1][1])

    p2 = seg_sum(m, srcd, dstd)

    wnx2, wna2, bn2 = node_w[2]
    head = pl.pallas_call(
        _head_body,
        in_specs=[pl.BlockSpec(memory_space=pltpu.VMEM),
                  pl.BlockSpec(memory_space=pltpu.VMEM),
                  pl.BlockSpec(memory_space=pltpu.VMEM),
                  pl.BlockSpec(memory_space=pltpu.SMEM),
                  pl.BlockSpec(memory_space=pltpu.VMEM),
                  pl.BlockSpec(memory_space=pltpu.VMEM),
                  pl.BlockSpec(memory_space=pltpu.VMEM),
                  pl.BlockSpec(memory_space=pltpu.VMEM),
                  pl.BlockSpec(memory_space=pltpu.VMEM),
                  pl.BlockSpec(memory_space=pltpu.VMEM),
                  pl.BlockSpec(memory_space=pltpu.VMEM),
                  pl.BlockSpec(memory_space=pltpu.VMEM),
                  pl.BlockSpec(memory_space=pltpu.VMEM)],
        out_shape=jax.ShapeDtypeStruct((B, 1), f32),
    )
    value = head(x, p2[0], p2[1], num_nodes, wnx2, wna2, bn2,
                 W_mlp0, b_mlp0.reshape(1, H0), W_mlp1, b_mlp1.reshape(1, H1),
                 W_v.reshape(1, NODE), b_v.reshape(1, 1))
    return value

# --- scband reference (transcript-rebuilt; emitter-appended) ---
"""Pipeline reference for scband-transform2-act-value-52304111731346 (READ-ONLY COPY).

The authoritative reference and input builder live on the scoring server;
editing this copy changes nothing except your own understanding.
"""

import jax, jax.numpy as jnp
import numpy as np

N = 10000
E = 320000
B = 8
NODES_PER = 1250
STATE_DIM = 128
MSG_DIM = 64
NODE_DIM = 128
P_STEP = 3
MLP_DIMS = (256, 128)


def _glorot(key, shape):
    fan_in, fan_out = shape[0], shape[1]
    lim = jnp.sqrt(6.0 / (fan_in + fan_out))
    return jax.random.uniform(key, shape, jnp.float32, -lim, lim)


def setup_inputs(seed: int = 0):
    key = jax.random.key(seed)
    ks = jax.random.split(key, 32)
    inp = {}
    inp["obs"] = jax.random.normal(ks[0], (N, STATE_DIM), dtype=jnp.float32)
    inp["edges"] = jax.random.randint(ks[1], (2, E), 0, N, dtype=jnp.int32)
    inp["use_transform_action"] = jax.random.randint(ks[2], (B,), 0, 2, dtype=jnp.int32)
    inp["num_nodes"] = jnp.full((B,), NODES_PER, dtype=jnp.int32)
    inp["rn_mean"] = jnp.zeros((STATE_DIM,), jnp.float32)
    inp["rn_var"] = jnp.ones((STATE_DIM,), jnp.float32)
    kidx = 3
    for i in range(P_STEP):
        inp[f"W_msg{i}"] = _glorot(ks[kidx], (NODE_DIM, MSG_DIM)); kidx += 1
        inp[f"b_msg{i}"] = jnp.zeros((MSG_DIM,), jnp.float32)
        inp[f"W_node{i}"] = _glorot(ks[kidx], (NODE_DIM + MSG_DIM, NODE_DIM)); kidx += 1
        inp[f"b_node{i}"] = jnp.zeros((NODE_DIM,), jnp.float32)
    d = NODE_DIM
    for j, h in enumerate(MLP_DIMS):
        inp[f"W_mlp{j}"] = _glorot(ks[kidx], (d, h)); kidx += 1
        inp[f"b_mlp{j}"] = jnp.zeros((h,), jnp.float32)
        d = h
    inp["W_v"] = _glorot(ks[kidx], (d, 1)); kidx += 1
    inp["b_v"] = jnp.zeros((1,), jnp.float32)
    return inp


def reference(obs, edges, use_transform_action, num_nodes, rn_mean, rn_var,
              W_msg0, b_msg0, W_node0, b_node0,
              W_msg1, b_msg1, W_node1, b_node1,
              W_msg2, b_msg2, W_node2, b_node2,
              W_mlp0, b_mlp0, W_mlp1, b_mlp1, W_v, b_v):
    # batch_data already applied: obs is concatenated node features, edges has
    # per-graph node offsets folded in (we generate globally-valid indices directly).
    src = edges[0]
    dst = edges[1]
    # RunningNorm (eval mode): normalize by running stats, clip
    x = (obs - rn_mean) / jnp.sqrt(rn_var + 1e-8)
    x = jnp.clip(x, -5.0, 5.0)
    # GNNSimple: p_step rounds of message passing with scatter-add aggregation
    params = [(W_msg0, b_msg0, W_node0, b_node0),
              (W_msg1, b_msg1, W_node1, b_node1),
              (W_msg2, b_msg2, W_node2, b_node2)]
    for (Wm, bm, Wn, bn) in params:
        m = jax.nn.relu(x @ Wm + bm)                       # per-node message
        agg = jax.ops.segment_sum(m[src], dst, num_segments=N)  # gather + scatter-add
        x = jax.nn.relu(jnp.concatenate([x, agg], axis=-1) @ Wn + bn)
    # post-GNN MLP with tanh (htype)
    x = jnp.tanh(x @ W_mlp0 + b_mlp0)
    x = jnp.tanh(x @ W_mlp1 + b_mlp1)
    # value head, then gather root node of each graph
    value_nodes = x @ W_v + b_v
    num_nodes_cum = jnp.cumsum(num_nodes)
    idx = jnp.concatenate([jnp.zeros((1,), dtype=num_nodes_cum.dtype), num_nodes_cum[:-1]])
    value = value_nodes[idx]
    return value


if False:  # reference __main__ guard neutralized (emitter)
    out = reference(**setup_inputs())
    print(out.shape)

if __name__ == "__main__":
    import jax
    _d = setup_inputs()
    print(jax.jit(kernel)(*tuple(_d.values())))

</pallas_src>

<mosaic_0001>
#map = affine_map<(d0, d1) -> (0, 0)>
#map1 = affine_map<(d0, d1) -> (0, 0, 0)>
module attributes {stable_mosaic.version = 14 : i64} {
  func.func @_seg_sum_body(%arg0: i32, %arg1: i32, %arg2: memref<10240x64xf32, #tpu.memory_space<hbm>>, %arg3: memref<2560x128xi32, #tpu.memory_space<hbm>>, %arg4: memref<2560x128xi32, #tpu.memory_space<hbm>>, %arg5: memref<2x10240x64xf32, #tpu.memory_space<hbm>>, %arg6: memref<80x128xi32, #tpu.memory_space<vmem>>, %arg7: memref<80x128xi32, #tpu.memory_space<vmem>>, %arg8: memref<128x64xf32, #tpu.memory_space<vmem>>, %arg9: memref<128x64xf32, #tpu.memory_space<vmem>>, %arg10: memref<128x64xf32, #tpu.memory_space<vmem>>, %arg11: memref<128x64xf32, #tpu.memory_space<vmem>>, %arg12: memref<16x64xf32, #tpu.memory_space<vmem>>, %arg13: memref<10240x64xf32, #tpu.memory_space<vmem_shared>>, %arg14: memref<!tpu.dma_semaphore, #tpu.memory_space<semaphore_mem>>, %arg15: memref<!tpu.dma_semaphore, #tpu.memory_space<semaphore_mem>>, %arg16: memref<!tpu.dma_semaphore, #tpu.memory_space<semaphore_mem>>, %arg17: memref<!tpu.dma_semaphore, #tpu.memory_space<semaphore_mem>>) attributes {dimension_semantics = [#tpu.dimension_semantics<core_parallel>, #tpu.dimension_semantics<subcore_parallel>], iteration_bounds = array<i64: 2, 16>, scalar_prefetch = 0 : i64, scratch_operands = 12 : i64, tpu.core_type = #tpu.core_type<sc_vector_subcore>, window_params = [{transform_indices = #map}, {transform_indices = #map}, {transform_indices = #map}, {transform_indices = #map1}]} {
    %mul3A = arith.constant 2 : i32
    %mul3A_0 = arith.muli %arg1, %mul3A : i32
    %add3A = arith.addi %mul3A_0, %arg0 : i32
    %broadcast_in_dim3A = arith.constant 0.000000e+00 : f32
    %broadcast_in_dim3A_1 = vector.broadcast %broadcast_in_dim3A : f32 to vector<16xf32>
    %swap3A = arith.constant 0 : i32
    %swap3A_2 = arith.index_cast %swap3A : i32 to index
    %swap3A_3 = arith.constant 0 : index
    %swap3A_4 = tpu.vector_load %arg12[%swap3A_2, %swap3A_3] {strides = array<i32>} : memref<16x64xf32, #tpu.memory_space<vmem>>, vector<1x16xf32>,
    %swap3A_5 = vector.shape_cast %swap3A_4 : vector<1x16xf32> to vector<16xf32>
    %swap3A_6 = vector.shape_cast %broadcast_in_dim3A_1 : vector<16xf32> to vector<1x16xf32>
    tpu.vector_store %arg12[%swap3A_2, %swap3A_3], %swap3A_6 {strides = array<i32>} : memref<16x64xf32, #tpu.memory_space<vmem>>, vector<1x16xf32>,
    %swap3A_7 = arith.constant 0 : i32
    %swap3A_8 = arith.index_cast %swap3A_7 : i32 to index
    %swap3A_9 = arith.constant 16 : index
    %swap3A_10 = tpu.vector_load %arg12[%swap3A_8, %swap3A_9] {strides = array<i32>} : memref<16x64xf32, #tpu.memory_space<vmem>>, vector<1x16xf32>,
    %swap3A_11 = vector.shape_cast %swap3A_10 : vector<1x16xf32> to vector<16xf32>
    %swap3A_12 = vector.shape_cast %broadcast_in_dim3A_1 : vector<16xf32> to vector<1x16xf32>
    tpu.vector_store %arg12[%swap3A_8, %swap3A_9], %swap3A_12 {strides = array<i32>} : memref<16x64xf32, #tpu.memory_space<vmem>>, vector<1x16xf32>,
    %swap3A_13 = arith.constant 0 : i32
    %swap3A_14 = arith.index_cast %swap3A_13 : i32 to index
    %swap3A_15 = arith.constant 32 : index
    %swap3A_16 = tpu.vector_load %arg12[%swap3A_14, %swap3A_15] {strides = array<i32>} : memref<16x64xf32, #tpu.memory_space<vmem>>, vector<1x16xf32>,
    %swap3A_17 = vector.shape_cast %swap3A_16 : vector<1x16xf32> to vector<16xf32>
    %swap3A_18 = vector.shape_cast %broadcast_in_dim3A_1 : vector<16xf32> to vector<1x16xf32>
    tpu.vector_store %arg12[%swap3A_14, %swap3A_15], %swap3A_18 {strides = array<i32>} : memref<16x64xf32, #tpu.memory_space<vmem>>, vector<1x16xf32>,
    %swap3A_19 = arith.constant 0 : i32
    %swap3A_20 = arith.index_cast %swap3A_19 : i32 to index
    %swap3A_21 = arith.constant 48 : index
    %swap3A_22 = tpu.vector_load %arg12[%swap3A_20, %swap3A_21] {strides = array<i32>} : memref<16x64xf32, #tpu.memory_space<vmem>>, vector<1x16xf32>,
    %swap3A_23 = vector.shape_cast %swap3A_22 : vector<1x16xf32> to vector<16xf32>
    %swap3A_24 = vector.shape_cast %broadcast_in_dim3A_1 : vector<16xf32> to vector<1x16xf32>
    tpu.vector_store %arg12[%swap3A_20, %swap3A_21], %swap3A_24 {strides = array<i32>} : memref<16x64xf32, #tpu.memory_space<vmem>>, vector<1x16xf32>,
    %swap3A_25 = arith.constant 1 : i32
    %swap3A_26 = arith.index_cast %swap3A_25 : i32 to index
    %swap3A_27 = arith.constant 0 : index
    %swap3A_28 = tpu.vector_load %arg12[%swap3A_26, %swap3A_27] {strides = array<i32>} : memref<16x64xf32, #tpu.memory_space<vmem>>, vector<1x16xf32>,
    %swap3A_29 = vector.shape_cast %swap3A_28 : vector<1x16xf32> to vector<16xf32>
    %swap3A_30 = vector.shape_cast %broadcast_in_dim3A_1 : vector<16xf32> to vector<1x16xf32>
    tpu.vector_store %arg12[%swap3A_26, %swap3A_27], %swap3A_30 {strides = array<i32>} : memref<16x64xf32, #tpu.memory_space<vmem>>, vector<1x16xf32>,
    %swap3A_31 = arith.constant 1 : i32
    %swap3A_32 = arith.index_cast %swap3A_31 : i32 to index
    %swap3A_33 = arith.constant 16 : index
    %swap3A_34 = tpu.vector_load %arg12[%swap3A_32, %swap3A_33] {strides = array<i32>} : memref<16x64xf32, #tpu.memory_space<vmem>>, vector<1x16xf32>,
    %swap3A_35 = vector.shape_cast %swap3A_34 : vector<1x16xf32> to vector<16xf32>
    %swap3A_36 = vector.shape_cast %broadcast_in_dim3A_1 : vector<16xf32> to vector<1x16xf32>
    tpu.vector_store %arg12[%swap3A_32, %swap3A_33], %swap3A_36 {strides = array<i32>} : memref<16x64xf32, #tpu.memory_space<vmem>>, vector<1x16xf32>,
    %swap3A_37 = arith.constant 1 : i32
    %swap3A_38 = arith.index_cast %swap3A_37 : i32 to index
    %swap3A_39 = arith.constant 32 : index
    %swap3A_40 = tpu.vector_load %arg12[%swap3A_38, %swap3A_39] {strides = array<i32>} : memref<16x64xf32, #tpu.memory_space<vmem>>, vector<1x16xf32>,
    %swap3A_41 = vector.shape_cast %swap3A_40 : vector<1x16xf32> to vector<16xf32>
    %swap3A_42 = vector.shape_cast %broadcast_in_dim3A_1 : vector<16xf32> to vector<1x16xf32>
    tpu.vector_store %arg12[%swap3A_38, %swap3A_39], %swap3A_42 {strides = array<i32>} : memref<16x64xf32, #tpu.memory_space<vmem>>, vector<1x16xf32>,
    %swap3A_43 = arith.constant 1 : i32
    %swap3A_44 = arith.index_cast %swap3A_43 : i32 to index
    %swap3A_45 = arith.constant 48 : index
    %swap3A_46 = tpu.vector_load %arg12[%swap3A_44, %swap3A_45] {strides = array<i32>} : memref<16x64xf32, #tpu.memory_space<vmem>>, vector<1x16xf32>,
    %swap3A_47 = vector.shape_cast %swap3A_46 : vector<1x16xf32> to vector<16xf32>
    %swap3A_48 = vector.shape_cast %broadcast_in_dim3A_1 : vector<16xf32> to vector<1x16xf32>
    tpu.vector_store %arg12[%swap3A_44, %swap3A_45], %swap3A_48 {strides = array<i32>} : memref<16x64xf32, #tpu.memory_space<vmem>>, vector<1x16xf32>,
    %swap3A_49 = arith.constant 2 : i32
    %swap3A_50 = arith.index_cast %swap3A_49 : i32 to index
    %swap3A_51 = arith.constant 0 : index
    %swap3A_52 = tpu.vector_load %arg12[%swap3A_50, %swap3A_51] {strides = array<i32>} : memref<16x64xf32, #tpu.memory_space<vmem>>, vector<1x16xf32>,
    %swap3A_53 = vector.shape_cast %swap3A_52 : vector<1x16xf32> to vector<16xf32>
    %swap3A_54 = vector.shape_cast %broadcast_in_dim3A_1 : vector<16xf32> to vector<1x16xf32>
    tpu.vector_store %arg12[%swap3A_50, %swap3A_51], %swap3A_54 {strides = array<i32>} : memref<16x64xf32, #tpu.memory_space<vmem>>, vector<1x16xf32>,
    %swap3A_55 = arith.constant 2 : i32
    %swap3A_56 = arith.index_cast %swap3A_55 : i32 to index
    %swap3A_57 = arith.constant 16 : index
    %swap3A_58 = tpu.vector_load %arg12[%swap3A_56, %swap3A_57] {strides = array<i32>} : memref<16x64xf32, #tpu.memory_space<vmem>>, vector<1x16xf32>,
    %swap3A_59 = vector.shape_cast %swap3A_58 : vector<1x16xf32> to vector<16xf32>
    %swap3A_60 = vector.shape_cast %broadcast_in_dim3A_1 : vector<16xf32> to vector<1x16xf32>
    tpu.vector_store %arg12[%swap3A_56, %swap3A_57], %swap3A_60 {strides = array<i32>} : memref<16x64xf32, #tpu.memory_space<vmem>>, vector<1x16xf32>,
    %swap3A_61 = arith.constant 2 : i32
    %swap3A_62 = arith.index_cast %swap3A_61 : i32 to index
    %swap3A_63 = arith.constant 32 : index
    %swap3A_64 = tpu.vector_load %arg12[%swap3A_62, %swap3A_63] {strides = array<i32>} : memref<16x64xf32, #tpu.memory_space<vmem>>, vector<1x16xf32>,
    %swap3A_65 = vector.shape_cast %swap3A_64 : vector<1x16xf32> to vector<16xf32>
    %swap3A_66 = vector.shape_cast %broadcast_in_dim3A_1 : vector<16xf32> to vector<1x16xf32>
    tpu.vector_store %arg12[%swap3A_62, %swap3A_63], %swap3A_66 {strides = array<i32>} : memref<16x64xf32, #tpu.memory_space<vmem>>, vector<1x16xf32>,
    %swap3A_67 = arith.constant 2 : i32
    %swap3A_68 = arith.index_cast %swap3A_67 : i32 to index
    %swap3A_69 = arith.constant 48 : index
    %swap3A_70 = tpu.vector_load %arg12[%swap3A_68, %swap3A_69] {strides = array<i32>} : memref<16x64xf32, #tpu.memory_space<vmem>>, vector<1x16xf32>,
    %swap3A_71 = vector.shape_cast %swap3A_70 : vector<1x16xf32> to vector<16xf32>
    %swap3A_72 = vector.shape_cast %broadcast_in_dim3A_1 : vector<16xf32> to vector<1x16xf32>
    tpu.vector_store %arg12[%swap3A_68, %swap3A_69], %swap3A_72 {strides = array<i32>} : memref<16x64xf32, #tpu.memory_space<vmem>>, vector<1x16xf32>,
    %swap3A_73 = arith.constant 3 : i32
    %swap3A_74 = arith.index_cast %swap3A_73 : i32 to index
    %swap3A_75 = arith.constant 0 : index
    %swap3A_76 = tpu.vector_load %arg12[%swap3A_74, %swap3A_75] {strides = array<i32>} : memref<16x64xf32, #tpu.memory_space<vmem>>, vector<1x16xf32>,
    %swap3A_77 = vector.shape_cast %swap3A_76 : vector<1x16xf32> to vector<16xf32>
    %swap3A_78 = vector.shape_cast %broadcast_in_dim3A_1 : vector<16xf32> to vector<1x16xf32>
    tpu.vector_store %arg12[%swap3A_74, %swap3A_75], %swap3A_78 {strides = array<i32>} : memref<16x64xf32, #tpu.memory_space<vmem>>, vector<1x16xf32>,
    %swap3A_79 = arith.constant 3 : i32
    %swap3A_80 = arith.index_cast %swap3A_79 : i32 to index
    %swap3A_81 = arith.constant 16 : index
    %swap3A_82 = tpu.vector_load %arg12[%swap3A_80, %swap3A_81] {strides = array<i32>} : memref<16x64xf32, #tpu.memory_space<vmem>>, vector<1x16xf32>,
    %swap3A_83 = vector.shape_cast %swap3A_82 : vector<1x16xf32> to vector<16xf32>
    %swap3A_84 = vector.shape_cast %broadcast_in_dim3A_1 : vector<16xf32> to vector<1x16xf32>
    tpu.vector_store %arg12[%swap3A_80, %swap3A_81], %swap3A_84 {strides = array<i32>} : memref<16x64xf32, #tpu.memory_space<vmem>>, vector<1x16xf32>,
    %swap3A_85 = arith.constant 3 : i32
    %swap3A_86 = arith.index_cast %swap3A_85 : i32 to index
    %swap3A_87 = arith.constant 32 : index
    %swap3A_88 = tpu.vector_load %arg12[%swap3A_86, %swap3A_87] {strides = array<i32>} : memref<16x64xf32, #tpu.memory_space<vmem>>, vector<1x16xf32>,
    %swap3A_89 = vector.shape_cast %swap3A_88 : vector<1x16xf32> to vector<16xf32>
    %swap3A_90 = vector.shape_cast %broadcast_in_dim3A_1 : vector<16xf32> to vector<1x16xf32>
    tpu.vector_store %arg12[%swap3A_86, %swap3A_87], %swap3A_90 {strides = array<i32>} : memref<16x64xf32, #tpu.memory_space<vmem>>, vector<1x16xf32>,
    %swap3A_91 = arith.constant 3 : i32
    %swap3A_92 = arith.index_cast %swap3A_91 : i32 to index
    %swap3A_93 = arith.constant 48 : index
    %swap3A_94 = tpu.vector_load %arg12[%swap3A_92, %swap3A_93] {strides = array<i32>} : memref<16x64xf32, #tpu.memory_space<vmem>>, vector<1x16xf32>,
    %swap3A_95 = vector.shape_cast %swap3A_94 : vector<1x16xf32> to vector<16xf32>
    %swap3A_96 = vector.shape_cast %broadcast_in_dim3A_1 : vector<16xf32> to vector<1x16xf32>
    tpu.vector_store %arg12[%swap3A_92, %swap3A_93], %swap3A_96 {strides = array<i32>} : memref<16x64xf32, #tpu.memory_space<vmem>>, vector<1x16xf32>,
    %swap3A_97 = arith.constant 4 : i32
    %swap3A_98 = arith.index_cast %swap3A_97 : i32 to index
    %swap3A_99 = arith.constant 0 : index
    %swap3A_100 = tpu.vector_load %arg12[%swap3A_98, %swap3A_99] {strides = array<i32>} : memref<16x64xf32, #tpu.memory_space<vmem>>, vector<1x16xf32>,
    %swap3A_101 = vector.shape_cast %swap3A_100 : vector<1x16xf32> to vector<16xf32>
    %swap3A_102 = vector.shape_cast %broadcast_in_dim3A_1 : vector<16xf32> to vector<1x16xf32>
    tpu.vector_store %arg12[%swap3A_98, %swap3A_99], %swap3A_102 {strides = array<i32>} : memref<16x64xf32, #tpu.memory_space<vmem>>, vector<1x16xf32>,
    %swap3A_103 = arith.constant 4 : i32
    %swap3A_104 = arith.index_cast %swap3A_103 : i32 to index
    %swap3A_105 = arith.constant 16 : index
    %swap3A_106 = tpu.vector_load %arg12[%swap3A_104, %swap3A_105] {strides = array<i32>} : memref<16x64xf32, #tpu.memory_space<vmem>>, vector<1x16xf32>,
    %swap3A_107 = vector.shape_cast %swap3A_106 : vector<1x16xf32> to vector<16xf32>
    %swap3A_108 = vector.shape_cast %broadcast_in_dim3A_1 : vector<16xf32> to vector<1x16xf32>
    tpu.vector_store %arg12[%swap3A_104, %swap3A_105], %swap3A_108 {strides = array<i32>} : memref<16x64xf32, #tpu.memory_space<vmem>>, vector<1x16xf32>,
    %swap3A_109 = arith.constant 4 : i32
    %swap3A_110 = arith.index_cast %swap3A_109 : i32 to index
    %swap3A_111 = arith.constant 32 : index
    %swap3A_112 = tpu.vector_load %arg12[%swap3A_110, %swap3A_111] {strides = array<i32>} : memref<16x64xf32, #tpu.memory_space<vmem>>, vector<1x16xf32>,
    %swap3A_113 = vector.shape_cast %swap3A_112 : vector<1x16xf32> to vector<16xf32>
    %swap3A_114 = vector.shape_cast %broadcast_in_dim3A_1 : vector<16xf32> to vector<1x16xf32>
    tpu.vector_store %arg12[%swap3A_110, %swap3A_111], %swap3A_114 {strides = array<i32>} : memref<16x64xf32, #tpu.memory_space<vmem>>, vector<1x16xf32>,
    %swap3A_115 = arith.constant 4 : i32
    %swap3A_116 = arith.index_cast %swap3A_115 : i32 to index
    %swap3A_117 = arith.constant 48 : index
    %swap3A_118 = tpu.vector_load %arg12[%swap3A_116, %swap3A_117] {strides = array<i32>} : memref<16x64xf32, #tpu.memory_space<vmem>>, vector<1x16xf32>,
    %swap3A_119 = vector.shape_cast %swap3A_118 : vector<1x16xf32> to vector<16xf32>
    %swap3A_120 = vector.shape_cast %broadcast_in_dim3A_1 : vector<16xf32> to vector<1x16xf32>
    tpu.vector_store %arg12[%swap3A_116, %swap3A_117], %swap3A_120 {strides = array<i32>} : memref<16x64xf32, #tpu.memory_space<vmem>>, vector<1x16xf32>,
    %swap3A_121 = arith.constant 5 : i32
    %swap3A_122 = arith.index_cast %swap3A_121 : i32 to index
    %swap3A_123 = arith.constant 0 : index
    %swap3A_124 = tpu.vector_load %arg12[%swap3A_122, %swap3A_123] {strides = array<i32>} : memref<16x64xf32, #tpu.memory_space<vmem>>, vector<1x16xf32>,
    %swap3A_125 = vector.shape_cast %swap3A_124 : vector<1x16xf32> to vector<16xf32>
    %swap3A_126 = vector.shape_cast %broadcast_in_dim3A_1 : vector<16xf32> to vector<1x16xf32>
    tpu.vector_store %arg12[%swap3A_122, %swap3A_123], %swap3A_126 {strides = array<i32>} : memref<16x64xf32, #tpu.memory_space<vmem>>, vector<1x16xf32>,
    %swap3A_127 = arith.constant 5 : i32
    %swap3A_128 = arith.index_cast %swap3A_127 : i32 to index
    %swap3A_129 = arith.constant 16 : index
    %swap3A_130 = tpu.vector_load %arg12[%swap3A_128, %swap3A_129] {strides = array<i32>} : memref<16x64xf32, #tpu.memory_space<vmem>>, vector<1x16xf32>,
    %swap3A_131 = vector.shape_cast %swap3A_130 : vector<1x16xf32> to vector<16xf32>
    %swap3A_132 = vector.shape_cast %broadcast_in_dim3A_1 : vector<16xf32> to vector<1x16xf32>
    tpu.vector_store %arg12[%swap3A_128, %swap3A_129], %swap3A_132 {strides = array<i32>} : memref<16x64xf32, #tpu.memory_space<vmem>>, vector<1x16xf32>,
    %swap3A_133 = arith.constant 5 : i32
    %swap3A_134 = arith.index_cast %swap3A_133 : i32 to index
    %swap3A_135 = arith.constant 32 : index
    %swap3A_136 = tpu.vector_load %arg12[%swap3A_134, %swap3A_135] {strides = array<i32>} : memref<16x64xf32, #tpu.memory_space<vmem>>, vector<1x16xf32>,
    %swap3A_137 = vector.shape_cast %swap3A_136 : vector<1x16xf32> to vector<16xf32>
    %swap3A_138 = vector.shape_cast %broadcast_in_dim3A_1 : vector<16xf32> to vector<1x16xf32>
    tpu.vector_store %arg12[%swap3A_134, %swap3A_135], %swap3A_138 {strides = array<i32>} : memref<16x64xf32, #tpu.memory_space<vmem>>, vector<1x16xf32>,
    %swap3A_139 = arith.constant 5 : i32
    %swap3A_140 = arith.index_cast %swap3A_139 : i32 to index
    %swap3A_141 = arith.constant 48 : index
    %swap3A_142 = tpu.vector_load %arg12[%swap3A_140, %swap3A_141] {strides = array<i32>} : memref<16x64xf32, #tpu.memory_space<vmem>>, vector<1x16xf32>,
    %swap3A_143 = vector.shape_cast %swap3A_142 : vector<1x16xf32> to vector<16xf32>
    %swap3A_144 = vector.shape_cast %broadcast_in_dim3A_1 : vector<16xf32> to vector<1x16xf32>
    tpu.vector_store %arg12[%swap3A_140, %swap3A_141], %swap3A_144 {strides = array<i32>} : memref<16x64xf32, #tpu.memory_space<vmem>>, vector<1x16xf32>,
    %swap3A_145 = arith.constant 6 : i32
    %swap3A_146 = arith.index_cast %swap3A_145 : i32 to index
    %swap3A_147 = arith.constant 0 : index
    %swap3A_148 = tpu.vector_load %arg12[%swap3A_146, %swap3A_147] {strides = array<i32>} : memref<16x64xf32, #tpu.memory_space<vmem>>, vector<1x16xf32>,
    %swap3A_149 = vector.shape_cast %swap3A_148 : vector<1x16xf32> to vector<16xf32>
    %swap3A_150 = vector.shape_cast %broadcast_in_dim3A_1 : vector<16xf32> to vector<1x16xf32>
    tpu.vector_store %arg12[%swap3A_146, %swap3A_147], %swap3A_150 {strides = array<i32>} : memref<16x64xf32, #tpu.memory_space<vmem>>, vector<1x16xf32>,
    %swap3A_151 = arith.constant 6 : i32
    %swap3A_152 = arith.index_cast %swap3A_151 : i32 to index
    %swap3A_153 = arith.constant 16 : index
    %swap3A_154 = tpu.vector_load %arg12[%swap3A_152, %swap3A_153] {strides = array<i32>} : memref<16x64xf32, #tpu.memory_space<vmem>>, vector<1x16xf32>,
    %swap3A_155 = vector.shape_cast %swap3A_154 : vector<1x16xf32> to vector<16xf32>
    %swap3A_156 = vector.shape_cast %broadcast_in_dim3A_1 : vector<16xf32> to vector<1x16xf32>
    tpu.vector_store %arg12[%swap3A_152, %swap3A_153], %swap3A_156 {strides = array<i32>} : memref<16x64xf32, #tpu.memory_space<vmem>>, vector<1x16xf32>,
    %swap3A_157 = arith.constant 6 : i32
    %swap3A_158 = arith.index_cast %swap3A_157 : i32 to index
    %swap3A_159 = arith.constant 32 : index
    %swap3A_160 = tpu.vector_load %arg12[%swap3A_158, %swap3A_159] {strides = array<i32>} : memref<16x64xf32, #tpu.memory_space<vmem>>, vector<1x16xf32>,
    %swap3A_161 = vector.shape_cast %swap3A_160 : vector<1x16xf32> to vector<16xf32>
    %swap3A_162 = vector.shape_cast %broadcast_in_dim3A_1 : vector<16xf32> to vector<1x16xf32>
    tpu.vector_store %arg12[%swap3A_158, %swap3A_159], %swap3A_162 {strides = array<i32>} : memref<16x64xf32, #tpu.memory_space<vmem>>, vector<1x16xf32>,
    %swap3A_163 = arith.constant 6 : i32
    %swap3A_164 = arith.index_cast %swap3A_163 : i32 to index
    %swap3A_165 = arith.constant 48 : index
    %swap3A_166 = tpu.vector_load %arg12[%swap3A_164, %swap3A_165] {strides = array<i32>} : memref<16x64xf32, #tpu.memory_space<vmem>>, vector<1x16xf32>,
    %swap3A_167 = vector.shape_cast %swap3A_166 : vector<1x16xf32> to vector<16xf32>
    %swap3A_168 = vector.shape_cast %broadcast_in_dim3A_1 : vector<16xf32> to vector<1x16xf32>
    tpu.vector_store %arg12[%swap3A_164, %swap3A_165], %swap3A_168 {strides = array<i32>} : memref<16x64xf32, #tpu.memory_space<vmem>>, vector<1x16xf32>,
    %swap3A_169 = arith.constant 7 : i32
    %swap3A_170 = arith.index_cast %swap3A_169 : i32 to index
    %swap3A_171 = arith.constant 0 : index
    %swap3A_172 = tpu.vector_load %arg12[%swap3A_170, %swap3A_171] {strides = array<i32>} : memref<16x64xf32, #tpu.memory_space<vmem>>, vector<1x16xf32>,
    %swap3A_173 = vector.shape_cast %swap3A_172 : vector<1x16xf32> to vector<16xf32>
    %swap3A_174 = vector.shape_cast %broadcast_in_dim3A_1 : vector<16xf32> to vector<1x16xf32>
    tpu.vector_store %arg12[%swap3A_170, %swap3A_171], %swap3A_174 {strides = array<i32>} : memref<16x64xf32, #tpu.memory_space<vmem>>, vector<1x16xf32>,
    %swap3A_175 = arith.constant 7 : i32
    %swap3A_176 = arith.index_cast %swap3A_175 : i32 to index
    %swap3A_177 = arith.constant 16 : index
    %swap3A_178 = tpu.vector_load %arg12[%swap3A_176, %swap3A_177] {strides = array<i32>} : memref<16x64xf32, #tpu.memory_space<vmem>>, vector<1x16xf32>,
    %swap3A_179 = vector.shape_cast %swap3A_178 : vector<1x16xf32> to vector<16xf32>
    %swap3A_180 = vector.shape_cast %broadcast_in_dim3A_1 : vector<16xf32> to vector<1x16xf32>
    tpu.vector_store %arg12[%swap3A_176, %swap3A_177], %swap3A_180 {strides = array<i32>} : memref<16x64xf32, #tpu.memory_space<vmem>>, vector<1x16xf32>,
    %swap3A_181 = arith.constant 7 : i32
    %swap3A_182 = arith.index_cast %swap3A_181 : i32 to index
    %swap3A_183 = arith.constant 32 : index
    %swap3A_184 = tpu.vector_load %arg12[%swap3A_182, %swap3A_183] {strides = array<i32>} : memref<16x64xf32, #tpu.memory_space<vmem>>, vector<1x16xf32>,
    %swap3A_185 = vector.shape_cast %swap3A_184 : vector<1x16xf32> to vector<16xf32>
    %swap3A_186 = vector.shape_cast %broadcast_in_dim3A_1 : vector<16xf32> to vector<1x16xf32>
    tpu.vector_store %arg12[%swap3A_182, %swap3A_183], %swap3A_186 {strides = array<i32>} : memref<16x64xf32, #tpu.memory_space<vmem>>, vector<1x16xf32>,
    %swap3A_187 = arith.constant 7 : i32
    %swap3A_188 = arith.index_cast %swap3A_187 : i32 to index
    %swap3A_189 = arith.constant 48 : index
    %swap3A_190 = tpu.vector_load %arg12[%swap3A_188, %swap3A_189] {strides = array<i32>} : memref<16x64xf32, #tpu.memory_space<vmem>>, vector<1x16xf32>,
    %swap3A_191 = vector.shape_cast %swap3A_190 : vector<1x16xf32> to vector<16xf32>
    %swap3A_192 = vector.shape_cast %broadcast_in_dim3A_1 : vector<16xf32> to vector<1x16xf32>
    tpu.vector_store %arg12[%swap3A_188, %swap3A_189], %swap3A_192 {strides = array<i32>} : memref<16x64xf32, #tpu.memory_space<vmem>>, vector<1x16xf32>,
    %swap3A_193 = arith.constant 8 : i32
    %swap3A_194 = arith.index_cast %swap3A_193 : i32 to index
    %swap3A_195 = arith.constant 0 : index
    %swap3A_196 = tpu.vector_load %arg12[%swap3A_194, %swap3A_195] {strides = array<i32>} : memref<16x64xf32, #tpu.memory_space<vmem>>, vector<1x16xf32>,
    %swap3A_197 = vector.shape_cast %swap3A_196 : vector<1x16xf32> to vector<16xf32>
    %swap3A_198 = vector.shape_cast %broadcast_in_dim3A_1 : vector<16xf32> to vector<1x16xf32>
    tpu.vector_store %arg12[%swap3A_194, %swap3A_195], %swap3A_198 {strides = array<i32>} : memref<16x64xf32, #tpu.memory_space<vmem>>, vector<1x16xf32>,
    %swap3A_199 = arith.constant 8 : i32
    %swap3A_200 = arith.index_cast %swap3A_199 : i32 to index
    %swap3A_201 = arith.constant 16 : index
    %swap3A_202 = tpu.vector_load %arg12[%swap3A_200, %swap3A_201] {strides = array<i32>} : memref<16x64xf32, #tpu.memory_space<vmem>>, vector<1x16xf32>,
    %swap3A_203 = vector.shape_cast %swap3A_202 : vector<1x16xf32> to vector<16xf32>
    %swap3A_204 = vector.shape_cast %broadcast_in_dim3A_1 : vector<16xf32> to vector<1x16xf32>
    tpu.vector_store %arg12[%swap3A_200, %swap3A_201], %swap3A_204 {strides = array<i32>} : memref<16x64xf32, #tpu.memory_space<vmem>>, vector<1x16xf32>,
    %swap3A_205 = arith.constant 8 : i32
    %swap3A_206 = arith.index_cast %swap3A_205 : i32 to index
    %swap3A_207 = arith.constant 32 : index
    %swap3A_208 = tpu.vector_load %arg12[%swap3A_206, %swap3A_207] {strides = array<i32>} : memref<16x64xf32, #tpu.memory_space<vmem>>, vector<1x16xf32>,
    %swap3A_209 = vector.shape_cast %swap3A_208 : vector<1x16xf32> to vector<16xf32>
    %swap3A_210 = vector.shape_cast %broadcast_in_dim3A_1 : vector<16xf32> to vector<1x16xf32>
    tpu.vector_store %arg12[%swap3A_206, %swap3A_207], %swap3A_210 {strides = array<i32>} : memref<16x64xf32, #tpu.memory_space<vmem>>, vector<1x16xf32>,
    %swap3A_211 = arith.constant 8 : i32
    %swap3A_212 = arith.index_cast %swap3A_211 : i32 to index
    %swap3A_213 = arith.constant 48 : index
    %swap3A_214 = tpu.vector_load %arg12[%swap3A_212, %swap3A_213] {strides = array<i32>} : memref<16x64xf32, #tpu.memory_space<vmem>>, vector<1x16xf32>,
    %swap3A_215 = vector.shape_cast %swap3A_214 : vector<1x16xf32> to vector<16xf32>
    %swap3A_216 = vector.shape_cast %broadcast_in_dim3A_1 : vector<16xf32> to vector<1x16xf32>
    tpu.vector_store %arg12[%swap3A_212, %swap3A_213], %swap3A_216 {strides = array<i32>} : memref<16x64xf32, #tpu.memory_space<vmem>>, vector<1x16xf32>,
    %swap3A_217 = arith.constant 9 : i32
    %swap3A_218 = arith.index_cast %swap3A_217 : i32 to index
    %swap3A_219 = arith.constant 0 : index
    %swap3A_220 = tpu.vector_load %arg12[%swap3A_218, %swap3A_219] {strides = array<i32>} : memref<16x64xf32, #tpu.memory_space<vmem>>, vector<1x16xf32>,
    %swap3A_221 = vector.shape_cast %swap3A_220 : vector<1x16xf32> to vector<16xf32>
    %swap3A_222 = vector.shape_cast %broadcast_in_dim3A_1 : vector<16xf32> to vector<1x16xf32>
    tpu.vector_store %arg12[%swap3A_218, %swap3A_219], %swap3A_222 {strides = array<i32>} : memref<16x64xf32, #tpu.memory_space<vmem>>, vector<1x16xf32>,
    %swap3A_223 = arith.constant 9 : i32
    %swap3A_224 = arith.index_cast %swap3A_223 : i32 to index
    %swap3A_225 = arith.constant 16 : index
    %swap3A_226 = tpu.vector_load %arg12[%swap3A_224, %swap3A_225] {strides = array<i32>} : memref<16x64xf32, #tpu.memory_space<vmem>>, vector<1x16xf32>,
    %swap3A_227 = vector.shape_cast %swap3A_226 : vector<1x16xf32> to vector<16xf32>
    %swap3A_228 = vector.shape_cast %broadcast_in_dim3A_1 : vector<16xf32> to vector<1x16xf32>
    tpu.vector_store %arg12[%swap3A_224, %swap3A_225], %swap3A_228 {strides = array<i32>} : memref<16x64xf32, #tpu.memory_space<vmem>>, vector<1x16xf32>,
    %swap3A_229 = arith.constant 9 : i32
    %swap3A_230 = arith.index_cast %swap3A_229 : i32 to index
    %swap3A_231 = arith.constant 32 : index
    %swap3A_232 = tpu.vector_load %arg12[%swap3A_230, %swap3A_231] {strides = array<i32>} : memref<16x64xf32, #tpu.memory_space<vmem>>, vector<1x16xf32>,
    %swap3A_233 = vector.shape_cast %swap3A_232 : vector<1x16xf32> to vector<16xf32>
    %swap3A_234 = vector.shape_cast %broadcast_in_dim3A_1 : vector<16xf32> to vector<1x16xf32>
    tpu.vector_store %arg12[%swap3A_230, %swap3A_231], %swap3A_234 {strides = array<i32>} : memref<16x64xf32, #tpu.memory_space<vmem>>, vector<1x16xf32>,
    %swap3A_235 = arith.constant 9 : i32
    %swap3A_236 = arith.index_cast %swap3A_235 : i32 to index
    %swap3A_237 = arith.constant 48 : index
    %swap3A_238 = tpu.vector_load %arg12[%swap3A_236, %swap3A_237] {strides = array<i32>} : memref<16x64xf32, #tpu.memory_space<vmem>>, vector<1x16xf32>,
    %swap3A_239 = vector.shape_cast %swap3A_238 : vector<1x16xf32> to vector<16xf32>
    %swap3A_240 = vector.shape_cast %broadcast_in_dim3A_1 : vector<16xf32> to vector<1x16xf32>
    tpu.vector_store %arg12[%swap3A_236, %swap3A_237], %swap3A_240 {strides = array<i32>} : memref<16x64xf32, #tpu.memory_space<vmem>>, vector<1x16xf32>,
    %swap3A_241 = arith.constant 10 : i32
    %swap3A_242 = arith.index_cast %swap3A_241 : i32 to index
    %swap3A_243 = arith.constant 0 : index
    %swap3A_244 = tpu.vector_load %arg12[%swap3A_242, %swap3A_243] {strides = array<i32>} : memref<16x64xf32, #tpu.memory_space<vmem>>, vector<1x16xf32>,
    %swap3A_245 = vector.shape_cast %swap3A_244 : vector<1x16xf32> to vector<16xf32>
    %swap3A_246 = vector.shape_cast %broadcast_in_dim3A_1 : vector<16xf32> to vector<1x16xf32>
    tpu.vector_store %arg12[%swap3A_242, %swap3A_243], %swap3A_246 {strides = array<i32>} : memref<16x64xf32, #tpu.memory_space<vmem>>, vector<1x16xf32>,
    %swap3A_247 = arith.constant 10 : i32
    %swap3A_248 = arith.index_cast %swap3A_247 : i32 to index
    %swap3A_249 = arith.constant 16 : index
    %swap3A_250 = tpu.vector_load %arg12[%swap3A_248, %swap3A_249] {strides = array<i32>} : memref<16x64xf32, #tpu.memory_space<vmem>>, vector<1x16xf32>,
    %swap3A_251 = vector.shape_cast %swap3A_250 : vector<1x16xf32> to vector<16xf32>
    %swap3A_252 = vector.shape_cast %broadcast_in_dim3A_1 : vector<16xf32> to vector<1x16xf32>
    tpu.vector_store %arg12[%swap3A_248, %swap3A_249], %swap3A_252 {strides = array<i32>} : memref<16x64xf32, #tpu.memory_space<vmem>>, vector<1x16xf32>,
    %swap3A_253 = arith.constant 10 : i32
    %swap3A_254 = arith.index_cast %swap3A_253 : i32 to index
    %swap3A_255 = arith.constant 32 : index
    %swap3A_256 = tpu.vector_load %arg12[%swap3A_254, %swap3A_255] {strides = array<i32>} : memref<16x64xf32, #tpu.memory_space<vmem>>, vector<1x16xf32>,
    %swap3A_257 = vector.shape_cast %swap3A_256 : vector<1x16xf32> to vector<16xf32>
    %swap3A_258 = vector.shape_cast %broadcast_in_dim3A_1 : vector<16xf32> to vector<1x16xf32>
    tpu.vector_store %arg12[%swap3A_254, %swap3A_255], %swap3A_258 {strides = array<i32>} : memref<16x64xf32, #tpu.memory_space<vmem>>, vector<1x16xf32>,
    %swap3A_259 = arith.constant 10 : i32
    %swap3A_260 = arith.index_cast %swap3A_259 : i32 to index
    %swap3A_261 = arith.constant 48 : index
    %swap3A_262 = tpu.vector_load %arg12[%swap3A_260, %swap3A_261] {strides = array<i32>} : memref<16x64xf32, #tpu.memory_space<vmem>>, vector<1x16xf32>,
    %swap3A_263 = vector.shape_cast %swap3A_262 : vector<1x16xf32> to vector<16xf32>
    %swap3A_264 = vector.shape_cast %broadcast_in_dim3A_1 : vector<16xf32> to vector<1x16xf32>
    tpu.vector_store %arg12[%swap3A_260, %swap3A_261], %swap3A_264 {strides = array<i32>} : memref<16x64xf32, #tpu.memory_space<vmem>>, vector<1x16xf32>,
    %swap3A_265 = arith.constant 11 : i32
    %swap3A_266 = arith.index_cast %swap3A_265 : i32 to index
    %swap3A_267 = arith.constant 0 : index
    %swap3A_268 = tpu.vector_load %arg12[%swap3A_266, %swap3A_267] {strides = array<i32>} : memref<16x64xf32, #tpu.memory_space<vmem>>, vector<1x16xf32>,
    %swap3A_269 = vector.shape_cast %swap3A_268 : vector<1x16xf32> to vector<16xf32>
    %swap3A_270 = vector.shape_cast %broadcast_in_dim3A_1 : vector<16xf32> to vector<1x16xf32>
    tpu.vector_store %arg12[%swap3A_266, %swap3A_267], %swap3A_270 {strides = array<i32>} : memref<16x64xf32, #tpu.memory_space<vmem>>, vector<1x16xf32>,
    %swap3A_271 = arith.constant 11 : i32
    %swap3A_272 = arith.index_cast %swap3A_271 : i32 to index
    %swap3A_273 = arith.constant 16 : index
    %swap3A_274 = tpu.vector_load %arg12[%swap3A_272, %swap3A_273] {strides = array<i32>} : memref<16x64xf32, #tpu.memory_space<vmem>>, vector<1x16xf32>,
    %swap3A_275 = vector.shape_cast %swap3A_274 : vector<1x16xf32> to vector<16xf32>
    %swap3A_276 = vector.shape_cast %broadcast_in_dim3A_1 : vector<16xf32> to vector<1x16xf32>
    tpu.vector_store %arg12[%swap3A_272, %swap3A_273], %swap3A_276 {strides = array<i32>} : memref<16x64xf32, #tpu.memory_space<vmem>>, vector<1x16xf32>,
    %swap3A_277 = arith.constant 11 : i32
    %swap3A_278 = arith.index_cast %swap3A_277 : i32 to index
    %swap3A_279 = arith.constant 32 : index
    %swap3A_280 = tpu.vector_load %arg12[%swap3A_278, %swap3A_279] {strides = array<i32>} : memref<16x64xf32, #tpu.memory_space<vmem>>, vector<1x16xf32>,
    %swap3A_281 = vector.shape_cast %swap3A_280 : vector<1x16xf32> to vector<16xf32>
    %swap3A_282 = vector.shape_cast %broadcast_in_dim3A_1 : vector<16xf32> to vector<1x16xf32>
    tpu.vector_store %arg12[%swap3A_278, %swap3A_279], %swap3A_282 {strides = array<i32>} : memref<16x64xf32, #tpu.memory_space<vmem>>, vector<1x16xf32>,
    %swap3A_283 = arith.constant 11 : i32
    %swap3A_284 = arith.index_cast %swap3A_283 : i32 to index
    %swap3A_285 = arith.constant 48 : index
    %swap3A_286 = tpu.vector_load %arg12[%swap3A_284, %swap3A_285] {strides = array<i32>} : memref<16x64xf32, #tpu.memory_space<vmem>>, vector<1x16xf32>,
    %swap3A_287 = vector.shape_cast %swap3A_286 : vector<1x16xf32> to vector<16xf32>
    %swap3A_288 = vector.shape_cast %broadcast_in_dim3A_1 : vector<16xf32> to vector<1x16xf32>
    tpu.vector_store %arg12[%swap3A_284, %swap3A_285], %swap3A_288 {strides = array<i32>} : memref<16x64xf32, #tpu.memory_space<vmem>>, vector<1x16xf32>,
    %swap3A_289 = arith.constant 12 : i32
    %swap3A_290 = arith.index_cast %swap3A_289 : i32 to index
    %swap3A_291 = arith.constant 0 : index
    %swap3A_292 = tpu.vector_load %arg12[%swap3A_290, %swap3A_291] {strides = array<i32>} : memref<16x64xf32, #tpu.memory_space<vmem>>, vector<1x16xf32>,
    %swap3A_293 = vector.shape_cast %swap3A_292 : vector<1x16xf32> to vector<16xf32>
    %swap3A_294 = vector.shape_cast %broadcast_in_dim3A_1 : vector<16xf32> to vector<1x16xf32>
    tpu.vector_store %arg12[%swap3A_290, %swap3A_291], %swap3A_294 {strides = array<i32>} : memref<16x64xf32, #tpu.memory_space<vmem>>, vector<1x16xf32>,
    %swap3A_295 = arith.constant 12 : i32
    %swap3A_296 = arith.index_cast %swap3A_295 : i32 to index
    %swap3A_297 = arith.constant 16 : index
    %swap3A_298 = tpu.vector_load %arg12[%swap3A_296, %swap3A_297] {strides = array<i32>} : memref<16x64xf32, #tpu.memory_space<vmem>>, vector<1x16xf32>,
    %swap3A_299 = vector.shape_cast %swap3A_298 : vector<1x16xf32> to vector<16xf32>
    %swap3A_300 = vector.shape_cast %broadcast_in_dim3A_1 : vector<16xf32> to vector<1x16xf32>
    tpu.vector_store %arg12[%swap3A_296, %swap3A_297], %swap3A_300 {strides = array<i32>} : memref<16x64xf32, #tpu.memory_space<vmem>>, vector<1x16xf32>,
    %swap3A_301 = arith.constant 12 : i32
    %swap3A_302 = arith.index_cast %swap3A_301 : i32 to index
    %swap3A_303 = arith.constant 32 : index
    %swap3A_304 = tpu.vector_load %arg12[%swap3A_302, %swap3A_303] {strides = array<i32>} : memref<16x64xf32, #tpu.memory_space<vmem>>, vector<1x16xf32>,
    %swap3A_305 = vector.shape_cast %swap3A_304 : vector<1x16xf32> to vector<16xf32>
    %swap3A_306 = vector.shape_cast %broadcast_in_dim3A_1 : vector<16xf32> to vector<1x16xf32>
    tpu.vector_store %arg12[%swap3A_302, %swap3A_303], %swap3A_306 {strides = array<i32>} : memref<16x64xf32, #tpu.memory_space<vmem>>, vector<1x16xf32>,
    %swap3A_307 = arith.constant 12 : i32
    %swap3A_308 = arith.index_cast %swap3A_307 : i32 to index
    %swap3A_309 = arith.constant 48 : index
    %swap3A_310 = tpu.vector_load %arg12[%swap3A_308, %swap3A_309] {strides = array<i32>} : memref<16x64xf32, #tpu.memory_space<vmem>>, vector<1x16xf32>,
    %swap3A_311 = vector.shape_cast %swap3A_310 : vector<1x16xf32> to vector<16xf32>
    %swap3A_312 = vector.shape_cast %broadcast_in_dim3A_1 : vector<16xf32> to vector<1x16xf32>
    tpu.vector_store %arg12[%swap3A_308, %swap3A_309], %swap3A_312 {strides = array<i32>} : memref<16x64xf32, #tpu.memory_space<vmem>>, vector<1x16xf32>,
    %swap3A_313 = arith.constant 13 : i32
    %swap3A_314 = arith.index_cast %swap3A_313 : i32 to index
    %swap3A_315 = arith.constant 0 : index
    %swap3A_316 = tpu.vector_load %arg12[%swap3A_314, %swap3A_315] {strides = array<i32>} : memref<16x64xf32, #tpu.memory_space<vmem>>, vector<1x16xf32>,
    %swap3A_317 = vector.shape_cast %swap3A_316 : vector<1x16xf32> to vector<16xf32>
    %swap3A_318 = vector.shape_cast %broadcast_in_dim3A_1 : vector<16xf32> to vector<1x16xf32>
    tpu.vector_store %arg12[%swap3A_314, %swap3A_315], %swap3A_318 {strides = array<i32>} : memref<16x64xf32, #tpu.memory_space<vmem>>, vector<1x16xf32>,
    %swap3A_319 = arith.constant 13 : i32
    %swap3A_320 = arith.index_cast %swap3A_319 : i32 to index
    %swap3A_321 = arith.constant 16 : index
    %swap3A_322 = tpu.vector_load %arg12[%swap3A_320, %swap3A_321] {strides = array<i32>} : memref<16x64xf32, #tpu.memory_space<vmem>>, vector<1x16xf32>,
    %swap3A_323 = vector.shape_cast %swap3A_322 : vector<1x16xf32> to vector<16xf32>
    %swap3A_324 = vector.shape_cast %broadcast_in_dim3A_1 : vector<16xf32> to vector<1x16xf32>
    tpu.vector_store %arg12[%swap3A_320, %swap3A_321], %swap3A_324 {strides = array<i32>} : memref<16x64xf32, #tpu.memory_space<vmem>>, vector<1x16xf32>,
    %swap3A_325 = arith.constant 13 : i32
    %swap3A_326 = arith.index_cast %swap3A_325 : i32 to index
    %swap3A_327 = arith.constant 32 : index
    %swap3A_328 = tpu.vector_load %arg12[%swap3A_326, %swap3A_327] {strides = array<i32>} : memref<16x64xf32, #tpu.memory_space<vmem>>, vector<1x16xf32>,
    %swap3A_329 = vector.shape_cast %swap3A_328 : vector<1x16xf32> to vector<16xf32>
    %swap3A_330 = vector.shape_cast %broadcast_in_dim3A_1 : vector<16xf32> to vector<1x16xf32>
    tpu.vector_store %arg12[%swap3A_326, %swap3A_327], %swap3A_330 {strides = array<i32>} : memref<16x64xf32, #tpu.memory_space<vmem>>, vector<1x16xf32>,
    %swap3A_331 = arith.constant 13 : i32
    %swap3A_332 = arith.index_cast %swap3A_331 : i32 to index
    %swap3A_333 = arith.constant 48 : index
    %swap3A_334 = tpu.vector_load %arg12[%swap3A_332, %swap3A_333] {strides = array<i32>} : memref<16x64xf32, #tpu.memory_space<vmem>>, vector<1x16xf32>,
    %swap3A_335 = vector.shape_cast %swap3A_334 : vector<1x16xf32> to vector<16xf32>
    %swap3A_336 = vector.shape_cast %broadcast_in_dim3A_1 : vector<16xf32> to vector<1x16xf32>
    tpu.vector_store %arg12[%swap3A_332, %swap3A_333], %swap3A_336 {strides = array<i32>} : memref<16x64xf32, #tpu.memory_space<vmem>>, vector<1x16xf32>,
    %swap3A_337 = arith.constant 14 : i32
    %swap3A_338 = arith.index_cast %swap3A_337 : i32 to index
    %swap3A_339 = arith.constant 0 : index
    %swap3A_340 = tpu.vector_load %arg12[%swap3A_338, %swap3A_339] {strides = array<i32>} : memref<16x64xf32, #tpu.memory_space<vmem>>, vector<1x16xf32>,
    %swap3A_341 = vector.shape_cast %swap3A_340 : vector<1x16xf32> to vector<16xf32>
    %swap3A_342 = vector.shape_cast %broadcast_in_dim3A_1 : vector<16xf32> to vector<1x16xf32>
    tpu.vector_store %arg12[%swap3A_338, %swap3A_339], %swap3A_342 {strides = array<i32>} : memref<16x64xf32, #tpu.memory_space<vmem>>, vector<1x16xf32>,
    %swap3A_343 = arith.constant 14 : i32
    %swap3A_344 = arith.index_cast %swap3A_343 : i32 to index
    %swap3A_345 = arith.constant 16 : index
    %swap3A_346 = tpu.vector_load %arg12[%swap3A_344, %swap3A_345] {strides = array<i32>} : memref<16x64xf32, #tpu.memory_space<vmem>>, vector<1x16xf32>,
    %swap3A_347 = vector.shape_cast %swap3A_346 : vector<1x16xf32> to vector<16xf32>
    %swap3A_348 = vector.shape_cast %broadcast_in_dim3A_1 : vector<16xf32> to vector<1x16xf32>
    tpu.vector_store %arg12[%swap3A_344, %swap3A_345], %swap3A_348 {strides = array<i32>} : memref<16x64xf32, #tpu.memory_space<vmem>>, vector<1x16xf32>,
    %swap3A_349 = arith.constant 14 : i32
    %swap3A_350 = arith.index_cast %swap3A_349 : i32 to index
    %swap3A_351 = arith.constant 32 : index
    %swap3A_352 = tpu.vector_load %arg12[%swap3A_350, %swap3A_351] {strides = array<i32>} : memref<16x64xf32, #tpu.memory_space<vmem>>, vector<1x16xf32>,
    %swap3A_353 = vector.shape_cast %swap3A_352 : vector<1x16xf32> to vector<16xf32>
    %swap3A_354 = vector.shape_cast %broadcast_in_dim3A_1 : vector<16xf32> to vector<1x16xf32>
    tpu.vector_store %arg12[%swap3A_350, %swap3A_351], %swap3A_354 {strides = array<i32>} : memref<16x64xf32, #tpu.memory_space<vmem>>, vector<1x16xf32>,
    %swap3A_355 = arith.constant 14 : i32
    %swap3A_356 = arith.index_cast %swap3A_355 : i32 to index
    %swap3A_357 = arith.constant 48 : index
    %swap3A_358 = tpu.vector_load %arg12[%swap3A_356, %swap3A_357] {strides = array<i32>} : memref<16x64xf32, #tpu.memory_space<vmem>>, vector<1x16xf32>,
    %swap3A_359 = vector.shape_cast %swap3A_358 : vector<1x16xf32> to vector<16xf32>
    %swap3A_360 = vector.shape_cast %broadcast_in_dim3A_1 : vector<16xf32> to vector<1x16xf32>
    tpu.vector_store %arg12[%swap3A_356, %swap3A_357], %swap3A_360 {strides = array<i32>} : memref<16x64xf32, #tpu.memory_space<vmem>>, vector<1x16xf32>,
    %swap3A_361 = arith.constant 15 : i32
    %swap3A_362 = arith.index_cast %swap3A_361 : i32 to index
    %swap3A_363 = arith.constant 0 : index
    %swap3A_364 = tpu.vector_load %arg12[%swap3A_362, %swap3A_363] {strides = array<i32>} : memref<16x64xf32, #tpu.memory_space<vmem>>, vector<1x16xf32>,
    %swap3A_365 = vector.shape_cast %swap3A_364 : vector<1x16xf32> to vector<16xf32>
    %swap3A_366 = vector.shape_cast %broadcast_in_dim3A_1 : vector<16xf32> to vector<1x16xf32>
    tpu.vector_store %arg12[%swap3A_362, %swap3A_363], %swap3A_366 {strides = array<i32>} : memref<16x64xf32, #tpu.memory_space<vmem>>, vector<1x16xf32>,
    %swap3A_367 = arith.constant 15 : i32
    %swap3A_368 = arith.index_cast %swap3A_367 : i32 to index
    %swap3A_369 = arith.constant 16 : index
    %swap3A_370 = tpu.vector_load %arg12[%swap3A_368, %swap3A_369] {strides = array<i32>} : memref<16x64xf32, #tpu.memory_space<vmem>>, vector<1x16xf32>,
    %swap3A_371 = vector.shape_cast %swap3A_370 : vector<1x16xf32> to vector<16xf32>
    %swap3A_372 = vector.shape_cast %broadcast_in_dim3A_1 : vector<16xf32> to vector<1x16xf32>
    tpu.vector_store %arg12[%swap3A_368, %swap3A_369], %swap3A_372 {strides = array<i32>} : memref<16x64xf32, #tpu.memory_space<vmem>>, vector<1x16xf32>,
    %swap3A_373 = arith.constant 15 : i32
    %swap3A_374 = arith.index_cast %swap3A_373 : i32 to index
    %swap3A_375 = arith.constant 32 : index
    %swap3A_376 = tpu.vector_load %arg12[%swap3A_374, %swap3A_375] {strides = array<i32>} : memref<16x64xf32, #tpu.memory_space<vmem>>, vector<1x16xf32>,
    %swap3A_377 = vector.shape_cast %swap3A_376 : vector<1x16xf32> to vector<16xf32>
    %swap3A_378 = vector.shape_cast %broadcast_in_dim3A_1 : vector<16xf32> to vector<1x16xf32>
    tpu.vector_store %arg12[%swap3A_374, %swap3A_375], %swap3A_378 {strides = array<i32>} : memref<16x64xf32, #tpu.memory_space<vmem>>, vector<1x16xf32>,
    %swap3A_379 = arith.constant 15 : i32
    %swap3A_380 = arith.index_cast %swap3A_379 : i32 to index
    %swap3A_381 = arith.constant 48 : index
    %swap3A_382 = tpu.vector_load %arg12[%swap3A_380, %swap3A_381] {strides = array<i32>} : memref<16x64xf32, #tpu.memory_space<vmem>>, vector<1x16xf32>,
    %swap3A_383 = vector.shape_cast %swap3A_382 : vector<1x16xf32> to vector<16xf32>
    %swap3A_384 = vector.shape_cast %broadcast_in_dim3A_1 : vector<16xf32> to vector<1x16xf32>
    tpu.vector_store %arg12[%swap3A_380, %swap3A_381], %swap3A_384 {strides = array<i32>} : memref<16x64xf32, #tpu.memory_space<vmem>>, vector<1x16xf32>,
    %scan3A = arith.constant 0 : i32
    %scan3A_385 = arith.constant 0 : i32
    %scan3A_386 = arith.constant 40 : i32
    %scan3A_387 = arith.addi %scan3A_385, %scan3A_386 : i32
    %scan3A_388 = arith.constant 1 : i32
    %scan3A_389 = scf.for %scan3A_447 = %scan3A_385 to %scan3A_387 step %scan3A_388 iter_args(%scan3A_448 = %scan3A) -> (i32)  : i32 {
      %mul3A_449 = arith.constant 640 : i32
      %mul3A_450 = arith.muli %arg1, %mul3A_449 : i32
      %mul3A_451 = arith.constant 16 : i32
      %mul3A_452 = arith.muli %scan3A_447, %mul3A_451 : i32
      %add3A_453 = arith.addi %mul3A_450, %mul3A_452 : i32
      "tpu.region"() ({
        %run_scoped3A = tpu.sem_alloc : memref<!tpu.dma_semaphore, #tpu.memory_space<semaphore_mem>>
        %dma_start3A_455 = arith.constant 0 : i32
        %dma_start3A_456 = tpu.memref_slice %arg13[%add3A_453, %dma_start3A_455] : memref<10240x64xf32, #tpu.memory_space<vmem_shared>> -> memref<16x64xf32, #tpu.memory_space<vmem_shared>>
        %dma_start3A_457 = arith.constant 0 : i32
        %dma_start3A_458 = tpu.memref_slice %arg13[%add3A_453, %dma_start3A_457] : memref<10240x64xf32, #tpu.memory_space<vmem_shared>> -> memref<16x64xf32, #tpu.memory_space<vmem_shared>>
        tpu.enqueue_dma source(%arg12 : memref<16x64xf32, #tpu.memory_space<vmem>>) target(%dma_start3A_458 : memref<16x64xf32, #tpu.memory_space<vmem_shared>>) target_semaphore(%run_scoped3A : memref<!tpu.dma_semaphore, #tpu.memory_space<semaphore_mem>>)
        %dma_wait3A_459 = arith.constant 0 : i32
        %dma_wait3A_460 = tpu.memref_slice %arg13[%add3A_453, %dma_wait3A_459] : memref<10240x64xf32, #tpu.memory_space<vmem_shared>> -> memref<16x64xf32, #tpu.memory_space<vmem_shared>>
        %dma_wait3A_461 = arith.constant 0 : i32
        %dma_wait3A_462 = tpu.memref_slice %arg13[%add3A_453, %dma_wait3A_461] : memref<10240x64xf32, #tpu.memory_space<vmem_shared>> -> memref<16x64xf32, #tpu.memory_space<vmem_shared>>
        tpu.wait_dma2 semaphore(%run_scoped3A : memref<!tpu.dma_semaphore, #tpu.memory_space<semaphore_mem>>) src(%arg12 : memref<16x64xf32, #tpu.memory_space<vmem>>) dst(%dma_wait3A_462 : memref<16x64xf32, #tpu.memory_space<vmem_shared>>)
        tpu.yield
      }) : () -> ()
      %scan3A_454 = arith.constant 0 : i32
      scf.yield %scan3A_454 : i32
    }
    %scan3A_390 = arith.constant 40 : i32
    %mul3A_391 = arith.constant 80 : i32
    %mul3A_392 = arith.muli %add3A, %mul3A_391 : i32
    "tpu.region"() ({
      %run_scoped3A = tpu.sem_alloc : memref<!tpu.dma_semaphore, #tpu.memory_space<semaphore_mem>>
      %dma_start3A_447 = arith.constant 0 : i32
      %dma_start3A_448 = tpu.memref_slice %arg3[%mul3A_392, %dma_start3A_447] : memref<2560x128xi32, #tpu.memory_space<hbm>> -> memref<80x128xi32, #tpu.memory_space<hbm>>
      %dma_start3A_449 = arith.constant 0 : i32
      %dma_start3A_450 = tpu.memref_slice %arg3[%mul3A_392, %dma_start3A_449] : memref<2560x128xi32, #tpu.memory_space<hbm>> -> memref<80x128xi32, #tpu.memory_space<hbm>>
      tpu.enqueue_dma source(%dma_start3A_450 : memref<80x128xi32, #tpu.memory_space<hbm>>) target(%arg6 : memref<80x128xi32, #tpu.memory_space<vmem>>) target_semaphore(%run_scoped3A : memref<!tpu.dma_semaphore, #tpu.memory_space<semaphore_mem>>)
      %dma_wait3A_451 = arith.constant 0 : i32
      %dma_wait3A_452 = tpu.memref_slice %arg3[%mul3A_392, %dma_wait3A_451] : memref<2560x128xi32, #tpu.memory_space<hbm>> -> memref<80x128xi32, #tpu.memory_space<hbm>>
      %dma_wait3A_453 = arith.constant 0 : i32
      %dma_wait3A_454 = tpu.memref_slice %arg3[%mul3A_392, %dma_wait3A_453] : memref<2560x128xi32, #tpu.memory_space<hbm>> -> memref<80x128xi32, #tpu.memory_space<hbm>>
      tpu.wait_dma2 semaphore(%run_scoped3A : memref<!tpu.dma_semaphore, #tpu.memory_space<semaphore_mem>>) src(%dma_wait3A_454 : memref<80x128xi32, #tpu.memory_space<hbm>>) dst(%arg6 : memref<80x128xi32, #tpu.memory_space<vmem>>)
      tpu.yield
    }) : () -> ()
    %mul3A_393 = arith.constant 80 : i32
    %mul3A_394 = arith.muli %add3A, %mul3A_393 : i32
    "tpu.region"() ({
      %run_scoped3A = tpu.sem_alloc : memref<!tpu.dma_semaphore, #tpu.memory_space<semaphore_mem>>
      %dma_start3A_447 = arith.constant 0 : i32
      %dma_start3A_448 = tpu.memref_slice %arg4[%mul3A_394, %dma_start3A_447] : memref<2560x128xi32, #tpu.memory_space<hbm>> -> memref<80x128xi32, #tpu.memory_space<hbm>>
      %dma_start3A_449 = arith.constant 0 : i32
      %dma_start3A_450 = tpu.memref_slice %arg4[%mul3A_394, %dma_start3A_449] : memref<2560x128xi32, #tpu.memory_space<hbm>> -> memref<80x128xi32, #tpu.memory_space<hbm>>
      tpu.enqueue_dma source(%dma_start3A_450 : memref<80x128xi32, #tpu.memory_space<hbm>>) target(%arg7 : memref<80x128xi32, #tpu.memory_space<vmem>>) target_semaphore(%run_scoped3A : memref<!tpu.dma_semaphore, #tpu.memory_space<semaphore_mem>>)
      %dma_wait3A_451 = arith.constant 0 : i32
      %dma_wait3A_452 = tpu.memref_slice %arg4[%mul3A_394, %dma_wait3A_451] : memref<2560x128xi32, #tpu.memory_space<hbm>> -> memref<80x128xi32, #tpu.memory_space<hbm>>
      %dma_wait3A_453 = arith.constant 0 : i32
      %dma_wait3A_454 = tpu.memref_slice %arg4[%mul3A_394, %dma_wait3A_453] : memref<2560x128xi32, #tpu.memory_space<hbm>> -> memref<80x128xi32, #tpu.memory_space<hbm>>
      tpu.wait_dma2 semaphore(%run_scoped3A : memref<!tpu.dma_semaphore, #tpu.memory_space<semaphore_mem>>) src(%dma_wait3A_454 : memref<80x128xi32, #tpu.memory_space<hbm>>) dst(%arg7 : memref<80x128xi32, #tpu.memory_space<vmem>>)
      tpu.yield
    }) : () -> ()
    %barrier3A = arith.constant 0 : index
    tpu.barrier barrier_id(%barrier3A)
    %dma_start3A = arith.constant 0 : i32
    %dma_start3A_395 = arith.constant 0 : i32
    %dma_start3A_396 = tpu.memref_slice %arg6[%dma_start3A, %dma_start3A_395] : memref<80x128xi32, #tpu.memory_space<vmem>> -> memref<1x128xi32, #tpu.memory_space<vmem>>
    %dma_start3A_397 = tpu.memref_squeeze %dma_start3A_396 : memref<1x128xi32, #tpu.memory_space<vmem>> -> memref<128xi32, #tpu.memory_space<vmem>>
    %dma_start3A_398 = arith.constant 0 : i32
    %dma_start3A_399 = arith.constant 0 : i32
    %dma_start3A_400 = tpu.memref_slice %arg2[%dma_start3A_398, %dma_start3A_399] : memref<10240x64xf32, #tpu.memory_space<hbm>> -> memref<10240x64xf32, #tpu.memory_space<hbm>>
    tpu.enqueue_indirect_dma source(%dma_start3A_400 : memref<10240x64xf32, #tpu.memory_space<hbm>>) target(%arg8 : memref<128x64xf32, #tpu.memory_space<vmem>>) offsets(%dma_start3A_397 : memref<128xi32, #tpu.memory_space<vmem>>) semaphore(%arg14 : memref<!tpu.dma_semaphore, #tpu.memory_space<semaphore_mem>>)
    %dma_start3A_401 = arith.constant 1 : i32
    %dma_start3A_402 = arith.constant 0 : i32
    %dma_start3A_403 = tpu.memref_slice %arg6[%dma_start3A_401, %dma_start3A_402] : memref<80x128xi32, #tpu.memory_space<vmem>> -> memref<1x128xi32, #tpu.memory_space<vmem>>
    %dma_start3A_404 = tpu.memref_squeeze %dma_start3A_403 : memref<1x128xi32, #tpu.memory_space<vmem>> -> memref<128xi32, #tpu.memory_space<vmem>>
    %dma_start3A_405 = arith.constant 0 : i32
    %dma_start3A_406 = arith.constant 0 : i32
    %dma_start3A_407 = tpu.memref_slice %arg2[%dma_start3A_405, %dma_start3A_406] : memref<10240x64xf32, #tpu.memory_space<hbm>> -> memref<10240x64xf32, #tpu.memory_space<hbm>>
    tpu.enqueue_indirect_dma source(%dma_start3A_407 : memref<10240x64xf32, #tpu.memory_space<hbm>>) target(%arg9 : memref<128x64xf32, #tpu.memory_space<vmem>>) offsets(%dma_start3A_404 : memref<128xi32, #tpu.memory_space<vmem>>) semaphore(%arg15 : memref<!tpu.dma_semaphore, #tpu.memory_space<semaphore_mem>>)
    %dma_start3A_408 = arith.constant 2 : i32
    %dma_start3A_409 = arith.constant 0 : i32
    %dma_start3A_410 = tpu.memref_slice %arg6[%dma_start3A_408, %dma_start3A_409] : memref<80x128xi32, #tpu.memory_space<vmem>> -> memref<1x128xi32, #tpu.memory_space<vmem>>
    %dma_start3A_411 = tpu.memref_squeeze %dma_start3A_410 : memref<1x128xi32, #tpu.memory_space<vmem>> -> memref<128xi32, #tpu.memory_space<vmem>>
    %dma_start3A_412 = arith.constant 0 : i32
    %dma_start3A_413 = arith.constant 0 : i32
    %dma_start3A_414 = tpu.memref_slice %arg2[%dma_start3A_412, %dma_start3A_413] : memref<10240x64xf32, #tpu.memory_space<hbm>> -> memref<10240x64xf32, #tpu.memory_space<hbm>>
    tpu.enqueue_indirect_dma source(%dma_start3A_414 : memref<10240x64xf32, #tpu.memory_space<hbm>>) target(%arg10 : memref<128x64xf32, #tpu.memory_space<vmem>>) offsets(%dma_start3A_411 : memref<128xi32, #tpu.memory_space<vmem>>) semaphore(%arg16 : memref<!tpu.dma_semaphore, #tpu.memory_space<semaphore_mem>>)
    %scan3A_415 = arith.constant 0 : i32
    %scan3A_416 = arith.constant 0 : i32
    %scan3A_417 = arith.constant 20 : i32
    %scan3A_418 = arith.addi %scan3A_416, %scan3A_417 : i32
    %scan3A_419 = arith.constant 1 : i32
    %scan3A_420 = scf.for %scan3A_447 = %scan3A_416 to %scan3A_418 step %scan3A_419 iter_args(%scan3A_448 = %scan3A_415) -> (i32)  : i32 {
      %mul3A_449 = arith.constant 4 : i32
      %mul3A_450 = arith.muli %scan3A_447, %mul3A_449 : i32
      %add3A_451 = arith.constant 0 : i32
      %add3A_452 = arith.addi %mul3A_450, %add3A_451 : i32
      %dma_wait3A_453 = arith.constant 0 : i32
      %dma_wait3A_454 = tpu.memref_slice %arg6[%add3A_452, %dma_wait3A_453] : memref<80x128xi32, #tpu.memory_space<vmem>> -> memref<1x128xi32, #tpu.memory_space<vmem>>
      %dma_wait3A_455 = tpu.memref_squeeze %dma_wait3A_454 : memref<1x128xi32, #tpu.memory_space<vmem>> -> memref<128xi32, #tpu.memory_space<vmem>>
      %dma_wait3A_456 = arith.constant 0 : i32
      %dma_wait3A_457 = arith.constant 0 : i32
      %dma_wait3A_458 = tpu.memref_slice %arg2[%dma_wait3A_456, %dma_wait3A_457] : memref<10240x64xf32, #tpu.memory_space<hbm>> -> memref<10240x64xf32, #tpu.memory_space<hbm>>
      tpu.wait_indirect_dma semaphore(%arg14 : memref<!tpu.dma_semaphore, #tpu.memory_space<semaphore_mem>>) src(%dma_wait3A_458 : memref<10240x64xf32, #tpu.memory_space<hbm>>) dst(%arg8 : memref<128x64xf32, #tpu.memory_space<vmem>>)
      "tpu.region"() ({
        %run_scoped3A = tpu.sem_alloc : memref<!tpu.dma_semaphore, #tpu.memory_space<semaphore_mem>>
        %dma_start3A_531 = arith.constant 0 : i32
        %dma_start3A_532 = tpu.memref_slice %arg7[%add3A_452, %dma_start3A_531] : memref<80x128xi32, #tpu.memory_space<vmem>> -> memref<1x128xi32, #tpu.memory_space<vmem>>
        %dma_start3A_533 = tpu.memref_squeeze %dma_start3A_532 : memref<1x128xi32, #tpu.memory_space<vmem>> -> memref<128xi32, #tpu.memory_space<vmem>>
        %dma_start3A_534 = arith.constant 0 : i32
        %dma_start3A_535 = arith.constant 0 : i32
        %dma_start3A_536 = tpu.memref_slice %arg13[%dma_start3A_534, %dma_start3A_535] : memref<10240x64xf32, #tpu.memory_space<vmem_shared>> -> memref<10240x64xf32, #tpu.memory_space<vmem_shared>>
        tpu.enqueue_indirect_dma source(%arg8 : memref<128x64xf32, #tpu.memory_space<vmem>>) target(%dma_start3A_536 : memref<10240x64xf32, #tpu.memory_space<vmem_shared>>) offsets(%dma_start3A_533 : memref<128xi32, #tpu.memory_space<vmem>>) semaphore(%run_scoped3A : memref<!tpu.dma_semaphore, #tpu.memory_space<semaphore_mem>>) {add = true}
        %dma_wait3A_537 = arith.constant 0 : i32
        %dma_wait3A_538 = tpu.memref_slice %arg7[%add3A_452, %dma_wait3A_537] : memref<80x128xi32, #tpu.memory_space<vmem>> -> memref<1x128xi32, #tpu.memory_space<vmem>>
        %dma_wait3A_539 = tpu.memref_squeeze %dma_wait3A_538 : memref<1x128xi32, #tpu.memory_space<vmem>> -> memref<128xi32, #tpu.memory_space<vmem>>
        %dma_wait3A_540 = arith.constant 0 : i32
        %dma_wait3A_541 = arith.constant 0 : i32
        %dma_wait3A_542 = tpu.memref_slice %arg13[%dma_wait3A_540, %dma_wait3A_541] : memref<10240x64xf32, #tpu.memory_space<vmem_shared>> -> memref<10240x64xf32, #tpu.memory_space<vmem_shared>>
        tpu.wait_indirect_dma semaphore(%run_scoped3A : memref<!tpu.dma_semaphore, #tpu.memory_space<semaphore_mem>>) src(%arg8 : memref<128x64xf32, #tpu.memory_space<vmem>>) dst(%dma_wait3A_542 : memref<10240x64xf32, #tpu.memory_space<vmem_shared>>)
        tpu.yield
      }) : () -> ()
      %add3A_459 = arith.constant 0 : i32
      %add3A_460 = arith.addi %mul3A_450, %add3A_459 : i32
      %add3A_461 = arith.constant 3 : i32
      %add3A_462 = arith.addi %add3A_460, %add3A_461 : i32
      %min3A = arith.constant 79 : i32
      %min3A_463 = arith.minsi %add3A_462, %min3A : i32
      %dma_start3A_464 = arith.constant 0 : i32
      %dma_start3A_465 = tpu.memref_slice %arg6[%min3A_463, %dma_start3A_464] : memref<80x128xi32, #tpu.memory_space<vmem>> -> memref<1x128xi32, #tpu.memory_space<vmem>>
      %dma_start3A_466 = tpu.memref_squeeze %dma_start3A_465 : memref<1x128xi32, #tpu.memory_space<vmem>> -> memref<128xi32, #tpu.memory_space<vmem>>
      %dma_start3A_467 = arith.constant 0 : i32
      %dma_start3A_468 = arith.constant 0 : i32
      %dma_start3A_469 = tpu.memref_slice %arg2[%dma_start3A_467, %dma_start3A_468] : memref<10240x64xf32, #tpu.memory_space<hbm>> -> memref<10240x64xf32, #tpu.memory_space<hbm>>
      tpu.enqueue_indirect_dma source(%dma_start3A_469 : memref<10240x64xf32, #tpu.memory_space<hbm>>) target(%arg11 : memref<128x64xf32, #tpu.memory_space<vmem>>) offsets(%dma_start3A_466 : memref<128xi32, #tpu.memory_space<vmem>>) semaphore(%arg17 : memref<!tpu.dma_semaphore, #tpu.memory_space<semaphore_mem>>)
      %add3A_470 = arith.constant 1 : i32
      %add3A_471 = arith.addi %mul3A_450, %add3A_470 : i32
      %dma_wait3A_472 = arith.constant 0 : i32
      %dma_wait3A_473 = tpu.memref_slice %arg6[%add3A_471, %dma_wait3A_472] : memref<80x128xi32, #tpu.memory_space<vmem>> -> memref<1x128xi32, #tpu.memory_space<vmem>>
      %dma_wait3A_474 = tpu.memref_squeeze %dma_wait3A_473 : memref<1x128xi32, #tpu.memory_space<vmem>> -> memref<128xi32, #tpu.memory_space<vmem>>
      %dma_wait3A_475 = arith.constant 0 : i32
      %dma_wait3A_476 = arith.constant 0 : i32
      %dma_wait3A_477 = tpu.memref_slice %arg2[%dma_wait3A_475, %dma_wait3A_476] : memref<10240x64xf32, #tpu.memory_space<hbm>> -> memref<10240x64xf32, #tpu.memory_space<hbm>>
      tpu.wait_indirect_dma semaphore(%arg15 : memref<!tpu.dma_semaphore, #tpu.memory_space<semaphore_mem>>) src(%dma_wait3A_477 : memref<10240x64xf32, #tpu.memory_space<hbm>>) dst(%arg9 : memref<128x64xf32, #tpu.memory_space<vmem>>)
      "tpu.region"() ({
        %run_scoped3A = tpu.sem_alloc : memref<!tpu.dma_semaphore, #tpu.memory_space<semaphore_mem>>
        %dma_start3A_531 = arith.constant 0 : i32
        %dma_start3A_532 = tpu.memref_slice %arg7[%add3A_471, %dma_start3A_531] : memref<80x128xi32, #tpu.memory_space<vmem>> -> memref<1x128xi32, #tpu.memory_space<vmem>>
        %dma_start3A_533 = tpu.memref_squeeze %dma_start3A_532 : memref<1x128xi32, #tpu.memory_space<vmem>> -> memref<128xi32, #tpu.memory_space<vmem>>
        %dma_start3A_534 = arith.constant 0 : i32
        %dma_start3A_535 = arith.constant 0 : i32
        %dma_start3A_536 = tpu.memref_slice %arg13[%dma_start3A_534, %dma_start3A_535] : memref<10240x64xf32, #tpu.memory_space<vmem_shared>> -> memref<10240x64xf32, #tpu.memory_space<vmem_shared>>
        tpu.enqueue_indirect_dma source(%arg9 : memref<128x64xf32, #tpu.memory_space<vmem>>) target(%dma_start3A_536 : memref<10240x64xf32, #tpu.memory_space<vmem_shared>>) offsets(%dma_start3A_533 : memref<128xi32, #tpu.memory_space<vmem>>) semaphore(%run_scoped3A : memref<!tpu.dma_semaphore, #tpu.memory_space<semaphore_mem>>) {add = true}
        %dma_wait3A_537 = arith.constant 0 : i32
        %dma_wait3A_538 = tpu.memref_slice %arg7[%add3A_471, %dma_wait3A_537] : memref<80x128xi32, #tpu.memory_space<vmem>> -> memref<1x128xi32, #tpu.memory_space<vmem>>
        %dma_wait3A_539 = tpu.memref_squeeze %dma_wait3A_538 : memref<1x128xi32, #tpu.memory_space<vmem>> -> memref<128xi32, #tpu.memory_space<vmem>>
        %dma_wait3A_540 = arith.constant 0 : i32
        %dma_wait3A_541 = arith.constant 0 : i32
        %dma_wait3A_542 = tpu.memref_slice %arg13[%dma_wait3A_540, %dma_wait3A_541] : memref<10240x64xf32, #tpu.memory_space<vmem_shared>> -> memref<10240x64xf32, #tpu.memory_space<vmem_shared>>
        tpu.wait_indirect_dma semaphore(%run_scoped3A : memref<!tpu.dma_semaphore, #tpu.memory_space<semaphore_mem>>) src(%arg9 : memref<128x64xf32, #tpu.memory_space<vmem>>) dst(%dma_wait3A_542 : memref<10240x64xf32, #tpu.memory_space<vmem_shared>>)
        tpu.yield
      }) : () -> ()
      %add3A_478 = arith.constant 1 : i32
      %add3A_479 = arith.addi %mul3A_450, %add3A_478 : i32
      %add3A_480 = arith.constant 3 : i32
      %add3A_481 = arith.addi %add3A_479, %add3A_480 : i32
      %min3A_482 = arith.constant 79 : i32
      %min3A_483 = arith.minsi %add3A_481, %min3A_482 : i32
      %dma_start3A_484 = arith.constant 0 : i32
      %dma_start3A_485 = tpu.memref_slice %arg6[%min3A_483, %dma_start3A_484] : memref<80x128xi32, #tpu.memory_space<vmem>> -> memref<1x128xi32, #tpu.memory_space<vmem>>
      %dma_start3A_486 = tpu.memref_squeeze %dma_start3A_485 : memref<1x128xi32, #tpu.memory_space<vmem>> -> memref<128xi32, #tpu.memory_space<vmem>>
      %dma_start3A_487 = arith.constant 0 : i32
      %dma_start3A_488 = arith.constant 0 : i32
      %dma_start3A_489 = tpu.memref_slice %arg2[%dma_start3A_487, %dma_start3A_488] : memref<10240x64xf32, #tpu.memory_space<hbm>> -> memref<10240x64xf32, #tpu.memory_space<hbm>>
      tpu.enqueue_indirect_dma source(%dma_start3A_489 : memref<10240x64xf32, #tpu.memory_space<hbm>>) target(%arg8 : memref<128x64xf32, #tpu.memory_space<vmem>>) offsets(%dma_start3A_486 : memref<128xi32, #tpu.memory_space<vmem>>) semaphore(%arg14 : memref<!tpu.dma_semaphore, #tpu.memory_space<semaphore_mem>>)
      %add3A_490 = arith.constant 2 : i32
      %add3A_491 = arith.addi %mul3A_450, %add3A_490 : i32
      %dma_wait3A_492 = arith.constant 0 : i32
      %dma_wait3A_493 = tpu.memref_slice %arg6[%add3A_491, %dma_wait3A_492] : memref<80x128xi32, #tpu.memory_space<vmem>> -> memref<1x128xi32, #tpu.memory_space<vmem>>
      %dma_wait3A_494 = tpu.memref_squeeze %dma_wait3A_493 : memref<1x128xi32, #tpu.memory_space<vmem>> -> memref<128xi32, #tpu.memory_space<vmem>>
      %dma_wait3A_495 = arith.constant 0 : i32
      %dma_wait3A_496 = arith.constant 0 : i32
      %dma_wait3A_497 = tpu.memref_slice %arg2[%dma_wait3A_495, %dma_wait3A_496] : memref<10240x64xf32, #tpu.memory_space<hbm>> -> memref<10240x64xf32, #tpu.memory_space<hbm>>
      tpu.wait_indirect_dma semaphore(%arg16 : memref<!tpu.dma_semaphore, #tpu.memory_space<semaphore_mem>>) src(%dma_wait3A_497 : memref<10240x64xf32, #tpu.memory_space<hbm>>) dst(%arg10 : memref<128x64xf32, #tpu.memory_space<vmem>>)
      "tpu.region"() ({
        %run_scoped3A = tpu.sem_alloc : memref<!tpu.dma_semaphore, #tpu.memory_space<semaphore_mem>>
        %dma_start3A_531 = arith.constant 0 : i32
        %dma_start3A_532 = tpu.memref_slice %arg7[%add3A_491, %dma_start3A_531] : memref<80x128xi32, #tpu.memory_space<vmem>> -> memref<1x128xi32, #tpu.memory_space<vmem>>
        %dma_start3A_533 = tpu.memref_squeeze %dma_start3A_532 : memref<1x128xi32, #tpu.memory_space<vmem>> -> memref<128xi32, #tpu.memory_space<vmem>>
        %dma_start3A_534 = arith.constant 0 : i32
        %dma_start3A_535 = arith.constant 0 : i32
        %dma_start3A_536 = tpu.memref_slice %arg13[%dma_start3A_534, %dma_start3A_535] : memref<10240x64xf32, #tpu.memory_space<vmem_shared>> -> memref<10240x64xf32, #tpu.memory_space<vmem_shared>>
        tpu.enqueue_indirect_dma source(%arg10 : memref<128x64xf32, #tpu.memory_space<vmem>>) target(%dma_start3A_536 : memref<10240x64xf32, #tpu.memory_space<vmem_shared>>) offsets(%dma_start3A_533 : memref<128xi32, #tpu.memory_space<vmem>>) semaphore(%run_scoped3A : memref<!tpu.dma_semaphore, #tpu.memory_space<semaphore_mem>>) {add = true}
        %dma_wait3A_537 = arith.constant 0 : i32
        %dma_wait3A_538 = tpu.memref_slice %arg7[%add3A_491, %dma_wait3A_537] : memref<80x128xi32, #tpu.memory_space<vmem>> -> memref<1x128xi32, #tpu.memory_space<vmem>>
        %dma_wait3A_539 = tpu.memref_squeeze %dma_wait3A_538 : memref<1x128xi32, #tpu.memory_space<vmem>> -> memref<128xi32, #tpu.memory_space<vmem>>
        %dma_wait3A_540 = arith.constant 0 : i32
        %dma_wait3A_541 = arith.constant 0 : i32
        %dma_wait3A_542 = tpu.memref_slice %arg13[%dma_wait3A_540, %dma_wait3A_541] : memref<10240x64xf32, #tpu.memory_space<vmem_shared>> -> memref<10240x64xf32, #tpu.memory_space<vmem_shared>>
        tpu.wait_indirect_dma semaphore(%run_scoped3A : memref<!tpu.dma_semaphore, #tpu.memory_space<semaphore_mem>>) src(%arg10 : memref<128x64xf32, #tpu.memory_space<vmem>>) dst(%dma_wait3A_542 : memref<10240x64xf32, #tpu.memory_space<vmem_shared>>)
        tpu.yield
      }) : () -> ()
      %add3A_498 = arith.constant 2 : i32
      %add3A_499 = arith.addi %mul3A_450, %add3A_498 : i32
      %add3A_500 = arith.constant 3 : i32
      %add3A_501 = arith.addi %add3A_499, %add3A_500 : i32
      %min3A_502 = arith.constant 79 : i32
      %min3A_503 = arith.minsi %add3A_501, %min3A_502 : i32
      %dma_start3A_504 = arith.constant 0 : i32
      %dma_start3A_505 = tpu.memref_slice %arg6[%min3A_503, %dma_start3A_504] : memref<80x128xi32, #tpu.memory_space<vmem>> -> memref<1x128xi32, #tpu.memory_space<vmem>>
      %dma_start3A_506 = tpu.memref_squeeze %dma_start3A_505 : memref<1x128xi32, #tpu.memory_space<vmem>> -> memref<128xi32, #tpu.memory_space<vmem>>
      %dma_start3A_507 = arith.constant 0 : i32
      %dma_start3A_508 = arith.constant 0 : i32
      %dma_start3A_509 = tpu.memref_slice %arg2[%dma_start3A_507, %dma_start3A_508] : memref<10240x64xf32, #tpu.memory_space<hbm>> -> memref<10240x64xf32, #tpu.memory_space<hbm>>
      tpu.enqueue_indirect_dma source(%dma_start3A_509 : memref<10240x64xf32, #tpu.memory_space<hbm>>) target(%arg9 : memref<128x64xf32, #tpu.memory_space<vmem>>) offsets(%dma_start3A_506 : memref<128xi32, #tpu.memory_space<vmem>>) semaphore(%arg15 : memref<!tpu.dma_semaphore, #tpu.memory_space<semaphore_mem>>)
      %add3A_510 = arith.constant 3 : i32
      %add3A_511 = arith.addi %mul3A_450, %add3A_510 : i32
      %dma_wait3A_512 = arith.constant 0 : i32
      %dma_wait3A_513 = tpu.memref_slice %arg6[%add3A_511, %dma_wait3A_512] : memref<80x128xi32, #tpu.memory_space<vmem>> -> memref<1x128xi32, #tpu.memory_space<vmem>>
      %dma_wait3A_514 = tpu.memref_squeeze %dma_wait3A_513 : memref<1x128xi32, #tpu.memory_space<vmem>> -> memref<128xi32, #tpu.memory_space<vmem>>
      %dma_wait3A_515 = arith.constant 0 : i32
      %dma_wait3A_516 = arith.constant 0 : i32
      %dma_wait3A_517 = tpu.memref_slice %arg2[%dma_wait3A_515, %dma_wait3A_516] : memref<10240x64xf32, #tpu.memory_space<hbm>> -> memref<10240x64xf32, #tpu.memory_space<hbm>>
      tpu.wait_indirect_dma semaphore(%arg17 : memref<!tpu.dma_semaphore, #tpu.memory_space<semaphore_mem>>) src(%dma_wait3A_517 : memref<10240x64xf32, #tpu.memory_space<hbm>>) dst(%arg11 : memref<128x64xf32, #tpu.memory_space<vmem>>)
      "tpu.region"() ({
        %run_scoped3A = tpu.sem_alloc : memref<!tpu.dma_semaphore, #tpu.memory_space<semaphore_mem>>
        %dma_start3A_531 = arith.constant 0 : i32
        %dma_start3A_532 = tpu.memref_slice %arg7[%add3A_511, %dma_start3A_531] : memref<80x128xi32, #tpu.memory_space<vmem>> -> memref<1x128xi32, #tpu.memory_space<vmem>>
        %dma_start3A_533 = tpu.memref_squeeze %dma_start3A_532 : memref<1x128xi32, #tpu.memory_space<vmem>> -> memref<128xi32, #tpu.memory_space<vmem>>
        %dma_start3A_534 = arith.constant 0 : i32
        %dma_start3A_535 = arith.constant 0 : i32
        %dma_start3A_536 = tpu.memref_slice %arg13[%dma_start3A_534, %dma_start3A_535] : memref<10240x64xf32, #tpu.memory_space<vmem_shared>> -> memref<10240x64xf32, #tpu.memory_space<vmem_shared>>
        tpu.enqueue_indirect_dma source(%arg11 : memref<128x64xf32, #tpu.memory_space<vmem>>) target(%dma_start3A_536 : memref<10240x64xf32, #tpu.memory_space<vmem_shared>>) offsets(%dma_start3A_533 : memref<128xi32, #tpu.memory_space<vmem>>) semaphore(%run_scoped3A : memref<!tpu.dma_semaphore, #tpu.memory_space<semaphore_mem>>) {add = true}
        %dma_wait3A_537 = arith.constant 0 : i32
        %dma_wait3A_538 = tpu.memref_slice %arg7[%add3A_511, %dma_wait3A_537] : memref<80x128xi32, #tpu.memory_space<vmem>> -> memref<1x128xi32, #tpu.memory_space<vmem>>
        %dma_wait3A_539 = tpu.memref_squeeze %dma_wait3A_538 : memref<1x128xi32, #tpu.memory_space<vmem>> -> memref<128xi32, #tpu.memory_space<vmem>>
        %dma_wait3A_540 = arith.constant 0 : i32
        %dma_wait3A_541 = arith.constant 0 : i32
        %dma_wait3A_542 = tpu.memref_slice %arg13[%dma_wait3A_540, %dma_wait3A_541] : memref<10240x64xf32, #tpu.memory_space<vmem_shared>> -> memref<10240x64xf32, #tpu.memory_space<vmem_shared>>
        tpu.wait_indirect_dma semaphore(%run_scoped3A : memref<!tpu.dma_semaphore, #tpu.memory_space<semaphore_mem>>) src(%arg11 : memref<128x64xf32, #tpu.memory_space<vmem>>) dst(%dma_wait3A_542 : memref<10240x64xf32, #tpu.memory_space<vmem_shared>>)
        tpu.yield
      }) : () -> ()
      %add3A_518 = arith.constant 3 : i32
      %add3A_519 = arith.addi %mul3A_450, %add3A_518 : i32
      %add3A_520 = arith.constant 3 : i32
      %add3A_521 = arith.addi %add3A_519, %add3A_520 : i32
      %min3A_522 = arith.constant 79 : i32
      %min3A_523 = arith.minsi %add3A_521, %min3A_522 : i32
      %dma_start3A_524 = arith.constant 0 : i32
      %dma_start3A_525 = tpu.memref_slice %arg6[%min3A_523, %dma_start3A_524] : memref<80x128xi32, #tpu.memory_space<vmem>> -> memref<1x128xi32, #tpu.memory_space<vmem>>
      %dma_start3A_526 = tpu.memref_squeeze %dma_start3A_525 : memref<1x128xi32, #tpu.memory_space<vmem>> -> memref<128xi32, #tpu.memory_space<vmem>>
      %dma_start3A_527 = arith.constant 0 : i32
      %dma_start3A_528 = arith.constant 0 : i32
      %dma_start3A_529 = tpu.memref_slice %arg2[%dma_start3A_527, %dma_start3A_528] : memref<10240x64xf32, #tpu.memory_space<hbm>> -> memref<10240x64xf32, #tpu.memory_space<hbm>>
      tpu.enqueue_indirect_dma source(%dma_start3A_529 : memref<10240x64xf32, #tpu.memory_space<hbm>>) target(%arg10 : memref<128x64xf32, #tpu.memory_space<vmem>>) offsets(%dma_start3A_526 : memref<128xi32, #tpu.memory_space<vmem>>) semaphore(%arg16 : memref<!tpu.dma_semaphore, #tpu.memory_space<semaphore_mem>>)
      %scan3A_530 = arith.constant 0 : i32
      scf.yield %scan3A_530 : i32
    }
    %scan3A_421 = arith.constant 20 : i32
    %dma_wait3A = arith.constant 0 : i32
    %dma_wait3A_422 = arith.constant 0 : i32
    %dma_wait3A_423 = tpu.memref_slice %arg6[%dma_wait3A, %dma_wait3A_422] : memref<80x128xi32, #tpu.memory_space<vmem>> -> memref<1x128xi32, #tpu.memory_space<vmem>>
    %dma_wait3A_424 = tpu.memref_squeeze %dma_wait3A_423 : memref<1x128xi32, #tpu.memory_space<vmem>> -> memref<128xi32, #tpu.memory_space<vmem>>
    %dma_wait3A_425 = arith.constant 0 : i32
    %dma_wait3A_426 = arith.constant 0 : i32
    %dma_wait3A_427 = tpu.memref_slice %arg2[%dma_wait3A_425, %dma_wait3A_426] : memref<10240x64xf32, #tpu.memory_space<hbm>> -> memref<10240x64xf32, #tpu.memory_space<hbm>>
    tpu.wait_indirect_dma semaphore(%arg14 : memref<!tpu.dma_semaphore, #tpu.memory_space<semaphore_mem>>) src(%dma_wait3A_427 : memref<10240x64xf32, #tpu.memory_space<hbm>>) dst(%arg8 : memref<128x64xf32, #tpu.memory_space<vmem>>)
    %dma_wait3A_428 = arith.constant 0 : i32
    %dma_wait3A_429 = arith.constant 0 : i32
    %dma_wait3A_430 = tpu.memref_slice %arg6[%dma_wait3A_428, %dma_wait3A_429] : memref<80x128xi32, #tpu.memory_space<vmem>> -> memref<1x128xi32, #tpu.memory_space<vmem>>
    %dma_wait3A_431 = tpu.memref_squeeze %dma_wait3A_430 : memref<1x128xi32, #tpu.memory_space<vmem>> -> memref<128xi32, #tpu.memory_space<vmem>>
    %dma_wait3A_432 = arith.constant 0 : i32
    %dma_wait3A_433 = arith.constant 0 : i32
    %dma_wait3A_434 = tpu.memref_slice %arg2[%dma_wait3A_432, %dma_wait3A_433] : memref<10240x64xf32, #tpu.memory_space<hbm>> -> memref<10240x64xf32, #tpu.memory_space<hbm>>
    tpu.wait_indirect_dma semaphore(%arg15 : memref<!tpu.dma_semaphore, #tpu.memory_space<semaphore_mem>>) src(%dma_wait3A_434 : memref<10240x64xf32, #tpu.memory_space<hbm>>) dst(%arg9 : memref<128x64xf32, #tpu.memory_space<vmem>>)
    %dma_wait3A_435 = arith.constant 0 : i32
    %dma_wait3A_436 = arith.constant 0 : i32
    %dma_wait3A_437 = tpu.memref_slice %arg6[%dma_wait3A_435, %dma_wait3A_436] : memref<80x128xi32, #tpu.memory_space<vmem>> -> memref<1x128xi32, #tpu.memory_space<vmem>>
    %dma_wait3A_438 = tpu.memref_squeeze %dma_wait3A_437 : memref<1x128xi32, #tpu.memory_space<vmem>> -> memref<128xi32, #tpu.memory_space<vmem>>
    %dma_wait3A_439 = arith.constant 0 : i32
    %dma_wait3A_440 = arith.constant 0 : i32
    %dma_wait3A_441 = tpu.memref_slice %arg2[%dma_wait3A_439, %dma_wait3A_440] : memref<10240x64xf32, #tpu.memory_space<hbm>> -> memref<10240x64xf32, #tpu.memory_space<hbm>>
    tpu.wait_indirect_dma semaphore(%arg16 : memref<!tpu.dma_semaphore, #tpu.memory_space<semaphore_mem>>) src(%dma_wait3A_441 : memref<10240x64xf32, #tpu.memory_space<hbm>>) dst(%arg10 : memref<128x64xf32, #tpu.memory_space<vmem>>)
    %barrier3A_442 = arith.constant 0 : index
    tpu.barrier barrier_id(%barrier3A_442)
    %mul3A_443 = arith.constant 640 : i32
    %mul3A_444 = arith.muli %arg1, %mul3A_443 : i32
    %mul3A_445 = arith.constant 640 : i32
    %mul3A_446 = arith.muli %arg1, %mul3A_445 : i32
    "tpu.region"() ({
      %run_scoped3A = tpu.sem_alloc : memref<!tpu.dma_semaphore, #tpu.memory_space<semaphore_mem>>
      %dma_start3A_447 = arith.constant 0 : i32
      %dma_start3A_448 = tpu.memref_slice %arg5[%arg0, %mul3A_446, %dma_start3A_447] : memref<2x10240x64xf32, #tpu.memory_space<hbm>> -> memref<1x640x64xf32, #tpu.memory_space<hbm>>
      %dma_start3A_449 = tpu.memref_squeeze %dma_start3A_448 : memref<1x640x64xf32, #tpu.memory_space<hbm>> -> memref<640x64xf32, #tpu.memory_space<hbm>>
      %dma_start3A_450 = arith.constant 0 : i32
      %dma_start3A_451 = tpu.memref_slice %arg13[%mul3A_444, %dma_start3A_450] : memref<10240x64xf32, #tpu.memory_space<vmem_shared>> -> memref<640x64xf32, #tpu.memory_space<vmem_shared>>
      tpu.enqueue_dma source(%dma_start3A_451 : memref<640x64xf32, #tpu.memory_space<vmem_shared>>) target(%dma_start3A_449 : memref<640x64xf32, #tpu.memory_space<hbm>>) target_semaphore(%run_scoped3A : memref<!tpu.dma_semaphore, #tpu.memory_space<semaphore_mem>>)
      %dma_wait3A_452 = arith.constant 0 : i32
      %dma_wait3A_453 = tpu.memref_slice %arg5[%arg0, %mul3A_446, %dma_wait3A_452] : memref<2x10240x64xf32, #tpu.memory_space<hbm>> -> memref<1x640x64xf32, #tpu.memory_space<hbm>>
      %dma_wait3A_454 = tpu.memref_squeeze %dma_wait3A_453 : memref<1x640x64xf32, #tpu.memory_space<hbm>> -> memref<640x64xf32, #tpu.memory_space<hbm>>
      %dma_wait3A_455 = arith.constant 0 : i32
      %dma_wait3A_456 = tpu.memref_slice %arg13[%mul3A_444, %dma_wait3A_455] : memref<10240x64xf32, #tpu.memory_space<vmem_shared>> -> memref<640x64xf32, #tpu.memory_space<vmem_shared>>
      tpu.wait_dma2 semaphore(%run_scoped3A : memref<!tpu.dma_semaphore, #tpu.memory_space<semaphore_mem>>) src(%dma_wait3A_456 : memref<640x64xf32, #tpu.memory_space<vmem_shared>>) dst(%dma_wait3A_454 : memref<640x64xf32, #tpu.memory_space<hbm>>)
      tpu.yield
    }) : () -> ()
    return
  }
}

#map = affine_map<(d0, d1) -> (0, 0)>
#map1 = affine_map<(d0, d1) -> (0, 0, 0)>
module attributes {stable_mosaic.version = 14 : i64} {
  func.func @_seg_sum_body(%arg0: i32, %arg1: i32, %arg2: memref<10240x64xf32, #tpu.memory_space<hbm>>, %arg3: memref<2560x128xi32, #tpu.memory_space<hbm>>, %arg4: memref<2560x128xi32, #tpu.memory_space<hbm>>, %arg5: memref<2x10240x64xf32, #tpu.memory_space<hbm>>, %arg6: memref<80x128xi32, #tpu.memory_space<vmem>>, %arg7: memref<80x128xi32, #tpu.memory_space<vmem>>, %arg8: memref<128x64xf32, #tpu.memory_space<vmem>>, %arg9: memref<128x64xf32, #tpu.memory_space<vmem>>, %arg10: memref<128x64xf32, #tpu.memory_space<vmem>>, %arg11: memref<128x64xf32, #tpu.memory_space<vmem>>, %arg12: memref<16x64xf32, #tpu.memory_space<vmem>>, %arg13: memref<10240x64xf32, #tpu.memory_space<vmem_shared>>, %arg14: memref<!tpu.dma_semaphore, #tpu.memory_space<semaphore_mem>>, %arg15: memref<!tpu.dma_semaphore, #tpu.memory_space<semaphore_mem>>, %arg16: memref<!tpu.dma_semaphore, #tpu.memory_space<semaphore_mem>>, %arg17: memref<!tpu.dma_semaphore, #tpu.memory_space<semaphore_mem>>) attributes {dimension_semantics = [#tpu.dimension_semantics<core_parallel>, #tpu.dimension_semantics<subcore_parallel>], iteration_bounds = array<i64: 2, 16>, scalar_prefetch = 0 : i64, scratch_operands = 12 : i64, tpu.core_type = #tpu.core_type<sc_vector_subcore>, window_params = [{transform_indices = #map}, {transform_indices = #map}, {transform_indices = #map}, {transform_indices = #map1}]} {
    %mul3A = arith.constant 2 : i32
    %mul3A_0 = arith.muli %arg1, %mul3A : i32
    %add3A = arith.addi %mul3A_0, %arg0 : i32
    %broadcast_in_dim3A = arith.constant 0.000000e+00 : f32
    %broadcast_in_dim3A_1 = vector.broadcast %broadcast_in_dim3A : f32 to vector<16xf32>
    %swap3A = arith.constant 0 : i32
    %swap3A_2 = arith.index_cast %swap3A : i32 to index
    %swap3A_3 = arith.constant 0 : index
    %swap3A_4 = tpu.vector_load %arg12[%swap3A_2, %swap3A_3] {strides = array<i32>} : memref<16x64xf32, #tpu.memory_space<vmem>>, vector<1x16xf32>,
    %swap3A_5 = vector.shape_cast %swap3A_4 : vector<1x16xf32> to vector<16xf32>
    %swap3A_6 = vector.shape_cast %broadcast_in_dim3A_1 : vector<16xf32> to vector<1x16xf32>
    tpu.vector_store %arg12[%swap3A_2, %swap3A_3], %swap3A_6 {strides = array<i32>} : memref<16x64xf32, #tpu.memory_space<vmem>>, vector<1x16xf32>,
    %swap3A_7 = arith.constant 0 : i32
    %swap3A_8 = arith.index_cast %swap3A_7 : i32 to index
    %swap3A_9 = arith.constant 16 : index
    %swap3A_10 = tpu.vector_load %arg12[%swap3A_8, %swap3A_9] {strides = array<i32>} : memref<16x64xf32, #tpu.memory_space<vmem>>, vector<1x16xf32>,
    %swap3A_11 = vector.shape_cast %swap3A_10 : vector<1x16xf32> to vector<16xf32>
    %swap3A_12 = vector.shape_cast %broadcast_in_dim3A_1 : vector<16xf32> to vector<1x16xf32>
    tpu.vector_store %arg12[%swap3A_8, %swap3A_9], %swap3A_12 {strides = array<i32>} : memref<16x64xf32, #tpu.memory_space<vmem>>, vector<1x16xf32>,
    %swap3A_13 = arith.constant 0 : i32
    %swap3A_14 = arith.index_cast %swap3A_13 : i32 to index
    %swap3A_15 = arith.constant 32 : index
    %swap3A_16 = tpu.vector_load %arg12[%swap3A_14, %swap3A_15] {strides = array<i32>} : memref<16x64xf32, #tpu.memory_space<vmem>>, vector<1x16xf32>,
    %swap3A_17 = vector.shape_cast %swap3A_16 : vector<1x16xf32> to vector<16xf32>
    %swap3A_18 = vector.shape_cast %broadcast_in_dim3A_1 : vector<16xf32> to vector<1x16xf32>
    tpu.vector_store %arg12[%swap3A_14, %swap3A_15], %swap3A_18 {strides = array<i32>} : memref<16x64xf32, #tpu.memory_space<vmem>>, vector<1x16xf32>,
    %swap3A_19 = arith.constant 0 : i32
    %swap3A_20 = arith.index_cast %swap3A_19 : i32 to index
    %swap3A_21 = arith.constant 48 : index
    %swap3A_22 = tpu.vector_load %arg12[%swap3A_20, %swap3A_21] {strides = array<i32>} : memref<16x64xf32, #tpu.memory_space<vmem>>, vector<1x16xf32>,
    %swap3A_23 = vector.shape_cast %swap3A_22 : vector<1x16xf32> to vector<16xf32>
    %swap3A_24 = vector.shape_cast %broadcast_in_dim3A_1 : vector<16xf32> to vector<1x16xf32>
    tpu.vector_store %arg12[%swap3A_20, %swap3A_21], %swap3A_24 {strides = array<i32>} : memref<16x64xf32, #tpu.memory_space<vmem>>, vector<1x16xf32>,
    %swap3A_25 = arith.constant 1 : i32
    %swap3A_26 = arith.index_cast %swap3A_25 : i32 to index
    %swap3A_27 = arith.constant 0 : index
    %swap3A_28 = tpu.vector_load %arg12[%swap3A_26, %swap3A_27] {strides = array<i32>} : memref<16x64xf32, #tpu.memory_space<vmem>>, vector<1x16xf32>,
    %swap3A_29 = vector.shape_cast %swap3A_28 : vector<1x16xf32> to vector<16xf32>
    %swap3A_30 = vector.shape_cast %broadcast_in_dim3A_1 : vector<16xf32> to vector<1x16xf32>
    tpu.vector_store %arg12[%swap3A_26, %swap3A_27], %swap3A_30 {strides = array<i32>} : memref<16x64xf32, #tpu.memory_space<vmem>>, vector<1x16xf32>,
    %swap3A_31 = arith.constant 1 : i32
    %swap3A_32 = arith.index_cast %swap3A_31 : i32 to index
    %swap3A_33 = arith.constant 16 : index
    %swap3A_34 = tpu.vector_load %arg12[%swap3A_32, %swap3A_33] {strides = array<i32>} : memref<16x64xf32, #tpu.memory_space<vmem>>, vector<1x16xf32>,
    %swap3A_35 = vector.shape_cast %swap3A_34 : vector<1x16xf32> to vector<16xf32>
    %swap3A_36 = vector.shape_cast %broadcast_in_dim3A_1 : vector<16xf32> to vector<1x16xf32>
    tpu.vector_store %arg12[%swap3A_32, %swap3A_33], %swap3A_36 {strides = array<i32>} : memref<16x64xf32, #tpu.memory_space<vmem>>, vector<1x16xf32>,
    %swap3A_37 = arith.constant 1 : i32
    %swap3A_38 = arith.index_cast %swap3A_37 : i32 to index
    %swap3A_39 = arith.constant 32 : index
    %swap3A_40 = tpu.vector_load %arg12[%swap3A_38, %swap3A_39] {strides = array<i32>} : memref<16x64xf32, #tpu.memory_space<vmem>>, vector<1x16xf32>,
    %swap3A_41 = vector.shape_cast %swap3A_40 : vector<1x16xf32> to vector<16xf32>
    %swap3A_42 = vector.shape_cast %broadcast_in_dim3A_1 : vector<16xf32> to vector<1x16xf32>
    tpu.vector_store %arg12[%swap3A_38, %swap3A_39], %swap3A_42 {strides = array<i32>} : memref<16x64xf32, #tpu.memory_space<vmem>>, vector<1x16xf32>,
    %swap3A_43 = arith.constant 1 : i32
    %swap3A_44 = arith.index_cast %swap3A_43 : i32 to index
    %swap3A_45 = arith.constant 48 : index
    %swap3A_46 = tpu.vector_load %arg12[%swap3A_44, %swap3A_45] {strides = array<i32>} : memref<16x64xf32, #tpu.memory_space<vmem>>, vector<1x16xf32>,
    %swap3A_47 = vector.shape_cast %swap3A_46 : vector<1x16xf32> to vector<16xf32>
    %swap3A_48 = vector.shape_cast %broadcast_in_dim3A_1 : vector<16xf32> to vector<1x16xf32>
    tpu.vector_store %arg12[%swap3A_44, %swap3A_45], %swap3A_48 {strides = array<i32>} : memref<16x64xf32, #tpu.memory_space<vmem>>, vector<1x16xf32>,
    %swap3A_49 = arith.constant 2 : i32
    %swap3A_50 = arith.index_cast %swap3A_49 : i32 to index
    %swap3A_51 = arith.constant 0 : index
    %swap3A_52 = tpu.vector_load %arg12[%swap3A_50, %swap3A_51] {strides = array<i32>} : memref<16x64xf32, #tpu.memory_space<vmem>>, vector<1x16xf32>,
    %swap3A_53 = vector.shape_cast %swap3A_52 : vector<1x16xf32> to vector<16xf32>
    %swap3A_54 = vector.shape_cast %broadcast_in_dim3A_1 : vector<16xf32> to vector<1x16xf32>
    tpu.vector_store %arg12[%swap3A_50, %swap3A_51], %swap3A_54 {strides = array<i32>} : memref<16x64xf32, #tpu.memory_space<vmem>>, vector<1x16xf32>,
    %swap3A_55 = arith.constant 2 : i32
    %swap3A_56 = arith.index_cast %swap3A_55 : i32 to index
    %swap3A_57 = arith.constant 16 : index
    %swap3A_58 = tpu.vector_load %arg12[%swap3A_56, %swap3A_57] {strides = array<i32>} : memref<16x64xf32, #tpu.memory_space<vmem>>, vector<1x16xf32>,
    %swap3A_59 = vector.shape_cast %swap3A_58 : vector<1x16xf32> to vector<16xf32>
    %swap3A_60 = vector.shape_cast %broadcast_in_dim3A_1 : vector<16xf32> to vector<1x16xf32>
    tpu.vector_store %arg12[%swap3A_56, %swap3A_57], %swap3A_60 {strides = array<i32>} : memref<16x64xf32, #tpu.memory_space<vmem>>, vector<1x16xf32>,
    %swap3A_61 = arith.constant 2 : i32
    %swap3A_62 = arith.index_cast %swap3A_61 : i32 to index
    %swap3A_63 = arith.constant 32 : index
    %swap3A_64 = tpu.vector_load %arg12[%swap3A_62, %swap3A_63] {strides = array<i32>} : memref<16x64xf32, #tpu.memory_space<vmem>>, vector<1x16xf32>,
    %swap3A_65 = vector.shape_cast %swap3A_64 : vector<1x16xf32> to vector<16xf32>
    %swap3A_66 = vector.shape_cast %broadcast_in_dim3A_1 : vector<16xf32> to vector<1x16xf32>
    tpu.vector_store %arg12[%swap3A_62, %swap3A_63], %swap3A_66 {strides = array<i32>} : memref<16x64xf32, #tpu.memory_space<vmem>>, vector<1x16xf32>,
    %swap3A_67 = arith.constant 2 : i32
    %swap3A_68 = arith.index_cast %swap3A_67 : i32 to index
    %swap3A_69 = arith.constant 48 : index
    %swap3A_70 = tpu.vector_load %arg12[%swap3A_68, %swap3A_69] {strides = array<i32>} : memref<16x64xf32, #tpu.memory_space<vmem>>, vector<1x16xf32>,
    %swap3A_71 = vector.shape_cast %swap3A_70 : vector<1x16xf32> to vector<16xf32>
    %swap3A_72 = vector.shape_cast %broadcast_in_dim3A_1 : vector<16xf32> to vector<1x16xf32>
    tpu.vector_store %arg12[%swap3A_68, %swap3A_69], %swap3A_72 {strides = array<i32>} : memref<16x64xf32, #tpu.memory_space<vmem>>, vector<1x16xf32>,
    %swap3A_73 = arith.constant 3 : i32
    %swap3A_74 = arith.index_cast %swap3A_73 : i32 to index
    %swap3A_75 = arith.constant 0 : index
    %swap3A_76 = tpu.vector_load %arg12[%swap3A_74, %swap3A_75] {strides = array<i32>} : memref<16x64xf32, #tpu.memory_space<vmem>>, vector<1x16xf32>,
    %swap3A_77 = vector.shape_cast %swap3A_76 : vector<1x16xf32> to vector<16xf32>
    %swap3A_78 = vector.shape_cast %broadcast_in_dim3A_1 : vector<16xf32> to vector<1x16xf32>
    tpu.vector_store %arg12[%swap3A_74, %swap3A_75], %swap3A_78 {strides = array<i32>} : memref<16x64xf32, #tpu.memory_space<vmem>>, vector<1x16xf32>,
    %swap3A_79 = arith.constant 3 : i32
    %swap3A_80 = arith.index_cast %swap3A_79 : i32 to index
    %swap3A_81 = arith.constant 16 : index
    %swap3A_82 = tpu.vector_load %arg12[%swap3A_80, %swap3A_81] {strides = array<i32>} : memref<16x64xf32, #tpu.memory_space<vmem>>, vector<1x16xf32>,
    %swap3A_83 = vector.shape_cast %swap3A_82 : vector<1x16xf32> to vector<16xf32>
    %swap3A_84 = vector.shape_cast %broadcast_in_dim3A_1 : vector<16xf32> to vector<1x16xf32>
    tpu.vector_store %arg12[%swap3A_80, %swap3A_81], %swap3A_84 {strides = array<i32>} : memref<16x64xf32, #tpu.memory_space<vmem>>, vector<1x16xf32>,
    %swap3A_85 = arith.constant 3 : i32
    %swap3A_86 = arith.index_cast %swap3A_85 : i32 to index
    %swap3A_87 = arith.constant 32 : index
    %swap3A_88 = tpu.vector_load %arg12[%swap3A_86, %swap3A_87] {strides = array<i32>} : memref<16x64xf32, #tpu.memory_space<vmem>>, vector<1x16xf32>,
    %swap3A_89 = vector.shape_cast %swap3A_88 : vector<1x16xf32> to vector<16xf32>
    %swap3A_90 = vector.shape_cast %broadcast_in_dim3A_1 : vector<16xf32> to vector<1x16xf32>
    tpu.vector_store %arg12[%swap3A_86, %swap3A_87], %swap3A_90 {strides = array<i32>} : memref<16x64xf32, #tpu.memory_space<vmem>>, vector<1x16xf32>,
    %swap3A_91 = arith.constant 3 : i32
    %swap3A_92 = arith.index_cast %swap3A_91 : i32 to index
    %swap3A_93 = arith.constant 48 : index
    %swap3A_94 = tpu.vector_load %arg12[%swap3A_92, %swap3A_93] {strides = array<i32>} : memref<16x64xf32, #tpu.memory_space<vmem>>, vector<1x16xf32>,
    %swap3A_95 = vector.shape_cast %swap3A_94 : vector<1x16xf32> to vector<16xf32>
    %swap3A_96 = vector.shape_cast %broadcast_in_dim3A_1 : vector<16xf32> to vector<1x16xf32>
    tpu.vector_store %arg12[%swap3A_92, %swap3A_93], %swap3A_96 {strides = array<i32>} : memref<16x64xf32, #tpu.memory_space<vmem>>, vector<1x16xf32>,
    %swap3A_97 = arith.constant 4 : i32
    %swap3A_98 = arith.index_cast %swap3A_97 : i32 to index
    %swap3A_99 = arith.constant 0 : index
    %swap3A_100 = tpu.vector_load %arg12[%swap3A_98, %swap3A_99] {strides = array<i32>} : memref<16x64xf32, #tpu.memory_space<vmem>>, vector<1x16xf32>,
    %swap3A_101 = vector.shape_cast %swap3A_100 : vector<1x16xf32> to vector<16xf32>
    %swap3A_102 = vector.shape_cast %broadcast_in_dim3A_1 : vector<16xf32> to vector<1x16xf32>
    tpu.vector_store %arg12[%swap3A_98, %swap3A_99], %swap3A_102 {strides = array<i32>} : memref<16x64xf32, #tpu.memory_space<vmem>>, vector<1x16xf32>,
    %swap3A_103 = arith.constant 4 : i32
    %swap3A_104 = arith.index_cast %swap3A_103 : i32 to index
    %swap3A_105 = arith.constant 16 : index
    %swap3A_106 = tpu.vector_load %arg12[%swap3A_104, %swap3A_105] {strides = array<i32>} : memref<16x64xf32, #tpu.memory_space<vmem>>, vector<1x16xf32>,
    %swap3A_107 = vector.shape_cast %swap3A_106 : vector<1x16xf32> to vector<16xf32>
    %swap3A_108 = vector.shape_cast %broadcast_in_dim3A_1 : vector<16xf32> to vector<1x16xf32>
    tpu.vector_store %arg12[%swap3A_104, %swap3A_105], %swap3A_108 {strides = array<i32>} : memref<16x64xf32, #tpu.memory_space<vmem>>, vector<1x16xf32>,
    %swap3A_109 = arith.constant 4 : i32
    %swap3A_110 = arith.index_cast %swap3A_109 : i32 to index
    %swap3A_111 = arith.constant 32 : index
    %swap3A_112 = tpu.vector_load %arg12[%swap3A_110, %swap3A_111] {strides = array<i32>} : memref<16x64xf32, #tpu.memory_space<vmem>>, vector<1x16xf32>,
    %swap3A_113 = vector.shape_cast %swap3A_112 : vector<1x16xf32> to vector<16xf32>
    %swap3A_114 = vector.shape_cast %broadcast_in_dim3A_1 : vector<16xf32> to vector<1x16xf32>
    tpu.vector_store %arg12[%swap3A_110, %swap3A_111], %swap3A_114 {strides = array<i32>} : memref<16x64xf32, #tpu.memory_space<vmem>>, vector<1x16xf32>,
    %swap3A_115 = arith.constant 4 : i32
    %swap3A_116 = arith.index_cast %swap3A_115 : i32 to index
    %swap3A_117 = arith.constant 48 : index
    %swap3A_118 = tpu.vector_load %arg12[%swap3A_116, %swap3A_117] {strides = array<i32>} : memref<16x64xf32, #tpu.memory_space<vmem>>, vector<1x16xf32>,
    %swap3A_119 = vector.shape_cast %swap3A_118 : vector<1x16xf32> to vector<16xf32>
    %swap3A_120 = vector.shape_cast %broadcast_in_dim3A_1 : vector<16xf32> to vector<1x16xf32>
    tpu.vector_store %arg12[%swap3A_116, %swap3A_117], %swap3A_120 {strides = array<i32>} : memref<16x64xf32, #tpu.memory_space<vmem>>, vector<1x16xf32>,
    %swap3A_121 = arith.constant 5 : i32
    %swap3A_122 = arith.index_cast %swap3A_121 : i32 to index
    %swap3A_123 = arith.constant 0 : index
    %swap3A_124 = tpu.vector_load %arg12[%swap3A_122, %swap3A_123] {strides = array<i32>} : memref<16x64xf32, #tpu.memory_space<vmem>>, vector<1x16xf32>,
    %swap3A_125 = vector.shape_cast %swap3A_124 : vector<1x16xf32> to vector<16xf32>
    %swap3A_126 = vector.shape_cast %broadcast_in_dim3A_1 : vector<16xf32> to vector<1x16xf32>
    tpu.vector_store %arg12[%swap3A_122, %swap3A_123], %swap3A_126 {strides = array<i32>} : memref<16x64xf32, #tpu.memory_space<vmem>>, vector<1x16xf32>,
    %swap3A_127 = arith.constant 5 : i32
    %swap3A_128 = arith.index_cast %swap3A_127 : i32 to index
    %swap3A_129 = arith.constant 16 : index
    %swap3A_130 = tpu.vector_load %arg12[%swap3A_128, %swap3A_129] {strides = array<i32>} : memref<16x64xf32, #tpu.memory_space<vmem>>, vector<1x16xf32>,
    %swap3A_131 = vector.shape_cast %swap3A_130 : vector<1x16xf32> to vector<16xf32>
    %swap3A_132 = vector.shape_cast %broadcast_in_dim3A_1 : vector<16xf32> to vector<1x16xf32>
    tpu.vector_store %arg12[%swap3A_128, %swap3A_129], %swap3A_132 {strides = array<i32>} : memref<16x64xf32, #tpu.memory_space<vmem>>, vector<1x16xf32>,
    %swap3A_133 = arith.constant 5 : i32
    %swap3A_134 = arith.index_cast %swap3A_133 : i32 to index
    %swap3A_135 = arith.constant 32 : index
    %swap3A_136 = tpu.vector_load %arg12[%swap3A_134, %swap3A_135] {strides = array<i32>} : memref<16x64xf32, #tpu.memory_space<vmem>>, vector<1x16xf32>,
    %swap3A_137 = vector.shape_cast %swap3A_136 : vector<1x16xf32> to vector<16xf32>
    %swap3A_138 = vector.shape_cast %broadcast_in_dim3A_1 : vector<16xf32> to vector<1x16xf32>
    tpu.vector_store %arg12[%swap3A_134, %swap3A_135], %swap3A_138 {strides = array<i32>} : memref<16x64xf32, #tpu.memory_space<vmem>>, vector<1x16xf32>,
    %swap3A_139 = arith.constant 5 : i32
    %swap3A_140 = arith.index_cast %swap3A_139 : i32 to index
    %swap3A_141 = arith.constant 48 : index
    %swap3A_142 = tpu.vector_load %arg12[%swap3A_140, %swap3A_141] {strides = array<i32>} : memref<16x64xf32, #tpu.memory_space<vmem>>, vector<1x16xf32>,
    %swap3A_143 = vector.shape_cast %swap3A_142 : vector<1x16xf32> to vector<16xf32>
    %swap3A_144 = vector.shape_cast %broadcast_in_dim3A_1 : vector<16xf32> to vector<1x16xf32>
    tpu.vector_store %arg12[%swap3A_140, %swap3A_141], %swap3A_144 {strides = array<i32>} : memref<16x64xf32, #tpu.memory_space<vmem>>, vector<1x16xf32>,
    %swap3A_145 = arith.constant 6 : i32
    %swap3A_146 = arith.index_cast %swap3A_145 : i32 to index
    %swap3A_147 = arith.constant 0 : index
    %swap3A_148 = tpu.vector_load %arg12[%swap3A_146, %swap3A_147] {strides = array<i32>} : memref<16x64xf32, #tpu.memory_space<vmem>>, vector<1x16xf32>,
    %swap3A_149 = vector.shape_cast %swap3A_148 : vector<1x16xf32> to vector<16xf32>
    %swap3A_150 = vector.shape_cast %broadcast_in_dim3A_1 : vector<16xf32> to vector<1x16xf32>
    tpu.vector_store %arg12[%swap3A_146, %swap3A_147], %swap3A_150 {strides = array<i32>} : memref<16x64xf32, #tpu.memory_space<vmem>>, vector<1x16xf32>,
    %swap3A_151 = arith.constant 6 : i32
    %swap3A_152 = arith.index_cast %swap3A_151 : i32 to index
    %swap3A_153 = arith.constant 16 : index
    %swap3A_154 = tpu.vector_load %arg12[%swap3A_152, %swap3A_153] {strides = array<i32>} : memref<16x64xf32, #tpu.memory_space<vmem>>, vector<1x16xf32>,
    %swap3A_155 = vector.shape_cast %swap3A_154 : vector<1x16xf32> to vector<16xf32>
    %swap3A_156 = vector.shape_cast %broadcast_in_dim3A_1 : vector<16xf32> to vector<1x16xf32>
    tpu.vector_store %arg12[%swap3A_152, %swap3A_153], %swap3A_156 {strides = array<i32>} : memref<16x64xf32, #tpu.memory_space<vmem>>, vector<1x16xf32>,
    %swap3A_157 = arith.constant 6 : i32
    %swap3A_158 = arith.index_cast %swap3A_157 : i32 to index
    %swap3A_159 = arith.constant 32 : index
    %swap3A_160 = tpu.vector_load %arg12[%swap3A_158, %swap3A_159] {strides = array<i32>} : memref<16x64xf32, #tpu.memory_space<vmem>>, vector<1x16xf32>,
    %swap3A_161 = vector.shape_cast %swap3A_160 : vector<1x16xf32> to vector<16xf32>
    %swap3A_162 = vector.shape_cast %broadcast_in_dim3A_1 : vector<16xf32> to vector<1x16xf32>
    tpu.vector_store %arg12[%swap3A_158, %swap3A_159], %swap3A_162 {strides = array<i32>} : memref<16x64xf32, #tpu.memory_space<vmem>>, vector<1x16xf32>,
    %swap3A_163 = arith.constant 6 : i32
    %swap3A_164 = arith.index_cast %swap3A_163 : i32 to index
    %swap3A_165 = arith.constant 48 : index
    %swap3A_166 = tpu.vector_load %arg12[%swap3A_164, %swap3A_165] {strides = array<i32>} : memref<16x64xf32, #tpu.memory_space<vmem>>, vector<1x16xf32>,
    %swap3A_167 = vector.shape_cast %swap3A_166 : vector<1x16xf32> to vector<16xf32>
    %swap3A_168 = vector.shape_cast %broadcast_in_dim3A_1 : vector<16xf32> to vector<1x16xf32>
    tpu.vector_store %arg12[%swap3A_164, %swap3A_165], %swap3A_168 {strides = array<i32>} : memref<16x64xf32, #tpu.memory_space<vmem>>, vector<1x16xf32>,
    %swap3A_169 = arith.constant 7 : i32
    %swap3A_170 = arith.index_cast %swap3A_169 : i32 to index
    %swap3A_171 = arith.constant 0 : index
    %swap3A_172 = tpu.vector_load %arg12[%swap3A_170, %swap3A_171] {strides = array<i32>} : memref<16x64xf32, #tpu.memory_space<vmem>>, vector<1x16xf32>,
    %swap3A_173 = vector.shape_cast %swap3A_172 : vector<1x16xf32> to vector<16xf32>
    %swap3A_174 = vector.shape_cast %broadcast_in_dim3A_1 : vector<16xf32> to vector<1x16xf32>
    tpu.vector_store %arg12[%swap3A_170, %swap3A_171], %swap3A_174 {strides = array<i32>} : memref<16x64xf32, #tpu.memory_space<vmem>>, vector<1x16xf32>,
    %swap3A_175 = arith.constant 7 : i32
    %swap3A_176 = arith.index_cast %swap3A_175 : i32 to index
    %swap3A_177 = arith.constant 16 : index
    %swap3A_178 = tpu.vector_load %arg12[%swap3A_176, %swap3A_177] {strides = array<i32>} : memref<16x64xf32, #tpu.memory_space<vmem>>, vector<1x16xf32>,
    %swap3A_179 = vector.shape_cast %swap3A_178 : vector<1x16xf32> to vector<16xf32>
    %swap3A_180 = vector.shape_cast %broadcast_in_dim3A_1 : vector<16xf32> to vector<1x16xf32>
    tpu.vector_store %arg12[%swap3A_176, %swap3A_177], %swap3A_180 {strides = array<i32>} : memref<16x64xf32, #tpu.memory_space<vmem>>, vector<1x16xf32>,
    %swap3A_181 = arith.constant 7 : i32
    %swap3A_182 = arith.index_cast %swap3A_181 : i32 to index
    %swap3A_183 = arith.constant 32 : index
    %swap3A_184 = tpu.vector_load %arg12[%swap3A_182, %swap3A_183] {strides = array<i32>} : memref<16x64xf32, #tpu.memory_space<vmem>>, vector<1x16xf32>,
    %swap3A_185 = vector.shape_cast %swap3A_184 : vector<1x16xf32> to vector<16xf32>
    %swap3A_186 = vector.shape_cast %broadcast_in_dim3A_1 : vector<16xf32> to vector<1x16xf32>
    tpu.vector_store %arg12[%swap3A_182, %swap3A_183], %swap3A_186 {strides = array<i32>} : memref<16x64xf32, #tpu.memory_space<vmem>>, vector<1x16xf32>,
    %swap3A_187 = arith.constant 7 : i32
    %swap3A_188 = arith.index_cast %swap3A_187 : i32 to index
    %swap3A_189 = arith.constant 48 : index
    %swap3A_190 = tpu.vector_load %arg12[%swap3A_188, %swap3A_189] {strides = array<i32>} : memref<16x64xf32, #tpu.memory_space<vmem>>, vector<1x16xf32>,
    %swap3A_191 = vector.shape_cast %swap3A_190 : vector<1x16xf32> to vector<16xf32>
    %swap3A_192 = vector.shape_cast %broadcast_in_dim3A_1 : vector<16xf32> to vector<1x16xf32>
    tpu.vector_store %arg12[%swap3A_188, %swap3A_189], %swap3A_192 {strides = array<i32>} : memref<16x64xf32, #tpu.memory_space<vmem>>, vector<1x16xf32>,
    %swap3A_193 = arith.constant 8 : i32
    %swap3A_194 = arith.index_cast %swap3A_193 : i32 to index
    %swap3A_195 = arith.constant 0 : index
    %swap3A_196 = tpu.vector_load %arg12[%swap3A_194, %swap3A_195] {strides = array<i32>} : memref<16x64xf32, #tpu.memory_space<vmem>>, vector<1x16xf32>,
    %swap3A_197 = vector.shape_cast %swap3A_196 : vector<1x16xf32> to vector<16xf32>
    %swap3A_198 = vector.shape_cast %broadcast_in_dim3A_1 : vector<16xf32> to vector<1x16xf32>
    tpu.vector_store %arg12[%swap3A_194, %swap3A_195], %swap3A_198 {strides = array<i32>} : memref<16x64xf32, #tpu.memory_space<vmem>>, vector<1x16xf32>,
    %swap3A_199 = arith.constant 8 : i32
    %swap3A_200 = arith.index_cast %swap3A_199 : i32 to index
    %swap3A_201 = arith.constant 16 : index
    %swap3A_202 = tpu.vector_load %arg12[%swap3A_200, %swap3A_201] {strides = array<i32>} : memref<16x64xf32, #tpu.memory_space<vmem>>, vector<1x16xf32>,
    %swap3A_203 = vector.shape_cast %swap3A_202 : vector<1x16xf32> to vector<16xf32>
    %swap3A_204 = vector.shape_cast %broadcast_in_dim3A_1 : vector<16xf32> to vector<1x16xf32>
    tpu.vector_store %arg12[%swap3A_200, %swap3A_201], %swap3A_204 {strides = array<i32>} : memref<16x64xf32, #tpu.memory_space<vmem>>, vector<1x16xf32>,
    %swap3A_205 = arith.constant 8 : i32
    %swap3A_206 = arith.index_cast %swap3A_205 : i32 to index
    %swap3A_207 = arith.constant 32 : index
    %swap3A_208 = tpu.vector_load %arg12[%swap3A_206, %swap3A_207] {strides = array<i32>} : memref<16x64xf32, #tpu.memory_space<vmem>>, vector<1x16xf32>,
    %swap3A_209 = vector.shape_cast %swap3A_208 : vector<1x16xf32> to vector<16xf32>
    %swap3A_210 = vector.shape_cast %broadcast_in_dim3A_1 : vector<16xf32> to vector<1x16xf32>
    tpu.vector_store %arg12[%swap3A_206, %swap3A_207], %swap3A_210 {strides = array<i32>} : memref<16x64xf32, #tpu.memory_space<vmem>>, vector<1x16xf32>,
    %swap3A_211 = arith.constant 8 : i32
    %swap3A_212 = arith.index_cast %swap3A_211 : i32 to index
    %swap3A_213 = arith.constant 48 : index
    %swap3A_214 = tpu.vector_load %arg12[%swap3A_212, %swap3A_213] {strides = array<i32>} : memref<16x64xf32, #tpu.memory_space<vmem>>, vector<1x16xf32>,
    %swap3A_215 = vector.shape_cast %swap3A_214 : vector<1x16xf32> to vector<16xf32>
    %swap3A_216 = vector.shape_cast %broadcast_in_dim3A_1 : vector<16xf32> to vector<1x16xf32>
    tpu.vector_store %arg12[%swap3A_212, %swap3A_213], %swap3A_216 {strides = array<i32>} : memref<16x64xf32, #tpu.memory_space<vmem>>, vector<1x16xf32>,
    %swap3A_217 = arith.constant 9 : i32
    %swap3A_218 = arith.index_cast %swap3A_217 : i32 to index
    %swap3A_219 = arith.constant 0 : index
    %swap3A_220 = tpu.vector_load %arg12[%swap3A_218, %swap3A_219] {strides = array<i32>} : memref<16x64xf32, #tpu.memory_space<vmem>>, vector<1x16xf32>,
    %swap3A_221 = vector.shape_cast %swap3A_220 : vector<1x16xf32> to vector<16xf32>
    %swap3A_222 = vector.shape_cast %broadcast_in_dim3A_1 : vector<16xf32> to vector<1x16xf32>
    tpu.vector_store %arg12[%swap3A_218, %swap3A_219], %swap3A_222 {strides = array<i32>} : memref<16x64xf32, #tpu.memory_space<vmem>>, vector<1x16xf32>,
    %swap3A_223 = arith.constant 9 : i32
    %swap3A_224 = arith.index_cast %swap3A_223 : i32 to index
    %swap3A_225 = arith.constant 16 : index
    %swap3A_226 = tpu.vector_load %arg12[%swap3A_224, %swap3A_225] {strides = array<i32>} : memref<16x64xf32, #tpu.memory_space<vmem>>, vector<1x16xf32>,
    %swap3A_227 = vector.shape_cast %swap3A_226 : vector<1x16xf32> to vector<16xf32>
    %swap3A_228 = vector.shape_cast %broadcast_in_dim3A_1 : vector<16xf32> to vector<1x16xf32>
    tpu.vector_store %arg12[%swap3A_224, %swap3A_225], %swap3A_228 {strides = array<i32>} : memref<16x64xf32, #tpu.memory_space<vmem>>, vector<1x16xf32>,
    %swap3A_229 = arith.constant 9 : i32
    %swap3A_230 = arith.index_cast %swap3A_229 : i32 to index
    %swap3A_231 = arith.constant 32 : index
    %swap3A_232 = tpu.vector_load %arg12[%swap3A_230, %swap3A_231] {strides = array<i32>} : memref<16x64xf32, #tpu.memory_space<vmem>>, vector<1x16xf32>,
    %swap3A_233 = vector.shape_cast %swap3A_232 : vector<1x16xf32> to vector<16xf32>
    %swap3A_234 = vector.shape_cast %broadcast_in_dim3A_1 : vector<16xf32> to vector<1x16xf32>
    tpu.vector_store %arg12[%swap3A_230, %swap3A_231], %swap3A_234 {strides = array<i32>} : memref<16x64xf32, #tpu.memory_space<vmem>>, vector<1x16xf32>,
    %swap3A_235 = arith.constant 9 : i32
    %swap3A_236 = arith.index_cast %swap3A_235 : i32 to index
    %swap3A_237 = arith.constant 48 : index
    %swap3A_238 = tpu.vector_load %arg12[%swap3A_236, %swap3A_237] {strides = array<i32>} : memref<16x64xf32, #tpu.memory_space<vmem>>, vector<1x16xf32>,
    %swap3A_239 = vector.shape_cast %swap3A_238 : vector<1x16xf32> to vector<16xf32>
    %swap3A_240 = vector.shape_cast %broadcast_in_dim3A_1 : vector<16xf32> to vector<1x16xf32>
    tpu.vector_store %arg12[%swap3A_236, %swap3A_237], %swap3A_240 {strides = array<i32>} : memref<16x64xf32, #tpu.memory_space<vmem>>, vector<1x16xf32>,
    %swap3A_241 = arith.constant 10 : i32
    %swap3A_242 = arith.index_cast %swap3A_241 : i32 to index
    %swap3A_243 = arith.constant 0 : index
    %swap3A_244 = tpu.vector_load %arg12[%swap3A_242, %swap3A_243] {strides = array<i32>} : memref<16x64xf32, #tpu.memory_space<vmem>>, vector<1x16xf32>,
    %swap3A_245 = vector.shape_cast %swap3A_244 : vector<1x16xf32> to vector<16xf32>
    %swap3A_246 = vector.shape_cast %broadcast_in_dim3A_1 : vector<16xf32> to vector<1x16xf32>
    tpu.vector_store %arg12[%swap3A_242, %swap3A_243], %swap3A_246 {strides = array<i32>} : memref<16x64xf32, #tpu.memory_space<vmem>>, vector<1x16xf32>,
    %swap3A_247 = arith.constant 10 : i32
    %swap3A_248 = arith.index_cast %swap3A_247 : i32 to index
    %swap3A_249 = arith.constant 16 : index
    %swap3A_250 = tpu.vector_load %arg12[%swap3A_248, %swap3A_249] {strides = array<i32>} : memref<16x64xf32, #tpu.memory_space<vmem>>, vector<1x16xf32>,
    %swap3A_251 = vector.shape_cast %swap3A_250 : vector<1x16xf32> to vector<16xf32>
    %swap3A_252 = vector.shape_cast %broadcast_in_dim3A_1 : vector<16xf32> to vector<1x16xf32>
    tpu.vector_store %arg12[%swap3A_248, %swap3A_249], %swap3A_252 {strides = array<i32>} : memref<16x64xf32, #tpu.memory_space<vmem>>, vector<1x16xf32>,
    %swap3A_253 = arith.constant 10 : i32
    %swap3A_254 = arith.index_cast %swap3A_253 : i32 to index
    %swap3A_255 = arith.constant 32 : index
    %swap3A_256 = tpu.vector_load %arg12[%swap3A_254, %swap3A_255] {strides = array<i32>} : memref<16x64xf32, #tpu.memory_space<vmem>>, vector<1x16xf32>,
    %swap3A_257 = vector.shape_cast %swap3A_256 : vector<1x16xf32> to vector<16xf32>
    %swap3A_258 = vector.shape_cast %broadcast_in_dim3A_1 : vector<16xf32> to vector<1x16xf32>
    tpu.vector_store %arg12[%swap3A_254, %swap3A_255], %swap3A_258 {strides = array<i32>} : memref<16x64xf32, #tpu.memory_space<vmem>>, vector<1x16xf32>,
    %swap3A_259 = arith.constant 10 : i32
    %swap3A_260 = arith.index_cast %swap3A_259 : i32 to index
    %swap3A_261 = arith.constant 48 : index
    %swap3A_262 = tpu.vector_load %arg12[%swap3A_260, %swap3A_261] {strides = array<i32>} : memref<16x64xf32, #tpu.memory_space<vmem>>, vector<1x16xf32>,
    %swap3A_263 = vector.shape_cast %swap3A_262 : vector<1x16xf32> to vector<16xf32>
    %swap3A_264 = vector.shape_cast %broadcast_in_dim3A_1 : vector<16xf32> to vector<1x16xf32>
    tpu.vector_store %arg12[%swap3A_260, %swap3A_261], %swap3A_264 {strides = array<i32>} : memref<16x64xf32, #tpu.memory_space<vmem>>, vector<1x16xf32>,
    %swap3A_265 = arith.constant 11 : i32
    %swap3A_266 = arith.index_cast %swap3A_265 : i32 to index
    %swap3A_267 = arith.constant 0 : index
    %swap3A_268 = tpu.vector_load %arg12[%swap3A_266, %swap3A_267] {strides = array<i32>} : memref<16x64xf32, #tpu.memory_space<vmem>>, vector<1x16xf32>,
    %swap3A_269 = vector.shape_cast %swap3A_268 : vector<1x16xf32> to vector<16xf32>
    %swap3A_270 = vector.shape_cast %broadcast_in_dim3A_1 : vector<16xf32> to vector<1x16xf32>
    tpu.vector_store %arg12[%swap3A_266, %swap3A_267], %swap3A_270 {strides = array<i32>} : memref<16x64xf32, #tpu.memory_space<vmem>>, vector<1x16xf32>,
    %swap3A_271 = arith.constant 11 : i32
    %swap3A_272 = arith.index_cast %swap3A_271 : i32 to index
    %swap3A_273 = arith.constant 16 : index
    %swap3A_274 = tpu.vector_load %arg12[%swap3A_272, %swap3A_273] {strides = array<i32>} : memref<16x64xf32, #tpu.memory_space<vmem>>, vector<1x16xf32>,
    %swap3A_275 = vector.shape_cast %swap3A_274 : vector<1x16xf32> to vector<16xf32>
    %swap3A_276 = vector.shape_cast %broadcast_in_dim3A_1 : vector<16xf32> to vector<1x16xf32>
    tpu.vector_store %arg12[%swap3A_272, %swap3A_273], %swap3A_276 {strides = array<i32>} : memref<16x64xf32, #tpu.memory_space<vmem>>, vector<1x16xf32>,
    %swap3A_277 = arith.constant 11 : i32
    %swap3A_278 = arith.index_cast %swap3A_277 : i32 to index
    %swap3A_279 = arith.constant 32 : index
    %swap3A_280 = tpu.vector_load %arg12[%swap3A_278, %swap3A_279] {strides = array<i32>} : memref<16x64xf32, #tpu.memory_space<vmem>>, vector<1x16xf32>,
    %swap3A_281 = vector.shape_cast %swap3A_280 : vector<1x16xf32> to vector<16xf32>
    %swap3A_282 = vector.shape_cast %broadcast_in_dim3A_1 : vector<16xf32> to vector<1x16xf32>
    tpu.vector_store %arg12[%swap3A_278, %swap3A_279], %swap3A_282 {strides = array<i32>} : memref<16x64xf32, #tpu.memory_space<vmem>>, vector<1x16xf32>,
    %swap3A_283 = arith.constant 11 : i32
    %swap3A_284 = arith.index_cast %swap3A_283 : i32 to index
    %swap3A_285 = arith.constant 48 : index
    %swap3A_286 = tpu.vector_load %arg12[%swap3A_284, %swap3A_285] {strides = array<i32>} : memref<16x64xf32, #tpu.memory_space<vmem>>, vector<1x16xf32>,
    %swap3A_287 = vector.shape_cast %swap3A_286 : vector<1x16xf32> to vector<16xf32>
    %swap3A_288 = vector.shape_cast %broadcast_in_dim3A_1 : vector<16xf32> to vector<1x16xf32>
    tpu.vector_store %arg12[%swap3A_284, %swap3A_285], %swap3A_288 {strides = array<i32>} : memref<16x64xf32, #tpu.memory_space<vmem>>, vector<1x16xf32>,
    %swap3A_289 = arith.constant 12 : i32
    %swap3A_290 = arith.index_cast %swap3A_289 : i32 to index
    %swap3A_291 = arith.constant 0 : index
    %swap3A_292 = tpu.vector_load %arg12[%swap3A_290, %swap3A_291] {strides = array<i32>} : memref<16x64xf32, #tpu.memory_space<vmem>>, vector<1x16xf32>,
    %swap3A_293 = vector.shape_cast %swap3A_292 : vector<1x16xf32> to vector<16xf32>
    %swap3A_294 = vector.shape_cast %broadcast_in_dim3A_1 : vector<16xf32> to vector<1x16xf32>
    tpu.vector_store %arg12[%swap3A_290, %swap3A_291], %swap3A_294 {strides = array<i32>} : memref<16x64xf32, #tpu.memory_space<vmem>>, vector<1x16xf32>,
    %swap3A_295 = arith.constant 12 : i32
    %swap3A_296 = arith.index_cast %swap3A_295 : i32 to index
    %swap3A_297 = arith.constant 16 : index
    %swap3A_298 = tpu.vector_load %arg12[%swap3A_296, %swap3A_297] {strides = array<i32>} : memref<16x64xf32, #tpu.memory_space<vmem>>, vector<1x16xf32>,
    %swap3A_299 = vector.shape_cast %swap3A_298 : vector<1x16xf32> to vector<16xf32>
    %swap3A_300 = vector.shape_cast %broadcast_in_dim3A_1 : vector<16xf32> to vector<1x16xf32>
    tpu.vector_store %arg12[%swap3A_296, %swap3A_297], %swap3A_300 {strides = array<i32>} : memref<16x64xf32, #tpu.memory_space<vmem>>, vector<1x16xf32>,
    %swap3A_301 = arith.constant 12 : i32
    %swap3A_302 = arith.index_cast %swap3A_301 : i32 to index
    %swap3A_303 = arith.constant 32 : index
    %swap3A_304 = tpu.vector_load %arg12[%swap3A_302, %swap3A_303] {strides = array<i32>} : memref<16x64xf32, #tpu.memory_space<vmem>>, vector<1x16xf32>,
    %swap3A_305 = vector.shape_cast %swap3A_304 : vector<1x16xf32> to vector<16xf32>
    %swap3A_306 = vector.shape_cast %broadcast_in_dim3A_1 : vector<16xf32> to vector<1x16xf32>
    tpu.vector_store %arg12[%swap3A_302, %swap3A_303], %swap3A_306 {strides = array<i32>} : memref<16x64xf32, #tpu.memory_space<vmem>>, vector<1x16xf32>,
    %swap3A_307 = arith.constant 12 : i32
    %swap3A_308 = arith.index_cast %swap3A_307 : i32 to index
    %swap3A_309 = arith.constant 48 : index
    %swap3A_310 = tpu.vector_load %arg12[%swap3A_308, %swap3A_309] {strides = array<i32>} : memref<16x64xf32, #tpu.memory_space<vmem>>, vector<1x16xf32>,
    %swap3A_311 = vector.shape_cast %swap3A_310 : vector<1x16xf32> to vector<16xf32>
    %swap3A_312 = vector.shape_cast %broadcast_in_dim3A_1 : vector<16xf32> to vector<1x16xf32>
    tpu.vector_store %arg12[%swap3A_308, %swap3A_309], %swap3A_312 {strides = array<i32>} : memref<16x64xf32, #tpu.memory_space<vmem>>, vector<1x16xf32>,
    %swap3A_313 = arith.constant 13 : i32
    %swap3A_314 = arith.index_cast %swap3A_313 : i32 to index
    %swap3A_315 = arith.constant 0 : index
    %swap3A_316 = tpu.vector_load %arg12[%swap3A_314, %swap3A_315] {strides = array<i32>} : memref<16x64xf32, #tpu.memory_space<vmem>>, vector<1x16xf32>,
    %swap3A_317 = vector.shape_cast %swap3A_316 : vector<1x16xf32> to vector<16xf32>
    %swap3A_318 = vector.shape_cast %broadcast_in_dim3A_1 : vector<16xf32> to vector<1x16xf32>
    tpu.vector_store %arg12[%swap3A_314, %swap3A_315], %swap3A_318 {strides = array<i32>} : memref<16x64xf32, #tpu.memory_space<vmem>>, vector<1x16xf32>,
    %swap3A_319 = arith.constant 13 : i32
    %swap3A_320 = arith.index_cast %swap3A_319 : i32 to index
    %swap3A_321 = arith.constant 16 : index
    %swap3A_322 = tpu.vector_load %arg12[%swap3A_320, %swap3A_321] {strides = array<i32>} : memref<16x64xf32, #tpu.memory_space<vmem>>, vector<1x16xf32>,
    %swap3A_323 = vector.shape_cast %swap3A_322 : vector<1x16xf32> to vector<16xf32>
    %swap3A_324 = vector.shape_cast %broadcast_in_dim3A_1 : vector<16xf32> to vector<1x16xf32>
    tpu.vector_store %arg12[%swap3A_320, %swap3A_321], %swap3A_324 {strides = array<i32>} : memref<16x64xf32, #tpu.memory_space<vmem>>, vector<1x16xf32>,
    %swap3A_325 = arith.constant 13 : i32
    %swap3A_326 = arith.index_cast %swap3A_325 : i32 to index
    %swap3A_327 = arith.constant 32 : index
    %swap3A_328 = tpu.vector_load %arg12[%swap3A_326, %swap3A_327] {strides = array<i32>} : memref<16x64xf32, #tpu.memory_space<vmem>>, vector<1x16xf32>,
    %swap3A_329 = vector.shape_cast %swap3A_328 : vector<1x16xf32> to vector<16xf32>
    %swap3A_330 = vector.shape_cast %broadcast_in_dim3A_1 : vector<16xf32> to vector<1x16xf32>
    tpu.vector_store %arg12[%swap3A_326, %swap3A_327], %swap3A_330 {strides = array<i32>} : memref<16x64xf32, #tpu.memory_space<vmem>>, vector<1x16xf32>,
    %swap3A_331 = arith.constant 13 : i32
    %swap3A_332 = arith.index_cast %swap3A_331 : i32 to index
    %swap3A_333 = arith.constant 48 : index
    %swap3A_334 = tpu.vector_load %arg12[%swap3A_332, %swap3A_333] {strides = array<i32>} : memref<16x64xf32, #tpu.memory_space<vmem>>, vector<1x16xf32>,
    %swap3A_335 = vector.shape_cast %swap3A_334 : vector<1x16xf32> to vector<16xf32>
    %swap3A_336 = vector.shape_cast %broadcast_in_dim3A_1 : vector<16xf32> to vector<1x16xf32>
    tpu.vector_store %arg12[%swap3A_332, %swap3A_333], %swap3A_336 {strides = array<i32>} : memref<16x64xf32, #tpu.memory_space<vmem>>, vector<1x16xf32>,
    %swap3A_337 = arith.constant 14 : i32
    %swap3A_338 = arith.index_cast %swap3A_337 : i32 to index
    %swap3A_339 = arith.constant 0 : index
    %swap3A_340 = tpu.vector_load %arg12[%swap3A_338, %swap3A_339] {strides = array<i32>} : memref<16x64xf32, #tpu.memory_space<vmem>>, vector<1x16xf32>,
    %swap3A_341 = vector.shape_cast %swap3A_340 : vector<1x16xf32> to vector<16xf32>
    %swap3A_342 = vector.shape_cast %broadcast_in_dim3A_1 : vector<16xf32> to vector<1x16xf32>
    tpu.vector_store %arg12[%swap3A_338, %swap3A_339], %swap3A_342 {strides = array<i32>} : memref<16x64xf32, #tpu.memory_space<vmem>>, vector<1x16xf32>,
    %swap3A_343 = arith.constant 14 : i32
    %swap3A_344 = arith.index_cast %swap3A_343 : i32 to index
    %swap3A_345 = arith.constant 16 : index
    %swap3A_346 = tpu.vector_load %arg12[%swap3A_344, %swap3A_345] {strides = array<i32>} : memref<16x64xf32, #tpu.memory_space<vmem>>, vector<1x16xf32>,
    %swap3A_347 = vector.shape_cast %swap3A_346 : vector<1x16xf32> to vector<16xf32>
    %swap3A_348 = vector.shape_cast %broadcast_in_dim3A_1 : vector<16xf32> to vector<1x16xf32>
    tpu.vector_store %arg12[%swap3A_344, %swap3A_345], %swap3A_348 {strides = array<i32>} : memref<16x64xf32, #tpu.memory_space<vmem>>, vector<1x16xf32>,
    %swap3A_349 = arith.constant 14 : i32
    %swap3A_350 = arith.index_cast %swap3A_349 : i32 to index
    %swap3A_351 = arith.constant 32 : index
    %swap3A_352 = tpu.vector_load %arg12[%swap3A_350, %swap3A_351] {strides = array<i32>} : memref<16x64xf32, #tpu.memory_space<vmem>>, vector<1x16xf32>,
    %swap3A_353 = vector.shape_cast %swap3A_352 : vector<1x16xf32> to vector<16xf32>
    %swap3A_354 = vector.shape_cast %broadcast_in_dim3A_1 : vector<16xf32> to vector<1x16xf32>
    tpu.vector_store %arg12[%swap3A_350, %swap3A_351], %swap3A_354 {strides = array<i32>} : memref<16x64xf32, #tpu.memory_space<vmem>>, vector<1x16xf32>,
    %swap3A_355 = arith.constant 14 : i32
    %swap3A_356 = arith.index_cast %swap3A_355 : i32 to index
    %swap3A_357 = arith.constant 48 : index
    %swap3A_358 = tpu.vector_load %arg12[%swap3A_356, %swap3A_357] {strides = array<i32>} : memref<16x64xf32, #tpu.memory_space<vmem>>, vector<1x16xf32>,
    %swap3A_359 = vector.shape_cast %swap3A_358 : vector<1x16xf32> to vector<16xf32>
    %swap3A_360 = vector.shape_cast %broadcast_in_dim3A_1 : vector<16xf32> to vector<1x16xf32>
    tpu.vector_store %arg12[%swap3A_356, %swap3A_357], %swap3A_360 {strides = array<i32>} : memref<16x64xf32, #tpu.memory_space<vmem>>, vector<1x16xf32>,
    %swap3A_361 = arith.constant 15 : i32
    %swap3A_362 = arith.index_cast %swap3A_361 : i32 to index
    %swap3A_363 = arith.constant 0 : index
    %swap3A_364 = tpu.vector_load %arg12[%swap3A_362, %swap3A_363] {strides = array<i32>} : memref<16x64xf32, #tpu.memory_space<vmem>>, vector<1x16xf32>,
    %swap3A_365 = vector.shape_cast %swap3A_364 : vector<1x16xf32> to vector<16xf32>
    %swap3A_366 = vector.shape_cast %broadcast_in_dim3A_1 : vector<16xf32> to vector<1x16xf32>
    tpu.vector_store %arg12[%swap3A_362, %swap3A_363], %swap3A_366 {strides = array<i32>} : memref<16x64xf32, #tpu.memory_space<vmem>>, vector<1x16xf32>,
    %swap3A_367 = arith.constant 15 : i32
    %swap3A_368 = arith.index_cast %swap3A_367 : i32 to index
    %swap3A_369 = arith.constant 16 : index
    %swap3A_370 = tpu.vector_load %arg12[%swap3A_368, %swap3A_369] {strides = array<i32>} : memref<16x64xf32, #tpu.memory_space<vmem>>, vector<1x16xf32>,
    %swap3A_371 = vector.shape_cast %swap3A_370 : vector<1x16xf32> to vector<16xf32>
    %swap3A_372 = vector.shape_cast %broadcast_in_dim3A_1 : vector<16xf32> to vector<1x16xf32>
    tpu.vector_store %arg12[%swap3A_368, %swap3A_369], %swap3A_372 {strides = array<i32>} : memref<16x64xf32, #tpu.memory_space<vmem>>, vector<1x16xf32>,
    %swap3A_373 = arith.constant 15 : i32
    %swap3A_374 = arith.index_cast %swap3A_373 : i32 to index
    %swap3A_375 = arith.constant 32 : index
    %swap3A_376 = tpu.vector_load %arg12[%swap3A_374, %swap3A_375] {strides = array<i32>} : memref<16x64xf32, #tpu.memory_space<vmem>>, vector<1x16xf32>,
    %swap3A_377 = vector.shape_cast %swap3A_376 : vector<1x16xf32> to vector<16xf32>
    %swap3A_378 = vector.shape_cast %broadcast_in_dim3A_1 : vector<16xf32> to vector<1x16xf32>
    tpu.vector_store %arg12[%swap3A_374, %swap3A_375], %swap3A_378 {strides = array<i32>} : memref<16x64xf32, #tpu.memory_space<vmem>>, vector<1x16xf32>,
    %swap3A_379 = arith.constant 15 : i32
    %swap3A_380 = arith.index_cast %swap3A_379 : i32 to index
    %swap3A_381 = arith.constant 48 : index
    %swap3A_382 = tpu.vector_load %arg12[%swap3A_380, %swap3A_381] {strides = array<i32>} : memref<16x64xf32, #tpu.memory_space<vmem>>, vector<1x16xf32>,
    %swap3A_383 = vector.shape_cast %swap3A_382 : vector<1x16xf32> to vector<16xf32>
    %swap3A_384 = vector.shape_cast %broadcast_in_dim3A_1 : vector<16xf32> to vector<1x16xf32>
    tpu.vector_store %arg12[%swap3A_380, %swap3A_381], %swap3A_384 {strides = array<i32>} : memref<16x64xf32, #tpu.memory_space<vmem>>, vector<1x16xf32>,
    %scan3A = arith.constant 0 : i32
    %scan3A_385 = arith.constant 0 : i32
    %scan3A_386 = arith.constant 40 : i32
    %scan3A_387 = arith.addi %scan3A_385, %scan3A_386 : i32
    %scan3A_388 = arith.constant 1 : i32
    %scan3A_389 = scf.for %scan3A_447 = %scan3A_385 to %scan3A_387 step %scan3A_388 iter_args(%scan3A_448 = %scan3A) -> (i32)  : i32 {
      %mul3A_449 = arith.constant 640 : i32
      %mul3A_450 = arith.muli %arg1, %mul3A_449 : i32
      %mul3A_451 = arith.constant 16 : i32
      %mul3A_452 = arith.muli %scan3A_447, %mul3A_451 : i32
      %add3A_453 = arith.addi %mul3A_450, %mul3A_452 : i32
      "tpu.region"() ({
        %run_scoped3A = tpu.sem_alloc : memref<!tpu.dma_semaphore, #tpu.memory_space<semaphore_mem>>
        %dma_start3A_455 = arith.constant 0 : i32
        %dma_start3A_456 = tpu.memref_slice %arg13[%add3A_453, %dma_start3A_455] : memref<10240x64xf32, #tpu.memory_space<vmem_shared>> -> memref<16x64xf32, #tpu.memory_space<vmem_shared>>
        %dma_start3A_457 = arith.constant 0 : i32
        %dma_start3A_458 = tpu.memref_slice %arg13[%add3A_453, %dma_start3A_457] : memref<10240x64xf32, #tpu.memory_space<vmem_shared>> -> memref<16x64xf32, #tpu.memory_space<vmem_shared>>
        tpu.enqueue_dma source(%arg12 : memref<16x64xf32, #tpu.memory_space<vmem>>) target(%dma_start3A_458 : memref<16x64xf32, #tpu.memory_space<vmem_shared>>) target_semaphore(%run_scoped3A : memref<!tpu.dma_semaphore, #tpu.memory_space<semaphore_mem>>)
        %dma_wait3A_459 = arith.constant 0 : i32
        %dma_wait3A_460 = tpu.memref_slice %arg13[%add3A_453, %dma_wait3A_459] : memref<10240x64xf32, #tpu.memory_space<vmem_shared>> -> memref<16x64xf32, #tpu.memory_space<vmem_shared>>
        %dma_wait3A_461 = arith.constant 0 : i32
        %dma_wait3A_462 = tpu.memref_slice %arg13[%add3A_453, %dma_wait3A_461] : memref<10240x64xf32, #tpu.memory_space<vmem_shared>> -> memref<16x64xf32, #tpu.memory_space<vmem_shared>>
        tpu.wait_dma2 semaphore(%run_scoped3A : memref<!tpu.dma_semaphore, #tpu.memory_space<semaphore_mem>>) src(%arg12 : memref<16x64xf32, #tpu.memory_space<vmem>>) dst(%dma_wait3A_462 : memref<16x64xf32, #tpu.memory_space<vmem_shared>>)
        tpu.yield
      }) : () -> ()
      %scan3A_454 = arith.constant 0 : i32
      scf.yield %scan3A_454 : i32
    }
    %scan3A_390 = arith.constant 40 : i32
    %mul3A_391 = arith.constant 80 : i32
    %mul3A_392 = arith.muli %add3A, %mul3A_391 : i32
    "tpu.region"() ({
      %run_scoped3A = tpu.sem_alloc : memref<!tpu.dma_semaphore, #tpu.memory_space<semaphore_mem>>
      %dma_start3A_447 = arith.constant 0 : i32
      %dma_start3A_448 = tpu.memref_slice %arg3[%mul3A_392, %dma_start3A_447] : memref<2560x128xi32, #tpu.memory_space<hbm>> -> memref<80x128xi32, #tpu.memory_space<hbm>>
      %dma_start3A_449 = arith.constant 0 : i32
      %dma_start3A_450 = tpu.memref_slice %arg3[%mul3A_392, %dma_start3A_449] : memref<2560x128xi32, #tpu.memory_space<hbm>> -> memref<80x128xi32, #tpu.memory_space<hbm>>
      tpu.enqueue_dma source(%dma_start3A_450 : memref<80x128xi32, #tpu.memory_space<hbm>>) target(%arg6 : memref<80x128xi32, #tpu.memory_space<vmem>>) target_semaphore(%run_scoped3A : memref<!tpu.dma_semaphore, #tpu.memory_space<semaphore_mem>>)
      %dma_wait3A_451 = arith.constant 0 : i32
      %dma_wait3A_452 = tpu.memref_slice %arg3[%mul3A_392, %dma_wait3A_451] : memref<2560x128xi32, #tpu.memory_space<hbm>> -> memref<80x128xi32, #tpu.memory_space<hbm>>
      %dma_wait3A_453 = arith.constant 0 : i32
      %dma_wait3A_454 = tpu.memref_slice %arg3[%mul3A_392, %dma_wait3A_453] : memref<2560x128xi32, #tpu.memory_space<hbm>> -> memref<80x128xi32, #tpu.memory_space<hbm>>
      tpu.wait_dma2 semaphore(%run_scoped3A : memref<!tpu.dma_semaphore, #tpu.memory_space<semaphore_mem>>) src(%dma_wait3A_454 : memref<80x128xi32, #tpu.memory_space<hbm>>) dst(%arg6 : memref<80x128xi32, #tpu.memory_space<vmem>>)
      tpu.yield
    }) : () -> ()
    %mul3A_393 = arith.constant 80 : i32
    %mul3A_394 = arith.muli %add3A, %mul3A_393 : i32
    "tpu.region"() ({
      %run_scoped3A = tpu.sem_alloc : memref<!tpu.dma_semaphore, #tpu.memory_space<semaphore_mem>>
      %dma_start3A_447 = arith.constant 0 : i32
      %dma_start3A_448 = tpu.memref_slice %arg4[%mul3A_394, %dma_start3A_447] : memref<2560x128xi32, #tpu.memory_space<hbm>> -> memref<80x128xi32, #tpu.memory_space<hbm>>
      %dma_start3A_449 = arith.constant 0 : i32
      %dma_start3A_450 = tpu.memref_slice %arg4[%mul3A_394, %dma_start3A_449] : memref<2560x128xi32, #tpu.memory_space<hbm>> -> memref<80x128xi32, #tpu.memory_space<hbm>>
      tpu.enqueue_dma source(%dma_start3A_450 : memref<80x128xi32, #tpu.memory_space<hbm>>) target(%arg7 : memref<80x128xi32, #tpu.memory_space<vmem>>) target_semaphore(%run_scoped3A : memref<!tpu.dma_semaphore, #tpu.memory_space<semaphore_mem>>)
      %dma_wait3A_451 = arith.constant 0 : i32
      %dma_wait3A_452 = tpu.memref_slice %arg4[%mul3A_394, %dma_wait3A_451] : memref<2560x128xi32, #tpu.memory_space<hbm>> -> memref<80x128xi32, #tpu.memory_space<hbm>>
      %dma_wait3A_453 = arith.constant 0 : i32
      %dma_wait3A_454 = tpu.memref_slice %arg4[%mul3A_394, %dma_wait3A_453] : memref<2560x128xi32, #tpu.memory_space<hbm>> -> memref<80x128xi32, #tpu.memory_space<hbm>>
      tpu.wait_dma2 semaphore(%run_scoped3A : memref<!tpu.dma_semaphore, #tpu.memory_space<semaphore_mem>>) src(%dma_wait3A_454 : memref<80x128xi32, #tpu.memory_space<hbm>>) dst(%arg7 : memref<80x128xi32, #tpu.memory_space<vmem>>)
      tpu.yield
    }) : () -> ()
    %barrier3A = arith.constant 0 : index
    tpu.barrier barrier_id(%barrier3A)
    %dma_start3A = arith.constant 0 : i32
    %dma_start3A_395 = arith.constant 0 : i32
    %dma_start3A_396 = tpu.memref_slice %arg6[%dma_start3A, %dma_start3A_395] : memref<80x128xi32, #tpu.memory_space<vmem>> -> memref<1x128xi32, #tpu.memory_space<vmem>>
    %dma_start3A_397 = tpu.memref_squeeze %dma_start3A_396 : memref<1x128xi32, #tpu.memory_space<vmem>> -> memref<128xi32, #tpu.memory_space<vmem>>
    %dma_start3A_398 = arith.constant 0 : i32
    %dma_start3A_399 = arith.constant 0 : i32
    %dma_start3A_400 = tpu.memref_slice %arg2[%dma_start3A_398, %dma_start3A_399] : memref<10240x64xf32, #tpu.memory_space<hbm>> -> memref<10240x64xf32, #tpu.memory_space<hbm>>
    tpu.enqueue_indirect_dma source(%dma_start3A_400 : memref<10240x64xf32, #tpu.memory_space<hbm>>) target(%arg8 : memref<128x64xf32, #tpu.memory_space<vmem>>) offsets(%dma_start3A_397 : memref<128xi32, #tpu.memory_space<vmem>>) semaphore(%arg14 : memref<!tpu.dma_semaphore, #tpu.memory_space<semaphore_mem>>)
    %dma_start3A_401 = arith.constant 1 : i32
    %dma_start3A_402 = arith.constant 0 : i32
    %dma_start3A_403 = tpu.memref_slice %arg6[%dma_start3A_401, %dma_start3A_402] : memref<80x128xi32, #tpu.memory_space<vmem>> -> memref<1x128xi32, #tpu.memory_space<vmem>>
    %dma_start3A_404 = tpu.memref_squeeze %dma_start3A_403 : memref<1x128xi32, #tpu.memory_space<vmem>> -> memref<128xi32, #tpu.memory_space<vmem>>
    %dma_start3A_405 = arith.constant 0 : i32
    %dma_start3A_406 = arith.constant 0 : i32
    %dma_start3A_407 = tpu.memref_slice %arg2[%dma_start3A_405, %dma_start3A_406] : memref<10240x64xf32, #tpu.memory_space<hbm>> -> memref<10240x64xf32, #tpu.memory_space<hbm>>
    tpu.enqueue_indirect_dma source(%dma_start3A_407 : memref<10240x64xf32, #tpu.memory_space<hbm>>) target(%arg9 : memref<128x64xf32, #tpu.memory_space<vmem>>) offsets(%dma_start3A_404 : memref<128xi32, #tpu.memory_space<vmem>>) semaphore(%arg15 : memref<!tpu.dma_semaphore, #tpu.memory_space<semaphore_mem>>)
    %dma_start3A_408 = arith.constant 2 : i32
    %dma_start3A_409 = arith.constant 0 : i32
    %dma_start3A_410 = tpu.memref_slice %arg6[%dma_start3A_408, %dma_start3A_409] : memref<80x128xi32, #tpu.memory_space<vmem>> -> memref<1x128xi32, #tpu.memory_space<vmem>>
    %dma_start3A_411 = tpu.memref_squeeze %dma_start3A_410 : memref<1x128xi32, #tpu.memory_space<vmem>> -> memref<128xi32, #tpu.memory_space<vmem>>
    %dma_start3A_412 = arith.constant 0 : i32
    %dma_start3A_413 = arith.constant 0 : i32
    %dma_start3A_414 = tpu.memref_slice %arg2[%dma_start3A_412, %dma_start3A_413] : memref<10240x64xf32, #tpu.memory_space<hbm>> -> memref<10240x64xf32, #tpu.memory_space<hbm>>
    tpu.enqueue_indirect_dma source(%dma_start3A_414 : memref<10240x64xf32, #tpu.memory_space<hbm>>) target(%arg10 : memref<128x64xf32, #tpu.memory_space<vmem>>) offsets(%dma_start3A_411 : memref<128xi32, #tpu.memory_space<vmem>>) semaphore(%arg16 : memref<!tpu.dma_semaphore, #tpu.memory_space<semaphore_mem>>)
    %scan3A_415 = arith.constant 0 : i32
    %scan3A_416 = arith.constant 0 : i32
    %scan3A_417 = arith.constant 20 : i32
    %scan3A_418 = arith.addi %scan3A_416, %scan3A_417 : i32
    %scan3A_419 = arith.constant 1 : i32
    %scan3A_420 = scf.for %scan3A_447 = %scan3A_416 to %scan3A_418 step %scan3A_419 iter_args(%scan3A_448 = %scan3A_415) -> (i32)  : i32 {
      %mul3A_449 = arith.constant 4 : i32
      %mul3A_450 = arith.muli %scan3A_447, %mul3A_449 : i32
      %add3A_451 = arith.constant 0 : i32
      %add3A_452 = arith.addi %mul3A_450, %add3A_451 : i32
      %dma_wait3A_453 = arith.constant 0 : i32
      %dma_wait3A_454 = tpu.memref_slice %arg6[%add3A_452, %dma_wait3A_453] : memref<80x128xi32, #tpu.memory_space<vmem>> -> memref<1x128xi32, #tpu.memory_space<vmem>>
      %dma_wait3A_455 = tpu.memref_squeeze %dma_wait3A_454 : memref<1x128xi32, #tpu.memory_space<vmem>> -> memref<128xi32, #tpu.memory_space<vmem>>
      %dma_wait3A_456 = arith.constant 0 : i32
      %dma_wait3A_457 = arith.constant 0 : i32
      %dma_wait3A_458 = tpu.memref_slice %arg2[%dma_wait3A_456, %dma_wait3A_457] : memref<10240x64xf32, #tpu.memory_space<hbm>> -> memref<10240x64xf32, #tpu.memory_space<hbm>>
      tpu.wait_indirect_dma semaphore(%arg14 : memref<!tpu.dma_semaphore, #tpu.memory_space<semaphore_mem>>) src(%dma_wait3A_458 : memref<10240x64xf32, #tpu.memory_space<hbm>>) dst(%arg8 : memref<128x64xf32, #tpu.memory_space<vmem>>)
      "tpu.region"() ({
        %run_scoped3A = tpu.sem_alloc : memref<!tpu.dma_semaphore, #tpu.memory_space<semaphore_mem>>
        %dma_start3A_531 = arith.constant 0 : i32
        %dma_start3A_532 = tpu.memref_slice %arg7[%add3A_452, %dma_start3A_531] : memref<80x128xi32, #tpu.memory_space<vmem>> -> memref<1x128xi32, #tpu.memory_space<vmem>>
        %dma_start3A_533 = tpu.memref_squeeze %dma_start3A_532 : memref<1x128xi32, #tpu.memory_space<vmem>> -> memref<128xi32, #tpu.memory_space<vmem>>
        %dma_start3A_534 = arith.constant 0 : i32
        %dma_start3A_535 = arith.constant 0 : i32
        %dma_start3A_536 = tpu.memref_slice %arg13[%dma_start3A_534, %dma_start3A_535] : memref<10240x64xf32, #tpu.memory_space<vmem_shared>> -> memref<10240x64xf32, #tpu.memory_space<vmem_shared>>
        tpu.enqueue_indirect_dma source(%arg8 : memref<128x64xf32, #tpu.memory_space<vmem>>) target(%dma_start3A_536 : memref<10240x64xf32, #tpu.memory_space<vmem_shared>>) offsets(%dma_start3A_533 : memref<128xi32, #tpu.memory_space<vmem>>) semaphore(%run_scoped3A : memref<!tpu.dma_semaphore, #tpu.memory_space<semaphore_mem>>) {add = true}
        %dma_wait3A_537 = arith.constant 0 : i32
        %dma_wait3A_538 = tpu.memref_slice %arg7[%add3A_452, %dma_wait3A_537] : memref<80x128xi32, #tpu.memory_space<vmem>> -> memref<1x128xi32, #tpu.memory_space<vmem>>
        %dma_wait3A_539 = tpu.memref_squeeze %dma_wait3A_538 : memref<1x128xi32, #tpu.memory_space<vmem>> -> memref<128xi32, #tpu.memory_space<vmem>>
        %dma_wait3A_540 = arith.constant 0 : i32
        %dma_wait3A_541 = arith.constant 0 : i32
        %dma_wait3A_542 = tpu.memref_slice %arg13[%dma_wait3A_540, %dma_wait3A_541] : memref<10240x64xf32, #tpu.memory_space<vmem_shared>> -> memref<10240x64xf32, #tpu.memory_space<vmem_shared>>
        tpu.wait_indirect_dma semaphore(%run_scoped3A : memref<!tpu.dma_semaphore, #tpu.memory_space<semaphore_mem>>) src(%arg8 : memref<128x64xf32, #tpu.memory_space<vmem>>) dst(%dma_wait3A_542 : memref<10240x64xf32, #tpu.memory_space<vmem_shared>>)
        tpu.yield
      }) : () -> ()
      %add3A_459 = arith.constant 0 : i32
      %add3A_460 = arith.addi %mul3A_450, %add3A_459 : i32
      %add3A_461 = arith.constant 3 : i32
      %add3A_462 = arith.addi %add3A_460, %add3A_461 : i32
      %min3A = arith.constant 79 : i32
      %min3A_463 = arith.minsi %add3A_462, %min3A : i32
      %dma_start3A_464 = arith.constant 0 : i32
      %dma_start3A_465 = tpu.memref_slice %arg6[%min3A_463, %dma_start3A_464] : memref<80x128xi32, #tpu.memory_space<vmem>> -> memref<1x128xi32, #tpu.memory_space<vmem>>
      %dma_start3A_466 = tpu.memref_squeeze %dma_start3A_465 : memref<1x128xi32, #tpu.memory_space<vmem>> -> memref<128xi32, #tpu.memory_space<vmem>>
      %dma_start3A_467 = arith.constant 0 : i32
      %dma_start3A_468 = arith.constant 0 : i32
      %dma_start3A_469 = tpu.memref_slice %arg2[%dma_start3A_467, %dma_start3A_468] : memref<10240x64xf32, #tpu.memory_space<hbm>> -> memref<10240x64xf32, #tpu.memory_space<hbm>>
      tpu.enqueue_indirect_dma source(%dma_start3A_469 : memref<10240x64xf32, #tpu.memory_space<hbm>>) target(%arg11 : memref<128x64xf32, #tpu.memory_space<vmem>>) offsets(%dma_start3A_466 : memref<128xi32, #tpu.memory_space<vmem>>) semaphore(%arg17 : memref<!tpu.dma_semaphore, #tpu.memory_space<semaphore_mem>>)
      %add3A_470 = arith.constant 1 : i32
      %add3A_471 = arith.addi %mul3A_450, %add3A_470 : i32
      %dma_wait3A_472 = arith.constant 0 : i32
      %dma_wait3A_473 = tpu.memref_slice %arg6[%add3A_471, %dma_wait3A_472] : memref<80x128xi32, #tpu.memory_space<vmem>> -> memref<1x128xi32, #tpu.memory_space<vmem>>
      %dma_wait3A_474 = tpu.memref_squeeze %dma_wait3A_473 : memref<1x128xi32, #tpu.memory_space<vmem>> -> memref<128xi32, #tpu.memory_space<vmem>>
      %dma_wait3A_475 = arith.constant 0 : i32
      %dma_wait3A_476 = arith.constant 0 : i32
      %dma_wait3A_477 = tpu.memref_slice %arg2[%dma_wait3A_475, %dma_wait3A_476] : memref<10240x64xf32, #tpu.memory_space<hbm>> -> memref<10240x64xf32, #tpu.memory_space<hbm>>
      tpu.wait_indirect_dma semaphore(%arg15 : memref<!tpu.dma_semaphore, #tpu.memory_space<semaphore_mem>>) src(%dma_wait3A_477 : memref<10240x64xf32, #tpu.memory_space<hbm>>) dst(%arg9 : memref<128x64xf32, #tpu.memory_space<vmem>>)
      "tpu.region"() ({
        %run_scoped3A = tpu.sem_alloc : memref<!tpu.dma_semaphore, #tpu.memory_space<semaphore_mem>>
        %dma_start3A_531 = arith.constant 0 : i32
        %dma_start3A_532 = tpu.memref_slice %arg7[%add3A_471, %dma_start3A_531] : memref<80x128xi32, #tpu.memory_space<vmem>> -> memref<1x128xi32, #tpu.memory_space<vmem>>
        %dma_start3A_533 = tpu.memref_squeeze %dma_start3A_532 : memref<1x128xi32, #tpu.memory_space<vmem>> -> memref<128xi32, #tpu.memory_space<vmem>>
        %dma_start3A_534 = arith.constant 0 : i32
        %dma_start3A_535 = arith.constant 0 : i32
        %dma_start3A_536 = tpu.memref_slice %arg13[%dma_start3A_534, %dma_start3A_535] : memref<10240x64xf32, #tpu.memory_space<vmem_shared>> -> memref<10240x64xf32, #tpu.memory_space<vmem_shared>>
        tpu.enqueue_indirect_dma source(%arg9 : memref<128x64xf32, #tpu.memory_space<vmem>>) target(%dma_start3A_536 : memref<10240x64xf32, #tpu.memory_space<vmem_shared>>) offsets(%dma_start3A_533 : memref<128xi32, #tpu.memory_space<vmem>>) semaphore(%run_scoped3A : memref<!tpu.dma_semaphore, #tpu.memory_space<semaphore_mem>>) {add = true}
        %dma_wait3A_537 = arith.constant 0 : i32
        %dma_wait3A_538 = tpu.memref_slice %arg7[%add3A_471, %dma_wait3A_537] : memref<80x128xi32, #tpu.memory_space<vmem>> -> memref<1x128xi32, #tpu.memory_space<vmem>>
        %dma_wait3A_539 = tpu.memref_squeeze %dma_wait3A_538 : memref<1x128xi32, #tpu.memory_space<vmem>> -> memref<128xi32, #tpu.memory_space<vmem>>
        %dma_wait3A_540 = arith.constant 0 : i32
        %dma_wait3A_541 = arith.constant 0 : i32
        %dma_wait3A_542 = tpu.memref_slice %arg13[%dma_wait3A_540, %dma_wait3A_541] : memref<10240x64xf32, #tpu.memory_space<vmem_shared>> -> memref<10240x64xf32, #tpu.memory_space<vmem_shared>>
        tpu.wait_indirect_dma semaphore(%run_scoped3A : memref<!tpu.dma_semaphore, #tpu.memory_space<semaphore_mem>>) src(%arg9 : memref<128x64xf32, #tpu.memory_space<vmem>>) dst(%dma_wait3A_542 : memref<10240x64xf32, #tpu.memory_space<vmem_shared>>)
        tpu.yield
      }) : () -> ()
      %add3A_478 = arith.constant 1 : i32
      %add3A_479 = arith.addi %mul3A_450, %add3A_478 : i32
      %add3A_480 = arith.constant 3 : i32
      %add3A_481 = arith.addi %add3A_479, %add3A_480 : i32
      %min3A_482 = arith.constant 79 : i32
      %min3A_483 = arith.minsi %add3A_481, %min3A_482 : i32
      %dma_start3A_484 = arith.constant 0 : i32
      %dma_start3A_485 = tpu.memref_slice %arg6[%min3A_483, %dma_start3A_484] : memref<80x128xi32, #tpu.memory_space<vmem>> -> memref<1x128xi32, #tpu.memory_space<vmem>>
      %dma_start3A_486 = tpu.memref_squeeze %dma_start3A_485 : memref<1x128xi32, #tpu.memory_space<vmem>> -> memref<128xi32, #tpu.memory_space<vmem>>
      %dma_start3A_487 = arith.constant 0 : i32
      %dma_start3A_488 = arith.constant 0 : i32
      %dma_start3A_489 = tpu.memref_slice %arg2[%dma_start3A_487, %dma_start3A_488] : memref<10240x64xf32, #tpu.memory_space<hbm>> -> memref<10240x64xf32, #tpu.memory_space<hbm>>
      tpu.enqueue_indirect_dma source(%dma_start3A_489 : memref<10240x64xf32, #tpu.memory_space<hbm>>) target(%arg8 : memref<128x64xf32, #tpu.memory_space<vmem>>) offsets(%dma_start3A_486 : memref<128xi32, #tpu.memory_space<vmem>>) semaphore(%arg14 : memref<!tpu.dma_semaphore, #tpu.memory_space<semaphore_mem>>)
      %add3A_490 = arith.constant 2 : i32
      %add3A_491 = arith.addi %mul3A_450, %add3A_490 : i32
      %dma_wait3A_492 = arith.constant 0 : i32
      %dma_wait3A_493 = tpu.memref_slice %arg6[%add3A_491, %dma_wait3A_492] : memref<80x128xi32, #tpu.memory_space<vmem>> -> memref<1x128xi32, #tpu.memory_space<vmem>>
      %dma_wait3A_494 = tpu.memref_squeeze %dma_wait3A_493 : memref<1x128xi32, #tpu.memory_space<vmem>> -> memref<128xi32, #tpu.memory_space<vmem>>
      %dma_wait3A_495 = arith.constant 0 : i32
      %dma_wait3A_496 = arith.constant 0 : i32
      %dma_wait3A_497 = tpu.memref_slice %arg2[%dma_wait3A_495, %dma_wait3A_496] : memref<10240x64xf32, #tpu.memory_space<hbm>> -> memref<10240x64xf32, #tpu.memory_space<hbm>>
      tpu.wait_indirect_dma semaphore(%arg16 : memref<!tpu.dma_semaphore, #tpu.memory_space<semaphore_mem>>) src(%dma_wait3A_497 : memref<10240x64xf32, #tpu.memory_space<hbm>>) dst(%arg10 : memref<128x64xf32, #tpu.memory_space<vmem>>)
      "tpu.region"() ({
        %run_scoped3A = tpu.sem_alloc : memref<!tpu.dma_semaphore, #tpu.memory_space<semaphore_mem>>
        %dma_start3A_531 = arith.constant 0 : i32
        %dma_start3A_532 = tpu.memref_slice %arg7[%add3A_491, %dma_start3A_531] : memref<80x128xi32, #tpu.memory_space<vmem>> -> memref<1x128xi32, #tpu.memory_space<vmem>>
        %dma_start3A_533 = tpu.memref_squeeze %dma_start3A_532 : memref<1x128xi32, #tpu.memory_space<vmem>> -> memref<128xi32, #tpu.memory_space<vmem>>
        %dma_start3A_534 = arith.constant 0 : i32
        %dma_start3A_535 = arith.constant 0 : i32
        %dma_start3A_536 = tpu.memref_slice %arg13[%dma_start3A_534, %dma_start3A_535] : memref<10240x64xf32, #tpu.memory_space<vmem_shared>> -> memref<10240x64xf32, #tpu.memory_space<vmem_shared>>
        tpu.enqueue_indirect_dma source(%arg10 : memref<128x64xf32, #tpu.memory_space<vmem>>) target(%dma_start3A_536 : memref<10240x64xf32, #tpu.memory_space<vmem_shared>>) offsets(%dma_start3A_533 : memref<128xi32, #tpu.memory_space<vmem>>) semaphore(%run_scoped3A : memref<!tpu.dma_semaphore, #tpu.memory_space<semaphore_mem>>) {add = true}
        %dma_wait3A_537 = arith.constant 0 : i32
        %dma_wait3A_538 = tpu.memref_slice %arg7[%add3A_491, %dma_wait3A_537] : memref<80x128xi32, #tpu.memory_space<vmem>> -> memref<1x128xi32, #tpu.memory_space<vmem>>
        %dma_wait3A_539 = tpu.memref_squeeze %dma_wait3A_538 : memref<1x128xi32, #tpu.memory_space<vmem>> -> memref<128xi32, #tpu.memory_space<vmem>>
        %dma_wait3A_540 = arith.constant 0 : i32
        %dma_wait3A_541 = arith.constant 0 : i32
        %dma_wait3A_542 = tpu.memref_slice %arg13[%dma_wait3A_540, %dma_wait3A_541] : memref<10240x64xf32, #tpu.memory_space<vmem_shared>> -> memref<10240x64xf32, #tpu.memory_space<vmem_shared>>
        tpu.wait_indirect_dma semaphore(%run_scoped3A : memref<!tpu.dma_semaphore, #tpu.memory_space<semaphore_mem>>) src(%arg10 : memref<128x64xf32, #tpu.memory_space<vmem>>) dst(%dma_wait3A_542 : memref<10240x64xf32, #tpu.memory_space<vmem_shared>>)
        tpu.yield
      }) : () -> ()
      %add3A_498 = arith.constant 2 : i32
      %add3A_499 = arith.addi %mul3A_450, %add3A_498 : i32
      %add3A_500 = arith.constant 3 : i32
      %add3A_501 = arith.addi %add3A_499, %add3A_500 : i32
      %min3A_502 = arith.constant 79 : i32
      %min3A_503 = arith.minsi %add3A_501, %min3A_502 : i32
      %dma_start3A_504 = arith.constant 0 : i32
      %dma_start3A_505 = tpu.memref_slice %arg6[%min3A_503, %dma_start3A_504] : memref<80x128xi32, #tpu.memory_space<vmem>> -> memref<1x128xi32, #tpu.memory_space<vmem>>
      %dma_start3A_506 = tpu.memref_squeeze %dma_start3A_505 : memref<1x128xi32, #tpu.memory_space<vmem>> -> memref<128xi32, #tpu.memory_space<vmem>>
      %dma_start3A_507 = arith.constant 0 : i32
      %dma_start3A_508 = arith.constant 0 : i32
      %dma_start3A_509 = tpu.memref_slice %arg2[%dma_start3A_507, %dma_start3A_508] : memref<10240x64xf32, #tpu.memory_space<hbm>> -> memref<10240x64xf32, #tpu.memory_space<hbm>>
      tpu.enqueue_indirect_dma source(%dma_start3A_509 : memref<10240x64xf32, #tpu.memory_space<hbm>>) target(%arg9 : memref<128x64xf32, #tpu.memory_space<vmem>>) offsets(%dma_start3A_506 : memref<128xi32, #tpu.memory_space<vmem>>) semaphore(%arg15 : memref<!tpu.dma_semaphore, #tpu.memory_space<semaphore_mem>>)
      %add3A_510 = arith.constant 3 : i32
      %add3A_511 = arith.addi %mul3A_450, %add3A_510 : i32
      %dma_wait3A_512 = arith.constant 0 : i32
      %dma_wait3A_513 = tpu.memref_slice %arg6[%add3A_511, %dma_wait3A_512] : memref<80x128xi32, #tpu.memory_space<vmem>> -> memref<1x128xi32, #tpu.memory_space<vmem>>
      %dma_wait3A_514 = tpu.memref_squeeze %dma_wait3A_513 : memref<1x128xi32, #tpu.memory_space<vmem>> -> memref<128xi32, #tpu.memory_space<vmem>>
      %dma_wait3A_515 = arith.constant 0 : i32
      %dma_wait3A_516 = arith.constant 0 : i32
      %dma_wait3A_517 = tpu.memref_slice %arg2[%dma_wait3A_515, %dma_wait3A_516] : memref<10240x64xf32, #tpu.memory_space<hbm>> -> memref<10240x64xf32, #tpu.memory_space<hbm>>
      tpu.wait_indirect_dma semaphore(%arg17 : memref<!tpu.dma_semaphore, #tpu.memory_space<semaphore_mem>>) src(%dma_wait3A_517 : memref<10240x64xf32, #tpu.memory_space<hbm>>) dst(%arg11 : memref<128x64xf32, #tpu.memory_space<vmem>>)
      "tpu.region"() ({
        %run_scoped3A = tpu.sem_alloc : memref<!tpu.dma_semaphore, #tpu.memory_space<semaphore_mem>>
        %dma_start3A_531 = arith.constant 0 : i32
        %dma_start3A_532 = tpu.memref_slice %arg7[%add3A_511, %dma_start3A_531] : memref<80x128xi32, #tpu.memory_space<vmem>> -> memref<1x128xi32, #tpu.memory_space<vmem>>
        %dma_start3A_533 = tpu.memref_squeeze %dma_start3A_532 : memref<1x128xi32, #tpu.memory_space<vmem>> -> memref<128xi32, #tpu.memory_space<vmem>>
        %dma_start3A_534 = arith.constant 0 : i32
        %dma_start3A_535 = arith.constant 0 : i32
        %dma_start3A_536 = tpu.memref_slice %arg13[%dma_start3A_534, %dma_start3A_535] : memref<10240x64xf32, #tpu.memory_space<vmem_shared>> -> memref<10240x64xf32, #tpu.memory_space<vmem_shared>>
        tpu.enqueue_indirect_dma source(%arg11 : memref<128x64xf32, #tpu.memory_space<vmem>>) target(%dma_start3A_536 : memref<10240x64xf32, #tpu.memory_space<vmem_shared>>) offsets(%dma_start3A_533 : memref<128xi32, #tpu.memory_space<vmem>>) semaphore(%run_scoped3A : memref<!tpu.dma_semaphore, #tpu.memory_space<semaphore_mem>>) {add = true}
        %dma_wait3A_537 = arith.constant 0 : i32
        %dma_wait3A_538 = tpu.memref_slice %arg7[%add3A_511, %dma_wait3A_537] : memref<80x128xi32, #tpu.memory_space<vmem>> -> memref<1x128xi32, #tpu.memory_space<vmem>>
        %dma_wait3A_539 = tpu.memref_squeeze %dma_wait3A_538 : memref<1x128xi32, #tpu.memory_space<vmem>> -> memref<128xi32, #tpu.memory_space<vmem>>
        %dma_wait3A_540 = arith.constant 0 : i32
        %dma_wait3A_541 = arith.constant 0 : i32
        %dma_wait3A_542 = tpu.memref_slice %arg13[%dma_wait3A_540, %dma_wait3A_541] : memref<10240x64xf32, #tpu.memory_space<vmem_shared>> -> memref<10240x64xf32, #tpu.memory_space<vmem_shared>>
        tpu.wait_indirect_dma semaphore(%run_scoped3A : memref<!tpu.dma_semaphore, #tpu.memory_space<semaphore_mem>>) src(%arg11 : memref<128x64xf32, #tpu.memory_space<vmem>>) dst(%dma_wait3A_542 : memref<10240x64xf32, #tpu.memory_space<vmem_shared>>)
        tpu.yield
      }) : () -> ()
      %add3A_518 = arith.constant 3 : i32
      %add3A_519 = arith.addi %mul3A_450, %add3A_518 : i32
      %add3A_520 = arith.constant 3 : i32
      %add3A_521 = arith.addi %add3A_519, %add3A_520 : i32
      %min3A_522 = arith.constant 79 : i32
      %min3A_523 = arith.minsi %add3A_521, %min3A_522 : i32
      %dma_start3A_524 = arith.constant 0 : i32
      %dma_start3A_525 = tpu.memref_slice %arg6[%min3A_523, %dma_start3A_524] : memref<80x128xi32, #tpu.memory_space<vmem>> -> memref<1x128xi32, #tpu.memory_space<vmem>>
      %dma_start3A_526 = tpu.memref_squeeze %dma_start3A_525 : memref<1x128xi32, #tpu.memory_space<vmem>> -> memref<128xi32, #tpu.memory_space<vmem>>
      %dma_start3A_527 = arith.constant 0 : i32
      %dma_start3A_528 = arith.constant 0 : i32
      %dma_start3A_529 = tpu.memref_slice %arg2[%dma_start3A_527, %dma_start3A_528] : memref<10240x64xf32, #tpu.memory_space<hbm>> -> memref<10240x64xf32, #tpu.memory_space<hbm>>
      tpu.enqueue_indirect_dma source(%dma_start3A_529 : memref<10240x64xf32, #tpu.memory_space<hbm>>) target(%arg10 : memref<128x64xf32, #tpu.memory_space<vmem>>) offsets(%dma_start3A_526 : memref<128xi32, #tpu.memory_space<vmem>>) semaphore(%arg16 : memref<!tpu.dma_semaphore, #tpu.memory_space<semaphore_mem>>)
      %scan3A_530 = arith.constant 0 : i32
      scf.yield %scan3A_530 : i32
    }
    %scan3A_421 = arith.constant 20 : i32
    %dma_wait3A = arith.constant 0 : i32
    %dma_wait3A_422 = arith.constant 0 : i32
    %dma_wait3A_423 = tpu.memref_slice %arg6[%dma_wait3A, %dma_wait3A_422] : memref<80x128xi32, #tpu.memory_space<vmem>> -> memref<1x128xi32, #tpu.memory_space<vmem>>
    %dma_wait3A_424 = tpu.memref_squeeze %dma_wait3A_423 : memref<1x128xi32, #tpu.memory_space<vmem>> -> memref<128xi32, #tpu.memory_space<vmem>>
    %dma_wait3A_425 = arith.constant 0 : i32
    %dma_wait3A_426 = arith.constant 0 : i32
    %dma_wait3A_427 = tpu.memref_slice %arg2[%dma_wait3A_425, %dma_wait3A_426] : memref<10240x64xf32, #tpu.memory_space<hbm>> -> memref<10240x64xf32, #tpu.memory_space<hbm>>
    tpu.wait_indirect_dma semaphore(%arg14 : memref<!tpu.dma_semaphore, #tpu.memory_space<semaphore_mem>>) src(%dma_wait3A_427 : memref<10240x64xf32, #tpu.memory_space<hbm>>) dst(%arg8 : memref<128x64xf32, #tpu.memory_space<vmem>>)
    %dma_wait3A_428 = arith.constant 0 : i32
    %dma_wait3A_429 = arith.constant 0 : i32
    %dma_wait3A_430 = tpu.memref_slice %arg6[%dma_wait3A_428, %dma_wait3A_429] : memref<80x128xi32, #tpu.memory_space<vmem>> -> memref<1x128xi32, #tpu.memory_space<vmem>>
    %dma_wait3A_431 = tpu.memref_squeeze %dma_wait3A_430 : memref<1x128xi32, #tpu.memory_space<vmem>> -> memref<128xi32, #tpu.memory_space<vmem>>
    %dma_wait3A_432 = arith.constant 0 : i32
    %dma_wait3A_433 = arith.constant 0 : i32
    %dma_wait3A_434 = tpu.memref_slice %arg2[%dma_wait3A_432, %dma_wait3A_433] : memref<10240x64xf32, #tpu.memory_space<hbm>> -> memref<10240x64xf32, #tpu.memory_space<hbm>>
    tpu.wait_indirect_dma semaphore(%arg15 : memref<!tpu.dma_semaphore, #tpu.memory_space<semaphore_mem>>) src(%dma_wait3A_434 : memref<10240x64xf32, #tpu.memory_space<hbm>>) dst(%arg9 : memref<128x64xf32, #tpu.memory_space<vmem>>)
    %dma_wait3A_435 = arith.constant 0 : i32
    %dma_wait3A_436 = arith.constant 0 : i32
    %dma_wait3A_437 = tpu.memref_slice %arg6[%dma_wait3A_435, %dma_wait3A_436] : memref<80x128xi32, #tpu.memory_space<vmem>> -> memref<1x128xi32, #tpu.memory_space<vmem>>
    %dma_wait3A_438 = tpu.memref_squeeze %dma_wait3A_437 : memref<1x128xi32, #tpu.memory_space<vmem>> -> memref<128xi32, #tpu.memory_space<vmem>>
    %dma_wait3A_439 = arith.constant 0 : i32
    %dma_wait3A_440 = arith.constant 0 : i32
    %dma_wait3A_441 = tpu.memref_slice %arg2[%dma_wait3A_439, %dma_wait3A_440] : memref<10240x64xf32, #tpu.memory_space<hbm>> -> memref<10240x64xf32, #tpu.memory_space<hbm>>
    tpu.wait_indirect_dma semaphore(%arg16 : memref<!tpu.dma_semaphore, #tpu.memory_space<semaphore_mem>>) src(%dma_wait3A_441 : memref<10240x64xf32, #tpu.memory_space<hbm>>) dst(%arg10 : memref<128x64xf32, #tpu.memory_space<vmem>>)
    %barrier3A_442 = arith.constant 0 : index
    tpu.barrier barrier_id(%barrier3A_442)
    %mul3A_443 = arith.constant 640 : i32
    %mul3A_444 = arith.muli %arg1, %mul3A_443 : i32
    %mul3A_445 = arith.constant 640 : i32
    %mul3A_446 = arith.muli %arg1, %mul3A_445 : i32
    "tpu.region"() ({
      %run_scoped3A = tpu.sem_alloc : memref<!tpu.dma_semaphore, #tpu.memory_space<semaphore_mem>>
      %dma_start3A_447 = arith.constant 0 : i32
      %dma_start3A_448 = tpu.memref_slice %arg5[%arg0, %mul3A_446, %dma_start3A_447] : memref<2x10240x64xf32, #tpu.memory_space<hbm>> -> memref<1x640x64xf32, #tpu.memory_space<hbm>>
      %dma_start3A_449 = tpu.memref_squeeze %dma_start3A_448 : memref<1x640x64xf32, #tpu.memory_space<hbm>> -> memref<640x64xf32, #tpu.memory_space<hbm>>
      %dma_start3A_450 = arith.constant 0 : i32
      %dma_start3A_451 = tpu.memref_slice %arg13[%mul3A_444, %dma_start3A_450] : memref<10240x64xf32, #tpu.memory_space<vmem_shared>> -> memref<640x64xf32, #tpu.memory_space<vmem_shared>>
      tpu.enqueue_dma source(%dma_start3A_451 : memref<640x64xf32, #tpu.memory_space<vmem_shared>>) target(%dma_start3A_449 : memref<640x64xf32, #tpu.memory_space<hbm>>) target_semaphore(%run_scoped3A : memref<!tpu.dma_semaphore, #tpu.memory_space<semaphore_mem>>)
      %dma_wait3A_452 = arith.constant 0 : i32
      %dma_wait3A_453 = tpu.memref_slice %arg5[%arg0, %mul3A_446, %dma_wait3A_452] : memref<2x10240x64xf32, #tpu.memory_space<hbm>> -> memref<1x640x64xf32, #tpu.memory_space<hbm>>
      %dma_wait3A_454 = tpu.memref_squeeze %dma_wait3A_453 : memref<1x640x64xf32, #tpu.memory_space<hbm>> -> memref<640x64xf32, #tpu.memory_space<hbm>>
      %dma_wait3A_455 = arith.constant 0 : i32
      %dma_wait3A_456 = tpu.memref_slice %arg13[%mul3A_444, %dma_wait3A_455] : memref<10240x64xf32, #tpu.memory_space<vmem_shared>> -> memref<640x64xf32, #tpu.memory_space<vmem_shared>>
      tpu.wait_dma2 semaphore(%run_scoped3A : memref<!tpu.dma_semaphore, #tpu.memory_space<semaphore_mem>>) src(%dma_wait3A_456 : memref<640x64xf32, #tpu.memory_space<vmem_shared>>) dst(%dma_wait3A_454 : memref<640x64xf32, #tpu.memory_space<hbm>>)
      tpu.yield
    }) : () -> ()
    return
  }
}

#map = affine_map<(d0, d1) -> (0, 0)>
#map1 = affine_map<(d0, d1) -> (0, 0, 0)>
module attributes {stable_mosaic.version = 14 : i64} {
  func.func @_seg_sum_body(%arg0: i32, %arg1: i32, %arg2: memref<10240x64xf32, #tpu.memory_space<hbm>>, %arg3: memref<2560x128xi32, #tpu.memory_space<hbm>>, %arg4: memref<2560x128xi32, #tpu.memory_space<hbm>>, %arg5: memref<2x10240x64xf32, #tpu.memory_space<hbm>>, %arg6: memref<80x128xi32, #tpu.memory_space<vmem>>, %arg7: memref<80x128xi32, #tpu.memory_space<vmem>>, %arg8: memref<128x64xf32, #tpu.memory_space<vmem>>, %arg9: memref<128x64xf32, #tpu.memory_space<vmem>>, %arg10: memref<128x64xf32, #tpu.memory_space<vmem>>, %arg11: memref<128x64xf32, #tpu.memory_space<vmem>>, %arg12: memref<16x64xf32, #tpu.memory_space<vmem>>, %arg13: memref<10240x64xf32, #tpu.memory_space<vmem_shared>>, %arg14: memref<!tpu.dma_semaphore, #tpu.memory_space<semaphore_mem>>, %arg15: memref<!tpu.dma_semaphore, #tpu.memory_space<semaphore_mem>>, %arg16: memref<!tpu.dma_semaphore, #tpu.memory_space<semaphore_mem>>, %arg17: memref<!tpu.dma_semaphore, #tpu.memory_space<semaphore_mem>>) attributes {dimension_semantics = [#tpu.dimension_semantics<core_parallel>, #tpu.dimension_semantics<subcore_parallel>], iteration_bounds = array<i64: 2, 16>, scalar_prefetch = 0 : i64, scratch_operands = 12 : i64, tpu.core_type = #tpu.core_type<sc_vector_subcore>, window_params = [{transform_indices = #map}, {transform_indices = #map}, {transform_indices = #map}, {transform_indices = #map1}]} {
    %mul3A = arith.constant 2 : i32
    %mul3A_0 = arith.muli %arg1, %mul3A : i32
    %add3A = arith.addi %mul3A_0, %arg0 : i32
    %broadcast_in_dim3A = arith.constant 0.000000e+00 : f32
    %broadcast_in_dim3A_1 = vector.broadcast %broadcast_in_dim3A : f32 to vector<16xf32>
    %swap3A = arith.constant 0 : i32
    %swap3A_2 = arith.index_cast %swap3A : i32 to index
    %swap3A_3 = arith.constant 0 : index
    %swap3A_4 = tpu.vector_load %arg12[%swap3A_2, %swap3A_3] {strides = array<i32>} : memref<16x64xf32, #tpu.memory_space<vmem>>, vector<1x16xf32>,
    %swap3A_5 = vector.shape_cast %swap3A_4 : vector<1x16xf32> to vector<16xf32>
    %swap3A_6 = vector.shape_cast %broadcast_in_dim3A_1 : vector<16xf32> to vector<1x16xf32>
    tpu.vector_store %arg12[%swap3A_2, %swap3A_3], %swap3A_6 {strides = array<i32>} : memref<16x64xf32, #tpu.memory_space<vmem>>, vector<1x16xf32>,
    %swap3A_7 = arith.constant 0 : i32
    %swap3A_8 = arith.index_cast %swap3A_7 : i32 to index
    %swap3A_9 = arith.constant 16 : index
    %swap3A_10 = tpu.vector_load %arg12[%swap3A_8, %swap3A_9] {strides = array<i32>} : memref<16x64xf32, #tpu.memory_space<vmem>>, vector<1x16xf32>,
    %swap3A_11 = vector.shape_cast %swap3A_10 : vector<1x16xf32> to vector<16xf32>
    %swap3A_12 = vector.shape_cast %broadcast_in_dim3A_1 : vector<16xf32> to vector<1x16xf32>
    tpu.vector_store %arg12[%swap3A_8, %swap3A_9], %swap3A_12 {strides = array<i32>} : memref<16x64xf32, #tpu.memory_space<vmem>>, vector<1x16xf32>,
    %swap3A_13 = arith.constant 0 : i32
    %swap3A_14 = arith.index_cast %swap3A_13 : i32 to index
    %swap3A_15 = arith.constant 32 : index
    %swap3A_16 = tpu.vector_load %arg12[%swap3A_14, %swap3A_15] {strides = array<i32>} : memref<16x64xf32, #tpu.memory_space<vmem>>, vector<1x16xf32>,
    %swap3A_17 = vector.shape_cast %swap3A_16 : vector<1x16xf32> to vector<16xf32>
    %swap3A_18 = vector.shape_cast %broadcast_in_dim3A_1 : vector<16xf32> to vector<1x16xf32>
    tpu.vector_store %arg12[%swap3A_14, %swap3A_15], %swap3A_18 {strides = array<i32>} : memref<16x64xf32, #tpu.memory_space<vmem>>, vector<1x16xf32>,
    %swap3A_19 = arith.constant 0 : i32
    %swap3A_20 = arith.index_cast %swap3A_19 : i32 to index
    %swap3A_21 = arith.constant 48 : index
    %swap3A_22 = tpu.vector_load %arg12[%swap3A_20, %swap3A_21] {strides = array<i32>} : memref<16x64xf32, #tpu.memory_space<vmem>>, vector<1x16xf32>,
    %swap3A_23 = vector.shape_cast %swap3A_22 : vector<1x16xf32> to vector<16xf32>
    %swap3A_24 = vector.shape_cast %broadcast_in_dim3A_1 : vector<16xf32> to vector<1x16xf32>
    tpu.vector_store %arg12[%swap3A_20, %swap3A_21], %swap3A_24 {strides = array<i32>} : memref<16x64xf32, #tpu.memory_space<vmem>>, vector<1x16xf32>,
    %swap3A_25 = arith.constant 1 : i32
    %swap3A_26 = arith.index_cast %swap3A_25 : i32 to index
    %swap3A_27 = arith.constant 0 : index
    %swap3A_28 = tpu.vector_load %arg12[%swap3A_26, %swap3A_27] {strides = array<i32>} : memref<16x64xf32, #tpu.memory_space<vmem>>, vector<1x16xf32>,
    %swap3A_29 = vector.shape_cast %swap3A_28 : vector<1x16xf32> to vector<16xf32>
    %swap3A_30 = vector.shape_cast %broadcast_in_dim3A_1 : vector<16xf32> to vector<1x16xf32>
    tpu.vector_store %arg12[%swap3A_26, %swap3A_27], %swap3A_30 {strides = array<i32>} : memref<16x64xf32, #tpu.memory_space<vmem>>, vector<1x16xf32>,
    %swap3A_31 = arith.constant 1 : i32
    %swap3A_32 = arith.index_cast %swap3A_31 : i32 to index
    %swap3A_33 = arith.constant 16 : index
    %swap3A_34 = tpu.vector_load %arg12[%swap3A_32, %swap3A_33] {strides = array<i32>} : memref<16x64xf32, #tpu.memory_space<vmem>>, vector<1x16xf32>,
    %swap3A_35 = vector.shape_cast %swap3A_34 : vector<1x16xf32> to vector<16xf32>
    %swap3A_36 = vector.shape_cast %broadcast_in_dim3A_1 : vector<16xf32> to vector<1x16xf32>
    tpu.vector_store %arg12[%swap3A_32, %swap3A_33], %swap3A_36 {strides = array<i32>} : memref<16x64xf32, #tpu.memory_space<vmem>>, vector<1x16xf32>,
    %swap3A_37 = arith.constant 1 : i32
    %swap3A_38 = arith.index_cast %swap3A_37 : i32 to index
    %swap3A_39 = arith.constant 32 : index
    %swap3A_40 = tpu.vector_load %arg12[%swap3A_38, %swap3A_39] {strides = array<i32>} : memref<16x64xf32, #tpu.memory_space<vmem>>, vector<1x16xf32>,
    %swap3A_41 = vector.shape_cast %swap3A_40 : vector<1x16xf32> to vector<16xf32>
    %swap3A_42 = vector.shape_cast %broadcast_in_dim3A_1 : vector<16xf32> to vector<1x16xf32>
    tpu.vector_store %arg12[%swap3A_38, %swap3A_39], %swap3A_42 {strides = array<i32>} : memref<16x64xf32, #tpu.memory_space<vmem>>, vector<1x16xf32>,
    %swap3A_43 = arith.constant 1 : i32
    %swap3A_44 = arith.index_cast %swap3A_43 : i32 to index
    %swap3A_45 = arith.constant 48 : index
    %swap3A_46 = tpu.vector_load %arg12[%swap3A_44, %swap3A_45] {strides = array<i32>} : memref<16x64xf32, #tpu.memory_space<vmem>>, vector<1x16xf32>,
    %swap3A_47 = vector.shape_cast %swap3A_46 : vector<1x16xf32> to vector<16xf32>
    %swap3A_48 = vector.shape_cast %broadcast_in_dim3A_1 : vector<16xf32> to vector<1x16xf32>
    tpu.vector_store %arg12[%swap3A_44, %swap3A_45], %swap3A_48 {strides = array<i32>} : memref<16x64xf32, #tpu.memory_space<vmem>>, vector<1x16xf32>,
    %swap3A_49 = arith.constant 2 : i32
    %swap3A_50 = arith.index_cast %swap3A_49 : i32 to index
    %swap3A_51 = arith.constant 0 : index
    %swap3A_52 = tpu.vector_load %arg12[%swap3A_50, %swap3A_51] {strides = array<i32>} : memref<16x64xf32, #tpu.memory_space<vmem>>, vector<1x16xf32>,
    %swap3A_53 = vector.shape_cast %swap3A_52 : vector<1x16xf32> to vector<16xf32>
    %swap3A_54 = vector.shape_cast %broadcast_in_dim3A_1 : vector<16xf32> to vector<1x16xf32>
    tpu.vector_store %arg12[%swap3A_50, %swap3A_51], %swap3A_54 {strides = array<i32>} : memref<16x64xf32, #tpu.memory_space<vmem>>, vector<1x16xf32>,
    %swap3A_55 = arith.constant 2 : i32
    %swap3A_56 = arith.index_cast %swap3A_55 : i32 to index
    %swap3A_57 = arith.constant 16 : index
    %swap3A_58 = tpu.vector_load %arg12[%swap3A_56, %swap3A_57] {strides = array<i32>} : memref<16x64xf32, #tpu.memory_space<vmem>>, vector<1x16xf32>,
    %swap3A_59 = vector.shape_cast %swap3A_58 : vector<1x16xf32> to vector<16xf32>
    %swap3A_60 = vector.shape_cast %broadcast_in_dim3A_1 : vector<16xf32> to vector<1x16xf32>
    tpu.vector_store %arg12[%swap3A_56, %swap3A_57], %swap3A_60 {strides = array<i32>} : memref<16x64xf32, #tpu.memory_space<vmem>>, vector<1x16xf32>,
    %swap3A_61 = arith.constant 2 : i32
    %swap3A_62 = arith.index_cast %swap3A_61 : i32 to index
    %swap3A_63 = arith.constant 32 : index
    %swap3A_64 = tpu.vector_load %arg12[%swap3A_62, %swap3A_63] {strides = array<i32>} : memref<16x64xf32, #tpu.memory_space<vmem>>, vector<1x16xf32>,
    %swap3A_65 = vector.shape_cast %swap3A_64 : vector<1x16xf32> to vector<16xf32>
    %swap3A_66 = vector.shape_cast %broadcast_in_dim3A_1 : vector<16xf32> to vector<1x16xf32>
    tpu.vector_store %arg12[%swap3A_62, %swap3A_63], %swap3A_66 {strides = array<i32>} : memref<16x64xf32, #tpu.memory_space<vmem>>, vector<1x16xf32>,
    %swap3A_67 = arith.constant 2 : i32
    %swap3A_68 = arith.index_cast %swap3A_67 : i32 to index
    %swap3A_69 = arith.constant 48 : index
    %swap3A_70 = tpu.vector_load %arg12[%swap3A_68, %swap3A_69] {strides = array<i32>} : memref<16x64xf32, #tpu.memory_space<vmem>>, vector<1x16xf32>,
    %swap3A_71 = vector.shape_cast %swap3A_70 : vector<1x16xf32> to vector<16xf32>
    %swap3A_72 = vector.shape_cast %broadcast_in_dim3A_1 : vector<16xf32> to vector<1x16xf32>
    tpu.vector_store %arg12[%swap3A_68, %swap3A_69], %swap3A_72 {strides = array<i32>} : memref<16x64xf32, #tpu.memory_space<vmem>>, vector<1x16xf32>,
    %swap3A_73 = arith.constant 3 : i32
    %swap3A_74 = arith.index_cast %swap3A_73 : i32 to index
    %swap3A_75 = arith.constant 0 : index
    %swap3A_76 = tpu.vector_load %arg12[%swap3A_74, %swap3A_75] {strides = array<i32>} : memref<16x64xf32, #tpu.memory_space<vmem>>, vector<1x16xf32>,
    %swap3A_77 = vector.shape_cast %swap3A_76 : vector<1x16xf32> to vector<16xf32>
    %swap3A_78 = vector.shape_cast %broadcast_in_dim3A_1 : vector<16xf32> to vector<1x16xf32>
    tpu.vector_store %arg12[%swap3A_74, %swap3A_75], %swap3A_78 {strides = array<i32>} : memref<16x64xf32, #tpu.memory_space<vmem>>, vector<1x16xf32>,
    %swap3A_79 = arith.constant 3 : i32
    %swap3A_80 = arith.index_cast %swap3A_79 : i32 to index
    %swap3A_81 = arith.constant 16 : index
    %swap3A_82 = tpu.vector_load %arg12[%swap3A_80, %swap3A_81] {strides = array<i32>} : memref<16x64xf32, #tpu.memory_space<vmem>>, vector<1x16xf32>,
    %swap3A_83 = vector.shape_cast %swap3A_82 : vector<1x16xf32> to vector<16xf32>
    %swap3A_84 = vector.shape_cast %broadcast_in_dim3A_1 : vector<16xf32> to vector<1x16xf32>
    tpu.vector_store %arg12[%swap3A_80, %swap3A_81], %swap3A_84 {strides = array<i32>} : memref<16x64xf32, #tpu.memory_space<vmem>>, vector<1x16xf32>,
    %swap3A_85 = arith.constant 3 : i32
    %swap3A_86 = arith.index_cast %swap3A_85 : i32 to index
    %swap3A_87 = arith.constant 32 : index
    %swap3A_88 = tpu.vector_load %arg12[%swap3A_86, %swap3A_87] {strides = array<i32>} : memref<16x64xf32, #tpu.memory_space<vmem>>, vector<1x16xf32>,
    %swap3A_89 = vector.shape_cast %swap3A_88 : vector<1x16xf32> to vector<16xf32>
    %swap3A_90 = vector.shape_cast %broadcast_in_dim3A_1 : vector<16xf32> to vector<1x16xf32>
    tpu.vector_store %arg12[%swap3A_86, %swap3A_87], %swap3A_90 {strides = array<i32>} : memref<16x64xf32, #tpu.memory_space<vmem>>, vector<1x16xf32>,
    %swap3A_91 = arith.constant 3 : i32
    %swap3A_92 = arith.index_cast %swap3A_91 : i32 to index
    %swap3A_93 = arith.constant 48 : index
    %swap3A_94 = tpu.vector_load %arg12[%swap3A_92, %swap3A_93] {strides = array<i32>} : memref<16x64xf32, #tpu.memory_space<vmem>>, vector<1x16xf32>,
    %swap3A_95 = vector.shape_cast %swap3A_94 : vector<1x16xf32> to vector<16xf32>
    %swap3A_96 = vector.shape_cast %broadcast_in_dim3A_1 : vector<16xf32> to vector<1x16xf32>
    tpu.vector_store %arg12[%swap3A_92, %swap3A_93], %swap3A_96 {strides = array<i32>} : memref<16x64xf32, #tpu.memory_space<vmem>>, vector<1x16xf32>,
    %swap3A_97 = arith.constant 4 : i32
    %swap3A_98 = arith.index_cast %swap3A_97 : i32 to index
    %swap3A_99 = arith.constant 0 : index
    %swap3A_100 = tpu.vector_load %arg12[%swap3A_98, %swap3A_99] {strides = array<i32>} : memref<16x64xf32, #tpu.memory_space<vmem>>, vector<1x16xf32>,
    %swap3A_101 = vector.shape_cast %swap3A_100 : vector<1x16xf32> to vector<16xf32>
    %swap3A_102 = vector.shape_cast %broadcast_in_dim3A_1 : vector<16xf32> to vector<1x16xf32>
    tpu.vector_store %arg12[%swap3A_98, %swap3A_99], %swap3A_102 {strides = array<i32>} : memref<16x64xf32, #tpu.memory_space<vmem>>, vector<1x16xf32>,
    %swap3A_103 = arith.constant 4 : i32
    %swap3A_104 = arith.index_cast %swap3A_103 : i32 to index
    %swap3A_105 = arith.constant 16 : index
    %swap3A_106 = tpu.vector_load %arg12[%swap3A_104, %swap3A_105] {strides = array<i32>} : memref<16x64xf32, #tpu.memory_space<vmem>>, vector<1x16xf32>,
    %swap3A_107 = vector.shape_cast %swap3A_106 : vector<1x16xf32> to vector<16xf32>
    %swap3A_108 = vector.shape_cast %broadcast_in_dim3A_1 : vector<16xf32> to vector<1x16xf32>
    tpu.vector_store %arg12[%swap3A_104, %swap3A_105], %swap3A_108 {strides = array<i32>} : memref<16x64xf32, #tpu.memory_space<vmem>>, vector<1x16xf32>,
    %swap3A_109 = arith.constant 4 : i32
    %swap3A_110 = arith.index_cast %swap3A_109 : i32 to index
    %swap3A_111 = arith.constant 32 : index
    %swap3A_112 = tpu.vector_load %arg12[%swap3A_110, %swap3A_111] {strides = array<i32>} : memref<16x64xf32, #tpu.memory_space<vmem>>, vector<1x16xf32>,
    %swap3A_113 = vector.shape_cast %swap3A_112 : vector<1x16xf32> to vector<16xf32>
    %swap3A_114 = vector.shape_cast %broadcast_in_dim3A_1 : vector<16xf32> to vector<1x16xf32>
    tpu.vector_store %arg12[%swap3A_110, %swap3A_111], %swap3A_114 {strides = array<i32>} : memref<16x64xf32, #tpu.memory_space<vmem>>, vector<1x16xf32>,
    %swap3A_115 = arith.constant 4 : i32
    %swap3A_116 = arith.index_cast %swap3A_115 : i32 to index
    %swap3A_117 = arith.constant 48 : index
    %swap3A_118 = tpu.vector_load %arg12[%swap3A_116, %swap3A_117] {strides = array<i32>} : memref<16x64xf32, #tpu.memory_space<vmem>>, vector<1x16xf32>,
    %swap3A_119 = vector.shape_cast %swap3A_118 : vector<1x16xf32> to vector<16xf32>
    %swap3A_120 = vector.shape_cast %broadcast_in_dim3A_1 : vector<16xf32> to vector<1x16xf32>
    tpu.vector_store %arg12[%swap3A_116, %swap3A_117], %swap3A_120 {strides = array<i32>} : memref<16x64xf32, #tpu.memory_space<vmem>>, vector<1x16xf32>,
    %swap3A_121 = arith.constant 5 : i32
    %swap3A_122 = arith.index_cast %swap3A_121 : i32 to index
    %swap3A_123 = arith.constant 0 : index
    %swap3A_124 = tpu.vector_load %arg12[%swap3A_122, %swap3A_123] {strides = array<i32>} : memref<16x64xf32, #tpu.memory_space<vmem>>, vector<1x16xf32>,
    %swap3A_125 = vector.shape_cast %swap3A_124 : vector<1x16xf32> to vector<16xf32>
    %swap3A_126 = vector.shape_cast %broadcast_in_dim3A_1 : vector<16xf32> to vector<1x16xf32>
    tpu.vector_store %arg12[%swap3A_122, %swap3A_123], %swap3A_126 {strides = array<i32>} : memref<16x64xf32, #tpu.memory_space<vmem>>, vector<1x16xf32>,
    %swap3A_127 = arith.constant 5 : i32
    %swap3A_128 = arith.index_cast %swap3A_127 : i32 to index
    %swap3A_129 = arith.constant 16 : index
    %swap3A_130 = tpu.vector_load %arg12[%swap3A_128, %swap3A_129] {strides = array<i32>} : memref<16x64xf32, #tpu.memory_space<vmem>>, vector<1x16xf32>,
    %swap3A_131 = vector.shape_cast %swap3A_130 : vector<1x16xf32> to vector<16xf32>
    %swap3A_132 = vector.shape_cast %broadcast_in_dim3A_1 : vector<16xf32> to vector<1x16xf32>
    tpu.vector_store %arg12[%swap3A_128, %swap3A_129], %swap3A_132 {strides = array<i32>} : memref<16x64xf32, #tpu.memory_space<vmem>>, vector<1x16xf32>,
    %swap3A_133 = arith.constant 5 : i32
    %swap3A_134 = arith.index_cast %swap3A_133 : i32 to index
    %swap3A_135 = arith.constant 32 : index
    %swap3A_136 = tpu.vector_load %arg12[%swap3A_134, %swap3A_135] {strides = array<i32>} : memref<16x64xf32, #tpu.memory_space<vmem>>, vector<1x16xf32>,
    %swap3A_137 = vector.shape_cast %swap3A_136 : vector<1x16xf32> to vector<16xf32>
    %swap3A_138 = vector.shape_cast %broadcast_in_dim3A_1 : vector<16xf32> to vector<1x16xf32>
    tpu.vector_store %arg12[%swap3A_134, %swap3A_135], %swap3A_138 {strides = array<i32>} : memref<16x64xf32, #tpu.memory_space<vmem>>, vector<1x16xf32>,
    %swap3A_139 = arith.constant 5 : i32
    %swap3A_140 = arith.index_cast %swap3A_139 : i32 to index
    %swap3A_141 = arith.constant 48 : index
    %swap3A_142 = tpu.vector_load %arg12[%swap3A_140, %swap3A_141] {strides = array<i32>} : memref<16x64xf32, #tpu.memory_space<vmem>>, vector<1x16xf32>,
    %swap3A_143 = vector.shape_cast %swap3A_142 : vector<1x16xf32> to vector<16xf32>
    %swap3A_144 = vector.shape_cast %broadcast_in_dim3A_1 : vector<16xf32> to vector<1x16xf32>
    tpu.vector_store %arg12[%swap3A_140, %swap3A_141], %swap3A_144 {strides = array<i32>} : memref<16x64xf32, #tpu.memory_space<vmem>>, vector<1x16xf32>,
    %swap3A_145 = arith.constant 6 : i32
    %swap3A_146 = arith.index_cast %swap3A_145 : i32 to index
    %swap3A_147 = arith.constant 0 : index
    %swap3A_148 = tpu.vector_load %arg12[%swap3A_146, %swap3A_147] {strides = array<i32>} : memref<16x64xf32, #tpu.memory_space<vmem>>, vector<1x16xf32>,
    %swap3A_149 = vector.shape_cast %swap3A_148 : vector<1x16xf32> to vector<16xf32>
    %swap3A_150 = vector.shape_cast %broadcast_in_dim3A_1 : vector<16xf32> to vector<1x16xf32>
    tpu.vector_store %arg12[%swap3A_146, %swap3A_147], %swap3A_150 {strides = array<i32>} : memref<16x64xf32, #tpu.memory_space<vmem>>, vector<1x16xf32>,
    %swap3A_151 = arith.constant 6 : i32
    %swap3A_152 = arith.index_cast %swap3A_151 : i32 to index
    %swap3A_153 = arith.constant 16 : index
    %swap3A_154 = tpu.vector_load %arg12[%swap3A_152, %swap3A_153] {strides = array<i32>} : memref<16x64xf32, #tpu.memory_space<vmem>>, vector<1x16xf32>,
    %swap3A_155 = vector.shape_cast %swap3A_154 : vector<1x16xf32> to vector<16xf32>
    %swap3A_156 = vector.shape_cast %broadcast_in_dim3A_1 : vector<16xf32> to vector<1x16xf32>
    tpu.vector_store %arg12[%swap3A_152, %swap3A_153], %swap3A_156 {strides = array<i32>} : memref<16x64xf32, #tpu.memory_space<vmem>>, vector<1x16xf32>,
    %swap3A_157 = arith.constant 6 : i32
    %swap3A_158 = arith.index_cast %swap3A_157 : i32 to index
    %swap3A_159 = arith.constant 32 : index
    %swap3A_160 = tpu.vector_load %arg12[%swap3A_158, %swap3A_159] {strides = array<i32>} : memref<16x64xf32, #tpu.memory_space<vmem>>, vector<1x16xf32>,
    %swap3A_161 = vector.shape_cast %swap3A_160 : vector<1x16xf32> to vector<16xf32>
    %swap3A_162 = vector.shape_cast %broadcast_in_dim3A_1 : vector<16xf32> to vector<1x16xf32>
    tpu.vector_store %arg12[%swap3A_158, %swap3A_159], %swap3A_162 {strides = array<i32>} : memref<16x64xf32, #tpu.memory_space<vmem>>, vector<1x16xf32>,
    %swap3A_163 = arith.constant 6 : i32
    %swap3A_164 = arith.index_cast %swap3A_163 : i32 to index
    %swap3A_165 = arith.constant 48 : index
    %swap3A_166 = tpu.vector_load %arg12[%swap3A_164, %swap3A_165] {strides = array<i32>} : memref<16x64xf32, #tpu.memory_space<vmem>>, vector<1x16xf32>,
    %swap3A_167 = vector.shape_cast %swap3A_166 : vector<1x16xf32> to vector<16xf32>
    %swap3A_168 = vector.shape_cast %broadcast_in_dim3A_1 : vector<16xf32> to vector<1x16xf32>
    tpu.vector_store %arg12[%swap3A_164, %swap3A_165], %swap3A_168 {strides = array<i32>} : memref<16x64xf32, #tpu.memory_space<vmem>>, vector<1x16xf32>,
    %swap3A_169 = arith.constant 7 : i32
    %swap3A_170 = arith.index_cast %swap3A_169 : i32 to index
    %swap3A_171 = arith.constant 0 : index
    %swap3A_172 = tpu.vector_load %arg12[%swap3A_170, %swap3A_171] {strides = array<i32>} : memref<16x64xf32, #tpu.memory_space<vmem>>, vector<1x16xf32>,
    %swap3A_173 = vector.shape_cast %swap3A_172 : vector<1x16xf32> to vector<16xf32>
    %swap3A_174 = vector.shape_cast %broadcast_in_dim3A_1 : vector<16xf32> to vector<1x16xf32>
    tpu.vector_store %arg12[%swap3A_170, %swap3A_171], %swap3A_174 {strides = array<i32>} : memref<16x64xf32, #tpu.memory_space<vmem>>, vector<1x16xf32>,
    %swap3A_175 = arith.constant 7 : i32
    %swap3A_176 = arith.index_cast %swap3A_175 : i32 to index
    %swap3A_177 = arith.constant 16 : index
    %swap3A_178 = tpu.vector_load %arg12[%swap3A_176, %swap3A_177] {strides = array<i32>} : memref<16x64xf32, #tpu.memory_space<vmem>>, vector<1x16xf32>,
    %swap3A_179 = vector.shape_cast %swap3A_178 : vector<1x16xf32> to vector<16xf32>
    %swap3A_180 = vector.shape_cast %broadcast_in_dim3A_1 : vector<16xf32> to vector<1x16xf32>
    tpu.vector_store %arg12[%swap3A_176, %swap3A_177], %swap3A_180 {strides = array<i32>} : memref<16x64xf32, #tpu.memory_space<vmem>>, vector<1x16xf32>,
    %swap3A_181 = arith.constant 7 : i32
    %swap3A_182 = arith.index_cast %swap3A_181 : i32 to index
    %swap3A_183 = arith.constant 32 : index
    %swap3A_184 = tpu.vector_load %arg12[%swap3A_182, %swap3A_183] {strides = array<i32>} : memref<16x64xf32, #tpu.memory_space<vmem>>, vector<1x16xf32>,
    %swap3A_185 = vector.shape_cast %swap3A_184 : vector<1x16xf32> to vector<16xf32>
    %swap3A_186 = vector.shape_cast %broadcast_in_dim3A_1 : vector<16xf32> to vector<1x16xf32>
    tpu.vector_store %arg12[%swap3A_182, %swap3A_183], %swap3A_186 {strides = array<i32>} : memref<16x64xf32, #tpu.memory_space<vmem>>, vector<1x16xf32>,
    %swap3A_187 = arith.constant 7 : i32
    %swap3A_188 = arith.index_cast %swap3A_187 : i32 to index
    %swap3A_189 = arith.constant 48 : index
    %swap3A_190 = tpu.vector_load %arg12[%swap3A_188, %swap3A_189] {strides = array<i32>} : memref<16x64xf32, #tpu.memory_space<vmem>>, vector<1x16xf32>,
    %swap3A_191 = vector.shape_cast %swap3A_190 : vector<1x16xf32> to vector<16xf32>
    %swap3A_192 = vector.shape_cast %broadcast_in_dim3A_1 : vector<16xf32> to vector<1x16xf32>
    tpu.vector_store %arg12[%swap3A_188, %swap3A_189], %swap3A_192 {strides = array<i32>} : memref<16x64xf32, #tpu.memory_space<vmem>>, vector<1x16xf32>,
    %swap3A_193 = arith.constant 8 : i32
    %swap3A_194 = arith.index_cast %swap3A_193 : i32 to index
    %swap3A_195 = arith.constant 0 : index
    %swap3A_196 = tpu.vector_load %arg12[%swap3A_194, %swap3A_195] {strides = array<i32>} : memref<16x64xf32, #tpu.memory_space<vmem>>, vector<1x16xf32>,
    %swap3A_197 = vector.shape_cast %swap3A_196 : vector<1x16xf32> to vector<16xf32>
    %swap3A_198 = vector.shape_cast %broadcast_in_dim3A_1 : vector<16xf32> to vector<1x16xf32>
    tpu.vector_store %arg12[%swap3A_194, %swap3A_195], %swap3A_198 {strides = array<i32>} : memref<16x64xf32, #tpu.memory_space<vmem>>, vector<1x16xf32>,
    %swap3A_199 = arith.constant 8 : i32
    %swap3A_200 = arith.index_cast %swap3A_199 : i32 to index
    %swap3A_201 = arith.constant 16 : index
    %swap3A_202 = tpu.vector_load %arg12[%swap3A_200, %swap3A_201] {strides = array<i32>} : memref<16x64xf32, #tpu.memory_space<vmem>>, vector<1x16xf32>,
    %swap3A_203 = vector.shape_cast %swap3A_202 : vector<1x16xf32> to vector<16xf32>
    %swap3A_204 = vector.shape_cast %broadcast_in_dim3A_1 : vector<16xf32> to vector<1x16xf32>
    tpu.vector_store %arg12[%swap3A_200, %swap3A_201], %swap3A_204 {strides = array<i32>} : memref<16x64xf32, #tpu.memory_space<vmem>>, vector<1x16xf32>,
    %swap3A_205 = arith.constant 8 : i32
    %swap3A_206 = arith.index_cast %swap3A_205 : i32 to index
    %swap3A_207 = arith.constant 32 : index
    %swap3A_208 = tpu.vector_load %arg12[%swap3A_206, %swap3A_207] {strides = array<i32>} : memref<16x64xf32, #tpu.memory_space<vmem>>, vector<1x16xf32>,
    %swap3A_209 = vector.shape_cast %swap3A_208 : vector<1x16xf32> to vector<16xf32>
    %swap3A_210 = vector.shape_cast %broadcast_in_dim3A_1 : vector<16xf32> to vector<1x16xf32>
    tpu.vector_store %arg12[%swap3A_206, %swap3A_207], %swap3A_210 {strides = array<i32>} : memref<16x64xf32, #tpu.memory_space<vmem>>, vector<1x16xf32>,
    %swap3A_211 = arith.constant 8 : i32
    %swap3A_212 = arith.index_cast %swap3A_211 : i32 to index
    %swap3A_213 = arith.constant 48 : index
    %swap3A_214 = tpu.vector_load %arg12[%swap3A_212, %swap3A_213] {strides = array<i32>} : memref<16x64xf32, #tpu.memory_space<vmem>>, vector<1x16xf32>,
    %swap3A_215 = vector.shape_cast %swap3A_214 : vector<1x16xf32> to vector<16xf32>
    %swap3A_216 = vector.shape_cast %broadcast_in_dim3A_1 : vector<16xf32> to vector<1x16xf32>
    tpu.vector_store %arg12[%swap3A_212, %swap3A_213], %swap3A_216 {strides = array<i32>} : memref<16x64xf32, #tpu.memory_space<vmem>>, vector<1x16xf32>,
    %swap3A_217 = arith.constant 9 : i32
    %swap3A_218 = arith.index_cast %swap3A_217 : i32 to index
    %swap3A_219 = arith.constant 0 : index
    %swap3A_220 = tpu.vector_load %arg12[%swap3A_218, %swap3A_219] {strides = array<i32>} : memref<16x64xf32, #tpu.memory_space<vmem>>, vector<1x16xf32>,
    %swap3A_221 = vector.shape_cast %swap3A_220 : vector<1x16xf32> to vector<16xf32>
    %swap3A_222 = vector.shape_cast %broadcast_in_dim3A_1 : vector<16xf32> to vector<1x16xf32>
    tpu.vector_store %arg12[%swap3A_218, %swap3A_219], %swap3A_222 {strides = array<i32>} : memref<16x64xf32, #tpu.memory_space<vmem>>, vector<1x16xf32>,
    %swap3A_223 = arith.constant 9 : i32
    %swap3A_224 = arith.index_cast %swap3A_223 : i32 to index
    %swap3A_225 = arith.constant 16 : index
    %swap3A_226 = tpu.vector_load %arg12[%swap3A_224, %swap3A_225] {strides = array<i32>} : memref<16x64xf32, #tpu.memory_space<vmem>>, vector<1x16xf32>,
    %swap3A_227 = vector.shape_cast %swap3A_226 : vector<1x16xf32> to vector<16xf32>
    %swap3A_228 = vector.shape_cast %broadcast_in_dim3A_1 : vector<16xf32> to vector<1x16xf32>
    tpu.vector_store %arg12[%swap3A_224, %swap3A_225], %swap3A_228 {strides = array<i32>} : memref<16x64xf32, #tpu.memory_space<vmem>>, vector<1x16xf32>,
    %swap3A_229 = arith.constant 9 : i32
    %swap3A_230 = arith.index_cast %swap3A_229 : i32 to index
    %swap3A_231 = arith.constant 32 : index
    %swap3A_232 = tpu.vector_load %arg12[%swap3A_230, %swap3A_231] {strides = array<i32>} : memref<16x64xf32, #tpu.memory_space<vmem>>, vector<1x16xf32>,
    %swap3A_233 = vector.shape_cast %swap3A_232 : vector<1x16xf32> to vector<16xf32>
    %swap3A_234 = vector.shape_cast %broadcast_in_dim3A_1 : vector<16xf32> to vector<1x16xf32>
    tpu.vector_store %arg12[%swap3A_230, %swap3A_231], %swap3A_234 {strides = array<i32>} : memref<16x64xf32, #tpu.memory_space<vmem>>, vector<1x16xf32>,
    %swap3A_235 = arith.constant 9 : i32
    %swap3A_236 = arith.index_cast %swap3A_235 : i32 to index
    %swap3A_237 = arith.constant 48 : index
    %swap3A_238 = tpu.vector_load %arg12[%swap3A_236, %swap3A_237] {strides = array<i32>} : memref<16x64xf32, #tpu.memory_space<vmem>>, vector<1x16xf32>,
    %swap3A_239 = vector.shape_cast %swap3A_238 : vector<1x16xf32> to vector<16xf32>
    %swap3A_240 = vector.shape_cast %broadcast_in_dim3A_1 : vector<16xf32> to vector<1x16xf32>
    tpu.vector_store %arg12[%swap3A_236, %swap3A_237], %swap3A_240 {strides = array<i32>} : memref<16x64xf32, #tpu.memory_space<vmem>>, vector<1x16xf32>,
    %swap3A_241 = arith.constant 10 : i32
    %swap3A_242 = arith.index_cast %swap3A_241 : i32 to index
    %swap3A_243 = arith.constant 0 : index
    %swap3A_244 = tpu.vector_load %arg12[%swap3A_242, %swap3A_243] {strides = array<i32>} : memref<16x64xf32, #tpu.memory_space<vmem>>, vector<1x16xf32>,
    %swap3A_245 = vector.shape_cast %swap3A_244 : vector<1x16xf32> to vector<16xf32>
    %swap3A_246 = vector.shape_cast %broadcast_in_dim3A_1 : vector<16xf32> to vector<1x16xf32>
    tpu.vector_store %arg12[%swap3A_242, %swap3A_243], %swap3A_246 {strides = array<i32>} : memref<16x64xf32, #tpu.memory_space<vmem>>, vector<1x16xf32>,
    %swap3A_247 = arith.constant 10 : i32
    %swap3A_248 = arith.index_cast %swap3A_247 : i32 to index
    %swap3A_249 = arith.constant 16 : index
    %swap3A_250 = tpu.vector_load %arg12[%swap3A_248, %swap3A_249] {strides = array<i32>} : memref<16x64xf32, #tpu.memory_space<vmem>>, vector<1x16xf32>,
    %swap3A_251 = vector.shape_cast %swap3A_250 : vector<1x16xf32> to vector<16xf32>
    %swap3A_252 = vector.shape_cast %broadcast_in_dim3A_1 : vector<16xf32> to vector<1x16xf32>
    tpu.vector_store %arg12[%swap3A_248, %swap3A_249], %swap3A_252 {strides = array<i32>} : memref<16x64xf32, #tpu.memory_space<vmem>>, vector<1x16xf32>,
    %swap3A_253 = arith.constant 10 : i32
    %swap3A_254 = arith.index_cast %swap3A_253 : i32 to index
    %swap3A_255 = arith.constant 32 : index
    %swap3A_256 = tpu.vector_load %arg12[%swap3A_254, %swap3A_255] {strides = array<i32>} : memref<16x64xf32, #tpu.memory_space<vmem>>, vector<1x16xf32>,
    %swap3A_257 = vector.shape_cast %swap3A_256 : vector<1x16xf32> to vector<16xf32>
    %swap3A_258 = vector.shape_cast %broadcast_in_dim3A_1 : vector<16xf32> to vector<1x16xf32>
    tpu.vector_store %arg12[%swap3A_254, %swap3A_255], %swap3A_258 {strides = array<i32>} : memref<16x64xf32, #tpu.memory_space<vmem>>, vector<1x16xf32>,
    %swap3A_259 = arith.constant 10 : i32
    %swap3A_260 = arith.index_cast %swap3A_259 : i32 to index
    %swap3A_261 = arith.constant 48 : index
    %swap3A_262 = tpu.vector_load %arg12[%swap3A_260, %swap3A_261] {strides = array<i32>} : memref<16x64xf32, #tpu.memory_space<vmem>>, vector<1x16xf32>,
    %swap3A_263 = vector.shape_cast %swap3A_262 : vector<1x16xf32> to vector<16xf32>
    %swap3A_264 = vector.shape_cast %broadcast_in_dim3A_1 : vector<16xf32> to vector<1x16xf32>
    tpu.vector_store %arg12[%swap3A_260, %swap3A_261], %swap3A_264 {strides = array<i32>} : memref<16x64xf32, #tpu.memory_space<vmem>>, vector<1x16xf32>,
    %swap3A_265 = arith.constant 11 : i32
    %swap3A_266 = arith.index_cast %swap3A_265 : i32 to index
    %swap3A_267 = arith.constant 0 : index
    %swap3A_268 = tpu.vector_load %arg12[%swap3A_266, %swap3A_267] {strides = array<i32>} : memref<16x64xf32, #tpu.memory_space<vmem>>, vector<1x16xf32>,
    %swap3A_269 = vector.shape_cast %swap3A_268 : vector<1x16xf32> to vector<16xf32>
    %swap3A_270 = vector.shape_cast %broadcast_in_dim3A_1 : vector<16xf32> to vector<1x16xf32>
    tpu.vector_store %arg12[%swap3A_266, %swap3A_267], %swap3A_270 {strides = array<i32>} : memref<16x64xf32, #tpu.memory_space<vmem>>, vector<1x16xf32>,
    %swap3A_271 = arith.constant 11 : i32
    %swap3A_272 = arith.index_cast %swap3A_271 : i32 to index
    %swap3A_273 = arith.constant 16 : index
    %swap3A_274 = tpu.vector_load %arg12[%swap3A_272, %swap3A_273] {strides = array<i32>} : memref<16x64xf32, #tpu.memory_space<vmem>>, vector<1x16xf32>,
    %swap3A_275 = vector.shape_cast %swap3A_274 : vector<1x16xf32> to vector<16xf32>
    %swap3A_276 = vector.shape_cast %broadcast_in_dim3A_1 : vector<16xf32> to vector<1x16xf32>
    tpu.vector_store %arg12[%swap3A_272, %swap3A_273], %swap3A_276 {strides = array<i32>} : memref<16x64xf32, #tpu.memory_space<vmem>>, vector<1x16xf32>,
    %swap3A_277 = arith.constant 11 : i32
    %swap3A_278 = arith.index_cast %swap3A_277 : i32 to index
    %swap3A_279 = arith.constant 32 : index
    %swap3A_280 = tpu.vector_load %arg12[%swap3A_278, %swap3A_279] {strides = array<i32>} : memref<16x64xf32, #tpu.memory_space<vmem>>, vector<1x16xf32>,
    %swap3A_281 = vector.shape_cast %swap3A_280 : vector<1x16xf32> to vector<16xf32>
    %swap3A_282 = vector.shape_cast %broadcast_in_dim3A_1 : vector<16xf32> to vector<1x16xf32>
    tpu.vector_store %arg12[%swap3A_278, %swap3A_279], %swap3A_282 {strides = array<i32>} : memref<16x64xf32, #tpu.memory_space<vmem>>, vector<1x16xf32>,
    %swap3A_283 = arith.constant 11 : i32
    %swap3A_284 = arith.index_cast %swap3A_283 : i32 to index
    %swap3A_285 = arith.constant 48 : index
    %swap3A_286 = tpu.vector_load %arg12[%swap3A_284, %swap3A_285] {strides = array<i32>} : memref<16x64xf32, #tpu.memory_space<vmem>>, vector<1x16xf32>,
    %swap3A_287 = vector.shape_cast %swap3A_286 : vector<1x16xf32> to vector<16xf32>
    %swap3A_288 = vector.shape_cast %broadcast_in_dim3A_1 : vector<16xf32> to vector<1x16xf32>
    tpu.vector_store %arg12[%swap3A_284, %swap3A_285], %swap3A_288 {strides = array<i32>} : memref<16x64xf32, #tpu.memory_space<vmem>>, vector<1x16xf32>,
    %swap3A_289 = arith.constant 12 : i32
    %swap3A_290 = arith.index_cast %swap3A_289 : i32 to index
    %swap3A_291 = arith.constant 0 : index
    %swap3A_292 = tpu.vector_load %arg12[%swap3A_290, %swap3A_291] {strides = array<i32>} : memref<16x64xf32, #tpu.memory_space<vmem>>, vector<1x16xf32>,
    %swap3A_293 = vector.shape_cast %swap3A_292 : vector<1x16xf32> to vector<16xf32>
    %swap3A_294 = vector.shape_cast %broadcast_in_dim3A_1 : vector<16xf32> to vector<1x16xf32>
    tpu.vector_store %arg12[%swap3A_290, %swap3A_291], %swap3A_294 {strides = array<i32>} : memref<16x64xf32, #tpu.memory_space<vmem>>, vector<1x16xf32>,
    %swap3A_295 = arith.constant 12 : i32
    %swap3A_296 = arith.index_cast %swap3A_295 : i32 to index
    %swap3A_297 = arith.constant 16 : index
    %swap3A_298 = tpu.vector_load %arg12[%swap3A_296, %swap3A_297] {strides = array<i32>} : memref<16x64xf32, #tpu.memory_space<vmem>>, vector<1x16xf32>,
    %swap3A_299 = vector.shape_cast %swap3A_298 : vector<1x16xf32> to vector<16xf32>
    %swap3A_300 = vector.shape_cast %broadcast_in_dim3A_1 : vector<16xf32> to vector<1x16xf32>
    tpu.vector_store %arg12[%swap3A_296, %swap3A_297], %swap3A_300 {strides = array<i32>} : memref<16x64xf32, #tpu.memory_space<vmem>>, vector<1x16xf32>,
    %swap3A_301 = arith.constant 12 : i32
    %swap3A_302 = arith.index_cast %swap3A_301 : i32 to index
    %swap3A_303 = arith.constant 32 : index
    %swap3A_304 = tpu.vector_load %arg12[%swap3A_302, %swap3A_303] {strides = array<i32>} : memref<16x64xf32, #tpu.memory_space<vmem>>, vector<1x16xf32>,
    %swap3A_305 = vector.shape_cast %swap3A_304 : vector<1x16xf32> to vector<16xf32>
    %swap3A_306 = vector.shape_cast %broadcast_in_dim3A_1 : vector<16xf32> to vector<1x16xf32>
    tpu.vector_store %arg12[%swap3A_302, %swap3A_303], %swap3A_306 {strides = array<i32>} : memref<16x64xf32, #tpu.memory_space<vmem>>, vector<1x16xf32>,
    %swap3A_307 = arith.constant 12 : i32
    %swap3A_308 = arith.index_cast %swap3A_307 : i32 to index
    %swap3A_309 = arith.constant 48 : index
    %swap3A_310 = tpu.vector_load %arg12[%swap3A_308, %swap3A_309] {strides = array<i32>} : memref<16x64xf32, #tpu.memory_space<vmem>>, vector<1x16xf32>,
    %swap3A_311 = vector.shape_cast %swap3A_310 : vector<1x16xf32> to vector<16xf32>
    %swap3A_312 = vector.shape_cast %broadcast_in_dim3A_1 : vector<16xf32> to vector<1x16xf32>
    tpu.vector_store %arg12[%swap3A_308, %swap3A_309], %swap3A_312 {strides = array<i32>} : memref<16x64xf32, #tpu.memory_space<vmem>>, vector<1x16xf32>,
    %swap3A_313 = arith.constant 13 : i32
    %swap3A_314 = arith.index_cast %swap3A_313 : i32 to index
    %swap3A_315 = arith.constant 0 : index
    %swap3A_316 = tpu.vector_load %arg12[%swap3A_314, %swap3A_315] {strides = array<i32>} : memref<16x64xf32, #tpu.memory_space<vmem>>, vector<1x16xf32>,
    %swap3A_317 = vector.shape_cast %swap3A_316 : vector<1x16xf32> to vector<16xf32>
    %swap3A_318 = vector.shape_cast %broadcast_in_dim3A_1 : vector<16xf32> to vector<1x16xf32>
    tpu.vector_store %arg12[%swap3A_314, %swap3A_315], %swap3A_318 {strides = array<i32>} : memref<16x64xf32, #tpu.memory_space<vmem>>, vector<1x16xf32>,
    %swap3A_319 = arith.constant 13 : i32
    %swap3A_320 = arith.index_cast %swap3A_319 : i32 to index
    %swap3A_321 = arith.constant 16 : index
    %swap3A_322 = tpu.vector_load %arg12[%swap3A_320, %swap3A_321] {strides = array<i32>} : memref<16x64xf32, #tpu.memory_space<vmem>>, vector<1x16xf32>,
    %swap3A_323 = vector.shape_cast %swap3A_322 : vector<1x16xf32> to vector<16xf32>
    %swap3A_324 = vector.shape_cast %broadcast_in_dim3A_1 : vector<16xf32> to vector<1x16xf32>
    tpu.vector_store %arg12[%swap3A_320, %swap3A_321], %swap3A_324 {strides = array<i32>} : memref<16x64xf32, #tpu.memory_space<vmem>>, vector<1x16xf32>,
    %swap3A_325 = arith.constant 13 : i32
    %swap3A_326 = arith.index_cast %swap3A_325 : i32 to index
    %swap3A_327 = arith.constant 32 : index
    %swap3A_328 = tpu.vector_load %arg12[%swap3A_326, %swap3A_327] {strides = array<i32>} : memref<16x64xf32, #tpu.memory_space<vmem>>, vector<1x16xf32>,
    %swap3A_329 = vector.shape_cast %swap3A_328 : vector<1x16xf32> to vector<16xf32>
    %swap3A_330 = vector.shape_cast %broadcast_in_dim3A_1 : vector<16xf32> to vector<1x16xf32>
    tpu.vector_store %arg12[%swap3A_326, %swap3A_327], %swap3A_330 {strides = array<i32>} : memref<16x64xf32, #tpu.memory_space<vmem>>, vector<1x16xf32>,
    %swap3A_331 = arith.constant 13 : i32
    %swap3A_332 = arith.index_cast %swap3A_331 : i32 to index
    %swap3A_333 = arith.constant 48 : index
    %swap3A_334 = tpu.vector_load %arg12[%swap3A_332, %swap3A_333] {strides = array<i32>} : memref<16x64xf32, #tpu.memory_space<vmem>>, vector<1x16xf32>,
    %swap3A_335 = vector.shape_cast %swap3A_334 : vector<1x16xf32> to vector<16xf32>
    %swap3A_336 = vector.shape_cast %broadcast_in_dim3A_1 : vector<16xf32> to vector<1x16xf32>
    tpu.vector_store %arg12[%swap3A_332, %swap3A_333], %swap3A_336 {strides = array<i32>} : memref<16x64xf32, #tpu.memory_space<vmem>>, vector<1x16xf32>,
    %swap3A_337 = arith.constant 14 : i32
    %swap3A_338 = arith.index_cast %swap3A_337 : i32 to index
    %swap3A_339 = arith.constant 0 : index
    %swap3A_340 = tpu.vector_load %arg12[%swap3A_338, %swap3A_339] {strides = array<i32>} : memref<16x64xf32, #tpu.memory_space<vmem>>, vector<1x16xf32>,
    %swap3A_341 = vector.shape_cast %swap3A_340 : vector<1x16xf32> to vector<16xf32>
    %swap3A_342 = vector.shape_cast %broadcast_in_dim3A_1 : vector<16xf32> to vector<1x16xf32>
    tpu.vector_store %arg12[%swap3A_338, %swap3A_339], %swap3A_342 {strides = array<i32>} : memref<16x64xf32, #tpu.memory_space<vmem>>, vector<1x16xf32>,
    %swap3A_343 = arith.constant 14 : i32
    %swap3A_344 = arith.index_cast %swap3A_343 : i32 to index
    %swap3A_345 = arith.constant 16 : index
    %swap3A_346 = tpu.vector_load %arg12[%swap3A_344, %swap3A_345] {strides = array<i32>} : memref<16x64xf32, #tpu.memory_space<vmem>>, vector<1x16xf32>,
    %swap3A_347 = vector.shape_cast %swap3A_346 : vector<1x16xf32> to vector<16xf32>
    %swap3A_348 = vector.shape_cast %broadcast_in_dim3A_1 : vector<16xf32> to vector<1x16xf32>
    tpu.vector_store %arg12[%swap3A_344, %swap3A_345], %swap3A_348 {strides = array<i32>} : memref<16x64xf32, #tpu.memory_space<vmem>>, vector<1x16xf32>,
    %swap3A_349 = arith.constant 14 : i32
    %swap3A_350 = arith.index_cast %swap3A_349 : i32 to index
    %swap3A_351 = arith.constant 32 : index
    %swap3A_352 = tpu.vector_load %arg12[%swap3A_350, %swap3A_351] {strides = array<i32>} : memref<16x64xf32, #tpu.memory_space<vmem>>, vector<1x16xf32>,
    %swap3A_353 = vector.shape_cast %swap3A_352 : vector<1x16xf32> to vector<16xf32>
    %swap3A_354 = vector.shape_cast %broadcast_in_dim3A_1 : vector<16xf32> to vector<1x16xf32>
    tpu.vector_store %arg12[%swap3A_350, %swap3A_351], %swap3A_354 {strides = array<i32>} : memref<16x64xf32, #tpu.memory_space<vmem>>, vector<1x16xf32>,
    %swap3A_355 = arith.constant 14 : i32
    %swap3A_356 = arith.index_cast %swap3A_355 : i32 to index
    %swap3A_357 = arith.constant 48 : index
    %swap3A_358 = tpu.vector_load %arg12[%swap3A_356, %swap3A_357] {strides = array<i32>} : memref<16x64xf32, #tpu.memory_space<vmem>>, vector<1x16xf32>,
    %swap3A_359 = vector.shape_cast %swap3A_358 : vector<1x16xf32> to vector<16xf32>
    %swap3A_360 = vector.shape_cast %broadcast_in_dim3A_1 : vector<16xf32> to vector<1x16xf32>
    tpu.vector_store %arg12[%swap3A_356, %swap3A_357], %swap3A_360 {strides = array<i32>} : memref<16x64xf32, #tpu.memory_space<vmem>>, vector<1x16xf32>,
    %swap3A_361 = arith.constant 15 : i32
    %swap3A_362 = arith.index_cast %swap3A_361 : i32 to index
    %swap3A_363 = arith.constant 0 : index
    %swap3A_364 = tpu.vector_load %arg12[%swap3A_362, %swap3A_363] {strides = array<i32>} : memref<16x64xf32, #tpu.memory_space<vmem>>, vector<1x16xf32>,
    %swap3A_365 = vector.shape_cast %swap3A_364 : vector<1x16xf32> to vector<16xf32>
    %swap3A_366 = vector.shape_cast %broadcast_in_dim3A_1 : vector<16xf32> to vector<1x16xf32>
    tpu.vector_store %arg12[%swap3A_362, %swap3A_363], %swap3A_366 {strides = array<i32>} : memref<16x64xf32, #tpu.memory_space<vmem>>, vector<1x16xf32>,
    %swap3A_367 = arith.constant 15 : i32
    %swap3A_368 = arith.index_cast %swap3A_367 : i32 to index
    %swap3A_369 = arith.constant 16 : index
    %swap3A_370 = tpu.vector_load %arg12[%swap3A_368, %swap3A_369] {strides = array<i32>} : memref<16x64xf32, #tpu.memory_space<vmem>>, vector<1x16xf32>,
    %swap3A_371 = vector.shape_cast %swap3A_370 : vector<1x16xf32> to vector<16xf32>
    %swap3A_372 = vector.shape_cast %broadcast_in_dim3A_1 : vector<16xf32> to vector<1x16xf32>
    tpu.vector_store %arg12[%swap3A_368, %swap3A_369], %swap3A_372 {strides = array<i32>} : memref<16x64xf32, #tpu.memory_space<vmem>>, vector<1x16xf32>,
    %swap3A_373 = arith.constant 15 : i32
    %swap3A_374 = arith.index_cast %swap3A_373 : i32 to index
    %swap3A_375 = arith.constant 32 : index
    %swap3A_376 = tpu.vector_load %arg12[%swap3A_374, %swap3A_375] {strides = array<i32>} : memref<16x64xf32, #tpu.memory_space<vmem>>, vector<1x16xf32>,
    %swap3A_377 = vector.shape_cast %swap3A_376 : vector<1x16xf32> to vector<16xf32>
    %swap3A_378 = vector.shape_cast %broadcast_in_dim3A_1 : vector<16xf32> to vector<1x16xf32>
    tpu.vector_store %arg12[%swap3A_374, %swap3A_375], %swap3A_378 {strides = array<i32>} : memref<16x64xf32, #tpu.memory_space<vmem>>, vector<1x16xf32>,
    %swap3A_379 = arith.constant 15 : i32
    %swap3A_380 = arith.index_cast %swap3A_379 : i32 to index
    %swap3A_381 = arith.constant 48 : index
    %swap3A_382 = tpu.vector_load %arg12[%swap3A_380, %swap3A_381] {strides = array<i32>} : memref<16x64xf32, #tpu.memory_space<vmem>>, vector<1x16xf32>,
    %swap3A_383 = vector.shape_cast %swap3A_382 : vector<1x16xf32> to vector<16xf32>
    %swap3A_384 = vector.shape_cast %broadcast_in_dim3A_1 : vector<16xf32> to vector<1x16xf32>
    tpu.vector_store %arg12[%swap3A_380, %swap3A_381], %swap3A_384 {strides = array<i32>} : memref<16x64xf32, #tpu.memory_space<vmem>>, vector<1x16xf32>,
    %scan3A = arith.constant 0 : i32
    %scan3A_385 = arith.constant 0 : i32
    %scan3A_386 = arith.constant 40 : i32
    %scan3A_387 = arith.addi %scan3A_385, %scan3A_386 : i32
    %scan3A_388 = arith.constant 1 : i32
    %scan3A_389 = scf.for %scan3A_447 = %scan3A_385 to %scan3A_387 step %scan3A_388 iter_args(%scan3A_448 = %scan3A) -> (i32)  : i32 {
      %mul3A_449 = arith.constant 640 : i32
      %mul3A_450 = arith.muli %arg1, %mul3A_449 : i32
      %mul3A_451 = arith.constant 16 : i32
      %mul3A_452 = arith.muli %scan3A_447, %mul3A_451 : i32
      %add3A_453 = arith.addi %mul3A_450, %mul3A_452 : i32
      "tpu.region"() ({
        %run_scoped3A = tpu.sem_alloc : memref<!tpu.dma_semaphore, #tpu.memory_space<semaphore_mem>>
        %dma_start3A_455 = arith.constant 0 : i32
        %dma_start3A_456 = tpu.memref_slice %arg13[%add3A_453, %dma_start3A_455] : memref<10240x64xf32, #tpu.memory_space<vmem_shared>> -> memref<16x64xf32, #tpu.memory_space<vmem_shared>>
        %dma_start3A_457 = arith.constant 0 : i32
        %dma_start3A_458 = tpu.memref_slice %arg13[%add3A_453, %dma_start3A_457] : memref<10240x64xf32, #tpu.memory_space<vmem_shared>> -> memref<16x64xf32, #tpu.memory_space<vmem_shared>>
        tpu.enqueue_dma source(%arg12 : memref<16x64xf32, #tpu.memory_space<vmem>>) target(%dma_start3A_458 : memref<16x64xf32, #tpu.memory_space<vmem_shared>>) target_semaphore(%run_scoped3A : memref<!tpu.dma_semaphore, #tpu.memory_space<semaphore_mem>>)
        %dma_wait3A_459 = arith.constant 0 : i32
        %dma_wait3A_460 = tpu.memref_slice %arg13[%add3A_453, %dma_wait3A_459] : memref<10240x64xf32, #tpu.memory_space<vmem_shared>> -> memref<16x64xf32, #tpu.memory_space<vmem_shared>>
        %dma_wait3A_461 = arith.constant 0 : i32
        %dma_wait3A_462 = tpu.memref_slice %arg13[%add3A_453, %dma_wait3A_461] : memref<10240x64xf32, #tpu.memory_space<vmem_shared>> -> memref<16x64xf32, #tpu.memory_space<vmem_shared>>
        tpu.wait_dma2 semaphore(%run_scoped3A : memref<!tpu.dma_semaphore, #tpu.memory_space<semaphore_mem>>) src(%arg12 : memref<16x64xf32, #tpu.memory_space<vmem>>) dst(%dma_wait3A_462 : memref<16x64xf32, #tpu.memory_space<vmem_shared>>)
        tpu.yield
      }) : () -> ()
      %scan3A_454 = arith.constant 0 : i32
      scf.yield %scan3A_454 : i32
    }
    %scan3A_390 = arith.constant 40 : i32
    %mul3A_391 = arith.constant 80 : i32
    %mul3A_392 = arith.muli %add3A, %mul3A_391 : i32
    "tpu.region"() ({
      %run_scoped3A = tpu.sem_alloc : memref<!tpu.dma_semaphore, #tpu.memory_space<semaphore_mem>>
      %dma_start3A_447 = arith.constant 0 : i32
      %dma_start3A_448 = tpu.memref_slice %arg3[%mul3A_392, %dma_start3A_447] : memref<2560x128xi32, #tpu.memory_space<hbm>> -> memref<80x128xi32, #tpu.memory_space<hbm>>
      %dma_start3A_449 = arith.constant 0 : i32
      %dma_start3A_450 = tpu.memref_slice %arg3[%mul3A_392, %dma_start3A_449] : memref<2560x128xi32, #tpu.memory_space<hbm>> -> memref<80x128xi32, #tpu.memory_space<hbm>>
      tpu.enqueue_dma source(%dma_start3A_450 : memref<80x128xi32, #tpu.memory_space<hbm>>) target(%arg6 : memref<80x128xi32, #tpu.memory_space<vmem>>) target_semaphore(%run_scoped3A : memref<!tpu.dma_semaphore, #tpu.memory_space<semaphore_mem>>)
      %dma_wait3A_451 = arith.constant 0 : i32
      %dma_wait3A_452 = tpu.memref_slice %arg3[%mul3A_392, %dma_wait3A_451] : memref<2560x128xi32, #tpu.memory_space<hbm>> -> memref<80x128xi32, #tpu.memory_space<hbm>>
      %dma_wait3A_453 = arith.constant 0 : i32
      %dma_wait3A_454 = tpu.memref_slice %arg3[%mul3A_392, %dma_wait3A_453] : memref<2560x128xi32, #tpu.memory_space<hbm>> -> memref<80x128xi32, #tpu.memory_space<hbm>>
      tpu.wait_dma2 semaphore(%run_scoped3A : memref<!tpu.dma_semaphore, #tpu.memory_space<semaphore_mem>>) src(%dma_wait3A_454 : memref<80x128xi32, #tpu.memory_space<hbm>>) dst(%arg6 : memref<80x128xi32, #tpu.memory_space<vmem>>)
      tpu.yield
    }) : () -> ()
    %mul3A_393 = arith.constant 80 : i32
    %mul3A_394 = arith.muli %add3A, %mul3A_393 : i32
    "tpu.region"() ({
      %run_scoped3A = tpu.sem_alloc : memref<!tpu.dma_semaphore, #tpu.memory_space<semaphore_mem>>
      %dma_start3A_447 = arith.constant 0 : i32
      %dma_start3A_448 = tpu.memref_slice %arg4[%mul3A_394, %dma_start3A_447] : memref<2560x128xi32, #tpu.memory_space<hbm>> -> memref<80x128xi32, #tpu.memory_space<hbm>>
      %dma_start3A_449 = arith.constant 0 : i32
      %dma_start3A_450 = tpu.memref_slice %arg4[%mul3A_394, %dma_start3A_449] : memref<2560x128xi32, #tpu.memory_space<hbm>> -> memref<80x128xi32, #tpu.memory_space<hbm>>
      tpu.enqueue_dma source(%dma_start3A_450 : memref<80x128xi32, #tpu.memory_space<hbm>>) target(%arg7 : memref<80x128xi32, #tpu.memory_space<vmem>>) target_semaphore(%run_scoped3A : memref<!tpu.dma_semaphore, #tpu.memory_space<semaphore_mem>>)
      %dma_wait3A_451 = arith.constant 0 : i32
      %dma_wait3A_452 = tpu.memref_slice %arg4[%mul3A_394, %dma_wait3A_451] : memref<2560x128xi32, #tpu.memory_space<hbm>> -> memref<80x128xi32, #tpu.memory_space<hbm>>
      %dma_wait3A_453 = arith.constant 0 : i32
      %dma_wait3A_454 = tpu.memref_slice %arg4[%mul3A_394, %dma_wait3A_453] : memref<2560x128xi32, #tpu.memory_space<hbm>> -> memref<80x128xi32, #tpu.memory_space<hbm>>
      tpu.wait_dma2 semaphore(%run_scoped3A : memref<!tpu.dma_semaphore, #tpu.memory_space<semaphore_mem>>) src(%dma_wait3A_454 : memref<80x128xi32, #tpu.memory_space<hbm>>) dst(%arg7 : memref<80x128xi32, #tpu.memory_space<vmem>>)
      tpu.yield
    }) : () -> ()
    %barrier3A = arith.constant 0 : index
    tpu.barrier barrier_id(%barrier3A)
    %dma_start3A = arith.constant 0 : i32
    %dma_start3A_395 = arith.constant 0 : i32
    %dma_start3A_396 = tpu.memref_slice %arg6[%dma_start3A, %dma_start3A_395] : memref<80x128xi32, #tpu.memory_space<vmem>> -> memref<1x128xi32, #tpu.memory_space<vmem>>
    %dma_start3A_397 = tpu.memref_squeeze %dma_start3A_396 : memref<1x128xi32, #tpu.memory_space<vmem>> -> memref<128xi32, #tpu.memory_space<vmem>>
    %dma_start3A_398 = arith.constant 0 : i32
    %dma_start3A_399 = arith.constant 0 : i32
    %dma_start3A_400 = tpu.memref_slice %arg2[%dma_start3A_398, %dma_start3A_399] : memref<10240x64xf32, #tpu.memory_space<hbm>> -> memref<10240x64xf32, #tpu.memory_space<hbm>>
    tpu.enqueue_indirect_dma source(%dma_start3A_400 : memref<10240x64xf32, #tpu.memory_space<hbm>>) target(%arg8 : memref<128x64xf32, #tpu.memory_space<vmem>>) offsets(%dma_start3A_397 : memref<128xi32, #tpu.memory_space<vmem>>) semaphore(%arg14 : memref<!tpu.dma_semaphore, #tpu.memory_space<semaphore_mem>>)
    %dma_start3A_401 = arith.constant 1 : i32
    %dma_start3A_402 = arith.constant 0 : i32
    %dma_start3A_403 = tpu.memref_slice %arg6[%dma_start3A_401, %dma_start3A_402] : memref<80x128xi32, #tpu.memory_space<vmem>> -> memref<1x128xi32, #tpu.memory_space<vmem>>
    %dma_start3A_404 = tpu.memref_squeeze %dma_start3A_403 : memref<1x128xi32, #tpu.memory_space<vmem>> -> memref<128xi32, #tpu.memory_space<vmem>>
    %dma_start3A_405 = arith.constant 0 : i32
    %dma_start3A_406 = arith.constant 0 : i32
    %dma_start3A_407 = tpu.memref_slice %arg2[%dma_start3A_405, %dma_start3A_406] : memref<10240x64xf32, #tpu.memory_space<hbm>> -> memref<10240x64xf32, #tpu.memory_space<hbm>>
    tpu.enqueue_indirect_dma source(%dma_start3A_407 : memref<10240x64xf32, #tpu.memory_space<hbm>>) target(%arg9 : memref<128x64xf32, #tpu.memory_space<vmem>>) offsets(%dma_start3A_404 : memref<128xi32, #tpu.memory_space<vmem>>) semaphore(%arg15 : memref<!tpu.dma_semaphore, #tpu.memory_space<semaphore_mem>>)
    %dma_start3A_408 = arith.constant 2 : i32
    %dma_start3A_409 = arith.constant 0 : i32
    %dma_start3A_410 = tpu.memref_slice %arg6[%dma_start3A_408, %dma_start3A_409] : memref<80x128xi32, #tpu.memory_space<vmem>> -> memref<1x128xi32, #tpu.memory_space<vmem>>
    %dma_start3A_411 = tpu.memref_squeeze %dma_start3A_410 : memref<1x128xi32, #tpu.memory_space<vmem>> -> memref<128xi32, #tpu.memory_space<vmem>>
    %dma_start3A_412 = arith.constant 0 : i32
    %dma_start3A_413 = arith.constant 0 : i32
    %dma_start3A_414 = tpu.memref_slice %arg2[%dma_start3A_412, %dma_start3A_413] : memref<10240x64xf32, #tpu.memory_space<hbm>> -> memref<10240x64xf32, #tpu.memory_space<hbm>>
    tpu.enqueue_indirect_dma source(%dma_start3A_414 : memref<10240x64xf32, #tpu.memory_space<hbm>>) target(%arg10 : memref<128x64xf32, #tpu.memory_space<vmem>>) offsets(%dma_start3A_411 : memref<128xi32, #tpu.memory_space<vmem>>) semaphore(%arg16 : memref<!tpu.dma_semaphore, #tpu.memory_space<semaphore_mem>>)
    %scan3A_415 = arith.constant 0 : i32
    %scan3A_416 = arith.constant 0 : i32
    %scan3A_417 = arith.constant 20 : i32
    %scan3A_418 = arith.addi %scan3A_416, %scan3A_417 : i32
    %scan3A_419 = arith.constant 1 : i32
    %scan3A_420 = scf.for %scan3A_447 = %scan3A_416 to %scan3A_418 step %scan3A_419 iter_args(%scan3A_448 = %scan3A_415) -> (i32)  : i32 {
      %mul3A_449 = arith.constant 4 : i32
      %mul3A_450 = arith.muli %scan3A_447, %mul3A_449 : i32
      %add3A_451 = arith.constant 0 : i32
      %add3A_452 = arith.addi %mul3A_450, %add3A_451 : i32
      %dma_wait3A_453 = arith.constant 0 : i32
      %dma_wait3A_454 = tpu.memref_slice %arg6[%add3A_452, %dma_wait3A_453] : memref<80x128xi32, #tpu.memory_space<vmem>> -> memref<1x128xi32, #tpu.memory_space<vmem>>
      %dma_wait3A_455 = tpu.memref_squeeze %dma_wait3A_454 : memref<1x128xi32, #tpu.memory_space<vmem>> -> memref<128xi32, #tpu.memory_space<vmem>>
      %dma_wait3A_456 = arith.constant 0 : i32
      %dma_wait3A_457 = arith.constant 0 : i32
      %dma_wait3A_458 = tpu.memref_slice %arg2[%dma_wait3A_456, %dma_wait3A_457] : memref<10240x64xf32, #tpu.memory_space<hbm>> -> memref<10240x64xf32, #tpu.memory_space<hbm>>
      tpu.wait_indirect_dma semaphore(%arg14 : memref<!tpu.dma_semaphore, #tpu.memory_space<semaphore_mem>>) src(%dma_wait3A_458 : memref<10240x64xf32, #tpu.memory_space<hbm>>) dst(%arg8 : memref<128x64xf32, #tpu.memory_space<vmem>>)
      "tpu.region"() ({
        %run_scoped3A = tpu.sem_alloc : memref<!tpu.dma_semaphore, #tpu.memory_space<semaphore_mem>>
        %dma_start3A_531 = arith.constant 0 : i32
        %dma_start3A_532 = tpu.memref_slice %arg7[%add3A_452, %dma_start3A_531] : memref<80x128xi32, #tpu.memory_space<vmem>> -> memref<1x128xi32, #tpu.memory_space<vmem>>
        %dma_start3A_533 = tpu.memref_squeeze %dma_start3A_532 : memref<1x128xi32, #tpu.memory_space<vmem>> -> memref<128xi32, #tpu.memory_space<vmem>>
        %dma_start3A_534 = arith.constant 0 : i32
        %dma_start3A_535 = arith.constant 0 : i32
        %dma_start3A_536 = tpu.memref_slice %arg13[%dma_start3A_534, %dma_start3A_535] : memref<10240x64xf32, #tpu.memory_space<vmem_shared>> -> memref<10240x64xf32, #tpu.memory_space<vmem_shared>>
        tpu.enqueue_indirect_dma source(%arg8 : memref<128x64xf32, #tpu.memory_space<vmem>>) target(%dma_start3A_536 : memref<10240x64xf32, #tpu.memory_space<vmem_shared>>) offsets(%dma_start3A_533 : memref<128xi32, #tpu.memory_space<vmem>>) semaphore(%run_scoped3A : memref<!tpu.dma_semaphore, #tpu.memory_space<semaphore_mem>>) {add = true}
        %dma_wait3A_537 = arith.constant 0 : i32
        %dma_wait3A_538 = tpu.memref_slice %arg7[%add3A_452, %dma_wait3A_537] : memref<80x128xi32, #tpu.memory_space<vmem>> -> memref<1x128xi32, #tpu.memory_space<vmem>>
        %dma_wait3A_539 = tpu.memref_squeeze %dma_wait3A_538 : memref<1x128xi32, #tpu.memory_space<vmem>> -> memref<128xi32, #tpu.memory_space<vmem>>
        %dma_wait3A_540 = arith.constant 0 : i32
        %dma_wait3A_541 = arith.constant 0 : i32
        %dma_wait3A_542 = tpu.memref_slice %arg13[%dma_wait3A_540, %dma_wait3A_541] : memref<10240x64xf32, #tpu.memory_space<vmem_shared>> -> memref<10240x64xf32, #tpu.memory_space<vmem_shared>>
        tpu.wait_indirect_dma semaphore(%run_scoped3A : memref<!tpu.dma_semaphore, #tpu.memory_space<semaphore_mem>>) src(%arg8 : memref<128x64xf32, #tpu.memory_space<vmem>>) dst(%dma_wait3A_542 : memref<10240x64xf32, #tpu.memory_space<vmem_shared>>)
        tpu.yield
      }) : () -> ()
      %add3A_459 = arith.constant 0 : i32
      %add3A_460 = arith.addi %mul3A_450, %add3A_459 : i32
      %add3A_461 = arith.constant 3 : i32
      %add3A_462 = arith.addi %add3A_460, %add3A_461 : i32
      %min3A = arith.constant 79 : i32
      %min3A_463 = arith.minsi %add3A_462, %min3A : i32
      %dma_start3A_464 = arith.constant 0 : i32
      %dma_start3A_465 = tpu.memref_slice %arg6[%min3A_463, %dma_start3A_464] : memref<80x128xi32, #tpu.memory_space<vmem>> -> memref<1x128xi32, #tpu.memory_space<vmem>>
      %dma_start3A_466 = tpu.memref_squeeze %dma_start3A_465 : memref<1x128xi32, #tpu.memory_space<vmem>> -> memref<128xi32, #tpu.memory_space<vmem>>
      %dma_start3A_467 = arith.constant 0 : i32
      %dma_start3A_468 = arith.constant 0 : i32
      %dma_start3A_469 = tpu.memref_slice %arg2[%dma_start3A_467, %dma_start3A_468] : memref<10240x64xf32, #tpu.memory_space<hbm>> -> memref<10240x64xf32, #tpu.memory_space<hbm>>
      tpu.enqueue_indirect_dma source(%dma_start3A_469 : memref<10240x64xf32, #tpu.memory_space<hbm>>) target(%arg11 : memref<128x64xf32, #tpu.memory_space<vmem>>) offsets(%dma_start3A_466 : memref<128xi32, #tpu.memory_space<vmem>>) semaphore(%arg17 : memref<!tpu.dma_semaphore, #tpu.memory_space<semaphore_mem>>)
      %add3A_470 = arith.constant 1 : i32
      %add3A_471 = arith.addi %mul3A_450, %add3A_470 : i32
      %dma_wait3A_472 = arith.constant 0 : i32
      %dma_wait3A_473 = tpu.memref_slice %arg6[%add3A_471, %dma_wait3A_472] : memref<80x128xi32, #tpu.memory_space<vmem>> -> memref<1x128xi32, #tpu.memory_space<vmem>>
      %dma_wait3A_474 = tpu.memref_squeeze %dma_wait3A_473 : memref<1x128xi32, #tpu.memory_space<vmem>> -> memref<128xi32, #tpu.memory_space<vmem>>
      %dma_wait3A_475 = arith.constant 0 : i32
      %dma_wait3A_476 = arith.constant 0 : i32
      %dma_wait3A_477 = tpu.memref_slice %arg2[%dma_wait3A_475, %dma_wait3A_476] : memref<10240x64xf32, #tpu.memory_space<hbm>> -> memref<10240x64xf32, #tpu.memory_space<hbm>>
      tpu.wait_indirect_dma semaphore(%arg15 : memref<!tpu.dma_semaphore, #tpu.memory_space<semaphore_mem>>) src(%dma_wait3A_477 : memref<10240x64xf32, #tpu.memory_space<hbm>>) dst(%arg9 : memref<128x64xf32, #tpu.memory_space<vmem>>)
      "tpu.region"() ({
        %run_scoped3A = tpu.sem_alloc : memref<!tpu.dma_semaphore, #tpu.memory_space<semaphore_mem>>
        %dma_start3A_531 = arith.constant 0 : i32
        %dma_start3A_532 = tpu.memref_slice %arg7[%add3A_471, %dma_start3A_531] : memref<80x128xi32, #tpu.memory_space<vmem>> -> memref<1x128xi32, #tpu.memory_space<vmem>>
        %dma_start3A_533 = tpu.memref_squeeze %dma_start3A_532 : memref<1x128xi32, #tpu.memory_space<vmem>> -> memref<128xi32, #tpu.memory_space<vmem>>
        %dma_start3A_534 = arith.constant 0 : i32
        %dma_start3A_535 = arith.constant 0 : i32
        %dma_start3A_536 = tpu.memref_slice %arg13[%dma_start3A_534, %dma_start3A_535] : memref<10240x64xf32, #tpu.memory_space<vmem_shared>> -> memref<10240x64xf32, #tpu.memory_space<vmem_shared>>
        tpu.enqueue_indirect_dma source(%arg9 : memref<128x64xf32, #tpu.memory_space<vmem>>) target(%dma_start3A_536 : memref<10240x64xf32, #tpu.memory_space<vmem_shared>>) offsets(%dma_start3A_533 : memref<128xi32, #tpu.memory_space<vmem>>) semaphore(%run_scoped3A : memref<!tpu.dma_semaphore, #tpu.memory_space<semaphore_mem>>) {add = true}
        %dma_wait3A_537 = arith.constant 0 : i32
        %dma_wait3A_538 = tpu.memref_slice %arg7[%add3A_471, %dma_wait3A_537] : memref<80x128xi32, #tpu.memory_space<vmem>> -> memref<1x128xi32, #tpu.memory_space<vmem>>
        %dma_wait3A_539 = tpu.memref_squeeze %dma_wait3A_538 : memref<1x128xi32, #tpu.memory_space<vmem>> -> memref<128xi32, #tpu.memory_space<vmem>>
        %dma_wait3A_540 = arith.constant 0 : i32
        %dma_wait3A_541 = arith.constant 0 : i32
        %dma_wait3A_542 = tpu.memref_slice %arg13[%dma_wait3A_540, %dma_wait3A_541] : memref<10240x64xf32, #tpu.memory_space<vmem_shared>> -> memref<10240x64xf32, #tpu.memory_space<vmem_shared>>
        tpu.wait_indirect_dma semaphore(%run_scoped3A : memref<!tpu.dma_semaphore, #tpu.memory_space<semaphore_mem>>) src(%arg9 : memref<128x64xf32, #tpu.memory_space<vmem>>) dst(%dma_wait3A_542 : memref<10240x64xf32, #tpu.memory_space<vmem_shared>>)
        tpu.yield
      }) : () -> ()
      %add3A_478 = arith.constant 1 : i32
      %add3A_479 = arith.addi %mul3A_450, %add3A_478 : i32
      %add3A_480 = arith.constant 3 : i32
      %add3A_481 = arith.addi %add3A_479, %add3A_480 : i32
      %min3A_482 = arith.constant 79 : i32
      %min3A_483 = arith.minsi %add3A_481, %min3A_482 : i32
      %dma_start3A_484 = arith.constant 0 : i32
      %dma_start3A_485 = tpu.memref_slice %arg6[%min3A_483, %dma_start3A_484] : memref<80x128xi32, #tpu.memory_space<vmem>> -> memref<1x128xi32, #tpu.memory_space<vmem>>
      %dma_start3A_486 = tpu.memref_squeeze %dma_start3A_485 : memref<1x128xi32, #tpu.memory_space<vmem>> -> memref<128xi32, #tpu.memory_space<vmem>>
      %dma_start3A_487 = arith.constant 0 : i32
      %dma_start3A_488 = arith.constant 0 : i32
      %dma_start3A_489 = tpu.memref_slice %arg2[%dma_start3A_487, %dma_start3A_488] : memref<10240x64xf32, #tpu.memory_space<hbm>> -> memref<10240x64xf32, #tpu.memory_space<hbm>>
      tpu.enqueue_indirect_dma source(%dma_start3A_489 : memref<10240x64xf32, #tpu.memory_space<hbm>>) target(%arg8 : memref<128x64xf32, #tpu.memory_space<vmem>>) offsets(%dma_start3A_486 : memref<128xi32, #tpu.memory_space<vmem>>) semaphore(%arg14 : memref<!tpu.dma_semaphore, #tpu.memory_space<semaphore_mem>>)
      %add3A_490 = arith.constant 2 : i32
      %add3A_491 = arith.addi %mul3A_450, %add3A_490 : i32
      %dma_wait3A_492 = arith.constant 0 : i32
      %dma_wait3A_493 = tpu.memref_slice %arg6[%add3A_491, %dma_wait3A_492] : memref<80x128xi32, #tpu.memory_space<vmem>> -> memref<1x128xi32, #tpu.memory_space<vmem>>
      %dma_wait3A_494 = tpu.memref_squeeze %dma_wait3A_493 : memref<1x128xi32, #tpu.memory_space<vmem>> -> memref<128xi32, #tpu.memory_space<vmem>>
      %dma_wait3A_495 = arith.constant 0 : i32
      %dma_wait3A_496 = arith.constant 0 : i32
      %dma_wait3A_497 = tpu.memref_slice %arg2[%dma_wait3A_495, %dma_wait3A_496] : memref<10240x64xf32, #tpu.memory_space<hbm>> -> memref<10240x64xf32, #tpu.memory_space<hbm>>
      tpu.wait_indirect_dma semaphore(%arg16 : memref<!tpu.dma_semaphore, #tpu.memory_space<semaphore_mem>>) src(%dma_wait3A_497 : memref<10240x64xf32, #tpu.memory_space<hbm>>) dst(%arg10 : memref<128x64xf32, #tpu.memory_space<vmem>>)
      "tpu.region"() ({
        %run_scoped3A = tpu.sem_alloc : memref<!tpu.dma_semaphore, #tpu.memory_space<semaphore_mem>>
        %dma_start3A_531 = arith.constant 0 : i32
        %dma_start3A_532 = tpu.memref_slice %arg7[%add3A_491, %dma_start3A_531] : memref<80x128xi32, #tpu.memory_space<vmem>> -> memref<1x128xi32, #tpu.memory_space<vmem>>
        %dma_start3A_533 = tpu.memref_squeeze %dma_start3A_532 : memref<1x128xi32, #tpu.memory_space<vmem>> -> memref<128xi32, #tpu.memory_space<vmem>>
        %dma_start3A_534 = arith.constant 0 : i32
        %dma_start3A_535 = arith.constant 0 : i32
        %dma_start3A_536 = tpu.memref_slice %arg13[%dma_start3A_534, %dma_start3A_535] : memref<10240x64xf32, #tpu.memory_space<vmem_shared>> -> memref<10240x64xf32, #tpu.memory_space<vmem_shared>>
        tpu.enqueue_indirect_dma source(%arg10 : memref<128x64xf32, #tpu.memory_space<vmem>>) target(%dma_start3A_536 : memref<10240x64xf32, #tpu.memory_space<vmem_shared>>) offsets(%dma_start3A_533 : memref<128xi32, #tpu.memory_space<vmem>>) semaphore(%run_scoped3A : memref<!tpu.dma_semaphore, #tpu.memory_space<semaphore_mem>>) {add = true}
        %dma_wait3A_537 = arith.constant 0 : i32
        %dma_wait3A_538 = tpu.memref_slice %arg7[%add3A_491, %dma_wait3A_537] : memref<80x128xi32, #tpu.memory_space<vmem>> -> memref<1x128xi32, #tpu.memory_space<vmem>>
        %dma_wait3A_539 = tpu.memref_squeeze %dma_wait3A_538 : memref<1x128xi32, #tpu.memory_space<vmem>> -> memref<128xi32, #tpu.memory_space<vmem>>
        %dma_wait3A_540 = arith.constant 0 : i32
        %dma_wait3A_541 = arith.constant 0 : i32
        %dma_wait3A_542 = tpu.memref_slice %arg13[%dma_wait3A_540, %dma_wait3A_541] : memref<10240x64xf32, #tpu.memory_space<vmem_shared>> -> memref<10240x64xf32, #tpu.memory_space<vmem_shared>>
        tpu.wait_indirect_dma semaphore(%run_scoped3A : memref<!tpu.dma_semaphore, #tpu.memory_space<semaphore_mem>>) src(%arg10 : memref<128x64xf32, #tpu.memory_space<vmem>>) dst(%dma_wait3A_542 : memref<10240x64xf32, #tpu.memory_space<vmem_shared>>)
        tpu.yield
      }) : () -> ()
      %add3A_498 = arith.constant 2 : i32
      %add3A_499 = arith.addi %mul3A_450, %add3A_498 : i32
      %add3A_500 = arith.constant 3 : i32
      %add3A_501 = arith.addi %add3A_499, %add3A_500 : i32
      %min3A_502 = arith.constant 79 : i32
      %min3A_503 = arith.minsi %add3A_501, %min3A_502 : i32
      %dma_start3A_504 = arith.constant 0 : i32
      %dma_start3A_505 = tpu.memref_slice %arg6[%min3A_503, %dma_start3A_504] : memref<80x128xi32, #tpu.memory_space<vmem>> -> memref<1x128xi32, #tpu.memory_space<vmem>>
      %dma_start3A_506 = tpu.memref_squeeze %dma_start3A_505 : memref<1x128xi32, #tpu.memory_space<vmem>> -> memref<128xi32, #tpu.memory_space<vmem>>
      %dma_start3A_507 = arith.constant 0 : i32
      %dma_start3A_508 = arith.constant 0 : i32
      %dma_start3A_509 = tpu.memref_slice %arg2[%dma_start3A_507, %dma_start3A_508] : memref<10240x64xf32, #tpu.memory_space<hbm>> -> memref<10240x64xf32, #tpu.memory_space<hbm>>
      tpu.enqueue_indirect_dma source(%dma_start3A_509 : memref<10240x64xf32, #tpu.memory_space<hbm>>) target(%arg9 : memref<128x64xf32, #tpu.memory_space<vmem>>) offsets(%dma_start3A_506 : memref<128xi32, #tpu.memory_space<vmem>>) semaphore(%arg15 : memref<!tpu.dma_semaphore, #tpu.memory_space<semaphore_mem>>)
      %add3A_510 = arith.constant 3 : i32
      %add3A_511 = arith.addi %mul3A_450, %add3A_510 : i32
      %dma_wait3A_512 = arith.constant 0 : i32
      %dma_wait3A_513 = tpu.memref_slice %arg6[%add3A_511, %dma_wait3A_512] : memref<80x128xi32, #tpu.memory_space<vmem>> -> memref<1x128xi32, #tpu.memory_space<vmem>>
      %dma_wait3A_514 = tpu.memref_squeeze %dma_wait3A_513 : memref<1x128xi32, #tpu.memory_space<vmem>> -> memref<128xi32, #tpu.memory_space<vmem>>
      %dma_wait3A_515 = arith.constant 0 : i32
      %dma_wait3A_516 = arith.constant 0 : i32
      %dma_wait3A_517 = tpu.memref_slice %arg2[%dma_wait3A_515, %dma_wait3A_516] : memref<10240x64xf32, #tpu.memory_space<hbm>> -> memref<10240x64xf32, #tpu.memory_space<hbm>>
      tpu.wait_indirect_dma semaphore(%arg17 : memref<!tpu.dma_semaphore, #tpu.memory_space<semaphore_mem>>) src(%dma_wait3A_517 : memref<10240x64xf32, #tpu.memory_space<hbm>>) dst(%arg11 : memref<128x64xf32, #tpu.memory_space<vmem>>)
      "tpu.region"() ({
        %run_scoped3A = tpu.sem_alloc : memref<!tpu.dma_semaphore, #tpu.memory_space<semaphore_mem>>
        %dma_start3A_531 = arith.constant 0 : i32
        %dma_start3A_532 = tpu.memref_slice %arg7[%add3A_511, %dma_start3A_531] : memref<80x128xi32, #tpu.memory_space<vmem>> -> memref<1x128xi32, #tpu.memory_space<vmem>>
        %dma_start3A_533 = tpu.memref_squeeze %dma_start3A_532 : memref<1x128xi32, #tpu.memory_space<vmem>> -> memref<128xi32, #tpu.memory_space<vmem>>
        %dma_start3A_534 = arith.constant 0 : i32
        %dma_start3A_535 = arith.constant 0 : i32
        %dma_start3A_536 = tpu.memref_slice %arg13[%dma_start3A_534, %dma_start3A_535] : memref<10240x64xf32, #tpu.memory_space<vmem_shared>> -> memref<10240x64xf32, #tpu.memory_space<vmem_shared>>
        tpu.enqueue_indirect_dma source(%arg11 : memref<128x64xf32, #tpu.memory_space<vmem>>) target(%dma_start3A_536 : memref<10240x64xf32, #tpu.memory_space<vmem_shared>>) offsets(%dma_start3A_533 : memref<128xi32, #tpu.memory_space<vmem>>) semaphore(%run_scoped3A : memref<!tpu.dma_semaphore, #tpu.memory_space<semaphore_mem>>) {add = true}
        %dma_wait3A_537 = arith.constant 0 : i32
        %dma_wait3A_538 = tpu.memref_slice %arg7[%add3A_511, %dma_wait3A_537] : memref<80x128xi32, #tpu.memory_space<vmem>> -> memref<1x128xi32, #tpu.memory_space<vmem>>
        %dma_wait3A_539 = tpu.memref_squeeze %dma_wait3A_538 : memref<1x128xi32, #tpu.memory_space<vmem>> -> memref<128xi32, #tpu.memory_space<vmem>>
        %dma_wait3A_540 = arith.constant 0 : i32
        %dma_wait3A_541 = arith.constant 0 : i32
        %dma_wait3A_542 = tpu.memref_slice %arg13[%dma_wait3A_540, %dma_wait3A_541] : memref<10240x64xf32, #tpu.memory_space<vmem_shared>> -> memref<10240x64xf32, #tpu.memory_space<vmem_shared>>
        tpu.wait_indirect_dma semaphore(%run_scoped3A : memref<!tpu.dma_semaphore, #tpu.memory_space<semaphore_mem>>) src(%arg11 : memref<128x64xf32, #tpu.memory_space<vmem>>) dst(%dma_wait3A_542 : memref<10240x64xf32, #tpu.memory_space<vmem_shared>>)
        tpu.yield
      }) : () -> ()
      %add3A_518 = arith.constant 3 : i32
      %add3A_519 = arith.addi %mul3A_450, %add3A_518 : i32
      %add3A_520 = arith.constant 3 : i32
      %add3A_521 = arith.addi %add3A_519, %add3A_520 : i32
      %min3A_522 = arith.constant 79 : i32
      %min3A_523 = arith.minsi %add3A_521, %min3A_522 : i32
      %dma_start3A_524 = arith.constant 0 : i32
      %dma_start3A_525 = tpu.memref_slice %arg6[%min3A_523, %dma_start3A_524] : memref<80x128xi32, #tpu.memory_space<vmem>> -> memref<1x128xi32, #tpu.memory_space<vmem>>
      %dma_start3A_526 = tpu.memref_squeeze %dma_start3A_525 : memref<1x128xi32, #tpu.memory_space<vmem>> -> memref<128xi32, #tpu.memory_space<vmem>>
      %dma_start3A_527 = arith.constant 0 : i32
      %dma_start3A_528 = arith.constant 0 : i32
      %dma_start3A_529 = tpu.memref_slice %arg2[%dma_start3A_527, %dma_start3A_528] : memref<10240x64xf32, #tpu.memory_space<hbm>> -> memref<10240x64xf32, #tpu.memory_space<hbm>>
      tpu.enqueue_indirect_dma source(%dma_start3A_529 : memref<10240x64xf32, #tpu.memory_space<hbm>>) target(%arg10 : memref<128x64xf32, #tpu.memory_space<vmem>>) offsets(%dma_start3A_526 : memref<128xi32, #tpu.memory_space<vmem>>) semaphore(%arg16 : memref<!tpu.dma_semaphore, #tpu.memory_space<semaphore_mem>>)
      %scan3A_530 = arith.constant 0 : i32
      scf.yield %scan3A_530 : i32
    }
    %scan3A_421 = arith.constant 20 : i32
    %dma_wait3A = arith.constant 0 : i32
    %dma_wait3A_422 = arith.constant 0 : i32
    %dma_wait3A_423 = tpu.memref_slice %arg6[%dma_wait3A, %dma_wait3A_422] : memref<80x128xi32, #tpu.memory_space<vmem>> -> memref<1x128xi32, #tpu.memory_space<vmem>>
    %dma_wait3A_424 = tpu.memref_squeeze %dma_wait3A_423 : memref<1x128xi32, #tpu.memory_space<vmem>> -> memref<128xi32, #tpu.memory_space<vmem>>
    %dma_wait3A_425 = arith.constant 0 : i32
    %dma_wait3A_426 = arith.constant 0 : i32
    %dma_wait3A_427 = tpu.memref_slice %arg2[%dma_wait3A_425, %dma_wait3A_426] : memref<10240x64xf32, #tpu.memory_space<hbm>> -> memref<10240x64xf32, #tpu.memory_space<hbm>>
    tpu.wait_indirect_dma semaphore(%arg14 : memref<!tpu.dma_semaphore, #tpu.memory_space<semaphore_mem>>) src(%dma_wait3A_427 : memref<10240x64xf32, #tpu.memory_space<hbm>>) dst(%arg8 : memref<128x64xf32, #tpu.memory_space<vmem>>)
    %dma_wait3A_428 = arith.constant 0 : i32
    %dma_wait3A_429 = arith.constant 0 : i32
    %dma_wait3A_430 = tpu.memref_slice %arg6[%dma_wait3A_428, %dma_wait3A_429] : memref<80x128xi32, #tpu.memory_space<vmem>> -> memref<1x128xi32, #tpu.memory_space<vmem>>
    %dma_wait3A_431 = tpu.memref_squeeze %dma_wait3A_430 : memref<1x128xi32, #tpu.memory_space<vmem>> -> memref<128xi32, #tpu.memory_space<vmem>>
    %dma_wait3A_432 = arith.constant 0 : i32
    %dma_wait3A_433 = arith.constant 0 : i32
    %dma_wait3A_434 = tpu.memref_slice %arg2[%dma_wait3A_432, %dma_wait3A_433] : memref<10240x64xf32, #tpu.memory_space<hbm>> -> memref<10240x64xf32, #tpu.memory_space<hbm>>
    tpu.wait_indirect_dma semaphore(%arg15 : memref<!tpu.dma_semaphore, #tpu.memory_space<semaphore_mem>>) src(%dma_wait3A_434 : memref<10240x64xf32, #tpu.memory_space<hbm>>) dst(%arg9 : memref<128x64xf32, #tpu.memory_space<vmem>>)
    %dma_wait3A_435 = arith.constant 0 : i32
    %dma_wait3A_436 = arith.constant 0 : i32
    %dma_wait3A_437 = tpu.memref_slice %arg6[%dma_wait3A_435, %dma_wait3A_436] : memref<80x128xi32, #tpu.memory_space<vmem>> -> memref<1x128xi32, #tpu.memory_space<vmem>>
    %dma_wait3A_438 = tpu.memref_squeeze %dma_wait3A_437 : memref<1x128xi32, #tpu.memory_space<vmem>> -> memref<128xi32, #tpu.memory_space<vmem>>
    %dma_wait3A_439 = arith.constant 0 : i32
    %dma_wait3A_440 = arith.constant 0 : i32
    %dma_wait3A_441 = tpu.memref_slice %arg2[%dma_wait3A_439, %dma_wait3A_440] : memref<10240x64xf32, #tpu.memory_space<hbm>> -> memref<10240x64xf32, #tpu.memory_space<hbm>>
    tpu.wait_indirect_dma semaphore(%arg16 : memref<!tpu.dma_semaphore, #tpu.memory_space<semaphore_mem>>) src(%dma_wait3A_441 : memref<10240x64xf32, #tpu.memory_space<hbm>>) dst(%arg10 : memref<128x64xf32, #tpu.memory_space<vmem>>)
    %barrier3A_442 = arith.constant 0 : index
    tpu.barrier barrier_id(%barrier3A_442)
    %mul3A_443 = arith.constant 640 : i32
    %mul3A_444 = arith.muli %arg1, %mul3A_443 : i32
    %mul3A_445 = arith.constant 640 : i32
    %mul3A_446 = arith.muli %arg1, %mul3A_445 : i32
    "tpu.region"() ({
      %run_scoped3A = tpu.sem_alloc : memref<!tpu.dma_semaphore, #tpu.memory_space<semaphore_mem>>
      %dma_start3A_447 = arith.constant 0 : i32
      %dma_start3A_448 = tpu.memref_slice %arg5[%arg0, %mul3A_446, %dma_start3A_447] : memref<2x10240x64xf32, #tpu.memory_space<hbm>> -> memref<1x640x64xf32, #tpu.memory_space<hbm>>
      %dma_start3A_449 = tpu.memref_squeeze %dma_start3A_448 : memref<1x640x64xf32, #tpu.memory_space<hbm>> -> memref<640x64xf32, #tpu.memory_space<hbm>>
      %dma_start3A_450 = arith.constant 0 : i32
      %dma_start3A_451 = tpu.memref_slice %arg13[%mul3A_444, %dma_start3A_450] : memref<10240x64xf32, #tpu.memory_space<vmem_shared>> -> memref<640x64xf32, #tpu.memory_space<vmem_shared>>
      tpu.enqueue_dma source(%dma_start3A_451 : memref<640x64xf32, #tpu.memory_space<vmem_shared>>) target(%dma_start3A_449 : memref<640x64xf32, #tpu.memory_space<hbm>>) target_semaphore(%run_scoped3A : memref<!tpu.dma_semaphore, #tpu.memory_space<semaphore_mem>>)
      %dma_wait3A_452 = arith.constant 0 : i32
      %dma_wait3A_453 = tpu.memref_slice %arg5[%arg0, %mul3A_446, %dma_wait3A_452] : memref<2x10240x64xf32, #tpu.memory_space<hbm>> -> memref<1x640x64xf32, #tpu.memory_space<hbm>>
      %dma_wait3A_454 = tpu.memref_squeeze %dma_wait3A_453 : memref<1x640x64xf32, #tpu.memory_space<hbm>> -> memref<640x64xf32, #tpu.memory_space<hbm>>
      %dma_wait3A_455 = arith.constant 0 : i32
      %dma_wait3A_456 = tpu.memref_slice %arg13[%mul3A_444, %dma_wait3A_455] : memref<10240x64xf32, #tpu.memory_space<vmem_shared>> -> memref<640x64xf32, #tpu.memory_space<vmem_shared>>
      tpu.wait_dma2 semaphore(%run_scoped3A : memref<!tpu.dma_semaphore, #tpu.memory_space<semaphore_mem>>) src(%dma_wait3A_456 : memref<640x64xf32, #tpu.memory_space<vmem_shared>>) dst(%dma_wait3A_454 : memref<640x64xf32, #tpu.memory_space<hbm>>)
      tpu.yield
    }) : () -> ()
    return
  }
}

module attributes {stable_mosaic.version = 14 : i64} {
  func.func @_norm_msg_body(%arg0: i32, %arg1: memref<1024x128xf32, #tpu.memory_space<vmem>>, %arg2: memref<1x128xf32, #tpu.memory_space<vmem>>, %arg3: memref<1x128xf32, #tpu.memory_space<vmem>>, %arg4: memref<128x64xf32, #tpu.memory_space<vmem>>, %arg5: memref<1x64xf32, #tpu.memory_space<vmem>>, %arg6: memref<1024x128xf32, #tpu.memory_space<vmem>>, %arg7: memref<1024x64xf32, #tpu.memory_space<vmem>>) attributes {dimension_semantics = [#tpu.dimension_semantics<arbitrary>], iteration_bounds = array<i64: 10>, scalar_prefetch = 0 : i64, scratch_operands = 0 : i64, tpu.core_type = #tpu.core_type<tc>, window_params = [{transform_indices = @transform_0, window_bounds = array<i64: 1024, 128>}, {pipeline_mode = #tpu.pipeline_mode<synchronous>, transform_indices = @transform_1, window_bounds = array<i64: 1, 128>}, {pipeline_mode = #tpu.pipeline_mode<synchronous>, transform_indices = @transform_2, window_bounds = array<i64: 1, 128>}, {pipeline_mode = #tpu.pipeline_mode<synchronous>, transform_indices = @transform_3, window_bounds = array<i64: 128, 64>}, {pipeline_mode = #tpu.pipeline_mode<synchronous>, transform_indices = @transform_4, window_bounds = array<i64: 1, 64>}, {transform_indices = @transform_5, window_bounds = array<i64: 1024, 128>}, {transform_indices = @transform_6, window_bounds = array<i64: 1024, 64>}]} {
    %get3A = arith.constant 0 : index
    %get3A_0 = arith.constant 0 : index
    %get3A_1 = vector.load %arg1[%get3A, %get3A_0] : memref<1024x128xf32, #tpu.memory_space<vmem>>, vector<1024x128xf32>
    %get3A_2 = arith.constant 0 : index
    %get3A_3 = arith.constant 0 : index
    %get3A_4 = vector.load %arg2[%get3A_2, %get3A_3] : memref<1x128xf32, #tpu.memory_space<vmem>>, vector<1x128xf32>
    %sub3A = vector.broadcast %get3A_4 : vector<1x128xf32> to vector<1024x128xf32>
    %sub3A_5 = arith.subf %get3A_1, %sub3A : vector<1024x128xf32>
    %get3A_6 = arith.constant 0 : index
    %get3A_7 = arith.constant 0 : index
    %get3A_8 = vector.load %arg3[%get3A_6, %get3A_7] : memref<1x128xf32, #tpu.memory_space<vmem>>, vector<1x128xf32>
    %add3A = arith.constant 9.99999993E-9 : f32
    %add3A_9 = vector.broadcast %add3A : f32 to vector<1x128xf32>
    %add3A_10 = arith.addf %get3A_8, %add3A_9 : vector<1x128xf32>
    %sqrt3A = math.sqrt %add3A_10 : vector<1x128xf32>
    %div3A = vector.broadcast %sqrt3A : vector<1x128xf32> to vector<1024x128xf32>
    %div3A_11 = arith.divf %sub3A_5, %div3A : vector<1024x128xf32>
    %jit3A = arith.constant -5.000000e+00 : f32
    %jit3A_12 = arith.constant 5.000000e+00 : f32
    %max3A = vector.broadcast %jit3A : f32 to vector<1024x128xf32>
    %max3A_13 = arith.maximumf %max3A, %div3A_11 : vector<1024x128xf32>
    %min3A = vector.broadcast %jit3A_12 : f32 to vector<1024x128xf32>
    %min3A_14 = arith.minimumf %min3A, %max3A_13 : vector<1024x128xf32>
    %swap3A = arith.constant 0 : index
    %swap3A_15 = arith.constant 0 : index
    %swap3A_16 = vector.load %arg6[%swap3A, %swap3A_15] : memref<1024x128xf32, #tpu.memory_space<vmem>>, vector<1024x128xf32>
    tpu.vector_store %arg6[%swap3A, %swap3A_15], %min3A_14 {strides = array<i32>} : memref<1024x128xf32, #tpu.memory_space<vmem>>, vector<1024x128xf32>,
    %get3A_17 = arith.constant 0 : index
    %get3A_18 = arith.constant 0 : index
    %get3A_19 = vector.load %arg4[%get3A_17, %get3A_18] : memref<128x64xf32, #tpu.memory_space<vmem>>, vector<128x64xf32>
    %dot_general3A = arith.constant dense<0.000000e+00> : vector<1024x64xf32>
    %dot_general3A_20 = tpu.matmul %min3A_14, %get3A_19, %dot_general3A {dimension_numbers = #tpu.dot_dimension_numbers<[1], [0], [0], [1], [0, 0, 1, 1], [], []>, transpose_lhs_hint = false} : vector<1024x128xf32>, vector<128x64xf32>, vector<1024x64xf32> -> vector<1024x64xf32>
    %get3A_21 = arith.constant 0 : index
    %get3A_22 = arith.constant 0 : index
    %get3A_23 = vector.load %arg5[%get3A_21, %get3A_22] : memref<1x64xf32, #tpu.memory_space<vmem>>, vector<1x64xf32>
    %add3A_24 = vector.broadcast %get3A_23 : vector<1x64xf32> to vector<1024x64xf32>
    %add3A_25 = arith.addf %dot_general3A_20, %add3A_24 : vector<1024x64xf32>
    %max3A_26 = arith.constant 0.000000e+00 : f32
    %max3A_27 = vector.broadcast %max3A_26 : f32 to vector<1024x64xf32>
    %max3A_28 = arith.maximumf %add3A_25, %max3A_27 : vector<1024x64xf32>
    %swap3A_29 = arith.constant 0 : index
    %swap3A_30 = arith.constant 0 : index
    %swap3A_31 = vector.load %arg7[%swap3A_29, %swap3A_30] : memref<1024x64xf32, #tpu.memory_space<vmem>>, vector<1024x64xf32>
    tpu.vector_store %arg7[%swap3A_29, %swap3A_30], %max3A_28 {strides = array<i32>} : memref<1024x64xf32, #tpu.memory_space<vmem>>, vector<1024x64xf32>,
    return
  }
  func.func @transform_0(%arg0: i32) -> (i32, i32) {
    %c0_i32 = arith.constant 0 : i32
    %c0_i32_0 = arith.constant 0 : i32
    return %arg0, %c0_i32 : i32, i32
  }
  func.func @transform_1(%arg0: i32) -> (i32, i32) {
    %c0_i32 = arith.constant 0 : i32
    %c0_i32_0 = arith.constant 0 : i32
    %c0_i32_1 = arith.constant 0 : i32
    return %c0_i32, %c0_i32_0 : i32, i32
  }
  func.func @transform_2(%arg0: i32) -> (i32, i32) {
    %c0_i32 = arith.constant 0 : i32
    %c0_i32_0 = arith.constant 0 : i32
    %c0_i32_1 = arith.constant 0 : i32
    return %c0_i32, %c0_i32_0 : i32, i32
  }
  func.func @transform_3(%arg0: i32) -> (i32, i32) {
    %c0_i32 = arith.constant 0 : i32
    %c0_i32_0 = arith.constant 0 : i32
    %c0_i32_1 = arith.constant 0 : i32
    return %c0_i32, %c0_i32_0 : i32, i32
  }
  func.func @transform_4(%arg0: i32) -> (i32, i32) {
    %c0_i32 = arith.constant 0 : i32
    %c0_i32_0 = arith.constant 0 : i32
    %c0_i32_1 = arith.constant 0 : i32
    return %c0_i32, %c0_i32_0 : i32, i32
  }
  func.func @transform_5(%arg0: i32) -> (i32, i32) {
    %c0_i32 = arith.constant 0 : i32
    %c0_i32_0 = arith.constant 0 : i32
    return %arg0, %c0_i32 : i32, i32
  }
  func.func @transform_6(%arg0: i32) -> (i32, i32) {
    %c0_i32 = arith.constant 0 : i32
    %c0_i32_0 = arith.constant 0 : i32
    return %arg0, %c0_i32 : i32, i32
  }
}

module attributes {stable_mosaic.version = 14 : i64} {
  func.func @_update_msg_body(%arg0: i32, %arg1: memref<1024x128xf32, #tpu.memory_space<vmem>>, %arg2: memref<2x1024x64xf32, #tpu.memory_space<vmem>>, %arg3: memref<128x128xf32, #tpu.memory_space<vmem>>, %arg4: memref<64x128xf32, #tpu.memory_space<vmem>>, %arg5: memref<1x128xf32, #tpu.memory_space<vmem>>, %arg6: memref<128x64xf32, #tpu.memory_space<vmem>>, %arg7: memref<1x64xf32, #tpu.memory_space<vmem>>, %arg8: memref<1024x128xf32, #tpu.memory_space<vmem>>, %arg9: memref<1024x64xf32, #tpu.memory_space<vmem>>) attributes {dimension_semantics = [#tpu.dimension_semantics<arbitrary>], iteration_bounds = array<i64: 10>, scalar_prefetch = 0 : i64, scratch_operands = 0 : i64, tpu.core_type = #tpu.core_type<tc>, window_params = [{transform_indices = @transform_0, window_bounds = array<i64: 1024, 128>}, {transform_indices = @transform_1, window_bounds = array<i64: 2, 1024, 64>}, {pipeline_mode = #tpu.pipeline_mode<synchronous>, transform_indices = @transform_2, window_bounds = array<i64: 128, 128>}, {pipeline_mode = #tpu.pipeline_mode<synchronous>, transform_indices = @transform_3, window_bounds = array<i64: 64, 128>}, {pipeline_mode = #tpu.pipeline_mode<synchronous>, transform_indices = @transform_4, window_bounds = array<i64: 1, 128>}, {pipeline_mode = #tpu.pipeline_mode<synchronous>, transform_indices = @transform_5, window_bounds = array<i64: 128, 64>}, {pipeline_mode = #tpu.pipeline_mode<synchronous>, transform_indices = @transform_6, window_bounds = array<i64: 1, 64>}, {transform_indices = @transform_7, window_bounds = array<i64: 1024, 128>}, {transform_indices = @transform_8, window_bounds = array<i64: 1024, 64>}]} {
    %get3A = arith.constant 0 : index
    %get3A_0 = arith.constant 0 : index
    %get3A_1 = arith.constant 0 : index
    %get3A_2 = vector.load %arg2[%get3A, %get3A_0, %get3A_1] : memref<2x1024x64xf32, #tpu.memory_space<vmem>>, vector<1x1024x64xf32>
    %get3A_3 = vector.shape_cast %get3A_2 : vector<1x1024x64xf32> to vector<1024x64xf32>
    %get3A_4 = arith.constant 1 : index
    %get3A_5 = arith.constant 0 : index
    %get3A_6 = arith.constant 0 : index
    %get3A_7 = vector.load %arg2[%get3A_4, %get3A_5, %get3A_6] : memref<2x1024x64xf32, #tpu.memory_space<vmem>>, vector<1x1024x64xf32>
    %get3A_8 = vector.shape_cast %get3A_7 : vector<1x1024x64xf32> to vector<1024x64xf32>
    %add3A = arith.addf %get3A_3, %get3A_8 : vector<1024x64xf32>
    %get3A_9 = arith.constant 0 : index
    %get3A_10 = arith.constant 0 : index
    %get3A_11 = vector.load %arg1[%get3A_9, %get3A_10] : memref<1024x128xf32, #tpu.memory_space<vmem>>, vector<1024x128xf32>
    %get3A_12 = arith.constant 0 : index
    %get3A_13 = arith.constant 0 : index
    %get3A_14 = vector.load %arg3[%get3A_12, %get3A_13] : memref<128x128xf32, #tpu.memory_space<vmem>>, vector<128x128xf32>
    %dot_general3A = arith.constant dense<0.000000e+00> : vector<1024x128xf32>
    %dot_general3A_15 = tpu.matmul %get3A_11, %get3A_14, %dot_general3A {dimension_numbers = #tpu.dot_dimension_numbers<[1], [0], [0], [1], [0, 0, 1, 1], [], []>, transpose_lhs_hint = false} : vector<1024x128xf32>, vector<128x128xf32>, vector<1024x128xf32> -> vector<1024x128xf32>
    %get3A_16 = arith.constant 0 : index
    %get3A_17 = arith.constant 0 : index
    %get3A_18 = vector.load %arg4[%get3A_16, %get3A_17] : memref<64x128xf32, #tpu.memory_space<vmem>>, vector<64x128xf32>
    %dot_general3A_19 = arith.constant dense<0.000000e+00> : vector<1024x128xf32>
    %dot_general3A_20 = tpu.matmul %add3A, %get3A_18, %dot_general3A_19 {dimension_numbers = #tpu.dot_dimension_numbers<[1], [0], [0], [1], [0, 0, 1, 1], [], []>, transpose_lhs_hint = false} : vector<1024x64xf32>, vector<64x128xf32>, vector<1024x128xf32> -> vector<1024x128xf32>
    %add3A_21 = arith.addf %dot_general3A_15, %dot_general3A_20 : vector<1024x128xf32>
    %get3A_22 = arith.constant 0 : index
    %get3A_23 = arith.constant 0 : index
    %get3A_24 = vector.load %arg5[%get3A_22, %get3A_23] : memref<1x128xf32, #tpu.memory_space<vmem>>, vector<1x128xf32>
    %add3A_25 = vector.broadcast %get3A_24 : vector<1x128xf32> to vector<1024x128xf32>
    %add3A_26 = arith.addf %add3A_21, %add3A_25 : vector<1024x128xf32>
    %max3A = arith.constant 0.000000e+00 : f32
    %max3A_27 = vector.broadcast %max3A : f32 to vector<1024x128xf32>
    %max3A_28 = arith.maximumf %add3A_26, %max3A_27 : vector<1024x128xf32>
    %swap3A = arith.constant 0 : index
    %swap3A_29 = arith.constant 0 : index
    %swap3A_30 = vector.load %arg8[%swap3A, %swap3A_29] : memref<1024x128xf32, #tpu.memory_space<vmem>>, vector<1024x128xf32>
    tpu.vector_store %arg8[%swap3A, %swap3A_29], %max3A_28 {strides = array<i32>} : memref<1024x128xf32, #tpu.memory_space<vmem>>, vector<1024x128xf32>,
    %get3A_31 = arith.constant 0 : index
    %get3A_32 = arith.constant 0 : index
    %get3A_33 = vector.load %arg6[%get3A_31, %get3A_32] : memref<128x64xf32, #tpu.memory_space<vmem>>, vector<128x64xf32>
    %dot_general3A_34 = arith.constant dense<0.000000e+00> : vector<1024x64xf32>
    %dot_general3A_35 = tpu.matmul %max3A_28, %get3A_33, %dot_general3A_34 {dimension_numbers = #tpu.dot_dimension_numbers<[1], [0], [0], [1], [0, 0, 1, 1], [], []>, transpose_lhs_hint = false} : vector<1024x128xf32>, vector<128x64xf32>, vector<1024x64xf32> -> vector<1024x64xf32>
    %get3A_36 = arith.constant 0 : index
    %get3A_37 = arith.constant 0 : index
    %get3A_38 = vector.load %arg7[%get3A_36, %get3A_37] : memref<1x64xf32, #tpu.memory_space<vmem>>, vector<1x64xf32>
    %add3A_39 = vector.broadcast %get3A_38 : vector<1x64xf32> to vector<1024x64xf32>
    %add3A_40 = arith.addf %dot_general3A_35, %add3A_39 : vector<1024x64xf32>
    %max3A_41 = arith.constant 0.000000e+00 : f32
    %max3A_42 = vector.broadcast %max3A_41 : f32 to vector<1024x64xf32>
    %max3A_43 = arith.maximumf %add3A_40, %max3A_42 : vector<1024x64xf32>
    %swap3A_44 = arith.constant 0 : index
    %swap3A_45 = arith.constant 0 : index
    %swap3A_46 = vector.load %arg9[%swap3A_44, %swap3A_45] : memref<1024x64xf32, #tpu.memory_space<vmem>>, vector<1024x64xf32>
    tpu.vector_store %arg9[%swap3A_44, %swap3A_45], %max3A_43 {strides = array<i32>} : memref<1024x64xf32, #tpu.memory_space<vmem>>, vector<1024x64xf32>,
    return
  }
  func.func @transform_0(%arg0: i32) -> (i32, i32) {
    %c0_i32 = arith.constant 0 : i32
    %c0_i32_0 = arith.constant 0 : i32
    return %arg0, %c0_i32 : i32, i32
  }
  func.func @transform_1(%arg0: i32) -> (i32, i32, i32) {
    %c0_i32 = arith.constant 0 : i32
    %c0_i32_0 = arith.constant 0 : i32
    %c0_i32_1 = arith.constant 0 : i32
    return %c0_i32, %arg0, %c0_i32_0 : i32, i32, i32
  }
  func.func @transform_2(%arg0: i32) -> (i32, i32) {
    %c0_i32 = arith.constant 0 : i32
    %c0_i32_0 = arith.constant 0 : i32
    %c0_i32_1 = arith.constant 0 : i32
    return %c0_i32, %c0_i32_0 : i32, i32
  }
  func.func @transform_3(%arg0: i32) -> (i32, i32) {
    %c0_i32 = arith.constant 0 : i32
    %c0_i32_0 = arith.constant 0 : i32
    %c0_i32_1 = arith.constant 0 : i32
    return %c0_i32, %c0_i32_0 : i32, i32
  }
  func.func @transform_4(%arg0: i32) -> (i32, i32) {
    %c0_i32 = arith.constant 0 : i32
    %c0_i32_0 = arith.constant 0 : i32
    %c0_i32_1 = arith.constant 0 : i32
    return %c0_i32, %c0_i32_0 : i32, i32
  }
  func.func @transform_5(%arg0: i32) -> (i32, i32) {
    %c0_i32 = arith.constant 0 : i32
    %c0_i32_0 = arith.constant 0 : i32
    %c0_i32_1 = arith.constant 0 : i32
    return %c0_i32, %c0_i32_0 : i32, i32
  }
  func.func @transform_6(%arg0: i32) -> (i32, i32) {
    %c0_i32 = arith.constant 0 : i32
    %c0_i32_0 = arith.constant 0 : i32
    %c0_i32_1 = arith.constant 0 : i32
    return %c0_i32, %c0_i32_0 : i32, i32
  }
  func.func @transform_7(%arg0: i32) -> (i32, i32) {
    %c0_i32 = arith.constant 0 : i32
    %c0_i32_0 = arith.constant 0 : i32
    return %arg0, %c0_i32 : i32, i32
  }
  func.func @transform_8(%arg0: i32) -> (i32, i32) {
    %c0_i32 = arith.constant 0 : i32
    %c0_i32_0 = arith.constant 0 : i32
    return %arg0, %c0_i32 : i32, i32
  }
}

module attributes {stable_mosaic.version = 14 : i64} {
  func.func @_head_body(%arg0: memref<10240x128xf32, #tpu.memory_space<vmem>>, %arg1: memref<10240x64xf32, #tpu.memory_space<vmem>>, %arg2: memref<10240x64xf32, #tpu.memory_space<vmem>>, %arg3: memref<8xi32, #tpu.memory_space<smem>>, %arg4: memref<128x128xf32, #tpu.memory_space<vmem>>, %arg5: memref<64x128xf32, #tpu.memory_space<vmem>>, %arg6: memref<1x128xf32, #tpu.memory_space<vmem>>, %arg7: memref<128x256xf32, #tpu.memory_space<vmem>>, %arg8: memref<1x256xf32, #tpu.memory_space<vmem>>, %arg9: memref<256x128xf32, #tpu.memory_space<vmem>>, %arg10: memref<1x128xf32, #tpu.memory_space<vmem>>, %arg11: memref<1x128xf32, #tpu.memory_space<vmem>>, %arg12: memref<1x1xf32, #tpu.memory_space<vmem>>, %arg13: memref<8x1xf32, #tpu.memory_space<vmem>>) attributes {dimension_semantics = [], scalar_prefetch = 0 : i64, scratch_operands = 0 : i64, tpu.core_type = #tpu.core_type<tc>} {
    %get3A = arith.constant 0 : index
    %get3A_0 = arith.constant 0 : index
    %get3A_1 = vector.load %arg0[%get3A, %get3A_0] : memref<10240x128xf32, #tpu.memory_space<vmem>>, vector<1x128xf32>
    %get3A_2 = arith.constant 0 : index
    %get3A_3 = arith.constant 0 : index
    %get3A_4 = vector.load %arg1[%get3A_2, %get3A_3] : memref<10240x64xf32, #tpu.memory_space<vmem>>, vector<1x64xf32>
    %get3A_5 = arith.constant 0 : index
    %get3A_6 = arith.constant 0 : index
    %get3A_7 = vector.load %arg2[%get3A_5, %get3A_6] : memref<10240x64xf32, #tpu.memory_space<vmem>>, vector<1x64xf32>
    %add3A = arith.addf %get3A_4, %get3A_7 : vector<1x64xf32>
    %get3A_8 = arith.constant 0 : index
    %get3A_9 = memref.load %arg3[%get3A_8] : memref<8xi32, #tpu.memory_space<smem>>
    %add3A_10 = arith.constant 0 : i32
    %add3A_11 = arith.addi %add3A_10, %get3A_9 : i32
    %get3A_12 = arith.index_cast %add3A_11 : i32 to index
    %get3A_13 = arith.constant 0 : index
    %get3A_14 = vector.load %arg0[%get3A_12, %get3A_13] : memref<10240x128xf32, #tpu.memory_space<vmem>>, vector<1x128xf32>
    %get3A_15 = arith.index_cast %add3A_11 : i32 to index
    %get3A_16 = arith.constant 0 : index
    %get3A_17 = vector.load %arg1[%get3A_15, %get3A_16] : memref<10240x64xf32, #tpu.memory_space<vmem>>, vector<1x64xf32>
    %get3A_18 = arith.index_cast %add3A_11 : i32 to index
    %get3A_19 = arith.constant 0 : index
    %get3A_20 = vector.load %arg2[%get3A_18, %get3A_19] : memref<10240x64xf32, #tpu.memory_space<vmem>>, vector<1x64xf32>
    %add3A_21 = arith.addf %get3A_17, %get3A_20 : vector<1x64xf32>
    %get3A_22 = arith.constant 1 : index
    %get3A_23 = memref.load %arg3[%get3A_22] : memref<8xi32, #tpu.memory_space<smem>>
    %add3A_24 = arith.addi %add3A_11, %get3A_23 : i32
    %get3A_25 = arith.index_cast %add3A_24 : i32 to index
    %get3A_26 = arith.constant 0 : index
    %get3A_27 = vector.load %arg0[%get3A_25, %get3A_26] : memref<10240x128xf32, #tpu.memory_space<vmem>>, vector<1x128xf32>
    %get3A_28 = arith.index_cast %add3A_24 : i32 to index
    %get3A_29 = arith.constant 0 : index
    %get3A_30 = vector.load %arg1[%get3A_28, %get3A_29] : memref<10240x64xf32, #tpu.memory_space<vmem>>, vector<1x64xf32>
    %get3A_31 = arith.index_cast %add3A_24 : i32 to index
    %get3A_32 = arith.constant 0 : index
    %get3A_33 = vector.load %arg2[%get3A_31, %get3A_32] : memref<10240x64xf32, #tpu.memory_space<vmem>>, vector<1x64xf32>
    %add3A_34 = arith.addf %get3A_30, %get3A_33 : vector<1x64xf32>
    %get3A_35 = arith.constant 2 : index
    %get3A_36 = memref.load %arg3[%get3A_35] : memref<8xi32, #tpu.memory_space<smem>>
    %add3A_37 = arith.addi %add3A_24, %get3A_36 : i32
    %get3A_38 = arith.index_cast %add3A_37 : i32 to index
    %get3A_39 = arith.constant 0 : index
    %get3A_40 = vector.load %arg0[%get3A_38, %get3A_39] : memref<10240x128xf32, #tpu.memory_space<vmem>>, vector<1x128xf32>
    %get3A_41 = arith.index_cast %add3A_37 : i32 to index
    %get3A_42 = arith.constant 0 : index
    %get3A_43 = vector.load %arg1[%get3A_41, %get3A_42] : memref<10240x64xf32, #tpu.memory_space<vmem>>, vector<1x64xf32>
    %get3A_44 = arith.index_cast %add3A_37 : i32 to index
    %get3A_45 = arith.constant 0 : index
    %get3A_46 = vector.load %arg2[%get3A_44, %get3A_45] : memref<10240x64xf32, #tpu.memory_space<vmem>>, vector<1x64xf32>
    %add3A_47 = arith.addf %get3A_43, %get3A_46 : vector<1x64xf32>
    %get3A_48 = arith.constant 3 : index
    %get3A_49 = memref.load %arg3[%get3A_48] : memref<8xi32, #tpu.memory_space<smem>>
    %add3A_50 = arith.addi %add3A_37, %get3A_49 : i32
    %get3A_51 = arith.index_cast %add3A_50 : i32 to index
    %get3A_52 = arith.constant 0 : index
    %get3A_53 = vector.load %arg0[%get3A_51, %get3A_52] : memref<10240x128xf32, #tpu.memory_space<vmem>>, vector<1x128xf32>
    %get3A_54 = arith.index_cast %add3A_50 : i32 to index
    %get3A_55 = arith.constant 0 : index
    %get3A_56 = vector.load %arg1[%get3A_54, %get3A_55] : memref<10240x64xf32, #tpu.memory_space<vmem>>, vector<1x64xf32>
    %get3A_57 = arith.index_cast %add3A_50 : i32 to index
    %get3A_58 = arith.constant 0 : index
    %get3A_59 = vector.load %arg2[%get3A_57, %get3A_58] : memref<10240x64xf32, #tpu.memory_space<vmem>>, vector<1x64xf32>
    %add3A_60 = arith.addf %get3A_56, %get3A_59 : vector<1x64xf32>
    %get3A_61 = arith.constant 4 : index
    %get3A_62 = memref.load %arg3[%get3A_61] : memref<8xi32, #tpu.memory_space<smem>>
    %add3A_63 = arith.addi %add3A_50, %get3A_62 : i32
    %get3A_64 = arith.index_cast %add3A_63 : i32 to index
    %get3A_65 = arith.constant 0 : index
    %get3A_66 = vector.load %arg0[%get3A_64, %get3A_65] : memref<10240x128xf32, #tpu.memory_space<vmem>>, vector<1x128xf32>
    %get3A_67 = arith.index_cast %add3A_63 : i32 to index
    %get3A_68 = arith.constant 0 : index
    %get3A_69 = vector.load %arg1[%get3A_67, %get3A_68] : memref<10240x64xf32, #tpu.memory_space<vmem>>, vector<1x64xf32>
    %get3A_70 = arith.index_cast %add3A_63 : i32 to index
    %get3A_71 = arith.constant 0 : index
    %get3A_72 = vector.load %arg2[%get3A_70, %get3A_71] : memref<10240x64xf32, #tpu.memory_space<vmem>>, vector<1x64xf32>
    %add3A_73 = arith.addf %get3A_69, %get3A_72 : vector<1x64xf32>
    %get3A_74 = arith.constant 5 : index
    %get3A_75 = memref.load %arg3[%get3A_74] : memref<8xi32, #tpu.memory_space<smem>>
    %add3A_76 = arith.addi %add3A_63, %get3A_75 : i32
    %get3A_77 = arith.index_cast %add3A_76 : i32 to index
    %get3A_78 = arith.constant 0 : index
    %get3A_79 = vector.load %arg0[%get3A_77, %get3A_78] : memref<10240x128xf32, #tpu.memory_space<vmem>>, vector<1x128xf32>
    %get3A_80 = arith.index_cast %add3A_76 : i32 to index
    %get3A_81 = arith.constant 0 : index
    %get3A_82 = vector.load %arg1[%get3A_80, %get3A_81] : memref<10240x64xf32, #tpu.memory_space<vmem>>, vector<1x64xf32>
    %get3A_83 = arith.index_cast %add3A_76 : i32 to index
    %get3A_84 = arith.constant 0 : index
    %get3A_85 = vector.load %arg2[%get3A_83, %get3A_84] : memref<10240x64xf32, #tpu.memory_space<vmem>>, vector<1x64xf32>
    %add3A_86 = arith.addf %get3A_82, %get3A_85 : vector<1x64xf32>
    %get3A_87 = arith.constant 6 : index
    %get3A_88 = memref.load %arg3[%get3A_87] : memref<8xi32, #tpu.memory_space<smem>>
    %add3A_89 = arith.addi %add3A_76, %get3A_88 : i32
    %get3A_90 = arith.index_cast %add3A_89 : i32 to index
    %get3A_91 = arith.constant 0 : index
    %get3A_92 = vector.load %arg0[%get3A_90, %get3A_91] : memref<10240x128xf32, #tpu.memory_space<vmem>>, vector<1x128xf32>
    %get3A_93 = arith.index_cast %add3A_89 : i32 to index
    %get3A_94 = arith.constant 0 : index
    %get3A_95 = vector.load %arg1[%get3A_93, %get3A_94] : memref<10240x64xf32, #tpu.memory_space<vmem>>, vector<1x64xf32>
    %get3A_96 = arith.index_cast %add3A_89 : i32 to index
    %get3A_97 = arith.constant 0 : index
    %get3A_98 = vector.load %arg2[%get3A_96, %get3A_97] : memref<10240x64xf32, #tpu.memory_space<vmem>>, vector<1x64xf32>
    %add3A_99 = arith.addf %get3A_95, %get3A_98 : vector<1x64xf32>
    %concatenate3A = tpu.concatenate %get3A_1, %get3A_14, %get3A_27, %get3A_40, %get3A_53, %get3A_66, %get3A_79, %get3A_92 in 0 : vector<1x128xf32>, vector<1x128xf32>, vector<1x128xf32>, vector<1x128xf32>, vector<1x128xf32>, vector<1x128xf32>, vector<1x128xf32>, vector<1x128xf32> -> vector<8x128xf32>
    %concatenate3A_100 = tpu.concatenate %add3A, %add3A_21, %add3A_34, %add3A_47, %add3A_60, %add3A_73, %add3A_86, %add3A_99 in 0 : vector<1x64xf32>, vector<1x64xf32>, vector<1x64xf32>, vector<1x64xf32>, vector<1x64xf32>, vector<1x64xf32>, vector<1x64xf32>, vector<1x64xf32> -> vector<8x64xf32>
    %get3A_101 = arith.constant 0 : index
    %get3A_102 = arith.constant 0 : index
    %get3A_103 = vector.load %arg4[%get3A_101, %get3A_102] : memref<128x128xf32, #tpu.memory_space<vmem>>, vector<128x128xf32>
    %dot_general3A = arith.constant dense<0.000000e+00> : vector<8x128xf32>
    %dot_general3A_104 = tpu.matmul %concatenate3A, %get3A_103, %dot_general3A {dimension_numbers = #tpu.dot_dimension_numbers<[1], [0], [0], [1], [0, 0, 1, 1], [], []>, transpose_lhs_hint = false} : vector<8x128xf32>, vector<128x128xf32>, vector<8x128xf32> -> vector<8x128xf32>
    %get3A_105 = arith.constant 0 : index
    %get3A_106 = arith.constant 0 : index
    %get3A_107 = vector.load %arg5[%get3A_105, %get3A_106] : memref<64x128xf32, #tpu.memory_space<vmem>>, vector<64x128xf32>
    %dot_general3A_108 = arith.constant dense<0.000000e+00> : vector<8x128xf32>
    %dot_general3A_109 = tpu.matmul %concatenate3A_100, %get3A_107, %dot_general3A_108 {dimension_numbers = #tpu.dot_dimension_numbers<[1], [0], [0], [1], [0, 0, 1, 1], [], []>, transpose_lhs_hint = false} : vector<8x64xf32>, vector<64x128xf32>, vector<8x128xf32> -> vector<8x128xf32>
    %add3A_110 = arith.addf %dot_general3A_104, %dot_general3A_109 : vector<8x128xf32>
    %get3A_111 = arith.constant 0 : index
    %get3A_112 = arith.constant 0 : index
    %get3A_113 = vector.load %arg6[%get3A_111, %get3A_112] : memref<1x128xf32, #tpu.memory_space<vmem>>, vector<1x128xf32>
    %add3A_114 = vector.broadcast %get3A_113 : vector<1x128xf32> to vector<8x128xf32>
    %add3A_115 = arith.addf %add3A_110, %add3A_114 : vector<8x128xf32>
    %max3A = arith.constant 0.000000e+00 : f32
    %max3A_116 = vector.broadcast %max3A : f32 to vector<8x128xf32>
    %max3A_117 = arith.maximumf %add3A_115, %max3A_116 : vector<8x128xf32>
    %get3A_118 = arith.constant 0 : index
    %get3A_119 = arith.constant 0 : index
    %get3A_120 = vector.load %arg7[%get3A_118, %get3A_119] : memref<128x256xf32, #tpu.memory_space<vmem>>, vector<128x256xf32>
    %dot_general3A_121 = arith.constant dense<0.000000e+00> : vector<8x256xf32>
    %dot_general3A_122 = tpu.matmul %max3A_117, %get3A_120, %dot_general3A_121 {dimension_numbers = #tpu.dot_dimension_numbers<[1], [0], [0], [1], [0, 0, 1, 1], [], []>, transpose_lhs_hint = false} : vector<8x128xf32>, vector<128x256xf32>, vector<8x256xf32> -> vector<8x256xf32>
    %get3A_123 = arith.constant 0 : index
    %get3A_124 = arith.constant 0 : index
    %get3A_125 = vector.load %arg8[%get3A_123, %get3A_124] : memref<1x256xf32, #tpu.memory_space<vmem>>, vector<1x256xf32>
    %add3A_126 = vector.broadcast %get3A_125 : vector<1x256xf32> to vector<8x256xf32>
    %add3A_127 = arith.addf %dot_general3A_122, %add3A_126 : vector<8x256xf32>
    %tanh3A = math.tanh %add3A_127 : vector<8x256xf32>
    %get3A_128 = arith.constant 0 : index
    %get3A_129 = arith.constant 0 : index
    %get3A_130 = vector.load %arg9[%get3A_128, %get3A_129] : memref<256x128xf32, #tpu.memory_space<vmem>>, vector<256x128xf32>
    %dot_general3A_131 = arith.constant dense<0.000000e+00> : vector<8x128xf32>
    %dot_general3A_132 = tpu.matmul %tanh3A, %get3A_130, %dot_general3A_131 {dimension_numbers = #tpu.dot_dimension_numbers<[1], [0], [0], [1], [0, 0, 1, 1], [], []>, transpose_lhs_hint = false} : vector<8x256xf32>, vector<256x128xf32>, vector<8x128xf32> -> vector<8x128xf32>
    %get3A_133 = arith.constant 0 : index
    %get3A_134 = arith.constant 0 : index
    %get3A_135 = vector.load %arg10[%get3A_133, %get3A_134] : memref<1x128xf32, #tpu.memory_space<vmem>>, vector<1x128xf32>
    %add3A_136 = vector.broadcast %get3A_135 : vector<1x128xf32> to vector<8x128xf32>
    %add3A_137 = arith.addf %dot_general3A_132, %add3A_136 : vector<8x128xf32>
    %tanh3A_138 = math.tanh %add3A_137 : vector<8x128xf32>
    %get3A_139 = arith.constant 0 : index
    %get3A_140 = arith.constant 0 : index
    %get3A_141 = vector.load %arg11[%get3A_139, %get3A_140] : memref<1x128xf32, #tpu.memory_space<vmem>>, vector<1x128xf32>
    %mul3A = vector.broadcast %get3A_141 : vector<1x128xf32> to vector<8x128xf32>
    %mul3A_142 = arith.mulf %tanh3A_138, %mul3A : vector<8x128xf32>
    %reduce_sum3A = arith.constant dense<0.000000e+00> : vector<8xf32>
    %reduce_sum3A_143 = vector.multi_reduction <add>, %mul3A_142, %reduce_sum3A [1] : vector<8x128xf32> to vector<8xf32>
    %broadcast_in_dim3A = vector.shape_cast %reduce_sum3A_143 : vector<8xf32> to vector<8x1xf32>
    %get3A_144 = arith.constant 0 : index
    %get3A_145 = arith.constant 0 : index
    %get3A_146 = vector.load %arg12[%get3A_144, %get3A_145] : memref<1x1xf32, #tpu.memory_space<vmem>>, vector<1x1xf32>
    %add3A_147 = vector.broadcast %get3A_146 : vector<1x1xf32> to vector<8x1xf32>
    %add3A_148 = arith.addf %broadcast_in_dim3A, %add3A_147 : vector<8x1xf32>
    %swap3A = arith.constant 0 : index
    %swap3A_149 = arith.constant 0 : index
    %swap3A_150 = vector.load %arg13[%swap3A, %swap3A_149] : memref<8x1xf32, #tpu.memory_space<vmem>>, vector<8x1xf32>
    tpu.vector_store %arg13[%swap3A, %swap3A_149], %add3A_148 {strides = array<i32>} : memref<8x1xf32, #tpu.memory_space<vmem>>, vector<8x1xf32>,
    return
  }
}

</mosaic_0001>

<sc_bundles>
// kernel: kernel.12.cloned.1.call-start
scs
__scs_entry_jumppad:
0x0: {  	(pc) =	sbr.rel $0x88, $3  }
0x1: {  	(tag) =	ssettag $0x0;
	lr =	simm.s32 $0x1  }
0x2: {  	[smem:$0x3F8A] =	sst lr;
	_ =	strace $0xD0000000  }
0x3: {  	_ = 	snop  }
0x4: {  	_ = 	snop  }
0x5: {  	_ = 	snop  }
0x6: {  	_ = 	snop  }
0x7: {  	_ = 	snop  }
__scs_overlays_trampoline_lowered:
0x8: {  	[smem:$0x3F99] =	sst s0  }
0x9: {  	[smem:$0x3F9A] =	sst s1  }
0xa: {  	[smem:$0x3F9B] =	sst s2  }
0xb: {  	[smem:$0x3F9C] =	sst s3  }
0xc: {  	[smem:$0x3F9D] =	sst s4  }
0xd: {  	[smem:$0x3F9E] =	sst s5  }
0xe: {  	[smem:$0x3F9F] =	sst s6  }
0xf: {  	[smem:$0x3FA0] =	sst s7  }
0x10: {  	[smem:$0x3FA1] =	sst s8  }
0x11: {  	[smem:$0x3FA2] =	sst s9;
	s0 =	simm.s32 @!p0 $0x0  }
0x12: {  	s1 =	sld [smem:$0x3F88];
	s0 =	simm.s32 @p0 $0x1  }
0x13: {  	[smem:$0x3FA3] =	sst s0;
	s0 =	simm.s32 @!p1 $0x0  }
0x14: {  	s2 =	sld [smem:$0x3F87];
	s0 =	simm.s32 @p1 $0x1  }
0x15: {  	[smem:$0x3FA4] =	sst s0;
	s0 =	simm.s32 @!p2 $0x0  }
0x16: {  	s3 =	sld [smem:$0x3FDB];
	s0 =	simm.s32 @p2 $0x1  }
0x17: {  	s4 =	simm.s32 $0x1BF5;
	[smem:$0x3FA6] =	sst s0  }
0x18: {  	s0 =	sld [smem:$0x3F89];
	_ =	swait.ge [sflag:s4], $0x0  }
0x19: {  	s7 =	sld [smem:$0x3F8A]  }
0x1a: {  	s8 =	sadd.s32 $0xFFFFE003, lr  }
0x1b: {  	s9 =	sadd.s32 $0xFFFFFEF7, lr;
	s5 =	simm.s32 $0xFFFFFFFF;
	p2 =	slt.u32 s8, $0xFFFFF086  }
0x1c: {  	p1 =	slt.u32 s9, $0xF7A;
	s5 =	simm.s32 @!p2 $0x0  }
0x1d: {  	s5 =	simm.s32 @p1 $0x1;
	p0 =	seq.s32 s7, s2  }
0x1e: {  	s7 =	smul.u32 @!p0 $0xF7A, s2;
	p2 =	seq.s32 @!p0 s5, $0x0  }
0x1f: {  	s9 =	smul.u32 $0xF7A, s1;
	s8 =	simm.s32 @!p0 $0x1BF5;
	p2 =	por !p2, p0  }
0x20: {  	[sflag:s8] =	ssyncset.s32 @!p0 $0xFFFFF086;
	s6 =	sadd.s32 @!p0 s3, s7;
	s7 =	simm.s32 @!p0 $0x108  }
0x21: {  	s3 =	sadd.s32 s3, s9;
	s6 =	sadd.s32 @!p0 $0x88, s6;
	s7 =	simm.s32 @p2 $0x1082  }
0x22: {  	[simem:s7], [sflag:s8] =	dma.local @!p0 [hbm:s6], $0xF7A  }
0x23: {  	s9 =	sor.u32 $0xD0000000, s2;
	s6 =	simm.s32 $0x108;
	_ =	swait.ge @!p0 [sflag:s8], $0x0  }
0x24: {  	s3 =	sadd.s32 $0x88, s3;
	s6 =	simm.s32 @!p1 $0x1082;
	[sflag:s4] =	ssyncset.s32 $0xFFFFF086  }
0x25: {  	[simem:s6], [sflag:s4] =	dma.local [hbm:s3], $0xF7A  }
0x26: {  	[smem:$0x3F8A] =	sst s1;
	(tag) =	ssettag s2;
	_ =	strace s9  }
0x27: {  	s1 =	sld [smem:$0x3F9A]  }
0x28: {  	s2 =	sld [smem:$0x3F9B]  }
0x29: {  	s4 =	sld [smem:$0x3F9D]  }
0x2a: {  	p0 =	seq.s32 s5, $0x0;
	s5 =	sld [smem:$0x3F9E]  }
0x2b: {  	s6 =	sld [smem:$0x3F9F]  }
0x2c: {  	s7 =	sld [smem:$0x3FA0]  }
0x2d: {  	s3 =	simm.s32 $0x108;
	s8 =	sld [smem:$0x3FA1]  }
0x2e: {  	s3 =	simm.s32 @!p0 $0x1082;
	s9 =	sld [smem:$0x3FA2]  }
0x2f: {  	lr =	sadd.s32 s0, s3;
	s0 =	sld [smem:$0x3F99]  }
0x30: {  	s3 =	sld [smem:$0x3F9C]  }
0x31: {  	[smem:$0x3FA5] =	sst s10  }
0x32: {  	s10 =	sld [smem:$0x3FA3];
	_ =	sdelay $0x3  }
0x33: {  	p0 =	seq.s32 s10, $0x1;
	s10 =	sld [smem:$0x3FA5];
	_ =	sdelay $0x3  }
0x34: {  	[smem:$0x3FA5] =	sst s10  }
0x35: {  	s10 =	sld [smem:$0x3FA4];
	_ =	sdelay $0x3  }
0x36: {  	p1 =	seq.s32 s10, $0x1;
	s10 =	sld [smem:$0x3FA5];
	_ =	sdelay $0x3  }
0x37: {  	[smem:$0x3FA5] =	sst s10  }
0x38: {  	s10 =	sld [smem:$0x3FA6]  }
0x39: {  	_ = 	snop;
	(pc) =	sbr.ind lr, $3  }
0x3a: {  	_ = 	snop  }
0x3b: {  	_ = 	snop  }
0x3c: {  	p2 =	seq.s32 s10, $0x1;
	s10 =	sld [smem:$0x3FA5]  }
0x3d: {  	_ =	shalt  }
0x3e: {  	_ =	shalt  }
0x3f: {  	_ =	shalt  }
0x40: {  	_ =	shalt  }
0x41: {  	_ =	shalt  }
0x42: {  	_ =	shalt  }
0x43: {  	_ =	shalt  }
0x44: {  	_ =	shalt  }
0x45: {  	_ =	shalt  }
0x46: {  	_ =	shalt  }
0x47: {  	_ =	shalt  }
0x48: {  	_ =	shalt  }
0x49: {  	_ =	shalt  }
0x4a: {  	_ =	shalt  }
0x4b: {  	_ =	shalt  }
0x4c: {  	_ =	shalt  }
0x4d: {  	_ =	shalt  }
0x4e: {  	_ =	shalt  }
0x4f: {  	_ =	shalt  }
0x50: {  	_ =	shalt  }
0x51: {  	_ =	shalt  }
0x52: {  	_ =	shalt  }
0x53: {  	_ =	shalt  }
0x54: {  	_ =	shalt  }
0x55: {  	_ =	shalt  }
0x56: {  	_ =	shalt  }
0x57: {  	_ =	shalt  }
0x58: {  	_ =	shalt  }
0x59: {  	_ =	shalt  }
0x5a: {  	_ =	shalt  }
0x5b: {  	_ =	shalt  }
0x5c: {  	_ =	shalt  }
0x5d: {  	_ =	shalt  }
0x5e: {  	_ =	shalt  }
0x5f: {  	_ =	shalt  }
0x60: {  	_ =	shalt  }
0x61: {  	_ =	shalt  }
0x62: {  	_ =	shalt  }
0x63: {  	_ =	shalt  }
0x64: {  	_ =	shalt  }
0x65: {  	_ =	shalt  }
0x66: {  	_ =	shalt  }
0x67: {  	_ =	shalt  }
0x68: {  	_ =	shalt  }
0x69: {  	_ =	shalt  }
0x6a: {  	_ =	shalt  }
0x6b: {  	_ =	shalt  }
0x6c: {  	_ =	shalt  }
0x6d: {  	_ =	shalt  }
0x6e: {  	_ =	shalt  }
0x6f: {  	_ =	shalt  }
0x70: {  	_ =	shalt  }
0x71: {  	_ =	shalt  }
0x72: {  	_ =	shalt  }
0x73: {  	_ =	shalt  }
0x74: {  	_ =	shalt  }
0x75: {  	_ =	shalt  }
0x76: {  	_ =	shalt  }
0x77: {  	_ =	shalt  }
0x78: {  	_ =	shalt  }
0x79: {  	_ =	shalt  }
0x7a: {  	_ =	shalt  }
0x7b: {  	_ =	shalt  }
0x7c: {  	_ =	shalt  }
0x7d: {  	_ =	shalt  }
0x7e: {  	_ =	shalt  }
0x7f: {  	_ =	shalt  }
0x80: {  	_ =	shalt  }
0x81: {  	_ =	shalt  }
0x82: {  	_ =	shalt  }
0x83: {  	_ =	shalt  }
0x84: {  	_ =	shalt  }
0x85: {  	_ =	shalt  }
0x86: {  	_ =	shalt  }
0x87: {  	_ =	shalt  }
.Lfunc_end0:
.L_simem_size_0:
called_computation.1_lowered:
.L_overlay_start_0:
0x88: {  	s2 =	sld [smem:$0x3FD9]  }
0x89: {  	s3 =	sld [smem:$0x3FFE];
	_ =	sdelay $0x1  }
0x8a: {  	s1 =	srdreg.scid  }
0x8b: {  	s0 =	sand.u32 $0x1, s1  }
0x8c: {  	s16 =	sshll.u32 s0, $0xA;
	s2 =	sadd.s32 s3, s2  }
0x8d: {  	s2 =	sadd.s32 s2, s16  }
0x8e: {  	[smem:$0x3FB1] =	sst s2  }
0x8f: {  	_ = 	snop  }
0x90: {  	(tm) =	ssettm $0x1  }
0x91: {  	s17 =	sld [smem:$0x3FFB];
	_ =	sdelay $0x3  }
0x92: {  	_ =	strace s17  }
0x93: {  	s2 =	sld [smem:$0x3FFC];
	_ =	sdelay $0x3  }
0x94: {  	_ =	strace s2  }
0x95: {  	s2 =	sld [smem:$0x3FFD];
	_ =	sdelay $0x3  }
0x96: {  	_ =	strace s2  }
0x97: {  	_ =	strace $0x8FFFFFFF  }
0x98: {  	s18 =	sld [smem:$0x3FDB];
	_ =	sdelay $0x1  }
0x99: {  	s19 =	simm.s32 $_scs_section_size  }
0x9a: {  	s4 =	simm.s32 $_size__tile_overlayer_lowered;
	s5 =	simm.s32 $_tile_overlayer_lowered  }
0x9b: {  	s22 =	simm.s32 $0x1BFF;
	s21 =	sshll.u32 s5, $0x1;
	s2 =	sadd.s32 s19, s18  }
0x9c: {  	s6 =	simm.s32 $0x0;
	s20 =	sshll.u32 s4, $0x1;
	s4 =	sadd.s32 s21, s2  }
0x9d: {  	[timem:s6], [sflag:s22] =	dma.local [hbm:s4], s20  }
0x9e: {  	_ =	swait.ge [sflag:s22], s20  }
0x9f: {  	s3 =	ssub.s32 $0x0, s20;
	[sflag:s22] =	ssyncset.done $0x0  }
0xa0: {  	[sflag:s22] =	ssyncadd.s32 s3;
	_ =	sdelay $0x1  }
0xa1: {  	s23 =	simm.s32 $0x1B8B  }
0xa2: {  	_ =	swait.ge [sflag:s23], $0x1  }
0xa3: {  	[sflag:s23] =	ssyncset.done $0x0  }
0xa4: {  	s25 =	simm.s32 $0x1B8E;
	s24 =	sld [smem:$0x3FFE];
	[sflag:s23] =	ssyncadd.s32 $0xFFFFFFFF  }
0xa5: {  	s26 =	simm.s32 $execute0_lowered;
	[smem:$0x3FD2] =	sst s25  }
0xa6: {  	s4 =	sshll.u32 s26, $0x1;
	_ =	strace $0x80000049;
	[dreg:$0x1] =	wrdreg $0xFFFFFFFF  }
0xa7: {  	s28 =	simm.s32 $_size_execute0_lowered;
	s2 =	sadd.s32 s2, s4;
	[dreg:$0x0] =	wrdreg $0x0  }
0xa8: {  	s4 =	sshll.u32 s28, $0x1;
	[dreg:$0x2] =	wrdreg s2  }
0xa9: {  	[dreg:$0x3] =	wrdreg s4  }
0xaa: {  	[dreg:$0x4] =	wrdreg $0xC0  }
0xab: {  	_ =	task [dreg:s6], $0x5FFFF  }
0xac: {  	[dreg:$0x1] =	wrdreg $0xFFFFFFFF  }
0xad: {  	[dreg:$0x0] =	wrdreg $0x60  }
0xae: {  	[dreg:$0x2] =	wrdreg s24  }
0xaf: {  	[dreg:$0x3] =	wrdreg $0xD4000  }
0xb0: {  	[dreg:$0x4] =	wrdreg $0x9  }
0xb1: {  	_ =	task.clear_ibuf [dreg:s6], $0x5FFFF;
	_ =	strace $0x90000049  }
0xb2: {  	s29 =	simm.s32 $0x9;
	_ =	strace $0x8000004B  }
0xb3: {  	_ =	swait.ge [sflag:s29], $0x1  }
0xb4: {  	[sflag:s29] =	ssyncadd.s32 $0xFFFFFFFF  }
0xb5: {  	_ =	strace $0x9000004B  }
0xb6: {  	_ =	sfence  }
0xb7: {  	s30 =	sld [smem:$0x0];
	_ =	sdelay $0x2  }
0xb8: {  	s31 =	sshll.u32 s1, $0xD;
	s1 =	sshrl.u32 s1, $0x2  }
0xb9: {  	s3 =	sand.u32 $0x4000, s31;
	s1 =	sadd.s32 s1, s30  }
0xba: {  	s0 =	sor.u32 s3, s0;
	s1 =	sshll.u32 s1, $0x11  }
0xbb: {  	s0 =	sor.u32 s1, s0  }
0xbc: {  	s0 =	sadd.s32 $0x8F2B, s0  }
0xbd: {  	[sflag:s0] =	ssyncadd.remote.s32 $0x1  }
0xbe: {  	_ =	sfence.sel $0xFFFF  }
0xbf: {  	[dreg:$0x0] =	wrdreg $0xFFFFFFFF;
	(pc) =	sbr.abs _section_cstart, $3  }
0xc0: {  	[dreg:$0x1] =	wrdreg $0xFFFFFFFF  }
0xc1: {  	_ =	task.clear_ibuf [dreg:s6], $0x2FFFF;
	_ =	strace $0x9FFFFFFF  }
0xc2: {  	(tm) =	ssettm $0x7FFFFFFF  }
0xc3: {  	_ =	shalt  }
tec
execute0_lowered:
.L_overlay_start_1:
0x0: {  	(tag) =	ssettag $0x1  }
0x1: {  	s1 =	srdreg.scid  }
0x2: {  	s0 =	stileid.u32;
	s6 =	rddreg [dreg:$0x0]  }
0x3: {  	s2 =	rddreg [dreg:$0x1];
	s3 =	simm.s32 $0x0;
	s12 =	simm.s32 $0x2800  }
0x4: {  	s13 =	simm.s32 $0x80;
	s14 =	simm.s32 $0x5000;
	s15 =	simm.s32 $0x7000  }
0x5: {  	s16 =	simm.s32 $0x100;
	s17 =	simm.s32 $0x9000;
	s18 =	simm.s32 $0x1  }
0x6: {  	s19 =	simm.s32 $0xB000;
	s20 =	simm.s32 $0x2;
	s21 =	simm.s32 $0x3  }
0x7: {  	s22 =	simm.s32 $0x4;
	s23 =	simm.s32 $0x4E00;
	s24 =	simm.s32 $0x2780  }
0x8: {  	s26 =	simm.s32 $0x4E80;
	s28 =	simm.s32 $0x4F00;
	s29 =	simm.s32 $0x4F80  }
0x9: {  	s5 =	sand.u32 $0x1, s1;
	s31 =	sshll.u32 s0, $0x1;
	s9 =	smul.u32 $0xA000, s0  }
0xa: {  	[smem:$0x7FF] =	sst s3;
	s4 =	sadd.s32 $0x17600, s6;
	s10 =	smul.u32 $0x28000, s0  }
0xb: {  	s1 =	sor.u32 s5, s31;
	s8 =	smul.u32 $0xA0000, s5;
	s5 =	ssub.s32 $0x2, s5  }
0xc: {  	_ =	strace $0x8000004A;
	s7 =	smul.u32 $0x500, s1;
	s11 =	sshrl.u32 s5, $0x1  }
0xd: {  	s10 =	sshrl.u32 s10, $0x2;
	s25 =	sadd.s32 s9, s2;
	s8 =	sadd.s32 s9, s8  }
0xe: {  	s11 =	ssub.s32 s5, s11;
	s5 =	sadd.s32 s10, s2;
	s10 =	simm.s32 $0xD000  }
0xf: {  	s25 =	sshrl.u32 s25, $0x3;
	s7 =	sadd.s32 s7, s6;
	s8 =	sshrl.u32 s8, $0x3  }
0x10: {  	s9 =	smax.u32 s11, $0x1;
	s11 =	simm.s32 $0x5;
	s8 =	sadd.s32 s8, s6  }
0x11: {  	v0 =	vimm.f32 $0.0e+00;
	s6 =	sadd.s32 $0xD600, s7;
	s7 =	sadd.s32 $0x3600, s7;
	s8 =	sadd.s32 $0x2B600, s8  }
.LBB2_1:
0x12: {  	[tilespmem:$0xD000] =	vst v0  }
0x13: {  	[tilespmem:$0xD010] =	vst v0  }
0x14: {  	[tilespmem:$0xD020] =	vst v0  }
0x15: {  	[tilespmem:$0xD030] =	vst v0  }
0x16: {  	[tilespmem:$0xD040] =	vst v0  }
0x17: {  	[tilespmem:$0xD050] =	vst v0  }
0x18: {  	[tilespmem:$0xD060] =	vst v0  }
0x19: {  	[tilespmem:$0xD070] =	vst v0  }
0x1a: {  	[tilespmem:$0xD080] =	vst v0  }
0x1b: {  	[tilespmem:$0xD090] =	vst v0  }
0x1c: {  	[tilespmem:$0xD0A0] =	vst v0  }
0x1d: {  	[tilespmem:$0xD0B0] =	vst v0  }
0x1e: {  	[tilespmem:$0xD0C0] =	vst v0  }
0x1f: {  	[tilespmem:$0xD0D0] =	vst v0  }
0x20: {  	[tilespmem:$0xD0E0] =	vst v0  }
0x21: {  	[tilespmem:$0xD0F0] =	vst v0  }
0x22: {  	[tilespmem:$0xD100] =	vst v0  }
0x23: {  	[tilespmem:$0xD110] =	vst v0  }
0x24: {  	[tilespmem:$0xD120] =	vst v0  }
0x25: {  	[tilespmem:$0xD130] =	vst v0  }
0x26: {  	[tilespmem:$0xD140] =	vst v0  }
0x27: {  	[tilespmem:$0xD150] =	vst v0  }
0x28: {  	[tilespmem:$0xD160] =	vst v0  }
0x29: {  	[tilespmem:$0xD170] =	vst v0  }
0x2a: {  	[tilespmem:$0xD180] =	vst v0  }
0x2b: {  	[tilespmem:$0xD190] =	vst v0  }
0x2c: {  	[tilespmem:$0xD1A0] =	vst v0  }
0x2d: {  	[tilespmem:$0xD1B0] =	vst v0  }
0x2e: {  	[tilespmem:$0xD1C0] =	vst v0  }
0x2f: {  	[tilespmem:$0xD1D0] =	vst v0  }
0x30: {  	[tilespmem:$0xD1E0] =	vst v0  }
0x31: {  	[tilespmem:$0xD1F0] =	vst v0  }
0x32: {  	[tilespmem:$0xD200] =	vst v0  }
0x33: {  	[tilespmem:$0xD210] =	vst v0  }
0x34: {  	[tilespmem:$0xD220] =	vst v0  }
0x35: {  	[tilespmem:$0xD230] =	vst v0  }
0x36: {  	[tilespmem:$0xD240] =	vst v0  }
0x37: {  	[tilespmem:$0xD250] =	vst v0  }
0x38: {  	[tilespmem:$0xD260] =	vst v0  }
0x39: {  	[tilespmem:$0xD270] =	vst v0  }
0x3a: {  	[tilespmem:$0xD280] =	vst v0  }
0x3b: {  	[tilespmem:$0xD290] =	vst v0  }
0x3c: {  	[tilespmem:$0xD2A0] =	vst v0  }
0x3d: {  	[tilespmem:$0xD2B0] =	vst v0  }
0x3e: {  	[tilespmem:$0xD2C0] =	vst v0  }
0x3f: {  	[tilespmem:$0xD2D0] =	vst v0  }
0x40: {  	[tilespmem:$0xD2E0] =	vst v0  }
0x41: {  	[tilespmem:$0xD2F0] =	vst v0  }
0x42: {  	[tilespmem:$0xD300] =	vst v0  }
0x43: {  	[tilespmem:$0xD310] =	vst v0  }
0x44: {  	[tilespmem:$0xD320] =	vst v0  }
0x45: {  	[tilespmem:$0xD330] =	vst v0  }
0x46: {  	[tilespmem:$0xD340] =	vst v0  }
0x47: {  	[tilespmem:$0xD350] =	vst v0  }
0x48: {  	[tilespmem:$0xD360] =	vst v0  }
0x49: {  	[tilespmem:$0xD370] =	vst v0  }
0x4a: {  	[tilespmem:$0xD380] =	vst v0  }
0x4b: {  	[tilespmem:$0xD390] =	vst v0  }
0x4c: {  	[tilespmem:$0xD3A0] =	vst v0  }
0x4d: {  	[tilespmem:$0xD3B0] =	vst v0  }
0x4e: {  	[tilespmem:$0xD3C0] =	vst v0  }
0x4f: {  	[tilespmem:$0xD3D0] =	vst v0  }
0x50: {  	[tilespmem:$0xD3E0] =	vst v0  }
0x51: {  	[tilespmem:$0xD3F0] =	vst v0;
	s30 =	sadd.s32 $0x0, s5  }
0x52: {  	[spmem:s30] =	stream.linear.scatter [tilespmem:s10], [sflag:$0x5], $0x400, $0x38;
	[tilespmem:$0x17400] =	vst v63  }
0x53: {  	s30 =	simm.s32 $0x1000;
	_ =	swait.ge [sflag:s11], $0x400  }
.LBB2_2:
0x54: {  	s31 =	sshra.s32 s30, $0x2;
	[sflag:s11] =	ssyncset.done $0x0;
	p0 =	sne.s32 s30, $0x27000  }
.Ltmp0:
0x55: {  	s31 =	sadd.s32 s31, s5;
	[sflag:s11] =	ssyncadd.s32 $0xFFFFFC00;
	(pc) =	sbr.rel @p0 .LBB2_2-.Ltmp0, $3  }
0x56: {  	[spmem:s31] =	stream.linear.scatter [tilespmem:s10], [sflag:$0x5], $0x400, $0x38;
	[tilespmem:$0x17400] =	vst v63  }
0x57: {  	s30 =	sadd.s32 $0x1000, s30;
	_ =	sdelay $0x1  }
0x58: {  	_ =	swait.ge [sflag:s11], $0x400  }
0x59: {  	[sflag:s11] =	ssyncset.done $0x0  }
0x5a: {  	s30 =	simm.s32 $0x0;
	[sflag:s11] =	ssyncadd.s32 $0xFFFFFC00  }
0x5b: {  	[tilespmem:s30], [sflag:$0x5] =	stream.linear.gather [hbm4b:s6+s30], $0x2800, $0x38;
	[tilespmem:$0x17400] =	vst v63  }
0x5c: {  	_ =	swait.ge [sflag:s11], $0x2800  }
0x5d: {  	[sflag:s11] =	ssyncset.done $0x0  }
0x5e: {  	[sflag:s11] =	ssyncadd.s32 $0xFFFFD800  }
0x5f: {  	[tilespmem:s12], [sflag:$0x5] =	stream.linear.gather [hbm4b:s7+s30], $0x2800, $0x38;
	[tilespmem:$0x17400] =	vst v63  }
0x60: {  	_ =	swait.ge [sflag:s11], $0x2800  }
0x61: {  	[sflag:s11] =	ssyncset.done $0x0  }
0x62: {  	[sflag:s11] =	ssyncadd.s32 $0xFFFFD800  }
0x63: {  	[bflag:$0x0] =	sbarrier.arrive $0xFFFF  }
0x64: {  	[tilespmem:s14], [sflag:$0x1] =	stream.indirect.gather [hbm4b:s4+s13], $0x40, s30, s13, $0xb8;
	[tilespmem:$0x17400] =	vst v63  }
0x65: {  	_ = 	snop  }
0x66: {  	[tilespmem:s15], [sflag:$0x2] =	stream.indirect.gather [hbm4b:s4+s13], $0x40, s13, s13, $0xb8;
	[tilespmem:$0x17400] =	vst v63  }
0x67: {  	_ = 	snop  }
0x68: {  	[tilespmem:s17], [sflag:$0x3] =	stream.indirect.gather [hbm4b:s4+s13], $0x40, s16, s13, $0xb8;
	[tilespmem:$0x17400] =	vst v63  }
0x69: {  	_ =	swait.ge [sflag:s18], $0x2000  }
0x6a: {  	[sflag:s18] =	ssyncset.done $0x0  }
0x6b: {  	s30 =	simm.s32 $0x2800;
	[sflag:s18] =	ssyncadd.s32 $0xFFFFE000  }
0x6c: {  	[spmem:s2] =	stream.indirect.scatter.add.f32 [tilespmem:s14], [sflag:$0x5], $0x40, s30, s13, $0xb8;
	[tilespmem:$0x17400] =	vst v63  }
0x6d: {  	_ =	swait.ge [sflag:s11], $0x2000  }
0x6e: {  	[sflag:s11] =	ssyncset.done $0x0  }
0x6f: {  	s30 =	simm.s32 $0x180;
	[sflag:s11] =	ssyncadd.s32 $0xFFFFE000  }
0x70: {  	[tilespmem:s19], [sflag:$0x4] =	stream.indirect.gather [hbm4b:s4+s13], $0x40, s30, s13, $0xb8;
	[tilespmem:$0x17400] =	vst v63  }
0x71: {  	_ =	swait.ge [sflag:s20], $0x2000  }
0x72: {  	[sflag:s20] =	ssyncset.done $0x0  }
0x73: {  	s30 =	simm.s32 $0x2880;
	[sflag:s20] =	ssyncadd.s32 $0xFFFFE000  }
0x74: {  	[spmem:s2] =	stream.indirect.scatter.add.f32 [tilespmem:s15], [sflag:$0x5], $0x40, s30, s13, $0xb8;
	[tilespmem:$0x17400] =	vst v63  }
0x75: {  	_ =	swait.ge [sflag:s11], $0x2000  }
0x76: {  	[sflag:s11] =	ssyncset.done $0x0  }
0x77: {  	s30 =	simm.s32 $0x200;
	[sflag:s11] =	ssyncadd.s32 $0xFFFFE000  }
0x78: {  	[tilespmem:s14], [sflag:$0x1] =	stream.indirect.gather [hbm4b:s4+s13], $0x40, s30, s13, $0xb8;
	[tilespmem:$0x17400] =	vst v63  }
0x79: {  	_ =	swait.ge [sflag:s21], $0x2000  }
0x7a: {  	[sflag:s21] =	ssyncset.done $0x0  }
0x7b: {  	s30 =	simm.s32 $0x2900;
	[sflag:s21] =	ssyncadd.s32 $0xFFFFE000  }
0x7c: {  	[spmem:s2] =	stream.indirect.scatter.add.f32 [tilespmem:s17], [sflag:$0x5], $0x40, s30, s13, $0xb8;
	[tilespmem:$0x17400] =	vst v63  }
0x7d: {  	_ =	swait.ge [sflag:s11], $0x2000  }
0x7e: {  	[sflag:s11] =	ssyncset.done $0x0  }
0x7f: {  	s30 =	simm.s32 $0x280;
	[sflag:s11] =	ssyncadd.s32 $0xFFFFE000  }
0x80: {  	[tilespmem:s15], [sflag:$0x2] =	stream.indirect.gather [hbm4b:s4+s13], $0x40, s30, s13, $0xb8;
	[tilespmem:$0x17400] =	vst v63  }
0x81: {  	_ =	swait.ge [sflag:s22], $0x2000  }
0x82: {  	[sflag:s22] =	ssyncset.done $0x0  }
0x83: {  	s30 =	simm.s32 $0x2980;
	[sflag:s22] =	ssyncadd.s32 $0xFFFFE000  }
0x84: {  	[spmem:s2] =	stream.indirect.scatter.add.f32 [tilespmem:s19], [sflag:$0x5], $0x40, s30, s13, $0xb8;
	[tilespmem:$0x17400] =	vst v63  }
0x85: {  	_ =	swait.ge [sflag:s11], $0x2000  }
0x86: {  	[sflag:s11] =	ssyncset.done $0x0  }
0x87: {  	s31 =	simm.s32 $0x300;
	s30 =	simm.s32 $0x800;
	[sflag:s11] =	ssyncadd.s32 $0xFFFFE000  }
.LBB2_4:
0x88: {  	[tilespmem:s17], [sflag:$0x3] =	stream.indirect.gather [hbm4b:s4+s13], $0x40, s31, s13, $0xb8;
	[tilespmem:$0x17400] =	vst v63  }
0x89: {  	s31 =	smov.u32 s30  }
0x8a: {  	p0 =	sne.s32 s30, $0x9000;
	s30 =	sadd.s32 $0x800, s30;
	_ =	swait.ge [sflag:s18], $0x2000  }
0x8b: {  	s31 =	sshra.s32 s31, $0x2;
	[sflag:s18] =	ssyncset.done $0x0  }
0x8c: {  	s1 =	sadd.s32 $0x2800, s31;
	[sflag:s18] =	ssyncadd.s32 $0xFFFFE000  }
0x8d: {  	[spmem:s2] =	stream.indirect.scatter.add.f32 [tilespmem:s14], [sflag:$0x5], $0x40, s1, s13, $0xb8;
	[tilespmem:$0x17400] =	vst v63  }
0x8e: {  	_ =	swait.ge [sflag:s11], $0x2000  }
0x8f: {  	[sflag:s11] =	ssyncset.done $0x0  }
0x90: {  	s1 =	sadd.s32 $0x180, s31;
	[sflag:s11] =	ssyncadd.s32 $0xFFFFE000  }
0x91: {  	[tilespmem:s19], [sflag:$0x4] =	stream.indirect.gather [hbm4b:s4+s13], $0x40, s1, s13, $0xb8;
	[tilespmem:$0x17400] =	vst v63  }
0x92: {  	_ =	swait.ge [sflag:s20], $0x2000  }
0x93: {  	[sflag:s20] =	ssyncset.done $0x0  }
0x94: {  	s1 =	sadd.s32 $0x2880, s31;
	[sflag:s20] =	ssyncadd.s32 $0xFFFFE000  }
0x95: {  	[spmem:s2] =	stream.indirect.scatter.add.f32 [tilespmem:s15], [sflag:$0x5], $0x40, s1, s13, $0xb8;
	[tilespmem:$0x17400] =	vst v63  }
0x96: {  	_ =	swait.ge [sflag:s11], $0x2000  }
0x97: {  	[sflag:s11] =	ssyncset.done $0x0  }
0x98: {  	s1 =	sadd.s32 $0x200, s31;
	[sflag:s11] =	ssyncadd.s32 $0xFFFFE000  }
0x99: {  	[tilespmem:s14], [sflag:$0x1] =	stream.indirect.gather [hbm4b:s4+s13], $0x40, s1, s13, $0xb8;
	[tilespmem:$0x17400] =	vst v63  }
0x9a: {  	_ =	swait.ge [sflag:s21], $0x2000  }
0x9b: {  	[sflag:s21] =	ssyncset.done $0x0  }
0x9c: {  	s1 =	sadd.s32 $0x2900, s31;
	[sflag:s21] =	ssyncadd.s32 $0xFFFFE000  }
0x9d: {  	[spmem:s2] =	stream.indirect.scatter.add.f32 [tilespmem:s17], [sflag:$0x5], $0x40, s1, s13, $0xb8;
	[tilespmem:$0x17400] =	vst v63  }
0x9e: {  	_ =	swait.ge [sflag:s11], $0x2000  }
0x9f: {  	[sflag:s11] =	ssyncset.done $0x0  }
0xa0: {  	s1 =	sadd.s32 $0x280, s31;
	[sflag:s11] =	ssyncadd.s32 $0xFFFFE000  }
0xa1: {  	[tilespmem:s15], [sflag:$0x2] =	stream.indirect.gather [hbm4b:s4+s13], $0x40, s1, s13, $0xb8;
	[tilespmem:$0x17400] =	vst v63  }
0xa2: {  	_ =	swait.ge [sflag:s22], $0x2000  }
0xa3: {  	[sflag:s22] =	ssyncset.done $0x0  }
.Ltmp1:
0xa4: {  	s1 =	sadd.s32 $0x2980, s31;
	[sflag:s22] =	ssyncadd.s32 $0xFFFFE000;
	(pc) =	sbr.rel @p0 .LBB2_4-.Ltmp1, $4  }
0xa5: {  	[spmem:s2] =	stream.indirect.scatter.add.f32 [tilespmem:s19], [sflag:$0x5], $0x40, s1, s13, $0xb8;
	[tilespmem:$0x17400] =	vst v63  }
0xa6: {  	_ =	swait.ge [sflag:s11], $0x2000  }
0xa7: {  	[sflag:s11] =	ssyncset.done $0x0  }
0xa8: {  	s31 =	sadd.s32 $0x300, s31;
	[sflag:s11] =	ssyncadd.s32 $0xFFFFE000  }
0xa9: {  	[tilespmem:s17], [sflag:$0x3] =	stream.indirect.gather [hbm4b:s4+s13], $0x40, s31, s13, $0xb8;
	[tilespmem:$0x17400] =	vst v63  }
0xaa: {  	_ =	swait.ge [sflag:s18], $0x2000  }
0xab: {  	[sflag:s18] =	ssyncset.done $0x0  }
0xac: {  	[sflag:s18] =	ssyncadd.s32 $0xFFFFE000  }
0xad: {  	[spmem:s2] =	stream.indirect.scatter.add.f32 [tilespmem:s14], [sflag:$0x5], $0x40, s23, s13, $0xb8;
	[tilespmem:$0x17400] =	vst v63  }
0xae: {  	_ =	swait.ge [sflag:s11], $0x2000  }
0xaf: {  	[sflag:s11] =	ssyncset.done $0x0  }
0xb0: {  	[sflag:s11] =	ssyncadd.s32 $0xFFFFE000  }
0xb1: {  	[tilespmem:s19], [sflag:$0x4] =	stream.indirect.gather [hbm4b:s4+s13], $0x40, s24, s13, $0xb8;
	[tilespmem:$0x17400] =	vst v63  }
0xb2: {  	_ =	swait.ge [sflag:s20], $0x2000  }
0xb3: {  	[sflag:s20] =	ssyncset.done $0x0  }
0xb4: {  	[sflag:s20] =	ssyncadd.s32 $0xFFFFE000  }
0xb5: {  	[spmem:s2] =	stream.indirect.scatter.add.f32 [tilespmem:s15], [sflag:$0x5], $0x40, s26, s13, $0xb8;
	[tilespmem:$0x17400] =	vst v63  }
0xb6: {  	_ =	swait.ge [sflag:s11], $0x2000  }
0xb7: {  	[sflag:s11] =	ssyncset.done $0x0  }
0xb8: {  	[sflag:s11] =	ssyncadd.s32 $0xFFFFE000  }
0xb9: {  	[tilespmem:s14], [sflag:$0x1] =	stream.indirect.gather [hbm4b:s4+s13], $0x40, s24, s13, $0xb8;
	[tilespmem:$0x17400] =	vst v63  }
0xba: {  	_ =	swait.ge [sflag:s21], $0x2000  }
0xbb: {  	[sflag:s21] =	ssyncset.done $0x0  }
0xbc: {  	[sflag:s21] =	ssyncadd.s32 $0xFFFFE000  }
0xbd: {  	[spmem:s2] =	stream.indirect.scatter.add.f32 [tilespmem:s17], [sflag:$0x5], $0x40, s28, s13, $0xb8;
	[tilespmem:$0x17400] =	vst v63  }
0xbe: {  	_ =	swait.ge [sflag:s11], $0x2000  }
0xbf: {  	[sflag:s11] =	ssyncset.done $0x0  }
0xc0: {  	[sflag:s11] =	ssyncadd.s32 $0xFFFFE000  }
0xc1: {  	[tilespmem:s15], [sflag:$0x2] =	stream.indirect.gather [hbm4b:s4+s13], $0x40, s24, s13, $0xb8;
	[tilespmem:$0x17400] =	vst v63  }
0xc2: {  	_ =	swait.ge [sflag:s22], $0x2000  }
0xc3: {  	[sflag:s22] =	ssyncset.done $0x0  }
0xc4: {  	[sflag:s22] =	ssyncadd.s32 $0xFFFFE000  }
0xc5: {  	[spmem:s2] =	stream.indirect.scatter.add.f32 [tilespmem:s19], [sflag:$0x5], $0x40, s29, s13, $0xb8;
	[tilespmem:$0x17400] =	vst v63  }
0xc6: {  	_ =	swait.ge [sflag:s11], $0x2000  }
0xc7: {  	[sflag:s11] =	ssyncset.done $0x0  }
0xc8: {  	[sflag:s11] =	ssyncadd.s32 $0xFFFFE000  }
0xc9: {  	[tilespmem:s17], [sflag:$0x3] =	stream.indirect.gather [hbm4b:s4+s13], $0x40, s24, s13, $0xb8;
	[tilespmem:$0x17400] =	vst v63  }
0xca: {  	_ =	swait.ge [sflag:s18], $0x2000  }
0xcb: {  	[sflag:s18] =	ssyncset.done $0x0  }
0xcc: {  	[sflag:s18] =	ssyncadd.s32 $0xFFFFE000  }
0xcd: {  	_ =	swait.ge [sflag:s20], $0x2000  }
0xce: {  	[sflag:s20] =	ssyncset.done $0x0  }
0xcf: {  	[sflag:s20] =	ssyncadd.s32 $0xFFFFE000  }
0xd0: {  	_ =	swait.ge [sflag:s21], $0x2000  }
0xd1: {  	s3 =	sadd.s32 $0x1, s3;
	[sflag:s21] =	ssyncset.done $0x0  }
0xd2: {  	s1 =	sshll.u32 s0, $0x6;
	p0 =	sne.s32 s3, s9;
	[sflag:s21] =	ssyncadd.s32 $0xFFFFE000  }
.Ltmp2:
0xd3: {  	s1 =	sor.u32 $0x1C05, s1;
	[bflag:$0x0] =	sbarrier.arrive $0xFFFF;
	(pc) =	sbr.rel @p0 .LBB2_1-.Ltmp2, $4  }
0xd4: {  	[hbm:s8], [sflag:s1] =	dma.local [spmem:s25], $0x1400  }
0xd5: {  	_ =	swait.ge [sflag:s11], $0x1400  }
0xd6: {  	[sflag:s11] =	ssyncset.done $0x0  }
0xd7: {  	[sflag:s11] =	ssyncadd.s32 $0xFFFFEC00  }
0xd8: {  	_ =	sfence.sel $0x180000  }
0xd9: {  	[bflag:$0x0] =	sbarrier.arrive $0xFFFF  }
0xda: {  	_ =	strace $0x9000004A  }
0xdb: {  	[bflag:$0x2] =	sbarrier.arrive $0xFFFF  }
0xdc: {  	p0 =	sne.s32 s0, $0x0;
	s0 =	rddreg [dreg:$0x2]  }
0xdd: {  	s0 =	sadd.s32 @!p0 $0x100000, s0  }
0xde: {  	[sflag:s0] =	ssyncadd.tile.s32 @!p0 $0x1;
	_ =	shalt  }
.Lfunc_end2:
_tile_overlayer_lowered:
.L_overlay_start_2:
0xdf: {  	(tag) =	ssettag $0x2  }
0xe0: {  	s0 =	rddreg [dreg:$0x0];
	s2 =	stileid.u32  }
0xe1: {  	s1 =	rddreg [dreg:$0x1];
	p0 =	sne.s32 s2, $0x0  }
0xe2: {  	s3 =	rddreg [dreg:$0x2];
	[bflag:$0x3] =	sbarrier.arrive $0xFFFF;
	s2 =	simm.s32 @!p0 $0x1C05  }
0xe3: {  	[timem:s3], [sflag:s2] =	dma.local @!p0 [hbm:s0], s1  }
0xe4: {  	s0 =	simm.s32 @!p0 $0x5  }
0xe5: {  	_ =	swait.ge @!p0 [sflag:s0], s1  }
0xe6: {  	s1 =	ssub.s32 @!p0 $0x0, s1;
	[sflag:s0] =	ssyncset.done @!p0 $0x0  }
0xe7: {  	[sflag:s0] =	ssyncadd.s32 @!p0 s1  }
0xe8: {  	[bflag:$0x3] =	sbarrier.arrive $0xFFFF  }
0xe9: {  	_ =	shalt  }

// kernel: kernel.15.cloned.1.call-start
scs
__scs_entry_jumppad:
0x0: {  	(pc) =	sbr.rel $0x88, $3  }
0x1: {  	(tag) =	ssettag $0x0;
	lr =	simm.s32 $0x1  }
0x2: {  	[smem:$0x3F8A] =	sst lr;
	_ =	strace $0xD0000000  }
0x3: {  	_ = 	snop  }
0x4: {  	_ = 	snop  }
0x5: {  	_ = 	snop  }
0x6: {  	_ = 	snop  }
0x7: {  	_ = 	snop  }
__scs_overlays_trampoline_lowered:
0x8: {  	[smem:$0x3F99] =	sst s0  }
0x9: {  	[smem:$0x3F9A] =	sst s1  }
0xa: {  	[smem:$0x3F9B] =	sst s2  }
0xb: {  	[smem:$0x3F9C] =	sst s3  }
0xc: {  	[smem:$0x3F9D] =	sst s4  }
0xd: {  	[smem:$0x3F9E] =	sst s5  }
0xe: {  	[smem:$0x3F9F] =	sst s6  }
0xf: {  	[smem:$0x3FA0] =	sst s7  }
0x10: {  	[smem:$0x3FA1] =	sst s8  }
0x11: {  	[smem:$0x3FA2] =	sst s9;
	s0 =	simm.s32 @!p0 $0x0  }
0x12: {  	s1 =	sld [smem:$0x3F88];
	s0 =	simm.s32 @p0 $0x1  }
0x13: {  	[smem:$0x3FA3] =	sst s0;
	s0 =	simm.s32 @!p1 $0x0  }
0x14: {  	s2 =	sld [smem:$0x3F87];
	s0 =	simm.s32 @p1 $0x1  }
0x15: {  	[smem:$0x3FA4] =	sst s0;
	s0 =	simm.s32 @!p2 $0x0  }
0x16: {  	s3 =	sld [smem:$0x3FDB];
	s0 =	simm.s32 @p2 $0x1  }
0x17: {  	s4 =	simm.s32 $0x1BF5;
	[smem:$0x3FA6] =	sst s0  }
0x18: {  	s0 =	sld [smem:$0x3F89];
	_ =	swait.ge [sflag:s4], $0x0  }
0x19: {  	s7 =	sld [smem:$0x3F8A]  }
0x1a: {  	s8 =	sadd.s32 $0xFFFFE003, lr  }
0x1b: {  	s9 =	sadd.s32 $0xFFFFFEF7, lr;
	s5 =	simm.s32 $0xFFFFFFFF;
	p2 =	slt.u32 s8, $0xFFFFF086  }
0x1c: {  	p1 =	slt.u32 s9, $0xF7A;
	s5 =	simm.s32 @!p2 $0x0  }
0x1d: {  	s5 =	simm.s32 @p1 $0x1;
	p0 =	seq.s32 s7, s2  }
0x1e: {  	s7 =	smul.u32 @!p0 $0xF7A, s2;
	p2 =	seq.s32 @!p0 s5, $0x0  }
0x1f: {  	s9 =	smul.u32 $0xF7A, s1;
	s8 =	simm.s32 @!p0 $0x1BF5;
	p2 =	por !p2, p0  }
0x20: {  	[sflag:s8] =	ssyncset.s32 @!p0 $0xFFFFF086;
	s6 =	sadd.s32 @!p0 s3, s7;
	s7 =	simm.s32 @!p0 $0x108  }
0x21: {  	s3 =	sadd.s32 s3, s9;
	s6 =	sadd.s32 @!p0 $0x88, s6;
	s7 =	simm.s32 @p2 $0x1082  }
0x22: {  	[simem:s7], [sflag:s8] =	dma.local @!p0 [hbm:s6], $0xF7A  }
0x23: {  	s9 =	sor.u32 $0xD0000000, s2;
	s6 =	simm.s32 $0x108;
	_ =	swait.ge @!p0 [sflag:s8], $0x0  }
0x24: {  	s3 =	sadd.s32 $0x88, s3;
	s6 =	simm.s32 @!p1 $0x1082;
	[sflag:s4] =	ssyncset.s32 $0xFFFFF086  }
0x25: {  	[simem:s6], [sflag:s4] =	dma.local [hbm:s3], $0xF7A  }
0x26: {  	[smem:$0x3F8A] =	sst s1;
	(tag) =	ssettag s2;
	_ =	strace s9  }
0x27: {  	s1 =	sld [smem:$0x3F9A]  }
0x28: {  	s2 =	sld [smem:$0x3F9B]  }
0x29: {  	s4 =	sld [smem:$0x3F9D]  }
0x2a: {  	p0 =	seq.s32 s5, $0x0;
	s5 =	sld [smem:$0x3F9E]  }
0x2b: {  	s6 =	sld [smem:$0x3F9F]  }
0x2c: {  	s7 =	sld [smem:$0x3FA0]  }
0x2d: {  	s3 =	simm.s32 $0x108;
	s8 =	sld [smem:$0x3FA1]  }
0x2e: {  	s3 =	simm.s32 @!p0 $0x1082;
	s9 =	sld [smem:$0x3FA2]  }
0x2f: {  	lr =	sadd.s32 s0, s3;
	s0 =	sld [smem:$0x3F99]  }
0x30: {  	s3 =	sld [smem:$0x3F9C]  }
0x31: {  	[smem:$0x3FA5] =	sst s10  }
0x32: {  	s10 =	sld [smem:$0x3FA3];
	_ =	sdelay $0x3  }
0x33: {  	p0 =	seq.s32 s10, $0x1;
	s10 =	sld [smem:$0x3FA5];
	_ =	sdelay $0x3  }
0x34: {  	[smem:$0x3FA5] =	sst s10  }
0x35: {  	s10 =	sld [smem:$0x3FA4];
	_ =	sdelay $0x3  }
0x36: {  	p1 =	seq.s32 s10, $0x1;
	s10 =	sld [smem:$0x3FA5];
	_ =	sdelay $0x3  }
0x37: {  	[smem:$0x3FA5] =	sst s10  }
0x38: {  	s10 =	sld [smem:$0x3FA6]  }
0x39: {  	_ = 	snop;
	(pc) =	sbr.ind lr, $3  }
0x3a: {  	_ = 	snop  }
0x3b: {  	_ = 	snop  }
0x3c: {  	p2 =	seq.s32 s10, $0x1;
	s10 =	sld [smem:$0x3FA5]  }
0x3d: {  	_ =	shalt  }
0x3e: {  	_ =	shalt  }
0x3f: {  	_ =	shalt  }
0x40: {  	_ =	shalt  }
0x41: {  	_ =	shalt  }
0x42: {  	_ =	shalt  }
0x43: {  	_ =	shalt  }
0x44: {  	_ =	shalt  }
0x45: {  	_ =	shalt  }
0x46: {  	_ =	shalt  }
0x47: {  	_ =	shalt  }
0x48: {  	_ =	shalt  }
0x49: {  	_ =	shalt  }
0x4a: {  	_ =	shalt  }
0x4b: {  	_ =	shalt  }
0x4c: {  	_ =	shalt  }
0x4d: {  	_ =	shalt  }
0x4e: {  	_ =	shalt  }
0x4f: {  	_ =	shalt  }
0x50: {  	_ =	shalt  }
0x51: {  	_ =	shalt  }
0x52: {  	_ =	shalt  }
0x53: {  	_ =	shalt  }
0x54: {  	_ =	shalt  }
0x55: {  	_ =	shalt  }
0x56: {  	_ =	shalt  }
0x57: {  	_ =	shalt  }
0x58: {  	_ =	shalt  }
0x59: {  	_ =	shalt  }
0x5a: {  	_ =	shalt  }
0x5b: {  	_ =	shalt  }
0x5c: {  	_ =	shalt  }
0x5d: {  	_ =	shalt  }
0x5e: {  	_ =	shalt  }
0x5f: {  	_ =	shalt  }
0x60: {  	_ =	shalt  }
0x61: {  	_ =	shalt  }
0x62: {  	_ =	shalt  }
0x63: {  	_ =	shalt  }
0x64: {  	_ =	shalt  }
0x65: {  	_ =	shalt  }
0x66: {  	_ =	shalt  }
0x67: {  	_ =	shalt  }
0x68: {  	_ =	shalt  }
0x69: {  	_ =	shalt  }
0x6a: {  	_ =	shalt  }
0x6b: {  	_ =	shalt  }
0x6c: {  	_ =	shalt  }
0x6d: {  	_ =	shalt  }
0x6e: {  	_ =	shalt  }
0x6f: {  	_ =	shalt  }
0x70: {  	_ =	shalt  }
0x71: {  	_ =	shalt  }
0x72: {  	_ =	shalt  }
0x73: {  	_ =	shalt  }
0x74: {  	_ =	shalt  }
0x75: {  	_ =	shalt  }
0x76: {  	_ =	shalt  }
0x77: {  	_ =	shalt  }
0x78: {  	_ =	shalt  }
0x79: {  	_ =	shalt  }
0x7a: {  	_ =	shalt  }
0x7b: {  	_ =	shalt  }
0x7c: {  	_ =	shalt  }
0x7d: {  	_ =	shalt  }
0x7e: {  	_ =	shalt  }
0x7f: {  	_ =	shalt  }
0x80: {  	_ =	shalt  }
0x81: {  	_ =	shalt  }
0x82: {  	_ =	shalt  }
0x83: {  	_ =	shalt  }
0x84: {  	_ =	shalt  }
0x85: {  	_ =	shalt  }
0x86: {  	_ =	shalt  }
0x87: {  	_ =	shalt  }
.Lfunc_end0:
.L_simem_size_0:
called_computation.2_lowered:
.L_overlay_start_0:
0x88: {  	s2 =	sld [smem:$0x3FD9]  }
0x89: {  	s3 =	sld [smem:$0x3FFE];
	_ =	sdelay $0x1  }
0x8a: {  	s1 =	srdreg.scid  }
0x8b: {  	s0 =	sand.u32 $0x1, s1  }
0x8c: {  	s16 =	sshll.u32 s0, $0xA;
	s2 =	sadd.s32 s3, s2  }
0x8d: {  	s2 =	sadd.s32 s2, s16  }
0x8e: {  	[smem:$0x3FB1] =	sst s2  }
0x8f: {  	_ = 	snop  }
0x90: {  	(tm) =	ssettm $0x1  }
0x91: {  	s17 =	sld [smem:$0x3FFB];
	_ =	sdelay $0x3  }
0x92: {  	_ =	strace s17  }
0x93: {  	s2 =	sld [smem:$0x3FFC];
	_ =	sdelay $0x3  }
0x94: {  	_ =	strace s2  }
0x95: {  	s2 =	sld [smem:$0x3FFD];
	_ =	sdelay $0x3  }
0x96: {  	_ =	strace s2  }
0x97: {  	_ =	strace $0x8FFFFFFF  }
0x98: {  	s18 =	sld [smem:$0x3FDB];
	_ =	sdelay $0x1  }
0x99: {  	s19 =	simm.s32 $_scs_section_size  }
0x9a: {  	s4 =	simm.s32 $_size__tile_overlayer_lowered;
	s5 =	simm.s32 $_tile_overlayer_lowered  }
0x9b: {  	s22 =	simm.s32 $0x1BFF;
	s21 =	sshll.u32 s5, $0x1;
	s2 =	sadd.s32 s19, s18  }
0x9c: {  	s6 =	simm.s32 $0x0;
	s20 =	sshll.u32 s4, $0x1;
	s4 =	sadd.s32 s21, s2  }
0x9d: {  	[timem:s6], [sflag:s22] =	dma.local [hbm:s4], s20  }
0x9e: {  	_ =	swait.ge [sflag:s22], s20  }
0x9f: {  	s3 =	ssub.s32 $0x0, s20;
	[sflag:s22] =	ssyncset.done $0x0  }
0xa0: {  	[sflag:s22] =	ssyncadd.s32 s3;
	_ =	sdelay $0x1  }
0xa1: {  	s23 =	simm.s32 $0x1B8B  }
0xa2: {  	_ =	swait.ge [sflag:s23], $0x1  }
0xa3: {  	[sflag:s23] =	ssyncset.done $0x0  }
0xa4: {  	s25 =	simm.s32 $0x1B8E;
	s24 =	sld [smem:$0x3FFE];
	[sflag:s23] =	ssyncadd.s32 $0xFFFFFFFF  }
0xa5: {  	s26 =	simm.s32 $execute0_lowered;
	[smem:$0x3FD2] =	sst s25  }
0xa6: {  	s4 =	sshll.u32 s26, $0x1;
	_ =	strace $0x8000004C;
	[dreg:$0x1] =	wrdreg $0xFFFFFFFF  }
0xa7: {  	s28 =	simm.s32 $_size_execute0_lowered;
	s2 =	sadd.s32 s2, s4;
	[dreg:$0x0] =	wrdreg $0x0  }
0xa8: {  	s4 =	sshll.u32 s28, $0x1;
	[dreg:$0x2] =	wrdreg s2  }
0xa9: {  	[dreg:$0x3] =	wrdreg s4  }
0xaa: {  	[dreg:$0x4] =	wrdreg $0xC0  }
0xab: {  	_ =	task [dreg:s6], $0x5FFFF  }
0xac: {  	[dreg:$0x1] =	wrdreg $0xFFFFFFFF  }
0xad: {  	[dreg:$0x0] =	wrdreg $0x60  }
0xae: {  	[dreg:$0x2] =	wrdreg s24  }
0xaf: {  	[dreg:$0x3] =	wrdreg $0xD4000  }
0xb0: {  	[dreg:$0x4] =	wrdreg $0x9  }
0xb1: {  	_ =	task.clear_ibuf [dreg:s6], $0x5FFFF;
	_ =	strace $0x9000004C  }
0xb2: {  	s29 =	simm.s32 $0x9;
	_ =	strace $0x8000004E  }
0xb3: {  	_ =	swait.ge [sflag:s29], $0x1  }
0xb4: {  	[sflag:s29] =	ssyncadd.s32 $0xFFFFFFFF  }
0xb5: {  	_ =	strace $0x9000004E  }
0xb6: {  	_ =	sfence  }
0xb7: {  	s30 =	sld [smem:$0x0];
	_ =	sdelay $0x2  }
0xb8: {  	s31 =	sshll.u32 s1, $0xD;
	s1 =	sshrl.u32 s1, $0x2  }
0xb9: {  	s3 =	sand.u32 $0x4000, s31;
	s1 =	sadd.s32 s1, s30  }
0xba: {  	s0 =	sor.u32 s3, s0;
	s1 =	sshll.u32 s1, $0x11  }
0xbb: {  	s0 =	sor.u32 s1, s0  }
0xbc: {  	s0 =	sadd.s32 $0x8F2B, s0  }
0xbd: {  	[sflag:s0] =	ssyncadd.remote.s32 $0x1  }
0xbe: {  	_ =	sfence.sel $0xFFFF  }
0xbf: {  	[dreg:$0x0] =	wrdreg $0xFFFFFFFF;
	(pc) =	sbr.abs _section_cstart, $3  }
0xc0: {  	[dreg:$0x1] =	wrdreg $0xFFFFFFFF  }
0xc1: {  	_ =	task.clear_ibuf [dreg:s6], $0x2FFFF;
	_ =	strace $0x9FFFFFFF  }
0xc2: {  	(tm) =	ssettm $0x7FFFFFFF  }
0xc3: {  	_ =	shalt  }
tec
execute0_lowered:
.L_overlay_start_1:
0x0: {  	(tag) =	ssettag $0x1  }
0x1: {  	s1 =	srdreg.scid  }
0x2: {  	s0 =	stileid.u32;
	s6 =	rddreg [dreg:$0x0]  }
0x3: {  	s2 =	rddreg [dreg:$0x1];
	s3 =	simm.s32 $0x0;
	s12 =	simm.s32 $0x2800  }
0x4: {  	s13 =	simm.s32 $0x80;
	s14 =	simm.s32 $0x5000;
	s15 =	simm.s32 $0x7000  }
0x5: {  	s16 =	simm.s32 $0x100;
	s17 =	simm.s32 $0x9000;
	s18 =	simm.s32 $0x1  }
0x6: {  	s19 =	simm.s32 $0xB000;
	s20 =	simm.s32 $0x2;
	s21 =	simm.s32 $0x3  }
0x7: {  	s22 =	simm.s32 $0x4;
	s23 =	simm.s32 $0x4E00;
	s24 =	simm.s32 $0x2780  }
0x8: {  	s26 =	simm.s32 $0x4E80;
	s28 =	simm.s32 $0x4F00;
	s29 =	simm.s32 $0x4F80  }
0x9: {  	s5 =	sand.u32 $0x1, s1;
	s31 =	sshll.u32 s0, $0x1;
	s9 =	smul.u32 $0xA000, s0  }
0xa: {  	[smem:$0x7FF] =	sst s3;
	s4 =	sadd.s32 $0x17600, s6;
	s10 =	smul.u32 $0x28000, s0  }
0xb: {  	s1 =	sor.u32 s5, s31;
	s8 =	smul.u32 $0xA0000, s5;
	s5 =	ssub.s32 $0x2, s5  }
0xc: {  	_ =	strace $0x8000004D;
	s7 =	smul.u32 $0x500, s1;
	s11 =	sshrl.u32 s5, $0x1  }
0xd: {  	s10 =	sshrl.u32 s10, $0x2;
	s25 =	sadd.s32 s9, s2;
	s8 =	sadd.s32 s9, s8  }
0xe: {  	s11 =	ssub.s32 s5, s11;
	s5 =	sadd.s32 s10, s2;
	s10 =	simm.s32 $0xD000  }
0xf: {  	s25 =	sshrl.u32 s25, $0x3;
	s7 =	sadd.s32 s7, s6;
	s8 =	sshrl.u32 s8, $0x3  }
0x10: {  	s9 =	smax.u32 s11, $0x1;
	s11 =	simm.s32 $0x5;
	s8 =	sadd.s32 s8, s6  }
0x11: {  	v0 =	vimm.f32 $0.0e+00;
	s6 =	sadd.s32 $0xD600, s7;
	s7 =	sadd.s32 $0x3600, s7;
	s8 =	sadd.s32 $0x2B600, s8  }
.LBB2_1:
0x12: {  	[tilespmem:$0xD000] =	vst v0  }
0x13: {  	[tilespmem:$0xD010] =	vst v0  }
0x14: {  	[tilespmem:$0xD020] =	vst v0  }
0x15: {  	[tilespmem:$0xD030] =	vst v0  }
0x16: {  	[tilespmem:$0xD040] =	vst v0  }
0x17: {  	[tilespmem:$0xD050] =	vst v0  }
0x18: {  	[tilespmem:$0xD060] =	vst v0  }
0x19: {  	[tilespmem:$0xD070] =	vst v0  }
0x1a: {  	[tilespmem:$0xD080] =	vst v0  }
0x1b: {  	[tilespmem:$0xD090] =	vst v0  }
0x1c: {  	[tilespmem:$0xD0A0] =	vst v0  }
0x1d: {  	[tilespmem:$0xD0B0] =	vst v0  }
0x1e: {  	[tilespmem:$0xD0C0] =	vst v0  }
0x1f: {  	[tilespmem:$0xD0D0] =	vst v0  }
0x20: {  	[tilespmem:$0xD0E0] =	vst v0  }
0x21: {  	[tilespmem:$0xD0F0] =	vst v0  }
0x22: {  	[tilespmem:$0xD100] =	vst v0  }
0x23: {  	[tilespmem:$0xD110] =	vst v0  }
0x24: {  	[tilespmem:$0xD120] =	vst v0  }
0x25: {  	[tilespmem:$0xD130] =	vst v0  }
0x26: {  	[tilespmem:$0xD140] =	vst v0  }
0x27: {  	[tilespmem:$0xD150] =	vst v0  }
0x28: {  	[tilespmem:$0xD160] =	vst v0  }
0x29: {  	[tilespmem:$0xD170] =	vst v0  }
0x2a: {  	[tilespmem:$0xD180] =	vst v0  }
0x2b: {  	[tilespmem:$0xD190] =	vst v0  }
0x2c: {  	[tilespmem:$0xD1A0] =	vst v0  }
0x2d: {  	[tilespmem:$0xD1B0] =	vst v0  }
0x2e: {  	[tilespmem:$0xD1C0] =	vst v0  }
0x2f: {  	[tilespmem:$0xD1D0] =	vst v0  }
0x30: {  	[tilespmem:$0xD1E0] =	vst v0  }
0x31: {  	[tilespmem:$0xD1F0] =	vst v0  }
0x32: {  	[tilespmem:$0xD200] =	vst v0  }
0x33: {  	[tilespmem:$0xD210] =	vst v0  }
0x34: {  	[tilespmem:$0xD220] =	vst v0  }
0x35: {  	[tilespmem:$0xD230] =	vst v0  }
0x36: {  	[tilespmem:$0xD240] =	vst v0  }
0x37: {  	[tilespmem:$0xD250] =	vst v0  }
0x38: {  	[tilespmem:$0xD260] =	vst v0  }
0x39: {  	[tilespmem:$0xD270] =	vst v0  }
0x3a: {  	[tilespmem:$0xD280] =	vst v0  }
0x3b: {  	[tilespmem:$0xD290] =	vst v0  }
0x3c: {  	[tilespmem:$0xD2A0] =	vst v0  }
0x3d: {  	[tilespmem:$0xD2B0] =	vst v0  }
0x3e: {  	[tilespmem:$0xD2C0] =	vst v0  }
0x3f: {  	[tilespmem:$0xD2D0] =	vst v0  }
0x40: {  	[tilespmem:$0xD2E0] =	vst v0  }
0x41: {  	[tilespmem:$0xD2F0] =	vst v0  }
0x42: {  	[tilespmem:$0xD300] =	vst v0  }
0x43: {  	[tilespmem:$0xD310] =	vst v0  }
0x44: {  	[tilespmem:$0xD320] =	vst v0  }
0x45: {  	[tilespmem:$0xD330] =	vst v0  }
0x46: {  	[tilespmem:$0xD340] =	vst v0  }
0x47: {  	[tilespmem:$0xD350] =	vst v0  }
0x48: {  	[tilespmem:$0xD360] =	vst v0  }
0x49: {  	[tilespmem:$0xD370] =	vst v0  }
0x4a: {  	[tilespmem:$0xD380] =	vst v0  }
0x4b: {  	[tilespmem:$0xD390] =	vst v0  }
0x4c: {  	[tilespmem:$0xD3A0] =	vst v0  }
0x4d: {  	[tilespmem:$0xD3B0] =	vst v0  }
0x4e: {  	[tilespmem:$0xD3C0] =	vst v0  }
0x4f: {  	[tilespmem:$0xD3D0] =	vst v0  }
0x50: {  	[tilespmem:$0xD3E0] =	vst v0  }
0x51: {  	[tilespmem:$0xD3F0] =	vst v0;
	s30 =	sadd.s32 $0x0, s5  }
0x52: {  	[spmem:s30] =	stream.linear.scatter [tilespmem:s10], [sflag:$0x5], $0x400, $0x38;
	[tilespmem:$0x17400] =	vst v63  }
0x53: {  	s30 =	simm.s32 $0x1000;
	_ =	swait.ge [sflag:s11], $0x400  }
.LBB2_2:
0x54: {  	s31 =	sshra.s32 s30, $0x2;
	[sflag:s11] =	ssyncset.done $0x0;
	p0 =	sne.s32 s30, $0x27000  }
.Ltmp0:
0x55: {  	s31 =	sadd.s32 s31, s5;
	[sflag:s11] =	ssyncadd.s32 $0xFFFFFC00;
	(pc) =	sbr.rel @p0 .LBB2_2-.Ltmp0, $3  }
0x56: {  	[spmem:s31] =	stream.linear.scatter [tilespmem:s10], [sflag:$0x5], $0x400, $0x38;
	[tilespmem:$0x17400] =	vst v63  }
0x57: {  	s30 =	sadd.s32 $0x1000, s30;
	_ =	sdelay $0x1  }
0x58: {  	_ =	swait.ge [sflag:s11], $0x400  }
0x59: {  	[sflag:s11] =	ssyncset.done $0x0  }
0x5a: {  	s30 =	simm.s32 $0x0;
	[sflag:s11] =	ssyncadd.s32 $0xFFFFFC00  }
0x5b: {  	[tilespmem:s30], [sflag:$0x5] =	stream.linear.gather [hbm4b:s6+s30], $0x2800, $0x38;
	[tilespmem:$0x17400] =	vst v63  }
0x5c: {  	_ =	swait.ge [sflag:s11], $0x2800  }
0x5d: {  	[sflag:s11] =	ssyncset.done $0x0  }
0x5e: {  	[sflag:s11] =	ssyncadd.s32 $0xFFFFD800  }
0x5f: {  	[tilespmem:s12], [sflag:$0x5] =	stream.linear.gather [hbm4b:s7+s30], $0x2800, $0x38;
	[tilespmem:$0x17400] =	vst v63  }
0x60: {  	_ =	swait.ge [sflag:s11], $0x2800  }
0x61: {  	[sflag:s11] =	ssyncset.done $0x0  }
0x62: {  	[sflag:s11] =	ssyncadd.s32 $0xFFFFD800  }
0x63: {  	[bflag:$0x0] =	sbarrier.arrive $0xFFFF  }
0x64: {  	[tilespmem:s14], [sflag:$0x1] =	stream.indirect.gather [hbm4b:s4+s13], $0x40, s30, s13, $0xb8;
	[tilespmem:$0x17400] =	vst v63  }
0x65: {  	_ = 	snop  }
0x66: {  	[tilespmem:s15], [sflag:$0x2] =	stream.indirect.gather [hbm4b:s4+s13], $0x40, s13, s13, $0xb8;
	[tilespmem:$0x17400] =	vst v63  }
0x67: {  	_ = 	snop  }
0x68: {  	[tilespmem:s17], [sflag:$0x3] =	stream.indirect.gather [hbm4b:s4+s13], $0x40, s16, s13, $0xb8;
	[tilespmem:$0x17400] =	vst v63  }
0x69: {  	_ =	swait.ge [sflag:s18], $0x2000  }
0x6a: {  	[sflag:s18] =	ssyncset.done $0x0  }
0x6b: {  	s30 =	simm.s32 $0x2800;
	[sflag:s18] =	ssyncadd.s32 $0xFFFFE000  }
0x6c: {  	[spmem:s2] =	stream.indirect.scatter.add.f32 [tilespmem:s14], [sflag:$0x5], $0x40, s30, s13, $0xb8;
	[tilespmem:$0x17400] =	vst v63  }
0x6d: {  	_ =	swait.ge [sflag:s11], $0x2000  }
0x6e: {  	[sflag:s11] =	ssyncset.done $0x0  }
0x6f: {  	s30 =	simm.s32 $0x180;
	[sflag:s11] =	ssyncadd.s32 $0xFFFFE000  }
0x70: {  	[tilespmem:s19], [sflag:$0x4] =	stream.indirect.gather [hbm4b:s4+s13], $0x40, s30, s13, $0xb8;
	[tilespmem:$0x17400] =	vst v63  }
0x71: {  	_ =	swait.ge [sflag:s20], $0x2000  }
0x72: {  	[sflag:s20] =	ssyncset.done $0x0  }
0x73: {  	s30 =	simm.s32 $0x2880;
	[sflag:s20] =	ssyncadd.s32 $0xFFFFE000  }
0x74: {  	[spmem:s2] =	stream.indirect.scatter.add.f32 [tilespmem:s15], [sflag:$0x5], $0x40, s30, s13, $0xb8;
	[tilespmem:$0x17400] =	vst v63  }
0x75: {  	_ =	swait.ge [sflag:s11], $0x2000  }
0x76: {  	[sflag:s11] =	ssyncset.done $0x0  }
0x77: {  	s30 =	simm.s32 $0x200;
	[sflag:s11] =	ssyncadd.s32 $0xFFFFE000  }
0x78: {  	[tilespmem:s14], [sflag:$0x1] =	stream.indirect.gather [hbm4b:s4+s13], $0x40, s30, s13, $0xb8;
	[tilespmem:$0x17400] =	vst v63  }
0x79: {  	_ =	swait.ge [sflag:s21], $0x2000  }
0x7a: {  	[sflag:s21] =	ssyncset.done $0x0  }
0x7b: {  	s30 =	simm.s32 $0x2900;
	[sflag:s21] =	ssyncadd.s32 $0xFFFFE000  }
0x7c: {  	[spmem:s2] =	stream.indirect.scatter.add.f32 [tilespmem:s17], [sflag:$0x5], $0x40, s30, s13, $0xb8;
	[tilespmem:$0x17400] =	vst v63  }
0x7d: {  	_ =	swait.ge [sflag:s11], $0x2000  }
0x7e: {  	[sflag:s11] =	ssyncset.done $0x0  }
0x7f: {  	s30 =	simm.s32 $0x280;
	[sflag:s11] =	ssyncadd.s32 $0xFFFFE000  }
0x80: {  	[tilespmem:s15], [sflag:$0x2] =	stream.indirect.gather [hbm4b:s4+s13], $0x40, s30, s13, $0xb8;
	[tilespmem:$0x17400] =	vst v63  }
0x81: {  	_ =	swait.ge [sflag:s22], $0x2000  }
0x82: {  	[sflag:s22] =	ssyncset.done $0x0  }
0x83: {  	s30 =	simm.s32 $0x2980;
	[sflag:s22] =	ssyncadd.s32 $0xFFFFE000  }
0x84: {  	[spmem:s2] =	stream.indirect.scatter.add.f32 [tilespmem:s19], [sflag:$0x5], $0x40, s30, s13, $0xb8;
	[tilespmem:$0x17400] =	vst v63  }
0x85: {  	_ =	swait.ge [sflag:s11], $0x2000  }
0x86: {  	[sflag:s11] =	ssyncset.done $0x0  }
0x87: {  	s31 =	simm.s32 $0x300;
	s30 =	simm.s32 $0x800;
	[sflag:s11] =	ssyncadd.s32 $0xFFFFE000  }
.LBB2_4:
0x88: {  	[tilespmem:s17], [sflag:$0x3] =	stream.indirect.gather [hbm4b:s4+s13], $0x40, s31, s13, $0xb8;
	[tilespmem:$0x17400] =	vst v63  }
0x89: {  	s31 =	smov.u32 s30  }
0x8a: {  	p0 =	sne.s32 s30, $0x9000;
	s30 =	sadd.s32 $0x800, s30;
	_ =	swait.ge [sflag:s18], $0x2000  }
0x8b: {  	s31 =	sshra.s32 s31, $0x2;
	[sflag:s18] =	ssyncset.done $0x0  }
0x8c: {  	s1 =	sadd.s32 $0x2800, s31;
	[sflag:s18] =	ssyncadd.s32 $0xFFFFE000  }
0x8d: {  	[spmem:s2] =	stream.indirect.scatter.add.f32 [tilespmem:s14], [sflag:$0x5], $0x40, s1, s13, $0xb8;
	[tilespmem:$0x17400] =	vst v63  }
0x8e: {  	_ =	swait.ge [sflag:s11], $0x2000  }
0x8f: {  	[sflag:s11] =	ssyncset.done $0x0  }
0x90: {  	s1 =	sadd.s32 $0x180, s31;
	[sflag:s11] =	ssyncadd.s32 $0xFFFFE000  }
0x91: {  	[tilespmem:s19], [sflag:$0x4] =	stream.indirect.gather [hbm4b:s4+s13], $0x40, s1, s13, $0xb8;
	[tilespmem:$0x17400] =	vst v63  }
0x92: {  	_ =	swait.ge [sflag:s20], $0x2000  }
0x93: {  	[sflag:s20] =	ssyncset.done $0x0  }
0x94: {  	s1 =	sadd.s32 $0x2880, s31;
	[sflag:s20] =	ssyncadd.s32 $0xFFFFE000  }
0x95: {  	[spmem:s2] =	stream.indirect.scatter.add.f32 [tilespmem:s15], [sflag:$0x5], $0x40, s1, s13, $0xb8;
	[tilespmem:$0x17400] =	vst v63  }
0x96: {  	_ =	swait.ge [sflag:s11], $0x2000  }
0x97: {  	[sflag:s11] =	ssyncset.done $0x0  }
0x98: {  	s1 =	sadd.s32 $0x200, s31;
	[sflag:s11] =	ssyncadd.s32 $0xFFFFE000  }
0x99: {  	[tilespmem:s14], [sflag:$0x1] =	stream.indirect.gather [hbm4b:s4+s13], $0x40, s1, s13, $0xb8;
	[tilespmem:$0x17400] =	vst v63  }
0x9a: {  	_ =	swait.ge [sflag:s21], $0x2000  }
0x9b: {  	[sflag:s21] =	ssyncset.done $0x0  }
0x9c: {  	s1 =	sadd.s32 $0x2900, s31;
	[sflag:s21] =	ssyncadd.s32 $0xFFFFE000  }
0x9d: {  	[spmem:s2] =	stream.indirect.scatter.add.f32 [tilespmem:s17], [sflag:$0x5], $0x40, s1, s13, $0xb8;
	[tilespmem:$0x17400] =	vst v63  }
0x9e: {  	_ =	swait.ge [sflag:s11], $0x2000  }
0x9f: {  	[sflag:s11] =	ssyncset.done $0x0  }
0xa0: {  	s1 =	sadd.s32 $0x280, s31;
	[sflag:s11] =	ssyncadd.s32 $0xFFFFE000  }
0xa1: {  	[tilespmem:s15], [sflag:$0x2] =	stream.indirect.gather [hbm4b:s4+s13], $0x40, s1, s13, $0xb8;
	[tilespmem:$0x17400] =	vst v63  }
0xa2: {  	_ =	swait.ge [sflag:s22], $0x2000  }
0xa3: {  	[sflag:s22] =	ssyncset.done $0x0  }
.Ltmp1:
0xa4: {  	s1 =	sadd.s32 $0x2980, s31;
	[sflag:s22] =	ssyncadd.s32 $0xFFFFE000;
	(pc) =	sbr.rel @p0 .LBB2_4-.Ltmp1, $4  }
0xa5: {  	[spmem:s2] =	stream.indirect.scatter.add.f32 [tilespmem:s19], [sflag:$0x5], $0x40, s1, s13, $0xb8;
	[tilespmem:$0x17400] =	vst v63  }
0xa6: {  	_ =	swait.ge [sflag:s11], $0x2000  }
0xa7: {  	[sflag:s11] =	ssyncset.done $0x0  }
0xa8: {  	s31 =	sadd.s32 $0x300, s31;
	[sflag:s11] =	ssyncadd.s32 $0xFFFFE000  }
0xa9: {  	[tilespmem:s17], [sflag:$0x3] =	stream.indirect.gather [hbm4b:s4+s13], $0x40, s31, s13, $0xb8;
	[tilespmem:$0x17400] =	vst v63  }
0xaa: {  	_ =	swait.ge [sflag:s18], $0x2000  }
0xab: {  	[sflag:s18] =	ssyncset.done $0x0  }
0xac: {  	[sflag:s18] =	ssyncadd.s32 $0xFFFFE000  }
0xad: {  	[spmem:s2] =	stream.indirect.scatter.add.f32 [tilespmem:s14], [sflag:$0x5], $0x40, s23, s13, $0xb8;
	[tilespmem:$0x17400] =	vst v63  }
0xae: {  	_ =	swait.ge [sflag:s11], $0x2000  }
0xaf: {  	[sflag:s11] =	ssyncset.done $0x0  }
0xb0: {  	[sflag:s11] =	ssyncadd.s32 $0xFFFFE000  }
0xb1: {  	[tilespmem:s19], [sflag:$0x4] =	stream.indirect.gather [hbm4b:s4+s13], $0x40, s24, s13, $0xb8;
	[tilespmem:$0x17400] =	vst v63  }
0xb2: {  	_ =	swait.ge [sflag:s20], $0x2000  }
0xb3: {  	[sflag:s20] =	ssyncset.done $0x0  }
0xb4: {  	[sflag:s20] =	ssyncadd.s32 $0xFFFFE000  }
0xb5: {  	[spmem:s2] =	stream.indirect.scatter.add.f32 [tilespmem:s15], [sflag:$0x5], $0x40, s26, s13, $0xb8;
	[tilespmem:$0x17400] =	vst v63  }
0xb6: {  	_ =	swait.ge [sflag:s11], $0x2000  }
0xb7: {  	[sflag:s11] =	ssyncset.done $0x0  }
0xb8: {  	[sflag:s11] =	ssyncadd.s32 $0xFFFFE000  }
0xb9: {  	[tilespmem:s14], [sflag:$0x1] =	stream.indirect.gather [hbm4b:s4+s13], $0x40, s24, s13, $0xb8;
	[tilespmem:$0x17400] =	vst v63  }
0xba: {  	_ =	swait.ge [sflag:s21], $0x2000  }
0xbb: {  	[sflag:s21] =	ssyncset.done $0x0  }
0xbc: {  	[sflag:s21] =	ssyncadd.s32 $0xFFFFE000  }
0xbd: {  	[spmem:s2] =	stream.indirect.scatter.add.f32 [tilespmem:s17], [sflag:$0x5], $0x40, s28, s13, $0xb8;
	[tilespmem:$0x17400] =	vst v63  }
0xbe: {  	_ =	swait.ge [sflag:s11], $0x2000  }
0xbf: {  	[sflag:s11] =	ssyncset.done $0x0  }
0xc0: {  	[sflag:s11] =	ssyncadd.s32 $0xFFFFE000  }
0xc1: {  	[tilespmem:s15], [sflag:$0x2] =	stream.indirect.gather [hbm4b:s4+s13], $0x40, s24, s13, $0xb8;
	[tilespmem:$0x17400] =	vst v63  }
0xc2: {  	_ =	swait.ge [sflag:s22], $0x2000  }
0xc3: {  	[sflag:s22] =	ssyncset.done $0x0  }
0xc4: {  	[sflag:s22] =	ssyncadd.s32 $0xFFFFE000  }
0xc5: {  	[spmem:s2] =	stream.indirect.scatter.add.f32 [tilespmem:s19], [sflag:$0x5], $0x40, s29, s13, $0xb8;
	[tilespmem:$0x17400] =	vst v63  }
0xc6: {  	_ =	swait.ge [sflag:s11], $0x2000  }
0xc7: {  	[sflag:s11] =	ssyncset.done $0x0  }
0xc8: {  	[sflag:s11] =	ssyncadd.s32 $0xFFFFE000  }
0xc9: {  	[tilespmem:s17], [sflag:$0x3] =	stream.indirect.gather [hbm4b:s4+s13], $0x40, s24, s13, $0xb8;
	[tilespmem:$0x17400] =	vst v63  }
0xca: {  	_ =	swait.ge [sflag:s18], $0x2000  }
0xcb: {  	[sflag:s18] =	ssyncset.done $0x0  }
0xcc: {  	[sflag:s18] =	ssyncadd.s32 $0xFFFFE000  }
0xcd: {  	_ =	swait.ge [sflag:s20], $0x2000  }
0xce: {  	[sflag:s20] =	ssyncset.done $0x0  }
0xcf: {  	[sflag:s20] =	ssyncadd.s32 $0xFFFFE000  }
0xd0: {  	_ =	swait.ge [sflag:s21], $0x2000  }
0xd1: {  	s3 =	sadd.s32 $0x1, s3;
	[sflag:s21] =	ssyncset.done $0x0  }
0xd2: {  	s1 =	sshll.u32 s0, $0x6;
	p0 =	sne.s32 s3, s9;
	[sflag:s21] =	ssyncadd.s32 $0xFFFFE000  }
.Ltmp2:
0xd3: {  	s1 =	sor.u32 $0x1C05, s1;
	[bflag:$0x0] =	sbarrier.arrive $0xFFFF;
	(pc) =	sbr.rel @p0 .LBB2_1-.Ltmp2, $4  }
0xd4: {  	[hbm:s8], [sflag:s1] =	dma.local [spmem:s25], $0x1400  }
0xd5: {  	_ =	swait.ge [sflag:s11], $0x1400  }
0xd6: {  	[sflag:s11] =	ssyncset.done $0x0  }
0xd7: {  	[sflag:s11] =	ssyncadd.s32 $0xFFFFEC00  }
0xd8: {  	_ =	sfence.sel $0x180000  }
0xd9: {  	[bflag:$0x0] =	sbarrier.arrive $0xFFFF  }
0xda: {  	_ =	strace $0x9000004D  }
0xdb: {  	[bflag:$0x2] =	sbarrier.arrive $0xFFFF  }
0xdc: {  	p0 =	sne.s32 s0, $0x0;
	s0 =	rddreg [dreg:$0x2]  }
0xdd: {  	s0 =	sadd.s32 @!p0 $0x100000, s0  }
0xde: {  	[sflag:s0] =	ssyncadd.tile.s32 @!p0 $0x1;
	_ =	shalt  }
.Lfunc_end2:
_tile_overlayer_lowered:
.L_overlay_start_2:
0xdf: {  	(tag) =	ssettag $0x2  }
0xe0: {  	s0 =	rddreg [dreg:$0x0];
	s2 =	stileid.u32  }
0xe1: {  	s1 =	rddreg [dreg:$0x1];
	p0 =	sne.s32 s2, $0x0  }
0xe2: {  	s3 =	rddreg [dreg:$0x2];
	[bflag:$0x3] =	sbarrier.arrive $0xFFFF;
	s2 =	simm.s32 @!p0 $0x1C05  }
0xe3: {  	[timem:s3], [sflag:s2] =	dma.local @!p0 [hbm:s0], s1  }
0xe4: {  	s0 =	simm.s32 @!p0 $0x5  }
0xe5: {  	_ =	swait.ge @!p0 [sflag:s0], s1  }
0xe6: {  	s1 =	ssub.s32 @!p0 $0x0, s1;
	[sflag:s0] =	ssyncset.done @!p0 $0x0  }
0xe7: {  	[sflag:s0] =	ssyncadd.s32 @!p0 s1  }
0xe8: {  	[bflag:$0x3] =	sbarrier.arrive $0xFFFF  }
0xe9: {  	_ =	shalt  }

// kernel: kernel.9.cloned.1.call-start
scs
__scs_entry_jumppad:
0x0: {  	(pc) =	sbr.rel $0x88, $3  }
0x1: {  	(tag) =	ssettag $0x0;
	lr =	simm.s32 $0x1  }
0x2: {  	[smem:$0x3F8A] =	sst lr;
	_ =	strace $0xD0000000  }
0x3: {  	_ = 	snop  }
0x4: {  	_ = 	snop  }
0x5: {  	_ = 	snop  }
0x6: {  	_ = 	snop  }
0x7: {  	_ = 	snop  }
__scs_overlays_trampoline_lowered:
0x8: {  	[smem:$0x3F99] =	sst s0  }
0x9: {  	[smem:$0x3F9A] =	sst s1  }
0xa: {  	[smem:$0x3F9B] =	sst s2  }
0xb: {  	[smem:$0x3F9C] =	sst s3  }
0xc: {  	[smem:$0x3F9D] =	sst s4  }
0xd: {  	[smem:$0x3F9E] =	sst s5  }
0xe: {  	[smem:$0x3F9F] =	sst s6  }
0xf: {  	[smem:$0x3FA0] =	sst s7  }
0x10: {  	[smem:$0x3FA1] =	sst s8  }
0x11: {  	[smem:$0x3FA2] =	sst s9;
	s0 =	simm.s32 @!p0 $0x0  }
0x12: {  	s1 =	sld [smem:$0x3F88];
	s0 =	simm.s32 @p0 $0x1  }
0x13: {  	[smem:$0x3FA3] =	sst s0;
	s0 =	simm.s32 @!p1 $0x0  }
0x14: {  	s2 =	sld [smem:$0x3F87];
	s0 =	simm.s32 @p1 $0x1  }
0x15: {  	[smem:$0x3FA4] =	sst s0;
	s0 =	simm.s32 @!p2 $0x0  }
0x16: {  	s3 =	sld [smem:$0x3FDB];
	s0 =	simm.s32 @p2 $0x1  }
0x17: {  	s4 =	simm.s32 $0x1BF5;
	[smem:$0x3FA6] =	sst s0  }
0x18: {  	s0 =	sld [smem:$0x3F89];
	_ =	swait.ge [sflag:s4], $0x0  }
0x19: {  	s7 =	sld [smem:$0x3F8A]  }
0x1a: {  	s8 =	sadd.s32 $0xFFFFE003, lr  }
0x1b: {  	s9 =	sadd.s32 $0xFFFFFEF7, lr;
	s5 =	simm.s32 $0xFFFFFFFF;
	p2 =	slt.u32 s8, $0xFFFFF086  }
0x1c: {  	p1 =	slt.u32 s9, $0xF7A;
	s5 =	simm.s32 @!p2 $0x0  }
0x1d: {  	s5 =	simm.s32 @p1 $0x1;
	p0 =	seq.s32 s7, s2  }
0x1e: {  	s7 =	smul.u32 @!p0 $0xF7A, s2;
	p2 =	seq.s32 @!p0 s5, $0x0  }
0x1f: {  	s9 =	smul.u32 $0xF7A, s1;
	s8 =	simm.s32 @!p0 $0x1BF5;
	p2 =	por !p2, p0  }
0x20: {  	[sflag:s8] =	ssyncset.s32 @!p0 $0xFFFFF086;
	s6 =	sadd.s32 @!p0 s3, s7;
	s7 =	simm.s32 @!p0 $0x108  }
0x21: {  	s3 =	sadd.s32 s3, s9;
	s6 =	sadd.s32 @!p0 $0x88, s6;
	s7 =	simm.s32 @p2 $0x1082  }
0x22: {  	[simem:s7], [sflag:s8] =	dma.local @!p0 [hbm:s6], $0xF7A  }
0x23: {  	s9 =	sor.u32 $0xD0000000, s2;
	s6 =	simm.s32 $0x108;
	_ =	swait.ge @!p0 [sflag:s8], $0x0  }
0x24: {  	s3 =	sadd.s32 $0x88, s3;
	s6 =	simm.s32 @!p1 $0x1082;
	[sflag:s4] =	ssyncset.s32 $0xFFFFF086  }
0x25: {  	[simem:s6], [sflag:s4] =	dma.local [hbm:s3], $0xF7A  }
0x26: {  	[smem:$0x3F8A] =	sst s1;
	(tag) =	ssettag s2;
	_ =	strace s9  }
0x27: {  	s1 =	sld [smem:$0x3F9A]  }
0x28: {  	s2 =	sld [smem:$0x3F9B]  }
0x29: {  	s4 =	sld [smem:$0x3F9D]  }
0x2a: {  	p0 =	seq.s32 s5, $0x0;
	s5 =	sld [smem:$0x3F9E]  }
0x2b: {  	s6 =	sld [smem:$0x3F9F]  }
0x2c: {  	s7 =	sld [smem:$0x3FA0]  }
0x2d: {  	s3 =	simm.s32 $0x108;
	s8 =	sld [smem:$0x3FA1]  }
0x2e: {  	s3 =	simm.s32 @!p0 $0x1082;
	s9 =	sld [smem:$0x3FA2]  }
0x2f: {  	lr =	sadd.s32 s0, s3;
	s0 =	sld [smem:$0x3F99]  }
0x30: {  	s3 =	sld [smem:$0x3F9C]  }
0x31: {  	[smem:$0x3FA5] =	sst s10  }
0x32: {  	s10 =	sld [smem:$0x3FA3];
	_ =	sdelay $0x3  }
0x33: {  	p0 =	seq.s32 s10, $0x1;
	s10 =	sld [smem:$0x3FA5];
	_ =	sdelay $0x3  }
0x34: {  	[smem:$0x3FA5] =	sst s10  }
0x35: {  	s10 =	sld [smem:$0x3FA4];
	_ =	sdelay $0x3  }
0x36: {  	p1 =	seq.s32 s10, $0x1;
	s10 =	sld [smem:$0x3FA5];
	_ =	sdelay $0x3  }
0x37: {  	[smem:$0x3FA5] =	sst s10  }
0x38: {  	s10 =	sld [smem:$0x3FA6]  }
0x39: {  	_ = 	snop;
	(pc) =	sbr.ind lr, $3  }
0x3a: {  	_ = 	snop  }
0x3b: {  	_ = 	snop  }
0x3c: {  	p2 =	seq.s32 s10, $0x1;
	s10 =	sld [smem:$0x3FA5]  }
0x3d: {  	_ =	shalt  }
0x3e: {  	_ =	shalt  }
0x3f: {  	_ =	shalt  }
0x40: {  	_ =	shalt  }
0x41: {  	_ =	shalt  }
0x42: {  	_ =	shalt  }
0x43: {  	_ =	shalt  }
0x44: {  	_ =	shalt  }
0x45: {  	_ =	shalt  }
0x46: {  	_ =	shalt  }
0x47: {  	_ =	shalt  }
0x48: {  	_ =	shalt  }
0x49: {  	_ =	shalt  }
0x4a: {  	_ =	shalt  }
0x4b: {  	_ =	shalt  }
0x4c: {  	_ =	shalt  }
0x4d: {  	_ =	shalt  }
0x4e: {  	_ =	shalt  }
0x4f: {  	_ =	shalt  }
0x50: {  	_ =	shalt  }
0x51: {  	_ =	shalt  }
0x52: {  	_ =	shalt  }
0x53: {  	_ =	shalt  }
0x54: {  	_ =	shalt  }
0x55: {  	_ =	shalt  }
0x56: {  	_ =	shalt  }
0x57: {  	_ =	shalt  }
0x58: {  	_ =	shalt  }
0x59: {  	_ =	shalt  }
0x5a: {  	_ =	shalt  }
0x5b: {  	_ =	shalt  }
0x5c: {  	_ =	shalt  }
0x5d: {  	_ =	shalt  }
0x5e: {  	_ =	shalt  }
0x5f: {  	_ =	shalt  }
0x60: {  	_ =	shalt  }
0x61: {  	_ =	shalt  }
0x62: {  	_ =	shalt  }
0x63: {  	_ =	shalt  }
0x64: {  	_ =	shalt  }
0x65: {  	_ =	shalt  }
0x66: {  	_ =	shalt  }
0x67: {  	_ =	shalt  }
0x68: {  	_ =	shalt  }
0x69: {  	_ =	shalt  }
0x6a: {  	_ =	shalt  }
0x6b: {  	_ =	shalt  }
0x6c: {  	_ =	shalt  }
0x6d: {  	_ =	shalt  }
0x6e: {  	_ =	shalt  }
0x6f: {  	_ =	shalt  }
0x70: {  	_ =	shalt  }
0x71: {  	_ =	shalt  }
0x72: {  	_ =	shalt  }
0x73: {  	_ =	shalt  }
0x74: {  	_ =	shalt  }
0x75: {  	_ =	shalt  }
0x76: {  	_ =	shalt  }
0x77: {  	_ =	shalt  }
0x78: {  	_ =	shalt  }
0x79: {  	_ =	shalt  }
0x7a: {  	_ =	shalt  }
0x7b: {  	_ =	shalt  }
0x7c: {  	_ =	shalt  }
0x7d: {  	_ =	shalt  }
0x7e: {  	_ =	shalt  }
0x7f: {  	_ =	shalt  }
0x80: {  	_ =	shalt  }
0x81: {  	_ =	shalt  }
0x82: {  	_ =	shalt  }
0x83: {  	_ =	shalt  }
0x84: {  	_ =	shalt  }
0x85: {  	_ =	shalt  }
0x86: {  	_ =	shalt  }
0x87: {  	_ =	shalt  }
.Lfunc_end0:
.L_simem_size_0:
called_computation_lowered:
.L_overlay_start_0:
0x88: {  	s2 =	sld [smem:$0x3FD9]  }
0x89: {  	s3 =	sld [smem:$0x3FFE];
	_ =	sdelay $0x1  }
0x8a: {  	s1 =	srdreg.scid  }
0x8b: {  	s0 =	sand.u32 $0x1, s1  }
0x8c: {  	s16 =	sshll.u32 s0, $0xA;
	s2 =	sadd.s32 s3, s2  }
0x8d: {  	s2 =	sadd.s32 s2, s16  }
0x8e: {  	[smem:$0x3FB1] =	sst s2  }
0x8f: {  	_ = 	snop  }
0x90: {  	(tm) =	ssettm $0x1  }
0x91: {  	s17 =	sld [smem:$0x3FFB];
	_ =	sdelay $0x3  }
0x92: {  	_ =	strace s17  }
0x93: {  	s2 =	sld [smem:$0x3FFC];
	_ =	sdelay $0x3  }
0x94: {  	_ =	strace s2  }
0x95: {  	s2 =	sld [smem:$0x3FFD];
	_ =	sdelay $0x3  }
0x96: {  	_ =	strace s2  }
0x97: {  	_ =	strace $0x8FFFFFFF  }
0x98: {  	s18 =	sld [smem:$0x3FDB];
	_ =	sdelay $0x1  }
0x99: {  	s19 =	simm.s32 $_scs_section_size  }
0x9a: {  	s4 =	simm.s32 $_size__tile_overlayer_lowered;
	s5 =	simm.s32 $_tile_overlayer_lowered  }
0x9b: {  	s22 =	simm.s32 $0x1BFF;
	s21 =	sshll.u32 s5, $0x1;
	s2 =	sadd.s32 s19, s18  }
0x9c: {  	s6 =	simm.s32 $0x0;
	s20 =	sshll.u32 s4, $0x1;
	s4 =	sadd.s32 s21, s2  }
0x9d: {  	[timem:s6], [sflag:s22] =	dma.local [hbm:s4], s20  }
0x9e: {  	_ =	swait.ge [sflag:s22], s20  }
0x9f: {  	s3 =	ssub.s32 $0x0, s20;
	[sflag:s22] =	ssyncset.done $0x0  }
0xa0: {  	[sflag:s22] =	ssyncadd.s32 s3;
	_ =	sdelay $0x1  }
0xa1: {  	s23 =	simm.s32 $0x1B8B  }
0xa2: {  	_ =	swait.ge [sflag:s23], $0x1  }
0xa3: {  	[sflag:s23] =	ssyncset.done $0x0  }
0xa4: {  	s25 =	simm.s32 $0x1B8E;
	s24 =	sld [smem:$0x3FFE];
	[sflag:s23] =	ssyncadd.s32 $0xFFFFFFFF  }
0xa5: {  	s26 =	simm.s32 $execute0_lowered;
	[smem:$0x3FD2] =	sst s25  }
0xa6: {  	s4 =	sshll.u32 s26, $0x1;
	_ =	strace $0x80000046;
	[dreg:$0x1] =	wrdreg $0xFFFFFFFF  }
0xa7: {  	s28 =	simm.s32 $_size_execute0_lowered;
	s2 =	sadd.s32 s2, s4;
	[dreg:$0x0] =	wrdreg $0x0  }
0xa8: {  	s4 =	sshll.u32 s28, $0x1;
	[dreg:$0x2] =	wrdreg s2  }
0xa9: {  	[dreg:$0x3] =	wrdreg s4  }
0xaa: {  	[dreg:$0x4] =	wrdreg $0xC0  }
0xab: {  	_ =	task [dreg:s6], $0x5FFFF  }
0xac: {  	[dreg:$0x1] =	wrdreg $0xFFFFFFFF  }
0xad: {  	[dreg:$0x0] =	wrdreg $0x60  }
0xae: {  	[dreg:$0x2] =	wrdreg s24  }
0xaf: {  	[dreg:$0x3] =	wrdreg $0xD4000  }
0xb0: {  	[dreg:$0x4] =	wrdreg $0x9  }
0xb1: {  	_ =	task.clear_ibuf [dreg:s6], $0x5FFFF;
	_ =	strace $0x90000046  }
0xb2: {  	s29 =	simm.s32 $0x9;
	_ =	strace $0x80000048  }
0xb3: {  	_ =	swait.ge [sflag:s29], $0x1  }
0xb4: {  	[sflag:s29] =	ssyncadd.s32 $0xFFFFFFFF  }
0xb5: {  	_ =	strace $0x90000048  }
0xb6: {  	_ =	sfence  }
0xb7: {  	s30 =	sld [smem:$0x0];
	_ =	sdelay $0x2  }
0xb8: {  	s31 =	sshll.u32 s1, $0xD;
	s1 =	sshrl.u32 s1, $0x2  }
0xb9: {  	s3 =	sand.u32 $0x4000, s31;
	s1 =	sadd.s32 s1, s30  }
0xba: {  	s0 =	sor.u32 s3, s0;
	s1 =	sshll.u32 s1, $0x11  }
0xbb: {  	s0 =	sor.u32 s1, s0  }
0xbc: {  	s0 =	sadd.s32 $0x8F2B, s0  }
0xbd: {  	[sflag:s0] =	ssyncadd.remote.s32 $0x1  }
0xbe: {  	_ =	sfence.sel $0xFFFF  }
0xbf: {  	[dreg:$0x0] =	wrdreg $0xFFFFFFFF;
	(pc) =	sbr.abs _section_cstart, $3  }
0xc0: {  	[dreg:$0x1] =	wrdreg $0xFFFFFFFF  }
0xc1: {  	_ =	task.clear_ibuf [dreg:s6], $0x2FFFF;
	_ =	strace $0x9FFFFFFF  }
0xc2: {  	(tm) =	ssettm $0x7FFFFFFF  }
0xc3: {  	_ =	shalt  }
tec
execute0_lowered:
.L_overlay_start_1:
0x0: {  	(tag) =	ssettag $0x1  }
0x1: {  	s1 =	srdreg.scid  }
0x2: {  	s0 =	stileid.u32;
	s6 =	rddreg [dreg:$0x0]  }
0x3: {  	s2 =	rddreg [dreg:$0x1];
	s3 =	simm.s32 $0x0;
	s12 =	simm.s32 $0x2800  }
0x4: {  	s13 =	simm.s32 $0x80;
	s14 =	simm.s32 $0x5000;
	s15 =	simm.s32 $0x7000  }
0x5: {  	s16 =	simm.s32 $0x100;
	s17 =	simm.s32 $0x9000;
	s18 =	simm.s32 $0x1  }
0x6: {  	s19 =	simm.s32 $0xB000;
	s20 =	simm.s32 $0x2;
	s21 =	simm.s32 $0x3  }
0x7: {  	s22 =	simm.s32 $0x4;
	s23 =	simm.s32 $0x4E00;
	s24 =	simm.s32 $0x2780  }
0x8: {  	s26 =	simm.s32 $0x4E80;
	s28 =	simm.s32 $0x4F00;
	s29 =	simm.s32 $0x4F80  }
0x9: {  	s5 =	sand.u32 $0x1, s1;
	s31 =	sshll.u32 s0, $0x1;
	s9 =	smul.u32 $0xA000, s0  }
0xa: {  	[smem:$0x7FF] =	sst s3;
	s4 =	sadd.s32 $0x17600, s6;
	s10 =	smul.u32 $0x28000, s0  }
0xb: {  	s1 =	sor.u32 s5, s31;
	s8 =	smul.u32 $0xA0000, s5;
	s5 =	ssub.s32 $0x2, s5  }
0xc: {  	_ =	strace $0x80000047;
	s7 =	smul.u32 $0x500, s1;
	s11 =	sshrl.u32 s5, $0x1  }
0xd: {  	s10 =	sshrl.u32 s10, $0x2;
	s25 =	sadd.s32 s9, s2;
	s8 =	sadd.s32 s9, s8  }
0xe: {  	s11 =	ssub.s32 s5, s11;
	s5 =	sadd.s32 s10, s2;
	s10 =	simm.s32 $0xD000  }
0xf: {  	s25 =	sshrl.u32 s25, $0x3;
	s7 =	sadd.s32 s7, s6;
	s8 =	sshrl.u32 s8, $0x3  }
0x10: {  	s9 =	smax.u32 s11, $0x1;
	s11 =	simm.s32 $0x5;
	s8 =	sadd.s32 s8, s6  }
0x11: {  	v0 =	vimm.f32 $0.0e+00;
	s6 =	sadd.s32 $0xD600, s7;
	s7 =	sadd.s32 $0x3600, s7;
	s8 =	sadd.s32 $0x2B600, s8  }
.LBB2_1:
0x12: {  	[tilespmem:$0xD000] =	vst v0  }
0x13: {  	[tilespmem:$0xD010] =	vst v0  }
0x14: {  	[tilespmem:$0xD020] =	vst v0  }
0x15: {  	[tilespmem:$0xD030] =	vst v0  }
0x16: {  	[tilespmem:$0xD040] =	vst v0  }
0x17: {  	[tilespmem:$0xD050] =	vst v0  }
0x18: {  	[tilespmem:$0xD060] =	vst v0  }
0x19: {  	[tilespmem:$0xD070] =	vst v0  }
0x1a: {  	[tilespmem:$0xD080] =	vst v0  }
0x1b: {  	[tilespmem:$0xD090] =	vst v0  }
0x1c: {  	[tilespmem:$0xD0A0] =	vst v0  }
0x1d: {  	[tilespmem:$0xD0B0] =	vst v0  }
0x1e: {  	[tilespmem:$0xD0C0] =	vst v0  }
0x1f: {  	[tilespmem:$0xD0D0] =	vst v0  }
0x20: {  	[tilespmem:$0xD0E0] =	vst v0  }
0x21: {  	[tilespmem:$0xD0F0] =	vst v0  }
0x22: {  	[tilespmem:$0xD100] =	vst v0  }
0x23: {  	[tilespmem:$0xD110] =	vst v0  }
0x24: {  	[tilespmem:$0xD120] =	vst v0  }
0x25: {  	[tilespmem:$0xD130] =	vst v0  }
0x26: {  	[tilespmem:$0xD140] =	vst v0  }
0x27: {  	[tilespmem:$0xD150] =	vst v0  }
0x28: {  	[tilespmem:$0xD160] =	vst v0  }
0x29: {  	[tilespmem:$0xD170] =	vst v0  }
0x2a: {  	[tilespmem:$0xD180] =	vst v0  }
0x2b: {  	[tilespmem:$0xD190] =	vst v0  }
0x2c: {  	[tilespmem:$0xD1A0] =	vst v0  }
0x2d: {  	[tilespmem:$0xD1B0] =	vst v0  }
0x2e: {  	[tilespmem:$0xD1C0] =	vst v0  }
0x2f: {  	[tilespmem:$0xD1D0] =	vst v0  }
0x30: {  	[tilespmem:$0xD1E0] =	vst v0  }
0x31: {  	[tilespmem:$0xD1F0] =	vst v0  }
0x32: {  	[tilespmem:$0xD200] =	vst v0  }
0x33: {  	[tilespmem:$0xD210] =	vst v0  }
0x34: {  	[tilespmem:$0xD220] =	vst v0  }
0x35: {  	[tilespmem:$0xD230] =	vst v0  }
0x36: {  	[tilespmem:$0xD240] =	vst v0  }
0x37: {  	[tilespmem:$0xD250] =	vst v0  }
0x38: {  	[tilespmem:$0xD260] =	vst v0  }
0x39: {  	[tilespmem:$0xD270] =	vst v0  }
0x3a: {  	[tilespmem:$0xD280] =	vst v0  }
0x3b: {  	[tilespmem:$0xD290] =	vst v0  }
0x3c: {  	[tilespmem:$0xD2A0] =	vst v0  }
0x3d: {  	[tilespmem:$0xD2B0] =	vst v0  }
0x3e: {  	[tilespmem:$0xD2C0] =	vst v0  }
0x3f: {  	[tilespmem:$0xD2D0] =	vst v0  }
0x40: {  	[tilespmem:$0xD2E0] =	vst v0  }
0x41: {  	[tilespmem:$0xD2F0] =	vst v0  }
0x42: {  	[tilespmem:$0xD300] =	vst v0  }
0x43: {  	[tilespmem:$0xD310] =	vst v0  }
0x44: {  	[tilespmem:$0xD320] =	vst v0  }
0x45: {  	[tilespmem:$0xD330] =	vst v0  }
0x46: {  	[tilespmem:$0xD340] =	vst v0  }
0x47: {  	[tilespmem:$0xD350] =	vst v0  }
0x48: {  	[tilespmem:$0xD360] =	vst v0  }
0x49: {  	[tilespmem:$0xD370] =	vst v0  }
0x4a: {  	[tilespmem:$0xD380] =	vst v0  }
0x4b: {  	[tilespmem:$0xD390] =	vst v0  }
0x4c: {  	[tilespmem:$0xD3A0] =	vst v0  }
0x4d: {  	[tilespmem:$0xD3B0] =	vst v0  }
0x4e: {  	[tilespmem:$0xD3C0] =	vst v0  }
0x4f: {  	[tilespmem:$0xD3D0] =	vst v0  }
0x50: {  	[tilespmem:$0xD3E0] =	vst v0  }
0x51: {  	[tilespmem:$0xD3F0] =	vst v0;
	s30 =	sadd.s32 $0x0, s5  }
0x52: {  	[spmem:s30] =	stream.linear.scatter [tilespmem:s10], [sflag:$0x5], $0x400, $0x38;
	[tilespmem:$0x17400] =	vst v63  }
0x53: {  	s30 =	simm.s32 $0x1000;
	_ =	swait.ge [sflag:s11], $0x400  }
.LBB2_2:
0x54: {  	s31 =	sshra.s32 s30, $0x2;
	[sflag:s11] =	ssyncset.done $0x0;
	p0 =	sne.s32 s30, $0x27000  }
.Ltmp0:
0x55: {  	s31 =	sadd.s32 s31, s5;
	[sflag:s11] =	ssyncadd.s32 $0xFFFFFC00;
	(pc) =	sbr.rel @p0 .LBB2_2-.Ltmp0, $3  }
0x56: {  	[spmem:s31] =	stream.linear.scatter [tilespmem:s10], [sflag:$0x5], $0x400, $0x38;
	[tilespmem:$0x17400] =	vst v63  }
0x57: {  	s30 =	sadd.s32 $0x1000, s30;
	_ =	sdelay $0x1  }
0x58: {  	_ =	swait.ge [sflag:s11], $0x400  }
0x59: {  	[sflag:s11] =	ssyncset.done $0x0  }
0x5a: {  	s30 =	simm.s32 $0x0;
	[sflag:s11] =	ssyncadd.s32 $0xFFFFFC00  }
0x5b: {  	[tilespmem:s30], [sflag:$0x5] =	stream.linear.gather [hbm4b:s6+s30], $0x2800, $0x38;
	[tilespmem:$0x17400] =	vst v63  }
0x5c: {  	_ =	swait.ge [sflag:s11], $0x2800  }
0x5d: {  	[sflag:s11] =	ssyncset.done $0x0  }
0x5e: {  	[sflag:s11] =	ssyncadd.s32 $0xFFFFD800  }
0x5f: {  	[tilespmem:s12], [sflag:$0x5] =	stream.linear.gather [hbm4b:s7+s30], $0x2800, $0x38;
	[tilespmem:$0x17400] =	vst v63  }
0x60: {  	_ =	swait.ge [sflag:s11], $0x2800  }
0x61: {  	[sflag:s11] =	ssyncset.done $0x0  }
0x62: {  	[sflag:s11] =	ssyncadd.s32 $0xFFFFD800  }
0x63: {  	[bflag:$0x0] =	sbarrier.arrive $0xFFFF  }
0x64: {  	[tilespmem:s14], [sflag:$0x1] =	stream.indirect.gather [hbm4b:s4+s13], $0x40, s30, s13, $0xb8;
	[tilespmem:$0x17400] =	vst v63  }
0x65: {  	_ = 	snop  }
0x66: {  	[tilespmem:s15], [sflag:$0x2] =	stream.indirect.gather [hbm4b:s4+s13], $0x40, s13, s13, $0xb8;
	[tilespmem:$0x17400] =	vst v63  }
0x67: {  	_ = 	snop  }
0x68: {  	[tilespmem:s17], [sflag:$0x3] =	stream.indirect.gather [hbm4b:s4+s13], $0x40, s16, s13, $0xb8;
	[tilespmem:$0x17400] =	vst v63  }
0x69: {  	_ =	swait.ge [sflag:s18], $0x2000  }
0x6a: {  	[sflag:s18] =	ssyncset.done $0x0  }
0x6b: {  	s30 =	simm.s32 $0x2800;
	[sflag:s18] =	ssyncadd.s32 $0xFFFFE000  }
0x6c: {  	[spmem:s2] =	stream.indirect.scatter.add.f32 [tilespmem:s14], [sflag:$0x5], $0x40, s30, s13, $0xb8;
	[tilespmem:$0x17400] =	vst v63  }
0x6d: {  	_ =	swait.ge [sflag:s11], $0x2000  }
0x6e: {  	[sflag:s11] =	ssyncset.done $0x0  }
0x6f: {  	s30 =	simm.s32 $0x180;
	[sflag:s11] =	ssyncadd.s32 $0xFFFFE000  }
0x70: {  	[tilespmem:s19], [sflag:$0x4] =	stream.indirect.gather [hbm4b:s4+s13], $0x40, s30, s13, $0xb8;
	[tilespmem:$0x17400] =	vst v63  }
0x71: {  	_ =	swait.ge [sflag:s20], $0x2000  }
0x72: {  	[sflag:s20] =	ssyncset.done $0x0  }
0x73: {  	s30 =	simm.s32 $0x2880;
	[sflag:s20] =	ssyncadd.s32 $0xFFFFE000  }
0x74: {  	[spmem:s2] =	stream.indirect.scatter.add.f32 [tilespmem:s15], [sflag:$0x5], $0x40, s30, s13, $0xb8;
	[tilespmem:$0x17400] =	vst v63  }
0x75: {  	_ =	swait.ge [sflag:s11], $0x2000  }
0x76: {  	[sflag:s11] =	ssyncset.done $0x0  }
0x77: {  	s30 =	simm.s32 $0x200;
	[sflag:s11] =	ssyncadd.s32 $0xFFFFE000  }
0x78: {  	[tilespmem:s14], [sflag:$0x1] =	stream.indirect.gather [hbm4b:s4+s13], $0x40, s30, s13, $0xb8;
	[tilespmem:$0x17400] =	vst v63  }
0x79: {  	_ =	swait.ge [sflag:s21], $0x2000  }
0x7a: {  	[sflag:s21] =	ssyncset.done $0x0  }
0x7b: {  	s30 =	simm.s32 $0x2900;
	[sflag:s21] =	ssyncadd.s32 $0xFFFFE000  }
0x7c: {  	[spmem:s2] =	stream.indirect.scatter.add.f32 [tilespmem:s17], [sflag:$0x5], $0x40, s30, s13, $0xb8;
	[tilespmem:$0x17400] =	vst v63  }
0x7d: {  	_ =	swait.ge [sflag:s11], $0x2000  }
0x7e: {  	[sflag:s11] =	ssyncset.done $0x0  }
0x7f: {  	s30 =	simm.s32 $0x280;
	[sflag:s11] =	ssyncadd.s32 $0xFFFFE000  }
0x80: {  	[tilespmem:s15], [sflag:$0x2] =	stream.indirect.gather [hbm4b:s4+s13], $0x40, s30, s13, $0xb8;
	[tilespmem:$0x17400] =	vst v63  }
0x81: {  	_ =	swait.ge [sflag:s22], $0x2000  }
0x82: {  	[sflag:s22] =	ssyncset.done $0x0  }
0x83: {  	s30 =	simm.s32 $0x2980;
	[sflag:s22] =	ssyncadd.s32 $0xFFFFE000  }
0x84: {  	[spmem:s2] =	stream.indirect.scatter.add.f32 [tilespmem:s19], [sflag:$0x5], $0x40, s30, s13, $0xb8;
	[tilespmem:$0x17400] =	vst v63  }
0x85: {  	_ =	swait.ge [sflag:s11], $0x2000  }
0x86: {  	[sflag:s11] =	ssyncset.done $0x0  }
0x87: {  	s31 =	simm.s32 $0x300;
	s30 =	simm.s32 $0x800;
	[sflag:s11] =	ssyncadd.s32 $0xFFFFE000  }
.LBB2_4:
0x88: {  	[tilespmem:s17], [sflag:$0x3] =	stream.indirect.gather [hbm4b:s4+s13], $0x40, s31, s13, $0xb8;
	[tilespmem:$0x17400] =	vst v63  }
0x89: {  	s31 =	smov.u32 s30  }
0x8a: {  	p0 =	sne.s32 s30, $0x9000;
	s30 =	sadd.s32 $0x800, s30;
	_ =	swait.ge [sflag:s18], $0x2000  }
0x8b: {  	s31 =	sshra.s32 s31, $0x2;
	[sflag:s18] =	ssyncset.done $0x0  }
0x8c: {  	s1 =	sadd.s32 $0x2800, s31;
	[sflag:s18] =	ssyncadd.s32 $0xFFFFE000  }
0x8d: {  	[spmem:s2] =	stream.indirect.scatter.add.f32 [tilespmem:s14], [sflag:$0x5], $0x40, s1, s13, $0xb8;
	[tilespmem:$0x17400] =	vst v63  }
0x8e: {  	_ =	swait.ge [sflag:s11], $0x2000  }
0x8f: {  	[sflag:s11] =	ssyncset.done $0x0  }
0x90: {  	s1 =	sadd.s32 $0x180, s31;
	[sflag:s11] =	ssyncadd.s32 $0xFFFFE000  }
0x91: {  	[tilespmem:s19], [sflag:$0x4] =	stream.indirect.gather [hbm4b:s4+s13], $0x40, s1, s13, $0xb8;
	[tilespmem:$0x17400] =	vst v63  }
0x92: {  	_ =	swait.ge [sflag:s20], $0x2000  }
0x93: {  	[sflag:s20] =	ssyncset.done $0x0  }
0x94: {  	s1 =	sadd.s32 $0x2880, s31;
	[sflag:s20] =	ssyncadd.s32 $0xFFFFE000  }
0x95: {  	[spmem:s2] =	stream.indirect.scatter.add.f32 [tilespmem:s15], [sflag:$0x5], $0x40, s1, s13, $0xb8;
	[tilespmem:$0x17400] =	vst v63  }
0x96: {  	_ =	swait.ge [sflag:s11], $0x2000  }
0x97: {  	[sflag:s11] =	ssyncset.done $0x0  }
0x98: {  	s1 =	sadd.s32 $0x200, s31;
	[sflag:s11] =	ssyncadd.s32 $0xFFFFE000  }
0x99: {  	[tilespmem:s14], [sflag:$0x1] =	stream.indirect.gather [hbm4b:s4+s13], $0x40, s1, s13, $0xb8;
	[tilespmem:$0x17400] =	vst v63  }
0x9a: {  	_ =	swait.ge [sflag:s21], $0x2000  }
0x9b: {  	[sflag:s21] =	ssyncset.done $0x0  }
0x9c: {  	s1 =	sadd.s32 $0x2900, s31;
	[sflag:s21] =	ssyncadd.s32 $0xFFFFE000  }
0x9d: {  	[spmem:s2] =	stream.indirect.scatter.add.f32 [tilespmem:s17], [sflag:$0x5], $0x40, s1, s13, $0xb8;
	[tilespmem:$0x17400] =	vst v63  }
0x9e: {  	_ =	swait.ge [sflag:s11], $0x2000  }
0x9f: {  	[sflag:s11] =	ssyncset.done $0x0  }
0xa0: {  	s1 =	sadd.s32 $0x280, s31;
	[sflag:s11] =	ssyncadd.s32 $0xFFFFE000  }
0xa1: {  	[tilespmem:s15], [sflag:$0x2] =	stream.indirect.gather [hbm4b:s4+s13], $0x40, s1, s13, $0xb8;
	[tilespmem:$0x17400] =	vst v63  }
0xa2: {  	_ =	swait.ge [sflag:s22], $0x2000  }
0xa3: {  	[sflag:s22] =	ssyncset.done $0x0  }
.Ltmp1:
0xa4: {  	s1 =	sadd.s32 $0x2980, s31;
	[sflag:s22] =	ssyncadd.s32 $0xFFFFE000;
	(pc) =	sbr.rel @p0 .LBB2_4-.Ltmp1, $4  }
0xa5: {  	[spmem:s2] =	stream.indirect.scatter.add.f32 [tilespmem:s19], [sflag:$0x5], $0x40, s1, s13, $0xb8;
	[tilespmem:$0x17400] =	vst v63  }
0xa6: {  	_ =	swait.ge [sflag:s11], $0x2000  }
0xa7: {  	[sflag:s11] =	ssyncset.done $0x0  }
0xa8: {  	s31 =	sadd.s32 $0x300, s31;
	[sflag:s11] =	ssyncadd.s32 $0xFFFFE000  }
0xa9: {  	[tilespmem:s17], [sflag:$0x3] =	stream.indirect.gather [hbm4b:s4+s13], $0x40, s31, s13, $0xb8;
	[tilespmem:$0x17400] =	vst v63  }
0xaa: {  	_ =	swait.ge [sflag:s18], $0x2000  }
0xab: {  	[sflag:s18] =	ssyncset.done $0x0  }
0xac: {  	[sflag:s18] =	ssyncadd.s32 $0xFFFFE000  }
0xad: {  	[spmem:s2] =	stream.indirect.scatter.add.f32 [tilespmem:s14], [sflag:$0x5], $0x40, s23, s13, $0xb8;
	[tilespmem:$0x17400] =	vst v63  }
0xae: {  	_ =	swait.ge [sflag:s11], $0x2000  }
0xaf: {  	[sflag:s11] =	ssyncset.done $0x0  }
0xb0: {  	[sflag:s11] =	ssyncadd.s32 $0xFFFFE000  }
0xb1: {  	[tilespmem:s19], [sflag:$0x4] =	stream.indirect.gather [hbm4b:s4+s13], $0x40, s24, s13, $0xb8;
	[tilespmem:$0x17400] =	vst v63  }
0xb2: {  	_ =	swait.ge [sflag:s20], $0x2000  }
0xb3: {  	[sflag:s20] =	ssyncset.done $0x0  }
0xb4: {  	[sflag:s20] =	ssyncadd.s32 $0xFFFFE000  }
0xb5: {  	[spmem:s2] =	stream.indirect.scatter.add.f32 [tilespmem:s15], [sflag:$0x5], $0x40, s26, s13, $0xb8;
	[tilespmem:$0x17400] =	vst v63  }
0xb6: {  	_ =	swait.ge [sflag:s11], $0x2000  }
0xb7: {  	[sflag:s11] =	ssyncset.done $0x0  }
0xb8: {  	[sflag:s11] =	ssyncadd.s32 $0xFFFFE000  }
0xb9: {  	[tilespmem:s14], [sflag:$0x1] =	stream.indirect.gather [hbm4b:s4+s13], $0x40, s24, s13, $0xb8;
	[tilespmem:$0x17400] =	vst v63  }
0xba: {  	_ =	swait.ge [sflag:s21], $0x2000  }
0xbb: {  	[sflag:s21] =	ssyncset.done $0x0  }
0xbc: {  	[sflag:s21] =	ssyncadd.s32 $0xFFFFE000  }
0xbd: {  	[spmem:s2] =	stream.indirect.scatter.add.f32 [tilespmem:s17], [sflag:$0x5], $0x40, s28, s13, $0xb8;
	[tilespmem:$0x17400] =	vst v63  }
0xbe: {  	_ =	swait.ge [sflag:s11], $0x2000  }
0xbf: {  	[sflag:s11] =	ssyncset.done $0x0  }
0xc0: {  	[sflag:s11] =	ssyncadd.s32 $0xFFFFE000  }
0xc1: {  	[tilespmem:s15], [sflag:$0x2] =	stream.indirect.gather [hbm4b:s4+s13], $0x40, s24, s13, $0xb8;
	[tilespmem:$0x17400] =	vst v63  }
0xc2: {  	_ =	swait.ge [sflag:s22], $0x2000  }
0xc3: {  	[sflag:s22] =	ssyncset.done $0x0  }
0xc4: {  	[sflag:s22] =	ssyncadd.s32 $0xFFFFE000  }
0xc5: {  	[spmem:s2] =	stream.indirect.scatter.add.f32 [tilespmem:s19], [sflag:$0x5], $0x40, s29, s13, $0xb8;
	[tilespmem:$0x17400] =	vst v63  }
0xc6: {  	_ =	swait.ge [sflag:s11], $0x2000  }
0xc7: {  	[sflag:s11] =	ssyncset.done $0x0  }
0xc8: {  	[sflag:s11] =	ssyncadd.s32 $0xFFFFE000  }
0xc9: {  	[tilespmem:s17], [sflag:$0x3] =	stream.indirect.gather [hbm4b:s4+s13], $0x40, s24, s13, $0xb8;
	[tilespmem:$0x17400] =	vst v63  }
0xca: {  	_ =	swait.ge [sflag:s18], $0x2000  }
0xcb: {  	[sflag:s18] =	ssyncset.done $0x0  }
0xcc: {  	[sflag:s18] =	ssyncadd.s32 $0xFFFFE000  }
0xcd: {  	_ =	swait.ge [sflag:s20], $0x2000  }
0xce: {  	[sflag:s20] =	ssyncset.done $0x0  }
0xcf: {  	[sflag:s20] =	ssyncadd.s32 $0xFFFFE000  }
0xd0: {  	_ =	swait.ge [sflag:s21], $0x2000  }
0xd1: {  	s3 =	sadd.s32 $0x1, s3;
	[sflag:s21] =	ssyncset.done $0x0  }
0xd2: {  	s1 =	sshll.u32 s0, $0x6;
	p0 =	sne.s32 s3, s9;
	[sflag:s21] =	ssyncadd.s32 $0xFFFFE000  }
.Ltmp2:
0xd3: {  	s1 =	sor.u32 $0x1C05, s1;
	[bflag:$0x0] =	sbarrier.arrive $0xFFFF;
	(pc) =	sbr.rel @p0 .LBB2_1-.Ltmp2, $4  }
0xd4: {  	[hbm:s8], [sflag:s1] =	dma.local [spmem:s25], $0x1400  }
0xd5: {  	_ =	swait.ge [sflag:s11], $0x1400  }
0xd6: {  	[sflag:s11] =	ssyncset.done $0x0  }
0xd7: {  	[sflag:s11] =	ssyncadd.s32 $0xFFFFEC00  }
0xd8: {  	_ =	sfence.sel $0x180000  }
0xd9: {  	[bflag:$0x0] =	sbarrier.arrive $0xFFFF  }
0xda: {  	_ =	strace $0x90000047  }
0xdb: {  	[bflag:$0x2] =	sbarrier.arrive $0xFFFF  }
0xdc: {  	p0 =	sne.s32 s0, $0x0;
	s0 =	rddreg [dreg:$0x2]  }
0xdd: {  	s0 =	sadd.s32 @!p0 $0x100000, s0  }
0xde: {  	[sflag:s0] =	ssyncadd.tile.s32 @!p0 $0x1;
	_ =	shalt  }
.Lfunc_end2:
_tile_overlayer_lowered:
.L_overlay_start_2:
0xdf: {  	(tag) =	ssettag $0x2  }
0xe0: {  	s0 =	rddreg [dreg:$0x0];
	s2 =	stileid.u32  }
0xe1: {  	s1 =	rddreg [dreg:$0x1];
	p0 =	sne.s32 s2, $0x0  }
0xe2: {  	s3 =	rddreg [dreg:$0x2];
	[bflag:$0x3] =	sbarrier.arrive $0xFFFF;
	s2 =	simm.s32 @!p0 $0x1C05  }
0xe3: {  	[timem:s3], [sflag:s2] =	dma.local @!p0 [hbm:s0], s1  }
0xe4: {  	s0 =	simm.s32 @!p0 $0x5  }
0xe5: {  	_ =	swait.ge @!p0 [sflag:s0], s1  }
0xe6: {  	s1 =	ssub.s32 @!p0 $0x0, s1;
	[sflag:s0] =	ssyncset.done @!p0 $0x0  }
0xe7: {  	[sflag:s0] =	ssyncadd.s32 @!p0 s1  }
0xe8: {  	[bflag:$0x3] =	sbarrier.arrive $0xFFFF  }
0xe9: {  	_ =	shalt  }

</sc_bundles>
